<compile_context>
chip_gen: v7x
topology: tpu7x:2x2x1
jax: 0.10.2.dev20260603
libtpu: 0.0.44.dev20260713+nightly
codegen_flags: <defaults>
</compile_context>

<pallas_src>
import jax
import jax.numpy as jnp
from jax import lax
from jax.experimental import pallas as pl
from jax.experimental.pallas import tpu as pltpu
from jax.experimental.pallas import tpu_sc as plsc

N = 10000
E = 160000
D = 64
H = 4
HD = H * D

_f32 = jnp.float32
_bf16 = jnp.bfloat16

NC = 2
NS = 16
NW = NC * NS


def _sp(v):
    return jnp.maximum(v, 0.0) + jnp.log(1.0 + jnp.exp(-jnp.abs(v)))



def _pack(lo, hi):
    ilo = lax.bitcast_convert_type(lo.astype(_bf16).astype(_f32), jnp.int32)
    ihi = lax.bitcast_convert_type(hi.astype(_bf16).astype(_f32), jnp.int32)
    return ihi | lax.shift_right_logical(ilo, 16)


def _unpack(v):
    lo = lax.bitcast_convert_type(lax.shift_left(v, 16), _f32)
    hi = lax.bitcast_convert_type(v & jnp.int32(-65536), _f32)
    return lo, hi


def _xw_body(x_ref, w_ref, o_ref):
    xw = jnp.dot(x_ref[...], w_ref[...], preferred_element_type=_f32)
    o_ref[...] = _pack(xw[:, :128], xw[:, 128:])


def _node_matmul(x, W1):
    return pl.pallas_call(
        _xw_body,
        grid=(5,),
        in_specs=[pl.BlockSpec((N // 5, D), lambda i: (i, 0)),
                  pl.BlockSpec((D, HD), lambda i: (0, 0))],
        out_specs=pl.BlockSpec((N // 5, 128), lambda i: (i, 0)),
        out_shape=jax.ShapeDtypeStruct((N, 128), jnp.int32),
    )(x, W1)


BE = 3200
GE = E // BE


def _pass_a_body(gi_ref, gj_ref, ea_ref, w2_ref,
                 ail_ref, aih_ref, ajl_ref, ajh_ref, ap_ref, st_ref):
    i = pl.program_id(0)
    ea = jnp.dot(ea_ref[...], w2_ref[...], preferred_element_type=_f32)
    gil, gih = _unpack(gi_ref[...])
    gjl, gjh = _unpack(gj_ref[...])
    til = _sp(gil + ea[:, :128])
    tih = _sp(gih + ea[:, 128:])
    tjl = _sp(gjl + ea[:, :128])
    tjh = _sp(gjh + ea[:, 128:])
    dn = (((0,), (1,)), ((), ()))
    s = (lax.dot_general(ail_ref[...], til, dn, preferred_element_type=_f32)
         + lax.dot_general(aih_ref[...], tih, dn, preferred_element_type=_f32)
         + lax.dot_general(ajl_ref[...], tjl, dn, preferred_element_type=_f32)
         + lax.dot_general(ajh_ref[...], tjh, dn, preferred_element_type=_f32))
    ap = _sp(s)
    ap_ref[...] = ap
    ssum = jnp.sum(ap, axis=1)
    ssq = jnp.sum(ap * ap, axis=1)
    smx = jnp.max(ap, axis=1)
    smn = jnp.min(ap, axis=1)
    new = jnp.concatenate(
        [ssum[:, None], ssq[:, None], smx[:, None], smn[:, None],
         jnp.zeros((H, 4), _f32)], axis=1)

    @pl.when(i == 0)
    def _():
        st_ref[...] = new

    @pl.when(i > 0)
    def _():
        old = st_ref[...]
        cid = lax.broadcasted_iota(jnp.int32, (H, 8), 1)
        st_ref[...] = jnp.where(
            cid < 2, old + new,
            jnp.where(cid == 2, jnp.maximum(old, new),
                      jnp.where(cid == 3, jnp.minimum(old, new), 0.0)))


def _pass_a(gp, edge_attr, W2, Ail, Aih, Ajl, Ajh, ep, ebase):
    ge = ep // BE
    b0 = ebase // BE
    return pl.pallas_call(
        _pass_a_body,
        grid=(ge,),
        in_specs=[pl.BlockSpec((BE, 128), lambda i: (i, 0)),
                  pl.BlockSpec((BE, 128), lambda i, ge=ge: (ge + i, 0)),
                  pl.BlockSpec((BE, D), lambda i, b0=b0: (b0 + i, 0)),
                  pl.BlockSpec((D, HD), lambda i: (0, 0)),
                  pl.BlockSpec((128, H), lambda i: (0, 0)),
                  pl.BlockSpec((128, H), lambda i: (0, 0)),
                  pl.BlockSpec((128, H), lambda i: (0, 0)),
                  pl.BlockSpec((128, H), lambda i: (0, 0))],
        out_specs=[pl.BlockSpec((H, BE), lambda i: (0, i)),
                   pl.BlockSpec((H, 8), lambda i: (0, 0))],
        out_shape=[jax.ShapeDtypeStruct((H, ep), _f32),
                   jax.ShapeDtypeStruct((H, 8), _f32)],
    )(gp, gp, edge_attr, W2, Ail, Aih, Ajl, Ajh)


def _ex_body(ap_ref, p_ref, ex_ref):
    p = p_ref[...]
    mean, rstd, gam, bet, gmax = (p[:, 0:1], p[:, 1:2], p[:, 2:3],
                                  p[:, 3:4], p[:, 4:5])
    z = gam * (ap_ref[...] - mean) * rstd + bet
    ex_ref[...] = jnp.exp(_sp(z) - gmax)


def _ex_pass(ap, params):
    return pl.pallas_call(
        _ex_body,
        grid=(10,),
        in_specs=[pl.BlockSpec((H, E // 10), lambda i: (0, i)),
                  pl.BlockSpec((H, 8), lambda i: (0, 0))],
        out_specs=pl.BlockSpec((H, E // 10), lambda i: (0, i)),
        out_shape=jax.ShapeDtypeStruct((H, E), _f32),
    )(ap, params)


def _pass_b_body(gj_ref, ea_ref, w2_ref, ex_ref, dg_ref, eps_ref,
                 em_ref, rl_ref, rh_ref, m_ref):
    ea = jnp.dot(ea_ref[...], w2_ref[...], preferred_element_type=_f32)
    gjl, gjh = _unpack(gj_ref[...])
    tjl = _sp(gjl + ea[:, :128])
    tjh = _sp(gjh + ea[:, 128:])
    alpha = ex_ref[...] / (dg_ref[...] + eps_ref[...])
    dn = (((0,), (0,)), ((), ()))
    aexp = lax.dot_general(alpha, em_ref[...], dn,
                           preferred_element_type=_f32)
    m_ref[...] = (
        jnp.dot(tjl * aexp[:, :128], rl_ref[...], preferred_element_type=_f32)
        + jnp.dot(tjh * aexp[:, 128:], rh_ref[...],
                  preferred_element_type=_f32))


def _pass_b(gp, edge_attr, W2, ex, dg, epsv, Emat, Rl, Rh, ep, ebase):
    ge = ep // BE
    b0 = ebase // BE
    return pl.pallas_call(
        _pass_b_body,
        grid=(ge,),
        in_specs=[pl.BlockSpec((BE, 128), lambda i, ge=ge: (ge + i, 0)),
                  pl.BlockSpec((BE, D), lambda i, b0=b0: (b0 + i, 0)),
                  pl.BlockSpec((D, HD), lambda i: (0, 0)),
                  pl.BlockSpec((H, BE), lambda i, b0=b0: (0, b0 + i)),
                  pl.BlockSpec((H, BE), lambda i: (0, i)),
                  pl.BlockSpec((H, 1), lambda i: (0, 0)),
                  pl.BlockSpec((H, HD), lambda i: (0, 0)),
                  pl.BlockSpec((128, 128), lambda i: (0, 0)),
                  pl.BlockSpec((128, 128), lambda i: (0, 0))],
        out_specs=pl.BlockSpec((BE, 128), lambda i: (i, 0)),
        out_shape=jax.ShapeDtypeStruct((ep, 128), _f32),
    )(gp, edge_attr, W2, ex, dg, epsv, Emat, Rl, Rh)



def _ring2(nch, start, finish):
    start(0, 0)
    pairs = (nch - 1) // 2
    if pairs > 0:
        def body(k, _):
            c0 = 2 * k
            start(c0 + 1, 1)
            finish(c0, 0)
            start(c0 + 2, 0)
            finish(c0 + 1, 1)
            return 0
        lax.fori_loop(0, pairs, body, 0)
    if (nch - 1) % 2 == 0:
        finish(nch - 1, 0)
    else:
        start(nch - 1, 1)
        finish(nch - 2, 0)
        finish(nch - 1, 1)


C2 = 80


def _gather_body_mk(wt, nch):
    def body(xw_hbm, ef_hbm, out_hbm, idx_v, r0, r1, s0, s1, tbl):
        c = lax.axis_index("c")
        s = lax.axis_index("s")
        base = (c * NS + s) * wt
        toff = jnp.minimum(s * 640, N - 640)
        pltpu.sync_copy(xw_hbm.at[pl.ds(toff, 640)], tbl.at[pl.ds(toff, 640)])
        pltpu.sync_copy(ef_hbm.at[pl.ds(base, wt)], idx_v)
        plsc.subcore_barrier()
        bufs = (r0, r1)
        sems = (s0, s1)

        def start(ch, b):
            pltpu.async_copy(tbl.at[idx_v.at[pl.ds(ch * C2, C2)]],
                             bufs[b], sems[b])

        def finish(ch, b):
            pltpu.make_async_copy(tbl.at[idx_v.at[pl.ds(0, C2)]],
                                  bufs[b], sems[b]).wait()
            pltpu.sync_copy(bufs[b], out_hbm.at[pl.ds(base + ch * C2, C2)])

        _ring2(nch, start, finish)
    return body


def _edge_gather(xp, eflat, ep):
    wt = 2 * ep // NW
    f = pl.kernel(
        _gather_body_mk(wt, wt // C2),
        out_type=jax.ShapeDtypeStruct((2 * ep, 128), jnp.int32),
        mesh=plsc.VectorSubcoreMesh(core_axis_name="c", subcore_axis_name="s"),
        scratch_types=[
            pltpu.VMEM((wt,), jnp.int32),
            pltpu.VMEM((C2, 128), jnp.int32),
            pltpu.VMEM((C2, 128), jnp.int32),
            pltpu.SemaphoreType.DMA,
            pltpu.SemaphoreType.DMA,
            pltpu.VMEM_SHARED((N, 128), jnp.int32),
        ],
    )
    return f(xp, eflat)


CS = 40
EW = E // NW
CHS = EW // CS
NP = 10240
NSR = NP // NS

DR = 512
NCH = E // 128
WCH = 40
EPAD = E + 128


def _dscat_body(ex_hbm, row_hbm, zr_hbm, parts_hbm,
                i0, i1, e0, e1, si0, si1, se0, se1, acc_p):
    c = lax.axis_index("c")
    s = lax.axis_index("s")
    wid = c * NS + s
    pltpu.sync_copy(zr_hbm, acc_p)
    lane = lax.broadcasted_iota(jnp.int32, (16,), 0)
    eoff = lane >> 2
    hoff = lane & 3
    ibufs = (i0, i1)
    ebufs = (e0, e1)
    isems = (si0, si1)
    esems = (se0, se1)

    def start(k, b):
        ch = wid + k * NW
        off = jnp.where(ch < NCH, ch * 128, 0)
        pltpu.async_copy(row_hbm.at[pl.ds(off, 128)], ibufs[b], isems[b])
        pltpu.async_copy(ex_hbm.at[:, pl.ds(off, 128)], ebufs[b], esems[b])

    def finish(k, b):
        ch = wid + k * NW
        valid = ch < NCH
        pltpu.make_async_copy(row_hbm.at[pl.ds(0, 128)], ibufs[b],
                              isems[b]).wait()
        pltpu.make_async_copy(ex_hbm.at[:, pl.ds(0, 128)], ebufs[b],
                              esems[b]).wait()

        def grp(g, _):
            rows4 = plsc.load_gather(ibufs[b], [g * 4 + eoff])
            vals = plsc.load_gather(ebufs[b], [hoff, g * 4 + eoff])
            flat = rows4 * H + hoff
            fr = flat >> 7
            fc = flat & 127
            for gg in range(4):
                plsc.addupdate_scatter(acc_p, [fr, fc], vals,
                                       mask=(eoff == gg) & valid)
            return 0
        lax.fori_loop(0, 32, grp, 0)

    _ring2(WCH, start, finish)
    pltpu.sync_copy(acc_p, parts_hbm.at[pl.ds(wid * DR, DR)])


def _denom_scatter(exT, row):
    f = pl.kernel(
        _dscat_body,
        out_type=jax.ShapeDtypeStruct((NW * DR, 128), _f32),
        mesh=plsc.VectorSubcoreMesh(core_axis_name="c", subcore_axis_name="s"),
        compiler_params=pltpu.CompilerParams(needs_layout_passes=False),
        scratch_types=[
            pltpu.VMEM((128,), jnp.int32),
            pltpu.VMEM((128,), jnp.int32),
            pltpu.VMEM((H, 128), _f32),
            pltpu.VMEM((H, 128), _f32),
            pltpu.SemaphoreType.DMA,
            pltpu.SemaphoreType.DMA,
            pltpu.SemaphoreType.DMA,
            pltpu.SemaphoreType.DMA,
            pltpu.VMEM((DR, 128), _f32),
        ],
    )
    return f(exT, row, jnp.zeros((DR, 128), _f32))


def _dgath_body_mk(eb, ec):
    nch = ec // 128
    wch = -(-nch // NW)

    def body(dn_hbm, row_hbm, out_hbm, i0, i1, si0, si1, dn_v, out_b):
        c = lax.axis_index("c")
        s = lax.axis_index("s")
        wid = c * NS + s
        pltpu.sync_copy(dn_hbm, dn_v)
        lane = lax.broadcasted_iota(jnp.int32, (16,), 0)
        eoff = lane >> 2
        hoff = lane & 3
        ibufs = (i0, i1)
        isems = (si0, si1)

        def start(k, b):
            ch = wid + k * NW
            off = jnp.where(ch < nch, eb + ch * 128, eb)
            pltpu.async_copy(row_hbm.at[pl.ds(off, 128)], ibufs[b], isems[b])

        def finish(k, b):
            ch = wid + k * NW
            off = jnp.where(ch < nch, ch * 128, ec)
            pltpu.make_async_copy(row_hbm.at[pl.ds(0, 128)], ibufs[b],
                                  isems[b]).wait()

            def grp(g, _):
                rows4 = plsc.load_gather(ibufs[b], [g * 4 + eoff])
                flat = rows4 * H + hoff
                vals = plsc.load_gather(dn_v, [flat >> 7, flat & 127])
                plsc.store_scatter(out_b, [hoff, g * 4 + eoff], vals)
                return 0
            lax.fori_loop(0, 32, grp, 0)
            pltpu.sync_copy(out_b, out_hbm.at[:, pl.ds(off, 128)])

        _ring2(wch, start, finish)
    return body


def _denom_gather(denomf, row, eb, ec):
    f = pl.kernel(
        _dgath_body_mk(eb, ec),
        out_type=jax.ShapeDtypeStruct((H, ec + 128), _f32),
        mesh=plsc.VectorSubcoreMesh(core_axis_name="c", subcore_axis_name="s"),
        compiler_params=pltpu.CompilerParams(needs_layout_passes=False),
        scratch_types=[
            pltpu.VMEM((128,), jnp.int32),
            pltpu.VMEM((128,), jnp.int32),
            pltpu.SemaphoreType.DMA,
            pltpu.SemaphoreType.DMA,
            pltpu.VMEM((DR, 128), _f32),
            pltpu.VMEM((H, 128), _f32),
        ],
    )
    return f(denomf, row)


def _scat_body_mk(chs):
    def body(m_hbm, row2_hbm, z_hbm, parts_hbm, idx_v, v0, v1, s0, s1, acc):
        c = lax.axis_index("c")
        s = lax.axis_index("s")
        wid = c * NS + s
        base = wid * chs * CS
        pltpu.sync_copy(z_hbm.at[pl.ds(s * NSR, NSR)],
                        acc.at[pl.ds(s * NSR, NSR)])
        pltpu.sync_copy(row2_hbm.at[wid], idx_v)
        plsc.subcore_barrier()
        bufs = (v0, v1)
        sems = (s0, s1)

        def start(ch, b):
            pltpu.async_copy(m_hbm.at[pl.ds(base + ch * CS, CS)],
                             bufs[b], sems[b])

        def finish(ch, b):
            pltpu.make_async_copy(m_hbm.at[pl.ds(0, CS)], bufs[b],
                                  sems[b]).wait()
            pltpu.sync_copy(bufs[b], acc.at[idx_v.at[ch]], add=True)

        _ring2(chs, start, finish)
        plsc.subcore_barrier()
        pltpu.sync_copy(acc.at[pl.ds(s * NSR, NSR)],
                        parts_hbm.at[pl.ds(c * NP + s * NSR, NSR)])
    return body


def _scatter_sum(vals, row2, width, chs):
    f = pl.kernel(
        _scat_body_mk(chs),
        out_type=jax.ShapeDtypeStruct((NC * NP, width), _f32),
        mesh=plsc.VectorSubcoreMesh(core_axis_name="c", subcore_axis_name="s"),
        scratch_types=[
            pltpu.VMEM((chs, CS), jnp.int32),
            pltpu.VMEM((CS, width), _f32),
            pltpu.VMEM((CS, width), _f32),
            pltpu.SemaphoreType.DMA,
            pltpu.SemaphoreType.DMA,
            pltpu.VMEM_SHARED((NP, width), _f32),
        ],
    )
    return f(vals, row2, jnp.zeros((NP, width), _f32))



def kernel(x, edge_index, edge_attr, W, att, bias, bn_gamma, bn_beta):
    W1, W2 = W[:D], W[D:]
    att_i = att[0, :, :D]
    att_j = att[0, :, D:]
    eye = jnp.eye(H, dtype=_f32)
    Ai = (att_i[:, :, None] * eye[:, None, :]).reshape(HD, H)
    Aj = (att_j[:, :, None] * eye[:, None, :]).reshape(HD, H)
    Emat = (eye[:, :, None] * jnp.ones((1, 1, D), _f32)).reshape(H, HD)
    R = jnp.pad(jnp.tile(jnp.eye(D, dtype=_f32), (H, 1)),
                ((0, 0), (0, 128 - D)))

    xp = _node_matmul(x, W1)
    chunks = ((96000, 64000), (0, 96000))
    Ail, Aih, Ajl, Ajh = Ai[:128], Ai[128:], Aj[:128], Aj[128:]

    gps = []
    for b, n_ in chunks:
        ef = edge_index[:, b:b + n_].reshape(2 * n_)
        gps.append(_edge_gather(xp, ef, n_))

    sts = []
    aps = []
    for (b, n_), gp in zip(chunks, gps):
        ap_, st_ = _pass_a(gp, edge_attr, W2, Ail, Aih, Ajl, Ajh, n_, b)
        aps.append(ap_)
        sts.append(st_)
    ssum = sts[0][:, 0] + sts[1][:, 0]
    ssq = sts[0][:, 1] + sts[1][:, 1]
    smx = jnp.maximum(sts[0][:, 2], sts[1][:, 2])
    smn = jnp.minimum(sts[0][:, 3], sts[1][:, 3])
    mean = ssum / E
    var = jnp.maximum(ssq / E - mean * mean, 0.0)
    rstd = lax.rsqrt(var + 1e-5)
    c1 = _sp(bn_gamma * (smx - mean) * rstd + bn_beta)
    c2 = _sp(bn_gamma * (smn - mean) * rstd + bn_beta)
    gmax = jnp.maximum(c1, c2)
    params = jnp.concatenate(
        [mean[:, None], rstd[:, None], bn_gamma[:, None], bn_beta[:, None],
         gmax[:, None], jnp.zeros((H, 3), _f32)], axis=1)
    ap = jnp.concatenate(
        [a for _, a in sorted(zip([b for b, _ in chunks], aps))], axis=1)
    ex = _ex_pass(ap, params)

    row = edge_index[0]
    partsd = _denom_scatter(ex, row)
    denomf = partsd.reshape(NW, DR, 128).sum(axis=0)

    epsv = (1e-16 * jnp.exp(-gmax))[:, None]
    acc = 0.0
    for (b, n_), gp in reversed(list(zip(chunks, gps))):
        dg = _denom_gather(denomf, row, b, n_)
        m_ = _pass_b(gp, edge_attr, W2, ex, dg, epsv, Emat,
                     R[:128], R[128:], n_, b)
        chs = n_ // (NW * CS)
        row2 = row[b:b + n_].reshape(NW, chs, CS)
        p_ = _scatter_sum(m_, row2, 128, chs)
        acc = acc + p_[:N, :D] + p_[NP:NP + N, :D]
    return acc * (1.0 / H) + bias

# --- scband reference (transcript-rebuilt; emitter-appended) ---
"""Pipeline reference for scband-dsdcrystal-10995116278145 (READ-ONLY COPY).

The authoritative reference and input builder live on the scoring server;
editing this copy changes nothing except your own understanding.
"""

import jax, jax.numpy as jnp
import numpy as np

N_NODES = 10000
N_EDGES = 160000
DIM = 64
HEADS = 4


def _xavier_uniform(key, shape):
    fan_in, fan_out = shape[-2], shape[-1]
    if len(shape) == 3:
        fan_in, fan_out = shape[1] * shape[2], shape[0] * shape[2]
    bound = float(np.sqrt(6.0 / (shape[-2] + shape[-1]))) if len(shape) == 2 else float(np.sqrt(6.0 / (shape[1] + shape[2])))
    return jax.random.uniform(key, shape, jnp.float32, -bound, bound)


def setup_inputs(seed: int = 0) -> dict:
    key = jax.random.key(seed)
    ks = jax.random.split(key, 6)
    x = jax.random.normal(ks[0], (N_NODES, DIM), jnp.float32)
    edge_index = jax.random.randint(ks[1], (2, N_EDGES), 0, N_NODES, dtype=jnp.int32)
    edge_attr = jax.random.normal(ks[2], (N_EDGES, DIM), jnp.float32)
    W = _xavier_uniform(ks[3], (2 * DIM, HEADS * DIM))
    att = _xavier_uniform(ks[4], (1, HEADS, 2 * DIM))
    bias = jnp.zeros((DIM,), jnp.float32)
    bn_gamma = jnp.ones((HEADS,), jnp.float32)
    bn_beta = jnp.zeros((HEADS,), jnp.float32)
    return {"x": x, "edge_index": edge_index, "edge_attr": edge_attr,
            "W": W, "att": att, "bias": bias,
            "bn_gamma": bn_gamma, "bn_beta": bn_beta}


def reference(x, edge_index, edge_attr, W, att, bias, bn_gamma, bn_beta):
    act = jax.nn.softplus
    # flow='target_to_source': i = edge_index[0] (aggregation index), j = edge_index[1]
    row = edge_index[0]
    col = edge_index[1]
    x_i = x[row]
    x_j = x[col]
    out_i = act(jnp.concatenate([x_i, edge_attr], axis=-1) @ W).reshape(-1, HEADS, DIM)
    out_j = act(jnp.concatenate([x_j, edge_attr], axis=-1) @ W).reshape(-1, HEADS, DIM)
    alpha = act(jnp.sum(jnp.concatenate([out_i, out_j], axis=-1) * att, axis=-1))  # [E, H]
    # BatchNorm1d over heads channels (training-mode batch statistics, affine init gamma=1 beta=0)
    mean = jnp.mean(alpha, axis=0)
    var = jnp.var(alpha, axis=0)
    alpha = (alpha - mean) / jnp.sqrt(var + 1e-5) * bn_gamma + bn_beta
    alpha = act(alpha)
    # segment softmax grouped by destination node index (row)
    seg_max = jax.ops.segment_max(alpha, row, num_segments=N_NODES)
    seg_max = jnp.where(jnp.isfinite(seg_max), seg_max, 0.0)
    ex = jnp.exp(alpha - seg_max[row])
    denom = jax.ops.segment_sum(ex, row, num_segments=N_NODES)
    alpha = ex / (denom[row] + 1e-16)
    # dropout_rate = 0.0 -> identity
    msg = out_j * alpha[:, :, None]  # [E, H, D]
    aggr = jax.ops.segment_sum(msg, row, num_segments=N_NODES)  # [N, H, D]
    out = aggr.mean(axis=1) + bias  # mean over heads, add bias
    return out

if __name__ == "__main__":
    import jax
    _d = setup_inputs()
    print(jax.jit(kernel)(*tuple(_d.values())))

</pallas_src>

<mosaic_0001>
#map = affine_map<(d0, d1) -> (0, 0)>
#map1 = affine_map<(d0, d1) -> (0)>
module attributes {stable_mosaic.version = 14 : i64} {
  func.func @body(%arg0: i32, %arg1: i32, %arg2: memref<512x128xf32, #tpu.memory_space<hbm>>, %arg3: memref<160000xi32, #tpu.memory_space<hbm>>, %arg4: memref<4x64128xf32, #tpu.memory_space<hbm>>, %arg5: memref<128xi32, #tpu.memory_space<vmem>>, %arg6: memref<128xi32, #tpu.memory_space<vmem>>, %arg7: memref<!tpu.dma_semaphore, #tpu.memory_space<semaphore_mem>>, %arg8: memref<!tpu.dma_semaphore, #tpu.memory_space<semaphore_mem>>, %arg9: memref<512x128xf32, #tpu.memory_space<vmem>>, %arg10: memref<4x128xf32, #tpu.memory_space<vmem>>) attributes {dimension_semantics = [#tpu.dimension_semantics<core_parallel>, #tpu.dimension_semantics<subcore_parallel>], iteration_bounds = array<i64: 2, 16>, scalar_prefetch = 0 : i64, scratch_operands = 6 : i64, tpu.core_type = #tpu.core_type<sc_vector_subcore>, window_params = [{transform_indices = #map}, {transform_indices = #map1}, {transform_indices = #map}]} {
    %mul3A = arith.constant 16 : i32
    %mul3A_0 = arith.muli %arg0, %mul3A : i32
    %add3A = arith.addi %mul3A_0, %arg1 : i32
    "tpu.region"() ({
      %run_scoped3A = tpu.sem_alloc : memref<!tpu.dma_semaphore, #tpu.memory_space<semaphore_mem>>
      tpu.enqueue_dma source(%arg2 : memref<512x128xf32, #tpu.memory_space<hbm>>) target(%arg9 : memref<512x128xf32, #tpu.memory_space<vmem>>) target_semaphore(%run_scoped3A : memref<!tpu.dma_semaphore, #tpu.memory_space<semaphore_mem>>)
      tpu.wait_dma2 semaphore(%run_scoped3A : memref<!tpu.dma_semaphore, #tpu.memory_space<semaphore_mem>>) src(%arg2 : memref<512x128xf32, #tpu.memory_space<hbm>>) dst(%arg9 : memref<512x128xf32, #tpu.memory_space<vmem>>)
      tpu.yield
    }) : () -> ()
    %iota3A = tpu.iota {dimensions = array<i32: 0>} : vector<16xi32>
    %shift_right_arithmetic3A = arith.constant 2 : i32
    %shift_right_arithmetic3A_1 = vector.broadcast %shift_right_arithmetic3A : i32 to vector<16xi32>
    %shift_right_arithmetic3A_2 = arith.shrsi %iota3A, %shift_right_arithmetic3A_1 : vector<16xi32>
    %and3A = arith.constant 3 : i32
    %and3A_3 = vector.broadcast %and3A : i32 to vector<16xi32>
    %and3A_4 = arith.andi %iota3A, %and3A_3 : vector<16xi32>
    %add3A_5 = arith.constant 0 : i32
    %add3A_6 = arith.addi %add3A, %add3A_5 : i32
    %lt3A = arith.constant 500 : i32
    %lt3A_7 = arith.cmpi slt, %add3A_6, %lt3A : i32
    %mul3A_8 = arith.constant 128 : i32
    %mul3A_9 = arith.muli %add3A_6, %mul3A_8 : i32
    %add3A_10 = arith.constant 96000 : i32
    %add3A_11 = arith.addi %add3A_10, %mul3A_9 : i32
    %jit3A = arith.constant 96000 : i32
    %select_n3A = arith.select %lt3A_7, %add3A_11, %jit3A : i32
    %dma_start3A = tpu.memref_slice %arg3[%select_n3A] : memref<160000xi32, #tpu.memory_space<hbm>> -> memref<128xi32, #tpu.memory_space<hbm>>
    %dma_start3A_12 = tpu.memref_slice %arg3[%select_n3A] : memref<160000xi32, #tpu.memory_space<hbm>> -> memref<128xi32, #tpu.memory_space<hbm>>
    tpu.enqueue_dma source(%dma_start3A_12 : memref<128xi32, #tpu.memory_space<hbm>>) target(%arg5 : memref<128xi32, #tpu.memory_space<vmem>>) target_semaphore(%arg7 : memref<!tpu.dma_semaphore, #tpu.memory_space<semaphore_mem>>)
    %scan3A = arith.constant 0 : i32
    %scan3A_13 = arith.constant 0 : i32
    %scan3A_14 = arith.constant 7 : i32
    %scan3A_15 = arith.addi %scan3A_13, %scan3A_14 : i32
    %scan3A_16 = arith.constant 1 : i32
    %scan3A_17 = scf.for %scan3A_68 = %scan3A_13 to %scan3A_15 step %scan3A_16 iter_args(%scan3A_69 = %scan3A) -> (i32)  : i32 {
      %mul3A_70 = arith.constant 2 : i32
      %mul3A_71 = arith.muli %mul3A_70, %scan3A_68 : i32
      %add3A_72 = arith.constant 1 : i32
      %add3A_73 = arith.addi %mul3A_71, %add3A_72 : i32
      %mul3A_74 = arith.constant 32 : i32
      %mul3A_75 = arith.muli %add3A_73, %mul3A_74 : i32
      %add3A_76 = arith.addi %add3A, %mul3A_75 : i32
      %lt3A_77 = arith.constant 500 : i32
      %lt3A_78 = arith.cmpi slt, %add3A_76, %lt3A_77 : i32
      %mul3A_79 = arith.constant 128 : i32
      %mul3A_80 = arith.muli %add3A_76, %mul3A_79 : i32
      %add3A_81 = arith.constant 96000 : i32
      %add3A_82 = arith.addi %add3A_81, %mul3A_80 : i32
      %jit3A_83 = arith.constant 96000 : i32
      %select_n3A_84 = arith.select %lt3A_78, %add3A_82, %jit3A_83 : i32
      %dma_start3A_85 = tpu.memref_slice %arg3[%select_n3A_84] : memref<160000xi32, #tpu.memory_space<hbm>> -> memref<128xi32, #tpu.memory_space<hbm>>
      %dma_start3A_86 = tpu.memref_slice %arg3[%select_n3A_84] : memref<160000xi32, #tpu.memory_space<hbm>> -> memref<128xi32, #tpu.memory_space<hbm>>
      tpu.enqueue_dma source(%dma_start3A_86 : memref<128xi32, #tpu.memory_space<hbm>>) target(%arg6 : memref<128xi32, #tpu.memory_space<vmem>>) target_semaphore(%arg8 : memref<!tpu.dma_semaphore, #tpu.memory_space<semaphore_mem>>)
      %mul3A_87 = arith.constant 32 : i32
      %mul3A_88 = arith.muli %mul3A_71, %mul3A_87 : i32
      %add3A_89 = arith.addi %add3A, %mul3A_88 : i32
      %lt3A_90 = arith.constant 500 : i32
      %lt3A_91 = arith.cmpi slt, %add3A_89, %lt3A_90 : i32
      %mul3A_92 = arith.constant 128 : i32
      %mul3A_93 = arith.muli %add3A_89, %mul3A_92 : i32
      %jit3A_94 = arith.constant 64000 : i32
      %select_n3A_95 = arith.select %lt3A_91, %mul3A_93, %jit3A_94 : i32
      %dma_wait3A_96 = arith.constant 0 : i32
      %dma_wait3A_97 = tpu.memref_slice %arg3[%dma_wait3A_96] : memref<160000xi32, #tpu.memory_space<hbm>> -> memref<128xi32, #tpu.memory_space<hbm>>
      %dma_wait3A_98 = arith.constant 0 : i32
      %dma_wait3A_99 = tpu.memref_slice %arg3[%dma_wait3A_98] : memref<160000xi32, #tpu.memory_space<hbm>> -> memref<128xi32, #tpu.memory_space<hbm>>
      tpu.wait_dma2 semaphore(%arg7 : memref<!tpu.dma_semaphore, #tpu.memory_space<semaphore_mem>>) src(%dma_wait3A_99 : memref<128xi32, #tpu.memory_space<hbm>>) dst(%arg5 : memref<128xi32, #tpu.memory_space<vmem>>)
      %scan3A_100 = arith.constant 0 : i32
      %scan3A_101 = arith.constant 0 : i32
      %scan3A_102 = arith.constant 32 : i32
      %scan3A_103 = arith.addi %scan3A_101, %scan3A_102 : i32
      %scan3A_104 = arith.constant 1 : i32
      %scan3A_105 = scf.for %scan3A_145 = %scan3A_101 to %scan3A_103 step %scan3A_104 iter_args(%scan3A_146 = %scan3A_100) -> (i32)  : i32 {
        %mul3A_147 = arith.constant 4 : i32
        %mul3A_148 = arith.muli %scan3A_145, %mul3A_147 : i32
        %add3A_149 = vector.broadcast %mul3A_148 : i32 to vector<16xi32>
        %add3A_150 = arith.addi %add3A_149, %shift_right_arithmetic3A_2 : vector<16xi32>
        %gather3A = tpu.vector_load_idx %arg5[%add3A_150] : memref<128xi32, #tpu.memory_space<vmem>>[vector<16xi32>], vector<16xi32>,
        %mul3A_151 = arith.constant 4 : i32
        %mul3A_152 = vector.broadcast %mul3A_151 : i32 to vector<16xi32>
        %mul3A_153 = arith.muli %gather3A, %mul3A_152 : vector<16xi32>
        %add3A_154 = arith.addi %mul3A_153, %and3A_4 : vector<16xi32>
        %shift_right_arithmetic3A_155 = arith.constant 7 : i32
        %shift_right_arithmetic3A_156 = vector.broadcast %shift_right_arithmetic3A_155 : i32 to vector<16xi32>
        %shift_right_arithmetic3A_157 = arith.shrsi %add3A_154, %shift_right_arithmetic3A_156 : vector<16xi32>
        %and3A_158 = arith.constant 127 : i32
        %and3A_159 = vector.broadcast %and3A_158 : i32 to vector<16xi32>
        %and3A_160 = arith.andi %add3A_154, %and3A_159 : vector<16xi32>
        %gather3A_161 = tpu.vector_load_idx %arg9[%shift_right_arithmetic3A_157, %and3A_160] : memref<512x128xf32, #tpu.memory_space<vmem>>[vector<16xi32>, vector<16xi32>], vector<16xf32>,
        %mul3A_162 = arith.constant 4 : i32
        %mul3A_163 = arith.muli %scan3A_145, %mul3A_162 : i32
        %add3A_164 = vector.broadcast %mul3A_163 : i32 to vector<16xi32>
        %add3A_165 = arith.addi %add3A_164, %shift_right_arithmetic3A_2 : vector<16xi32>
        tpu.vector_store_idx %arg10[%and3A_4, %add3A_165], %gather3A_161 : memref<4x128xf32, #tpu.memory_space<vmem>>[vector<16xi32>, vector<16xi32>], vector<16xf32>,
        %scan3A_166 = arith.constant 0 : i32
        scf.yield %scan3A_166 : i32
      }
      %scan3A_106 = arith.constant 32 : i32
      "tpu.region"() ({
        %run_scoped3A = tpu.sem_alloc : memref<!tpu.dma_semaphore, #tpu.memory_space<semaphore_mem>>
        %dma_start3A_145 = arith.constant 0 : i32
        %dma_start3A_146 = tpu.memref_slice %arg4[%dma_start3A_145, %select_n3A_95] : memref<4x64128xf32, #tpu.memory_space<hbm>> -> memref<4x128xf32, #tpu.memory_space<hbm>>
        %dma_start3A_147 = arith.constant 0 : i32
        %dma_start3A_148 = tpu.memref_slice %arg4[%dma_start3A_147, %select_n3A_95] : memref<4x64128xf32, #tpu.memory_space<hbm>> -> memref<4x128xf32, #tpu.memory_space<hbm>>
        tpu.enqueue_dma source(%arg10 : memref<4x128xf32, #tpu.memory_space<vmem>>) target(%dma_start3A_148 : memref<4x128xf32, #tpu.memory_space<hbm>>) target_semaphore(%run_scoped3A : memref<!tpu.dma_semaphore, #tpu.memory_space<semaphore_mem>>)
        %dma_wait3A_149 = arith.constant 0 : i32
        %dma_wait3A_150 = tpu.memref_slice %arg4[%dma_wait3A_149, %select_n3A_95] : memref<4x64128xf32, #tpu.memory_space<hbm>> -> memref<4x128xf32, #tpu.memory_space<hbm>>
        %dma_wait3A_151 = arith.constant 0 : i32
        %dma_wait3A_152 = tpu.memref_slice %arg4[%dma_wait3A_151, %select_n3A_95] : memref<4x64128xf32, #tpu.memory_space<hbm>> -> memref<4x128xf32, #tpu.memory_space<hbm>>
        tpu.wait_dma2 semaphore(%run_scoped3A : memref<!tpu.dma_semaphore, #tpu.memory_space<semaphore_mem>>) src(%arg10 : memref<4x128xf32, #tpu.memory_space<vmem>>) dst(%dma_wait3A_152 : memref<4x128xf32, #tpu.memory_space<hbm>>)
        tpu.yield
      }) : () -> ()
      %add3A_107 = arith.constant 2 : i32
      %add3A_108 = arith.addi %mul3A_71, %add3A_107 : i32
      %mul3A_109 = arith.constant 32 : i32
      %mul3A_110 = arith.muli %add3A_108, %mul3A_109 : i32
      %add3A_111 = arith.addi %add3A, %mul3A_110 : i32
      %lt3A_112 = arith.constant 500 : i32
      %lt3A_113 = arith.cmpi slt, %add3A_111, %lt3A_112 : i32
      %mul3A_114 = arith.constant 128 : i32
      %mul3A_115 = arith.muli %add3A_111, %mul3A_114 : i32
      %add3A_116 = arith.constant 96000 : i32
      %add3A_117 = arith.addi %add3A_116, %mul3A_115 : i32
      %jit3A_118 = arith.constant 96000 : i32
      %select_n3A_119 = arith.select %lt3A_113, %add3A_117, %jit3A_118 : i32
      %dma_start3A_120 = tpu.memref_slice %arg3[%select_n3A_119] : memref<160000xi32, #tpu.memory_space<hbm>> -> memref<128xi32, #tpu.memory_space<hbm>>
      %dma_start3A_121 = tpu.memref_slice %arg3[%select_n3A_119] : memref<160000xi32, #tpu.memory_space<hbm>> -> memref<128xi32, #tpu.memory_space<hbm>>
      tpu.enqueue_dma source(%dma_start3A_121 : memref<128xi32, #tpu.memory_space<hbm>>) target(%arg5 : memref<128xi32, #tpu.memory_space<vmem>>) target_semaphore(%arg7 : memref<!tpu.dma_semaphore, #tpu.memory_space<semaphore_mem>>)
      %add3A_122 = arith.constant 1 : i32
      %add3A_123 = arith.addi %mul3A_71, %add3A_122 : i32
      %mul3A_124 = arith.constant 32 : i32
      %mul3A_125 = arith.muli %add3A_123, %mul3A_124 : i32
      %add3A_126 = arith.addi %add3A, %mul3A_125 : i32
      %lt3A_127 = arith.constant 500 : i32
      %lt3A_128 = arith.cmpi slt, %add3A_126, %lt3A_127 : i32
      %mul3A_129 = arith.constant 128 : i32
      %mul3A_130 = arith.muli %add3A_126, %mul3A_129 : i32
      %jit3A_131 = arith.constant 64000 : i32
      %select_n3A_132 = arith.select %lt3A_128, %mul3A_130, %jit3A_131 : i32
      %dma_wait3A_133 = arith.constant 0 : i32
      %dma_wait3A_134 = tpu.memref_slice %arg3[%dma_wait3A_133] : memref<160000xi32, #tpu.memory_space<hbm>> -> memref<128xi32, #tpu.memory_space<hbm>>
      %dma_wait3A_135 = arith.constant 0 : i32
      %dma_wait3A_136 = tpu.memref_slice %arg3[%dma_wait3A_135] : memref<160000xi32, #tpu.memory_space<hbm>> -> memref<128xi32, #tpu.memory_space<hbm>>
      tpu.wait_dma2 semaphore(%arg8 : memref<!tpu.dma_semaphore, #tpu.memory_space<semaphore_mem>>) src(%dma_wait3A_136 : memref<128xi32, #tpu.memory_space<hbm>>) dst(%arg6 : memref<128xi32, #tpu.memory_space<vmem>>)
      %scan3A_137 = arith.constant 0 : i32
      %scan3A_138 = arith.constant 0 : i32
      %scan3A_139 = arith.constant 32 : i32
      %scan3A_140 = arith.addi %scan3A_138, %scan3A_139 : i32
      %scan3A_141 = arith.constant 1 : i32
      %scan3A_142 = scf.for %scan3A_145 = %scan3A_138 to %scan3A_140 step %scan3A_141 iter_args(%scan3A_146 = %scan3A_137) -> (i32)  : i32 {
        %mul3A_147 = arith.constant 4 : i32
        %mul3A_148 = arith.muli %scan3A_145, %mul3A_147 : i32
        %add3A_149 = vector.broadcast %mul3A_148 : i32 to vector<16xi32>
        %add3A_150 = arith.addi %add3A_149, %shift_right_arithmetic3A_2 : vector<16xi32>
        %gather3A = tpu.vector_load_idx %arg6[%add3A_150] : memref<128xi32, #tpu.memory_space<vmem>>[vector<16xi32>], vector<16xi32>,
        %mul3A_151 = arith.constant 4 : i32
        %mul3A_152 = vector.broadcast %mul3A_151 : i32 to vector<16xi32>
        %mul3A_153 = arith.muli %gather3A, %mul3A_152 : vector<16xi32>
        %add3A_154 = arith.addi %mul3A_153, %and3A_4 : vector<16xi32>
        %shift_right_arithmetic3A_155 = arith.constant 7 : i32
        %shift_right_arithmetic3A_156 = vector.broadcast %shift_right_arithmetic3A_155 : i32 to vector<16xi32>
        %shift_right_arithmetic3A_157 = arith.shrsi %add3A_154, %shift_right_arithmetic3A_156 : vector<16xi32>
        %and3A_158 = arith.constant 127 : i32
        %and3A_159 = vector.broadcast %and3A_158 : i32 to vector<16xi32>
        %and3A_160 = arith.andi %add3A_154, %and3A_159 : vector<16xi32>
        %gather3A_161 = tpu.vector_load_idx %arg9[%shift_right_arithmetic3A_157, %and3A_160] : memref<512x128xf32, #tpu.memory_space<vmem>>[vector<16xi32>, vector<16xi32>], vector<16xf32>,
        %mul3A_162 = arith.constant 4 : i32
        %mul3A_163 = arith.muli %scan3A_145, %mul3A_162 : i32
        %add3A_164 = vector.broadcast %mul3A_163 : i32 to vector<16xi32>
        %add3A_165 = arith.addi %add3A_164, %shift_right_arithmetic3A_2 : vector<16xi32>
        tpu.vector_store_idx %arg10[%and3A_4, %add3A_165], %gather3A_161 : memref<4x128xf32, #tpu.memory_space<vmem>>[vector<16xi32>, vector<16xi32>], vector<16xf32>,
        %scan3A_166 = arith.constant 0 : i32
        scf.yield %scan3A_166 : i32
      }
      %scan3A_143 = arith.constant 32 : i32
      "tpu.region"() ({
        %run_scoped3A = tpu.sem_alloc : memref<!tpu.dma_semaphore, #tpu.memory_space<semaphore_mem>>
        %dma_start3A_145 = arith.constant 0 : i32
        %dma_start3A_146 = tpu.memref_slice %arg4[%dma_start3A_145, %select_n3A_132] : memref<4x64128xf32, #tpu.memory_space<hbm>> -> memref<4x128xf32, #tpu.memory_space<hbm>>
        %dma_start3A_147 = arith.constant 0 : i32
        %dma_start3A_148 = tpu.memref_slice %arg4[%dma_start3A_147, %select_n3A_132] : memref<4x64128xf32, #tpu.memory_space<hbm>> -> memref<4x128xf32, #tpu.memory_space<hbm>>
        tpu.enqueue_dma source(%arg10 : memref<4x128xf32, #tpu.memory_space<vmem>>) target(%dma_start3A_148 : memref<4x128xf32, #tpu.memory_space<hbm>>) target_semaphore(%run_scoped3A : memref<!tpu.dma_semaphore, #tpu.memory_space<semaphore_mem>>)
        %dma_wait3A_149 = arith.constant 0 : i32
        %dma_wait3A_150 = tpu.memref_slice %arg4[%dma_wait3A_149, %select_n3A_132] : memref<4x64128xf32, #tpu.memory_space<hbm>> -> memref<4x128xf32, #tpu.memory_space<hbm>>
        %dma_wait3A_151 = arith.constant 0 : i32
        %dma_wait3A_152 = tpu.memref_slice %arg4[%dma_wait3A_151, %select_n3A_132] : memref<4x64128xf32, #tpu.memory_space<hbm>> -> memref<4x128xf32, #tpu.memory_space<hbm>>
        tpu.wait_dma2 semaphore(%run_scoped3A : memref<!tpu.dma_semaphore, #tpu.memory_space<semaphore_mem>>) src(%arg10 : memref<4x128xf32, #tpu.memory_space<vmem>>) dst(%dma_wait3A_152 : memref<4x128xf32, #tpu.memory_space<hbm>>)
        tpu.yield
      }) : () -> ()
      %scan3A_144 = arith.constant 0 : i32
      scf.yield %scan3A_144 : i32
    }
    %scan3A_18 = arith.constant 7 : i32
    %add3A_19 = arith.constant 480 : i32
    %add3A_20 = arith.addi %add3A, %add3A_19 : i32
    %lt3A_21 = arith.constant 500 : i32
    %lt3A_22 = arith.cmpi slt, %add3A_20, %lt3A_21 : i32
    %mul3A_23 = arith.constant 128 : i32
    %mul3A_24 = arith.muli %add3A_20, %mul3A_23 : i32
    %add3A_25 = arith.constant 96000 : i32
    %add3A_26 = arith.addi %add3A_25, %mul3A_24 : i32
    %jit3A_27 = arith.constant 96000 : i32
    %select_n3A_28 = arith.select %lt3A_22, %add3A_26, %jit3A_27 : i32
    %dma_start3A_29 = tpu.memref_slice %arg3[%select_n3A_28] : memref<160000xi32, #tpu.memory_space<hbm>> -> memref<128xi32, #tpu.memory_space<hbm>>
    %dma_start3A_30 = tpu.memref_slice %arg3[%select_n3A_28] : memref<160000xi32, #tpu.memory_space<hbm>> -> memref<128xi32, #tpu.memory_space<hbm>>
    tpu.enqueue_dma source(%dma_start3A_30 : memref<128xi32, #tpu.memory_space<hbm>>) target(%arg6 : memref<128xi32, #tpu.memory_space<vmem>>) target_semaphore(%arg8 : memref<!tpu.dma_semaphore, #tpu.memory_space<semaphore_mem>>)
    %add3A_31 = arith.constant 448 : i32
    %add3A_32 = arith.addi %add3A, %add3A_31 : i32
    %lt3A_33 = arith.constant 500 : i32
    %lt3A_34 = arith.cmpi slt, %add3A_32, %lt3A_33 : i32
    %mul3A_35 = arith.constant 128 : i32
    %mul3A_36 = arith.muli %add3A_32, %mul3A_35 : i32
    %jit3A_37 = arith.constant 64000 : i32
    %select_n3A_38 = arith.select %lt3A_34, %mul3A_36, %jit3A_37 : i32
    %dma_wait3A = arith.constant 0 : i32
    %dma_wait3A_39 = tpu.memref_slice %arg3[%dma_wait3A] : memref<160000xi32, #tpu.memory_space<hbm>> -> memref<128xi32, #tpu.memory_space<hbm>>
    %dma_wait3A_40 = arith.constant 0 : i32
    %dma_wait3A_41 = tpu.memref_slice %arg3[%dma_wait3A_40] : memref<160000xi32, #tpu.memory_space<hbm>> -> memref<128xi32, #tpu.memory_space<hbm>>
    tpu.wait_dma2 semaphore(%arg7 : memref<!tpu.dma_semaphore, #tpu.memory_space<semaphore_mem>>) src(%dma_wait3A_41 : memref<128xi32, #tpu.memory_space<hbm>>) dst(%arg5 : memref<128xi32, #tpu.memory_space<vmem>>)
    %scan3A_42 = arith.constant 0 : i32
    %scan3A_43 = arith.constant 0 : i32
    %scan3A_44 = arith.constant 32 : i32
    %scan3A_45 = arith.addi %scan3A_43, %scan3A_44 : i32
    %scan3A_46 = arith.constant 1 : i32
    %scan3A_47 = scf.for %scan3A_68 = %scan3A_43 to %scan3A_45 step %scan3A_46 iter_args(%scan3A_69 = %scan3A_42) -> (i32)  : i32 {
      %mul3A_70 = arith.constant 4 : i32
      %mul3A_71 = arith.muli %scan3A_68, %mul3A_70 : i32
      %add3A_72 = vector.broadcast %mul3A_71 : i32 to vector<16xi32>
      %add3A_73 = arith.addi %add3A_72, %shift_right_arithmetic3A_2 : vector<16xi32>
      %gather3A = tpu.vector_load_idx %arg5[%add3A_73] : memref<128xi32, #tpu.memory_space<vmem>>[vector<16xi32>], vector<16xi32>,
      %mul3A_74 = arith.constant 4 : i32
      %mul3A_75 = vector.broadcast %mul3A_74 : i32 to vector<16xi32>
      %mul3A_76 = arith.muli %gather3A, %mul3A_75 : vector<16xi32>
      %add3A_77 = arith.addi %mul3A_76, %and3A_4 : vector<16xi32>
      %shift_right_arithmetic3A_78 = arith.constant 7 : i32
      %shift_right_arithmetic3A_79 = vector.broadcast %shift_right_arithmetic3A_78 : i32 to vector<16xi32>
      %shift_right_arithmetic3A_80 = arith.shrsi %add3A_77, %shift_right_arithmetic3A_79 : vector<16xi32>
      %and3A_81 = arith.constant 127 : i32
      %and3A_82 = vector.broadcast %and3A_81 : i32 to vector<16xi32>
      %and3A_83 = arith.andi %add3A_77, %and3A_82 : vector<16xi32>
      %gather3A_84 = tpu.vector_load_idx %arg9[%shift_right_arithmetic3A_80, %and3A_83] : memref<512x128xf32, #tpu.memory_space<vmem>>[vector<16xi32>, vector<16xi32>], vector<16xf32>,
      %mul3A_85 = arith.constant 4 : i32
      %mul3A_86 = arith.muli %scan3A_68, %mul3A_85 : i32
      %add3A_87 = vector.broadcast %mul3A_86 : i32 to vector<16xi32>
      %add3A_88 = arith.addi %add3A_87, %shift_right_arithmetic3A_2 : vector<16xi32>
      tpu.vector_store_idx %arg10[%and3A_4, %add3A_88], %gather3A_84 : memref<4x128xf32, #tpu.memory_space<vmem>>[vector<16xi32>, vector<16xi32>], vector<16xf32>,
      %scan3A_89 = arith.constant 0 : i32
      scf.yield %scan3A_89 : i32
    }
    %scan3A_48 = arith.constant 32 : i32
    "tpu.region"() ({
      %run_scoped3A = tpu.sem_alloc : memref<!tpu.dma_semaphore, #tpu.memory_space<semaphore_mem>>
      %dma_start3A_68 = arith.constant 0 : i32
      %dma_start3A_69 = tpu.memref_slice %arg4[%dma_start3A_68, %select_n3A_38] : memref<4x64128xf32, #tpu.memory_space<hbm>> -> memref<4x128xf32, #tpu.memory_space<hbm>>
      %dma_start3A_70 = arith.constant 0 : i32
      %dma_start3A_71 = tpu.memref_slice %arg4[%dma_start3A_70, %select_n3A_38] : memref<4x64128xf32, #tpu.memory_space<hbm>> -> memref<4x128xf32, #tpu.memory_space<hbm>>
      tpu.enqueue_dma source(%arg10 : memref<4x128xf32, #tpu.memory_space<vmem>>) target(%dma_start3A_71 : memref<4x128xf32, #tpu.memory_space<hbm>>) target_semaphore(%run_scoped3A : memref<!tpu.dma_semaphore, #tpu.memory_space<semaphore_mem>>)
      %dma_wait3A_72 = arith.constant 0 : i32
      %dma_wait3A_73 = tpu.memref_slice %arg4[%dma_wait3A_72, %select_n3A_38] : memref<4x64128xf32, #tpu.memory_space<hbm>> -> memref<4x128xf32, #tpu.memory_space<hbm>>
      %dma_wait3A_74 = arith.constant 0 : i32
      %dma_wait3A_75 = tpu.memref_slice %arg4[%dma_wait3A_74, %select_n3A_38] : memref<4x64128xf32, #tpu.memory_space<hbm>> -> memref<4x128xf32, #tpu.memory_space<hbm>>
      tpu.wait_dma2 semaphore(%run_scoped3A : memref<!tpu.dma_semaphore, #tpu.memory_space<semaphore_mem>>) src(%arg10 : memref<4x128xf32, #tpu.memory_space<vmem>>) dst(%dma_wait3A_75 : memref<4x128xf32, #tpu.memory_space<hbm>>)
      tpu.yield
    }) : () -> ()
    %add3A_49 = arith.constant 480 : i32
    %add3A_50 = arith.addi %add3A, %add3A_49 : i32
    %lt3A_51 = arith.constant 500 : i32
    %lt3A_52 = arith.cmpi slt, %add3A_50, %lt3A_51 : i32
    %mul3A_53 = arith.constant 128 : i32
    %mul3A_54 = arith.muli %add3A_50, %mul3A_53 : i32
    %jit3A_55 = arith.constant 64000 : i32
    %select_n3A_56 = arith.select %lt3A_52, %mul3A_54, %jit3A_55 : i32
    %dma_wait3A_57 = arith.constant 0 : i32
    %dma_wait3A_58 = tpu.memref_slice %arg3[%dma_wait3A_57] : memref<160000xi32, #tpu.memory_space<hbm>> -> memref<128xi32, #tpu.memory_space<hbm>>
    %dma_wait3A_59 = arith.constant 0 : i32
    %dma_wait3A_60 = tpu.memref_slice %arg3[%dma_wait3A_59] : memref<160000xi32, #tpu.memory_space<hbm>> -> memref<128xi32, #tpu.memory_space<hbm>>
    tpu.wait_dma2 semaphore(%arg8 : memref<!tpu.dma_semaphore, #tpu.memory_space<semaphore_mem>>) src(%dma_wait3A_60 : memref<128xi32, #tpu.memory_space<hbm>>) dst(%arg6 : memref<128xi32, #tpu.memory_space<vmem>>)
    %scan3A_61 = arith.constant 0 : i32
    %scan3A_62 = arith.constant 0 : i32
    %scan3A_63 = arith.constant 32 : i32
    %scan3A_64 = arith.addi %scan3A_62, %scan3A_63 : i32
    %scan3A_65 = arith.constant 1 : i32
    %scan3A_66 = scf.for %scan3A_68 = %scan3A_62 to %scan3A_64 step %scan3A_65 iter_args(%scan3A_69 = %scan3A_61) -> (i32)  : i32 {
      %mul3A_70 = arith.constant 4 : i32
      %mul3A_71 = arith.muli %scan3A_68, %mul3A_70 : i32
      %add3A_72 = vector.broadcast %mul3A_71 : i32 to vector<16xi32>
      %add3A_73 = arith.addi %add3A_72, %shift_right_arithmetic3A_2 : vector<16xi32>
      %gather3A = tpu.vector_load_idx %arg6[%add3A_73] : memref<128xi32, #tpu.memory_space<vmem>>[vector<16xi32>], vector<16xi32>,
      %mul3A_74 = arith.constant 4 : i32
      %mul3A_75 = vector.broadcast %mul3A_74 : i32 to vector<16xi32>
      %mul3A_76 = arith.muli %gather3A, %mul3A_75 : vector<16xi32>
      %add3A_77 = arith.addi %mul3A_76, %and3A_4 : vector<16xi32>
      %shift_right_arithmetic3A_78 = arith.constant 7 : i32
      %shift_right_arithmetic3A_79 = vector.broadcast %shift_right_arithmetic3A_78 : i32 to vector<16xi32>
      %shift_right_arithmetic3A_80 = arith.shrsi %add3A_77, %shift_right_arithmetic3A_79 : vector<16xi32>
      %and3A_81 = arith.constant 127 : i32
      %and3A_82 = vector.broadcast %and3A_81 : i32 to vector<16xi32>
      %and3A_83 = arith.andi %add3A_77, %and3A_82 : vector<16xi32>
      %gather3A_84 = tpu.vector_load_idx %arg9[%shift_right_arithmetic3A_80, %and3A_83] : memref<512x128xf32, #tpu.memory_space<vmem>>[vector<16xi32>, vector<16xi32>], vector<16xf32>,
      %mul3A_85 = arith.constant 4 : i32
      %mul3A_86 = arith.muli %scan3A_68, %mul3A_85 : i32
      %add3A_87 = vector.broadcast %mul3A_86 : i32 to vector<16xi32>
      %add3A_88 = arith.addi %add3A_87, %shift_right_arithmetic3A_2 : vector<16xi32>
      tpu.vector_store_idx %arg10[%and3A_4, %add3A_88], %gather3A_84 : memref<4x128xf32, #tpu.memory_space<vmem>>[vector<16xi32>, vector<16xi32>], vector<16xf32>,
      %scan3A_89 = arith.constant 0 : i32
      scf.yield %scan3A_89 : i32
    }
    %scan3A_67 = arith.constant 32 : i32
    "tpu.region"() ({
      %run_scoped3A = tpu.sem_alloc : memref<!tpu.dma_semaphore, #tpu.memory_space<semaphore_mem>>
      %dma_start3A_68 = arith.constant 0 : i32
      %dma_start3A_69 = tpu.memref_slice %arg4[%dma_start3A_68, %select_n3A_56] : memref<4x64128xf32, #tpu.memory_space<hbm>> -> memref<4x128xf32, #tpu.memory_space<hbm>>
      %dma_start3A_70 = arith.constant 0 : i32
      %dma_start3A_71 = tpu.memref_slice %arg4[%dma_start3A_70, %select_n3A_56] : memref<4x64128xf32, #tpu.memory_space<hbm>> -> memref<4x128xf32, #tpu.memory_space<hbm>>
      tpu.enqueue_dma source(%arg10 : memref<4x128xf32, #tpu.memory_space<vmem>>) target(%dma_start3A_71 : memref<4x128xf32, #tpu.memory_space<hbm>>) target_semaphore(%run_scoped3A : memref<!tpu.dma_semaphore, #tpu.memory_space<semaphore_mem>>)
      %dma_wait3A_72 = arith.constant 0 : i32
      %dma_wait3A_73 = tpu.memref_slice %arg4[%dma_wait3A_72, %select_n3A_56] : memref<4x64128xf32, #tpu.memory_space<hbm>> -> memref<4x128xf32, #tpu.memory_space<hbm>>
      %dma_wait3A_74 = arith.constant 0 : i32
      %dma_wait3A_75 = tpu.memref_slice %arg4[%dma_wait3A_74, %select_n3A_56] : memref<4x64128xf32, #tpu.memory_space<hbm>> -> memref<4x128xf32, #tpu.memory_space<hbm>>
      tpu.wait_dma2 semaphore(%run_scoped3A : memref<!tpu.dma_semaphore, #tpu.memory_space<semaphore_mem>>) src(%arg10 : memref<4x128xf32, #tpu.memory_space<vmem>>) dst(%dma_wait3A_75 : memref<4x128xf32, #tpu.memory_space<hbm>>)
      tpu.yield
    }) : () -> ()
    return
  }
}

#map = affine_map<(d0, d1) -> (0, 0)>
#map1 = affine_map<(d0, d1) -> (0)>
module attributes {stable_mosaic.version = 14 : i64} {
  func.func @_dscat_body(%arg0: i32, %arg1: i32, %arg2: memref<4x160000xf32, #tpu.memory_space<hbm>>, %arg3: memref<160000xi32, #tpu.memory_space<hbm>>, %arg4: memref<512x128xf32, #tpu.memory_space<hbm>>, %arg5: memref<16384x128xf32, #tpu.memory_space<hbm>>, %arg6: memref<128xi32, #tpu.memory_space<vmem>>, %arg7: memref<128xi32, #tpu.memory_space<vmem>>, %arg8: memref<4x128xf32, #tpu.memory_space<vmem>>, %arg9: memref<4x128xf32, #tpu.memory_space<vmem>>, %arg10: memref<!tpu.dma_semaphore, #tpu.memory_space<semaphore_mem>>, %arg11: memref<!tpu.dma_semaphore, #tpu.memory_space<semaphore_mem>>, %arg12: memref<!tpu.dma_semaphore, #tpu.memory_space<semaphore_mem>>, %arg13: memref<!tpu.dma_semaphore, #tpu.memory_space<semaphore_mem>>, %arg14: memref<512x128xf32, #tpu.memory_space<vmem>>) attributes {dimension_semantics = [#tpu.dimension_semantics<core_parallel>, #tpu.dimension_semantics<subcore_parallel>], iteration_bounds = array<i64: 2, 16>, scalar_prefetch = 0 : i64, scratch_operands = 9 : i64, tpu.core_type = #tpu.core_type<sc_vector_subcore>, window_params = [{transform_indices = #map}, {transform_indices = #map1}, {transform_indices = #map}, {transform_indices = #map}]} {
    %mul3A = arith.constant 16 : i32
    %mul3A_0 = arith.muli %arg0, %mul3A : i32
    %add3A = arith.addi %mul3A_0, %arg1 : i32
    "tpu.region"() ({
      %run_scoped3A = tpu.sem_alloc : memref<!tpu.dma_semaphore, #tpu.memory_space<semaphore_mem>>
      tpu.enqueue_dma source(%arg4 : memref<512x128xf32, #tpu.memory_space<hbm>>) target(%arg14 : memref<512x128xf32, #tpu.memory_space<vmem>>) target_semaphore(%run_scoped3A : memref<!tpu.dma_semaphore, #tpu.memory_space<semaphore_mem>>)
      tpu.wait_dma2 semaphore(%run_scoped3A : memref<!tpu.dma_semaphore, #tpu.memory_space<semaphore_mem>>) src(%arg4 : memref<512x128xf32, #tpu.memory_space<hbm>>) dst(%arg14 : memref<512x128xf32, #tpu.memory_space<vmem>>)
      tpu.yield
    }) : () -> ()
    %iota3A = tpu.iota {dimensions = array<i32: 0>} : vector<16xi32>
    %shift_right_arithmetic3A = arith.constant 2 : i32
    %shift_right_arithmetic3A_1 = vector.broadcast %shift_right_arithmetic3A : i32 to vector<16xi32>
    %shift_right_arithmetic3A_2 = arith.shrsi %iota3A, %shift_right_arithmetic3A_1 : vector<16xi32>
    %and3A = arith.constant 3 : i32
    %and3A_3 = vector.broadcast %and3A : i32 to vector<16xi32>
    %and3A_4 = arith.andi %iota3A, %and3A_3 : vector<16xi32>
    %add3A_5 = arith.constant 0 : i32
    %add3A_6 = arith.addi %add3A, %add3A_5 : i32
    %lt3A = arith.constant 1250 : i32
    %lt3A_7 = arith.cmpi slt, %add3A_6, %lt3A : i32
    %mul3A_8 = arith.constant 128 : i32
    %mul3A_9 = arith.muli %add3A_6, %mul3A_8 : i32
    %jit3A = arith.constant 0 : i32
    %select_n3A = arith.select %lt3A_7, %mul3A_9, %jit3A : i32
    %dma_start3A = tpu.memref_slice %arg3[%select_n3A] : memref<160000xi32, #tpu.memory_space<hbm>> -> memref<128xi32, #tpu.memory_space<hbm>>
    %dma_start3A_10 = tpu.memref_slice %arg3[%select_n3A] : memref<160000xi32, #tpu.memory_space<hbm>> -> memref<128xi32, #tpu.memory_space<hbm>>
    tpu.enqueue_dma source(%dma_start3A_10 : memref<128xi32, #tpu.memory_space<hbm>>) target(%arg6 : memref<128xi32, #tpu.memory_space<vmem>>) target_semaphore(%arg10 : memref<!tpu.dma_semaphore, #tpu.memory_space<semaphore_mem>>)
    %dma_start3A_11 = arith.constant 0 : i32
    %dma_start3A_12 = tpu.memref_slice %arg2[%dma_start3A_11, %select_n3A] : memref<4x160000xf32, #tpu.memory_space<hbm>> -> memref<4x128xf32, #tpu.memory_space<hbm>>
    %dma_start3A_13 = arith.constant 0 : i32
    %dma_start3A_14 = tpu.memref_slice %arg2[%dma_start3A_13, %select_n3A] : memref<4x160000xf32, #tpu.memory_space<hbm>> -> memref<4x128xf32, #tpu.memory_space<hbm>>
    tpu.enqueue_dma source(%dma_start3A_14 : memref<4x128xf32, #tpu.memory_space<hbm>>) target(%arg8 : memref<4x128xf32, #tpu.memory_space<vmem>>) target_semaphore(%arg12 : memref<!tpu.dma_semaphore, #tpu.memory_space<semaphore_mem>>)
    %scan3A = arith.constant 0 : i32
    %scan3A_15 = arith.constant 0 : i32
    %scan3A_16 = arith.constant 19 : i32
    %scan3A_17 = arith.addi %scan3A_15, %scan3A_16 : i32
    %scan3A_18 = arith.constant 1 : i32
    %scan3A_19 = scf.for %scan3A_78 = %scan3A_15 to %scan3A_17 step %scan3A_18 iter_args(%scan3A_79 = %scan3A) -> (i32)  : i32 {
      %mul3A_80 = arith.constant 2 : i32
      %mul3A_81 = arith.muli %mul3A_80, %scan3A_78 : i32
      %add3A_82 = arith.constant 1 : i32
      %add3A_83 = arith.addi %mul3A_81, %add3A_82 : i32
      %mul3A_84 = arith.constant 32 : i32
      %mul3A_85 = arith.muli %add3A_83, %mul3A_84 : i32
      %add3A_86 = arith.addi %add3A, %mul3A_85 : i32
      %lt3A_87 = arith.constant 1250 : i32
      %lt3A_88 = arith.cmpi slt, %add3A_86, %lt3A_87 : i32
      %mul3A_89 = arith.constant 128 : i32
      %mul3A_90 = arith.muli %add3A_86, %mul3A_89 : i32
      %jit3A_91 = arith.constant 0 : i32
      %select_n3A_92 = arith.select %lt3A_88, %mul3A_90, %jit3A_91 : i32
      %dma_start3A_93 = tpu.memref_slice %arg3[%select_n3A_92] : memref<160000xi32, #tpu.memory_space<hbm>> -> memref<128xi32, #tpu.memory_space<hbm>>
      %dma_start3A_94 = tpu.memref_slice %arg3[%select_n3A_92] : memref<160000xi32, #tpu.memory_space<hbm>> -> memref<128xi32, #tpu.memory_space<hbm>>
      tpu.enqueue_dma source(%dma_start3A_94 : memref<128xi32, #tpu.memory_space<hbm>>) target(%arg7 : memref<128xi32, #tpu.memory_space<vmem>>) target_semaphore(%arg11 : memref<!tpu.dma_semaphore, #tpu.memory_space<semaphore_mem>>)
      %dma_start3A_95 = arith.constant 0 : i32
      %dma_start3A_96 = tpu.memref_slice %arg2[%dma_start3A_95, %select_n3A_92] : memref<4x160000xf32, #tpu.memory_space<hbm>> -> memref<4x128xf32, #tpu.memory_space<hbm>>
      %dma_start3A_97 = arith.constant 0 : i32
      %dma_start3A_98 = tpu.memref_slice %arg2[%dma_start3A_97, %select_n3A_92] : memref<4x160000xf32, #tpu.memory_space<hbm>> -> memref<4x128xf32, #tpu.memory_space<hbm>>
      tpu.enqueue_dma source(%dma_start3A_98 : memref<4x128xf32, #tpu.memory_space<hbm>>) target(%arg9 : memref<4x128xf32, #tpu.memory_space<vmem>>) target_semaphore(%arg13 : memref<!tpu.dma_semaphore, #tpu.memory_space<semaphore_mem>>)
      %mul3A_99 = arith.constant 32 : i32
      %mul3A_100 = arith.muli %mul3A_81, %mul3A_99 : i32
      %add3A_101 = arith.addi %add3A, %mul3A_100 : i32
      %lt3A_102 = arith.constant 1250 : i32
      %lt3A_103 = arith.cmpi slt, %add3A_101, %lt3A_102 : i32
      %dma_wait3A_104 = arith.constant 0 : i32
      %dma_wait3A_105 = tpu.memref_slice %arg3[%dma_wait3A_104] : memref<160000xi32, #tpu.memory_space<hbm>> -> memref<128xi32, #tpu.memory_space<hbm>>
      %dma_wait3A_106 = arith.constant 0 : i32
      %dma_wait3A_107 = tpu.memref_slice %arg3[%dma_wait3A_106] : memref<160000xi32, #tpu.memory_space<hbm>> -> memref<128xi32, #tpu.memory_space<hbm>>
      tpu.wait_dma2 semaphore(%arg10 : memref<!tpu.dma_semaphore, #tpu.memory_space<semaphore_mem>>) src(%dma_wait3A_107 : memref<128xi32, #tpu.memory_space<hbm>>) dst(%arg6 : memref<128xi32, #tpu.memory_space<vmem>>)
      %dma_wait3A_108 = arith.constant 0 : i32
      %dma_wait3A_109 = arith.constant 0 : i32
      %dma_wait3A_110 = tpu.memref_slice %arg2[%dma_wait3A_108, %dma_wait3A_109] : memref<4x160000xf32, #tpu.memory_space<hbm>> -> memref<4x128xf32, #tpu.memory_space<hbm>>
      %dma_wait3A_111 = arith.constant 0 : i32
      %dma_wait3A_112 = arith.constant 0 : i32
      %dma_wait3A_113 = tpu.memref_slice %arg2[%dma_wait3A_111, %dma_wait3A_112] : memref<4x160000xf32, #tpu.memory_space<hbm>> -> memref<4x128xf32, #tpu.memory_space<hbm>>
      tpu.wait_dma2 semaphore(%arg12 : memref<!tpu.dma_semaphore, #tpu.memory_space<semaphore_mem>>) src(%dma_wait3A_113 : memref<4x128xf32, #tpu.memory_space<hbm>>) dst(%arg8 : memref<4x128xf32, #tpu.memory_space<vmem>>)
      %scan3A_114 = arith.constant 0 : i32
      %scan3A_115 = arith.constant 0 : i32
      %scan3A_116 = arith.constant 32 : i32
      %scan3A_117 = arith.addi %scan3A_115, %scan3A_116 : i32
      %scan3A_118 = arith.constant 1 : i32
      %scan3A_119 = scf.for %scan3A_163 = %scan3A_115 to %scan3A_117 step %scan3A_118 iter_args(%scan3A_164 = %scan3A_114) -> (i32)  : i32 {
        %mul3A_165 = arith.constant 4 : i32
        %mul3A_166 = arith.muli %scan3A_163, %mul3A_165 : i32
        %add3A_167 = vector.broadcast %mul3A_166 : i32 to vector<16xi32>
        %add3A_168 = arith.addi %add3A_167, %shift_right_arithmetic3A_2 : vector<16xi32>
        %gather3A = tpu.vector_load_idx %arg6[%add3A_168] : memref<128xi32, #tpu.memory_space<vmem>>[vector<16xi32>], vector<16xi32>,
        %mul3A_169 = arith.constant 4 : i32
        %mul3A_170 = arith.muli %scan3A_163, %mul3A_169 : i32
        %add3A_171 = vector.broadcast %mul3A_170 : i32 to vector<16xi32>
        %add3A_172 = arith.addi %add3A_171, %shift_right_arithmetic3A_2 : vector<16xi32>
        %gather3A_173 = tpu.vector_load_idx %arg8[%and3A_4, %add3A_172] : memref<4x128xf32, #tpu.memory_space<vmem>>[vector<16xi32>, vector<16xi32>], vector<16xf32>,
        %mul3A_174 = arith.constant 4 : i32
        %mul3A_175 = vector.broadcast %mul3A_174 : i32 to vector<16xi32>
        %mul3A_176 = arith.muli %gather3A, %mul3A_175 : vector<16xi32>
        %add3A_177 = arith.addi %mul3A_176, %and3A_4 : vector<16xi32>
        %shift_right_arithmetic3A_178 = arith.constant 7 : i32
        %shift_right_arithmetic3A_179 = vector.broadcast %shift_right_arithmetic3A_178 : i32 to vector<16xi32>
        %shift_right_arithmetic3A_180 = arith.shrsi %add3A_177, %shift_right_arithmetic3A_179 : vector<16xi32>
        %and3A_181 = arith.constant 127 : i32
        %and3A_182 = vector.broadcast %and3A_181 : i32 to vector<16xi32>
        %and3A_183 = arith.andi %add3A_177, %and3A_182 : vector<16xi32>
        %eq3A = arith.constant 0 : i32
        %eq3A_184 = vector.broadcast %eq3A : i32 to vector<16xi32>
        %eq3A_185 = arith.cmpi eq, %shift_right_arithmetic3A_2, %eq3A_184 : vector<16xi32>
        %and3A_186 = vector.broadcast %lt3A_103 : i1 to vector<16xi1>
        %and3A_187 = arith.andi %eq3A_185, %and3A_186 : vector<16xi1>
        tpu.vector_store_idx %arg14[%shift_right_arithmetic3A_180, %and3A_183], %gather3A_173 masked %and3A_187 {add = true} : memref<512x128xf32, #tpu.memory_space<vmem>>[vector<16xi32>, vector<16xi32>], vector<16xf32>, vector<16xi1>
        %eq3A_188 = arith.constant 1 : i32
        %eq3A_189 = vector.broadcast %eq3A_188 : i32 to vector<16xi32>
        %eq3A_190 = arith.cmpi eq, %shift_right_arithmetic3A_2, %eq3A_189 : vector<16xi32>
        %and3A_191 = vector.broadcast %lt3A_103 : i1 to vector<16xi1>
        %and3A_192 = arith.andi %eq3A_190, %and3A_191 : vector<16xi1>
        tpu.vector_store_idx %arg14[%shift_right_arithmetic3A_180, %and3A_183], %gather3A_173 masked %and3A_192 {add = true} : memref<512x128xf32, #tpu.memory_space<vmem>>[vector<16xi32>, vector<16xi32>], vector<16xf32>, vector<16xi1>
        %eq3A_193 = arith.constant 2 : i32
        %eq3A_194 = vector.broadcast %eq3A_193 : i32 to vector<16xi32>
        %eq3A_195 = arith.cmpi eq, %shift_right_arithmetic3A_2, %eq3A_194 : vector<16xi32>
        %and3A_196 = vector.broadcast %lt3A_103 : i1 to vector<16xi1>
        %and3A_197 = arith.andi %eq3A_195, %and3A_196 : vector<16xi1>
        tpu.vector_store_idx %arg14[%shift_right_arithmetic3A_180, %and3A_183], %gather3A_173 masked %and3A_197 {add = true} : memref<512x128xf32, #tpu.memory_space<vmem>>[vector<16xi32>, vector<16xi32>], vector<16xf32>, vector<16xi1>
        %eq3A_198 = arith.constant 3 : i32
        %eq3A_199 = vector.broadcast %eq3A_198 : i32 to vector<16xi32>
        %eq3A_200 = arith.cmpi eq, %shift_right_arithmetic3A_2, %eq3A_199 : vector<16xi32>
        %and3A_201 = vector.broadcast %lt3A_103 : i1 to vector<16xi1>
        %and3A_202 = arith.andi %eq3A_200, %and3A_201 : vector<16xi1>
        tpu.vector_store_idx %arg14[%shift_right_arithmetic3A_180, %and3A_183], %gather3A_173 masked %and3A_202 {add = true} : memref<512x128xf32, #tpu.memory_space<vmem>>[vector<16xi32>, vector<16xi32>], vector<16xf32>, vector<16xi1>
        %scan3A_203 = arith.constant 0 : i32
        scf.yield %scan3A_203 : i32
      }
      %scan3A_120 = arith.constant 32 : i32
      %add3A_121 = arith.constant 2 : i32
      %add3A_122 = arith.addi %mul3A_81, %add3A_121 : i32
      %mul3A_123 = arith.constant 32 : i32
      %mul3A_124 = arith.muli %add3A_122, %mul3A_123 : i32
      %add3A_125 = arith.addi %add3A, %mul3A_124 : i32
      %lt3A_126 = arith.constant 1250 : i32
      %lt3A_127 = arith.cmpi slt, %add3A_125, %lt3A_126 : i32
      %mul3A_128 = arith.constant 128 : i32
      %mul3A_129 = arith.muli %add3A_125, %mul3A_128 : i32
      %jit3A_130 = arith.constant 0 : i32
      %select_n3A_131 = arith.select %lt3A_127, %mul3A_129, %jit3A_130 : i32
      %dma_start3A_132 = tpu.memref_slice %arg3[%select_n3A_131] : memref<160000xi32, #tpu.memory_space<hbm>> -> memref<128xi32, #tpu.memory_space<hbm>>
      %dma_start3A_133 = tpu.memref_slice %arg3[%select_n3A_131] : memref<160000xi32, #tpu.memory_space<hbm>> -> memref<128xi32, #tpu.memory_space<hbm>>
      tpu.enqueue_dma source(%dma_start3A_133 : memref<128xi32, #tpu.memory_space<hbm>>) target(%arg6 : memref<128xi32, #tpu.memory_space<vmem>>) target_semaphore(%arg10 : memref<!tpu.dma_semaphore, #tpu.memory_space<semaphore_mem>>)
      %dma_start3A_134 = arith.constant 0 : i32
      %dma_start3A_135 = tpu.memref_slice %arg2[%dma_start3A_134, %select_n3A_131] : memref<4x160000xf32, #tpu.memory_space<hbm>> -> memref<4x128xf32, #tpu.memory_space<hbm>>
      %dma_start3A_136 = arith.constant 0 : i32
      %dma_start3A_137 = tpu.memref_slice %arg2[%dma_start3A_136, %select_n3A_131] : memref<4x160000xf32, #tpu.memory_space<hbm>> -> memref<4x128xf32, #tpu.memory_space<hbm>>
      tpu.enqueue_dma source(%dma_start3A_137 : memref<4x128xf32, #tpu.memory_space<hbm>>) target(%arg8 : memref<4x128xf32, #tpu.memory_space<vmem>>) target_semaphore(%arg12 : memref<!tpu.dma_semaphore, #tpu.memory_space<semaphore_mem>>)
      %add3A_138 = arith.constant 1 : i32
      %add3A_139 = arith.addi %mul3A_81, %add3A_138 : i32
      %mul3A_140 = arith.constant 32 : i32
      %mul3A_141 = arith.muli %add3A_139, %mul3A_140 : i32
      %add3A_142 = arith.addi %add3A, %mul3A_141 : i32
      %lt3A_143 = arith.constant 1250 : i32
      %lt3A_144 = arith.cmpi slt, %add3A_142, %lt3A_143 : i32
      %dma_wait3A_145 = arith.constant 0 : i32
      %dma_wait3A_146 = tpu.memref_slice %arg3[%dma_wait3A_145] : memref<160000xi32, #tpu.memory_space<hbm>> -> memref<128xi32, #tpu.memory_space<hbm>>
      %dma_wait3A_147 = arith.constant 0 : i32
      %dma_wait3A_148 = tpu.memref_slice %arg3[%dma_wait3A_147] : memref<160000xi32, #tpu.memory_space<hbm>> -> memref<128xi32, #tpu.memory_space<hbm>>
      tpu.wait_dma2 semaphore(%arg11 : memref<!tpu.dma_semaphore, #tpu.memory_space<semaphore_mem>>) src(%dma_wait3A_148 : memref<128xi32, #tpu.memory_space<hbm>>) dst(%arg7 : memref<128xi32, #tpu.memory_space<vmem>>)
      %dma_wait3A_149 = arith.constant 0 : i32
      %dma_wait3A_150 = arith.constant 0 : i32
      %dma_wait3A_151 = tpu.memref_slice %arg2[%dma_wait3A_149, %dma_wait3A_150] : memref<4x160000xf32, #tpu.memory_space<hbm>> -> memref<4x128xf32, #tpu.memory_space<hbm>>
      %dma_wait3A_152 = arith.constant 0 : i32
      %dma_wait3A_153 = arith.constant 0 : i32
      %dma_wait3A_154 = tpu.memref_slice %arg2[%dma_wait3A_152, %dma_wait3A_153] : memref<4x160000xf32, #tpu.memory_space<hbm>> -> memref<4x128xf32, #tpu.memory_space<hbm>>
      tpu.wait_dma2 semaphore(%arg13 : memref<!tpu.dma_semaphore, #tpu.memory_space<semaphore_mem>>) src(%dma_wait3A_154 : memref<4x128xf32, #tpu.memory_space<hbm>>) dst(%arg9 : memref<4x128xf32, #tpu.memory_space<vmem>>)
      %scan3A_155 = arith.constant 0 : i32
      %scan3A_156 = arith.constant 0 : i32
      %scan3A_157 = arith.constant 32 : i32
      %scan3A_158 = arith.addi %scan3A_156, %scan3A_157 : i32
      %scan3A_159 = arith.constant 1 : i32
      %scan3A_160 = scf.for %scan3A_163 = %scan3A_156 to %scan3A_158 step %scan3A_159 iter_args(%scan3A_164 = %scan3A_155) -> (i32)  : i32 {
        %mul3A_165 = arith.constant 4 : i32
        %mul3A_166 = arith.muli %scan3A_163, %mul3A_165 : i32
        %add3A_167 = vector.broadcast %mul3A_166 : i32 to vector<16xi32>
        %add3A_168 = arith.addi %add3A_167, %shift_right_arithmetic3A_2 : vector<16xi32>
        %gather3A = tpu.vector_load_idx %arg7[%add3A_168] : memref<128xi32, #tpu.memory_space<vmem>>[vector<16xi32>], vector<16xi32>,
        %mul3A_169 = arith.constant 4 : i32
        %mul3A_170 = arith.muli %scan3A_163, %mul3A_169 : i32
        %add3A_171 = vector.broadcast %mul3A_170 : i32 to vector<16xi32>
        %add3A_172 = arith.addi %add3A_171, %shift_right_arithmetic3A_2 : vector<16xi32>
        %gather3A_173 = tpu.vector_load_idx %arg9[%and3A_4, %add3A_172] : memref<4x128xf32, #tpu.memory_space<vmem>>[vector<16xi32>, vector<16xi32>], vector<16xf32>,
        %mul3A_174 = arith.constant 4 : i32
        %mul3A_175 = vector.broadcast %mul3A_174 : i32 to vector<16xi32>
        %mul3A_176 = arith.muli %gather3A, %mul3A_175 : vector<16xi32>
        %add3A_177 = arith.addi %mul3A_176, %and3A_4 : vector<16xi32>
        %shift_right_arithmetic3A_178 = arith.constant 7 : i32
        %shift_right_arithmetic3A_179 = vector.broadcast %shift_right_arithmetic3A_178 : i32 to vector<16xi32>
        %shift_right_arithmetic3A_180 = arith.shrsi %add3A_177, %shift_right_arithmetic3A_179 : vector<16xi32>
        %and3A_181 = arith.constant 127 : i32
        %and3A_182 = vector.broadcast %and3A_181 : i32 to vector<16xi32>
        %and3A_183 = arith.andi %add3A_177, %and3A_182 : vector<16xi32>
        %eq3A = arith.constant 0 : i32
        %eq3A_184 = vector.broadcast %eq3A : i32 to vector<16xi32>
        %eq3A_185 = arith.cmpi eq, %shift_right_arithmetic3A_2, %eq3A_184 : vector<16xi32>
        %and3A_186 = vector.broadcast %lt3A_144 : i1 to vector<16xi1>
        %and3A_187 = arith.andi %eq3A_185, %and3A_186 : vector<16xi1>
        tpu.vector_store_idx %arg14[%shift_right_arithmetic3A_180, %and3A_183], %gather3A_173 masked %and3A_187 {add = true} : memref<512x128xf32, #tpu.memory_space<vmem>>[vector<16xi32>, vector<16xi32>], vector<16xf32>, vector<16xi1>
        %eq3A_188 = arith.constant 1 : i32
        %eq3A_189 = vector.broadcast %eq3A_188 : i32 to vector<16xi32>
        %eq3A_190 = arith.cmpi eq, %shift_right_arithmetic3A_2, %eq3A_189 : vector<16xi32>
        %and3A_191 = vector.broadcast %lt3A_144 : i1 to vector<16xi1>
        %and3A_192 = arith.andi %eq3A_190, %and3A_191 : vector<16xi1>
        tpu.vector_store_idx %arg14[%shift_right_arithmetic3A_180, %and3A_183], %gather3A_173 masked %and3A_192 {add = true} : memref<512x128xf32, #tpu.memory_space<vmem>>[vector<16xi32>, vector<16xi32>], vector<16xf32>, vector<16xi1>
        %eq3A_193 = arith.constant 2 : i32
        %eq3A_194 = vector.broadcast %eq3A_193 : i32 to vector<16xi32>
        %eq3A_195 = arith.cmpi eq, %shift_right_arithmetic3A_2, %eq3A_194 : vector<16xi32>
        %and3A_196 = vector.broadcast %lt3A_144 : i1 to vector<16xi1>
        %and3A_197 = arith.andi %eq3A_195, %and3A_196 : vector<16xi1>
        tpu.vector_store_idx %arg14[%shift_right_arithmetic3A_180, %and3A_183], %gather3A_173 masked %and3A_197 {add = true} : memref<512x128xf32, #tpu.memory_space<vmem>>[vector<16xi32>, vector<16xi32>], vector<16xf32>, vector<16xi1>
        %eq3A_198 = arith.constant 3 : i32
        %eq3A_199 = vector.broadcast %eq3A_198 : i32 to vector<16xi32>
        %eq3A_200 = arith.cmpi eq, %shift_right_arithmetic3A_2, %eq3A_199 : vector<16xi32>
        %and3A_201 = vector.broadcast %lt3A_144 : i1 to vector<16xi1>
        %and3A_202 = arith.andi %eq3A_200, %and3A_201 : vector<16xi1>
        tpu.vector_store_idx %arg14[%shift_right_arithmetic3A_180, %and3A_183], %gather3A_173 masked %and3A_202 {add = true} : memref<512x128xf32, #tpu.memory_space<vmem>>[vector<16xi32>, vector<16xi32>], vector<16xf32>, vector<16xi1>
        %scan3A_203 = arith.constant 0 : i32
        scf.yield %scan3A_203 : i32
      }
      %scan3A_161 = arith.constant 32 : i32
      %scan3A_162 = arith.constant 0 : i32
      scf.yield %scan3A_162 : i32
    }
    %scan3A_20 = arith.constant 19 : i32
    %add3A_21 = arith.constant 1248 : i32
    %add3A_22 = arith.addi %add3A, %add3A_21 : i32
    %lt3A_23 = arith.constant 1250 : i32
    %lt3A_24 = arith.cmpi slt, %add3A_22, %lt3A_23 : i32
    %mul3A_25 = arith.constant 128 : i32
    %mul3A_26 = arith.muli %add3A_22, %mul3A_25 : i32
    %jit3A_27 = arith.constant 0 : i32
    %select_n3A_28 = arith.select %lt3A_24, %mul3A_26, %jit3A_27 : i32
    %dma_start3A_29 = tpu.memref_slice %arg3[%select_n3A_28] : memref<160000xi32, #tpu.memory_space<hbm>> -> memref<128xi32, #tpu.memory_space<hbm>>
    %dma_start3A_30 = tpu.memref_slice %arg3[%select_n3A_28] : memref<160000xi32, #tpu.memory_space<hbm>> -> memref<128xi32, #tpu.memory_space<hbm>>
    tpu.enqueue_dma source(%dma_start3A_30 : memref<128xi32, #tpu.memory_space<hbm>>) target(%arg7 : memref<128xi32, #tpu.memory_space<vmem>>) target_semaphore(%arg11 : memref<!tpu.dma_semaphore, #tpu.memory_space<semaphore_mem>>)
    %dma_start3A_31 = arith.constant 0 : i32
    %dma_start3A_32 = tpu.memref_slice %arg2[%dma_start3A_31, %select_n3A_28] : memref<4x160000xf32, #tpu.memory_space<hbm>> -> memref<4x128xf32, #tpu.memory_space<hbm>>
    %dma_start3A_33 = arith.constant 0 : i32
    %dma_start3A_34 = tpu.memref_slice %arg2[%dma_start3A_33, %select_n3A_28] : memref<4x160000xf32, #tpu.memory_space<hbm>> -> memref<4x128xf32, #tpu.memory_space<hbm>>
    tpu.enqueue_dma source(%dma_start3A_34 : memref<4x128xf32, #tpu.memory_space<hbm>>) target(%arg9 : memref<4x128xf32, #tpu.memory_space<vmem>>) target_semaphore(%arg13 : memref<!tpu.dma_semaphore, #tpu.memory_space<semaphore_mem>>)
    %add3A_35 = arith.constant 1216 : i32
    %add3A_36 = arith.addi %add3A, %add3A_35 : i32
    %lt3A_37 = arith.constant 1250 : i32
    %lt3A_38 = arith.cmpi slt, %add3A_36, %lt3A_37 : i32
    %dma_wait3A = arith.constant 0 : i32
    %dma_wait3A_39 = tpu.memref_slice %arg3[%dma_wait3A] : memref<160000xi32, #tpu.memory_space<hbm>> -> memref<128xi32, #tpu.memory_space<hbm>>
    %dma_wait3A_40 = arith.constant 0 : i32
    %dma_wait3A_41 = tpu.memref_slice %arg3[%dma_wait3A_40] : memref<160000xi32, #tpu.memory_space<hbm>> -> memref<128xi32, #tpu.memory_space<hbm>>
    tpu.wait_dma2 semaphore(%arg10 : memref<!tpu.dma_semaphore, #tpu.memory_space<semaphore_mem>>) src(%dma_wait3A_41 : memref<128xi32, #tpu.memory_space<hbm>>) dst(%arg6 : memref<128xi32, #tpu.memory_space<vmem>>)
    %dma_wait3A_42 = arith.constant 0 : i32
    %dma_wait3A_43 = arith.constant 0 : i32
    %dma_wait3A_44 = tpu.memref_slice %arg2[%dma_wait3A_42, %dma_wait3A_43] : memref<4x160000xf32, #tpu.memory_space<hbm>> -> memref<4x128xf32, #tpu.memory_space<hbm>>
    %dma_wait3A_45 = arith.constant 0 : i32
    %dma_wait3A_46 = arith.constant 0 : i32
    %dma_wait3A_47 = tpu.memref_slice %arg2[%dma_wait3A_45, %dma_wait3A_46] : memref<4x160000xf32, #tpu.memory_space<hbm>> -> memref<4x128xf32, #tpu.memory_space<hbm>>
    tpu.wait_dma2 semaphore(%arg12 : memref<!tpu.dma_semaphore, #tpu.memory_space<semaphore_mem>>) src(%dma_wait3A_47 : memref<4x128xf32, #tpu.memory_space<hbm>>) dst(%arg8 : memref<4x128xf32, #tpu.memory_space<vmem>>)
    %scan3A_48 = arith.constant 0 : i32
    %scan3A_49 = arith.constant 0 : i32
    %scan3A_50 = arith.constant 32 : i32
    %scan3A_51 = arith.addi %scan3A_49, %scan3A_50 : i32
    %scan3A_52 = arith.constant 1 : i32
    %scan3A_53 = scf.for %scan3A_78 = %scan3A_49 to %scan3A_51 step %scan3A_52 iter_args(%scan3A_79 = %scan3A_48) -> (i32)  : i32 {
      %mul3A_80 = arith.constant 4 : i32
      %mul3A_81 = arith.muli %scan3A_78, %mul3A_80 : i32
      %add3A_82 = vector.broadcast %mul3A_81 : i32 to vector<16xi32>
      %add3A_83 = arith.addi %add3A_82, %shift_right_arithmetic3A_2 : vector<16xi32>
      %gather3A = tpu.vector_load_idx %arg6[%add3A_83] : memref<128xi32, #tpu.memory_space<vmem>>[vector<16xi32>], vector<16xi32>,
      %mul3A_84 = arith.constant 4 : i32
      %mul3A_85 = arith.muli %scan3A_78, %mul3A_84 : i32
      %add3A_86 = vector.broadcast %mul3A_85 : i32 to vector<16xi32>
      %add3A_87 = arith.addi %add3A_86, %shift_right_arithmetic3A_2 : vector<16xi32>
      %gather3A_88 = tpu.vector_load_idx %arg8[%and3A_4, %add3A_87] : memref<4x128xf32, #tpu.memory_space<vmem>>[vector<16xi32>, vector<16xi32>], vector<16xf32>,
      %mul3A_89 = arith.constant 4 : i32
      %mul3A_90 = vector.broadcast %mul3A_89 : i32 to vector<16xi32>
      %mul3A_91 = arith.muli %gather3A, %mul3A_90 : vector<16xi32>
      %add3A_92 = arith.addi %mul3A_91, %and3A_4 : vector<16xi32>
      %shift_right_arithmetic3A_93 = arith.constant 7 : i32
      %shift_right_arithmetic3A_94 = vector.broadcast %shift_right_arithmetic3A_93 : i32 to vector<16xi32>
      %shift_right_arithmetic3A_95 = arith.shrsi %add3A_92, %shift_right_arithmetic3A_94 : vector<16xi32>
      %and3A_96 = arith.constant 127 : i32
      %and3A_97 = vector.broadcast %and3A_96 : i32 to vector<16xi32>
      %and3A_98 = arith.andi %add3A_92, %and3A_97 : vector<16xi32>
      %eq3A = arith.constant 0 : i32
      %eq3A_99 = vector.broadcast %eq3A : i32 to vector<16xi32>
      %eq3A_100 = arith.cmpi eq, %shift_right_arithmetic3A_2, %eq3A_99 : vector<16xi32>
      %and3A_101 = vector.broadcast %lt3A_38 : i1 to vector<16xi1>
      %and3A_102 = arith.andi %eq3A_100, %and3A_101 : vector<16xi1>
      tpu.vector_store_idx %arg14[%shift_right_arithmetic3A_95, %and3A_98], %gather3A_88 masked %and3A_102 {add = true} : memref<512x128xf32, #tpu.memory_space<vmem>>[vector<16xi32>, vector<16xi32>], vector<16xf32>, vector<16xi1>
      %eq3A_103 = arith.constant 1 : i32
      %eq3A_104 = vector.broadcast %eq3A_103 : i32 to vector<16xi32>
      %eq3A_105 = arith.cmpi eq, %shift_right_arithmetic3A_2, %eq3A_104 : vector<16xi32>
      %and3A_106 = vector.broadcast %lt3A_38 : i1 to vector<16xi1>
      %and3A_107 = arith.andi %eq3A_105, %and3A_106 : vector<16xi1>
      tpu.vector_store_idx %arg14[%shift_right_arithmetic3A_95, %and3A_98], %gather3A_88 masked %and3A_107 {add = true} : memref<512x128xf32, #tpu.memory_space<vmem>>[vector<16xi32>, vector<16xi32>], vector<16xf32>, vector<16xi1>
      %eq3A_108 = arith.constant 2 : i32
      %eq3A_109 = vector.broadcast %eq3A_108 : i32 to vector<16xi32>
      %eq3A_110 = arith.cmpi eq, %shift_right_arithmetic3A_2, %eq3A_109 : vector<16xi32>
      %and3A_111 = vector.broadcast %lt3A_38 : i1 to vector<16xi1>
      %and3A_112 = arith.andi %eq3A_110, %and3A_111 : vector<16xi1>
      tpu.vector_store_idx %arg14[%shift_right_arithmetic3A_95, %and3A_98], %gather3A_88 masked %and3A_112 {add = true} : memref<512x128xf32, #tpu.memory_space<vmem>>[vector<16xi32>, vector<16xi32>], vector<16xf32>, vector<16xi1>
      %eq3A_113 = arith.constant 3 : i32
      %eq3A_114 = vector.broadcast %eq3A_113 : i32 to vector<16xi32>
      %eq3A_115 = arith.cmpi eq, %shift_right_arithmetic3A_2, %eq3A_114 : vector<16xi32>
      %and3A_116 = vector.broadcast %lt3A_38 : i1 to vector<16xi1>
      %and3A_117 = arith.andi %eq3A_115, %and3A_116 : vector<16xi1>
      tpu.vector_store_idx %arg14[%shift_right_arithmetic3A_95, %and3A_98], %gather3A_88 masked %and3A_117 {add = true} : memref<512x128xf32, #tpu.memory_space<vmem>>[vector<16xi32>, vector<16xi32>], vector<16xf32>, vector<16xi1>
      %scan3A_118 = arith.constant 0 : i32
      scf.yield %scan3A_118 : i32
    }
    %scan3A_54 = arith.constant 32 : i32
    %add3A_55 = arith.constant 1248 : i32
    %add3A_56 = arith.addi %add3A, %add3A_55 : i32
    %lt3A_57 = arith.constant 1250 : i32
    %lt3A_58 = arith.cmpi slt, %add3A_56, %lt3A_57 : i32
    %dma_wait3A_59 = arith.constant 0 : i32
    %dma_wait3A_60 = tpu.memref_slice %arg3[%dma_wait3A_59] : memref<160000xi32, #tpu.memory_space<hbm>> -> memref<128xi32, #tpu.memory_space<hbm>>
    %dma_wait3A_61 = arith.constant 0 : i32
    %dma_wait3A_62 = tpu.memref_slice %arg3[%dma_wait3A_61] : memref<160000xi32, #tpu.memory_space<hbm>> -> memref<128xi32, #tpu.memory_space<hbm>>
    tpu.wait_dma2 semaphore(%arg11 : memref<!tpu.dma_semaphore, #tpu.memory_space<semaphore_mem>>) src(%dma_wait3A_62 : memref<128xi32, #tpu.memory_space<hbm>>) dst(%arg7 : memref<128xi32, #tpu.memory_space<vmem>>)
    %dma_wait3A_63 = arith.constant 0 : i32
    %dma_wait3A_64 = arith.constant 0 : i32
    %dma_wait3A_65 = tpu.memref_slice %arg2[%dma_wait3A_63, %dma_wait3A_64] : memref<4x160000xf32, #tpu.memory_space<hbm>> -> memref<4x128xf32, #tpu.memory_space<hbm>>
    %dma_wait3A_66 = arith.constant 0 : i32
    %dma_wait3A_67 = arith.constant 0 : i32
    %dma_wait3A_68 = tpu.memref_slice %arg2[%dma_wait3A_66, %dma_wait3A_67] : memref<4x160000xf32, #tpu.memory_space<hbm>> -> memref<4x128xf32, #tpu.memory_space<hbm>>
    tpu.wait_dma2 semaphore(%arg13 : memref<!tpu.dma_semaphore, #tpu.memory_space<semaphore_mem>>) src(%dma_wait3A_68 : memref<4x128xf32, #tpu.memory_space<hbm>>) dst(%arg9 : memref<4x128xf32, #tpu.memory_space<vmem>>)
    %scan3A_69 = arith.constant 0 : i32
    %scan3A_70 = arith.constant 0 : i32
    %scan3A_71 = arith.constant 32 : i32
    %scan3A_72 = arith.addi %scan3A_70, %scan3A_71 : i32
    %scan3A_73 = arith.constant 1 : i32
    %scan3A_74 = scf.for %scan3A_78 = %scan3A_70 to %scan3A_72 step %scan3A_73 iter_args(%scan3A_79 = %scan3A_69) -> (i32)  : i32 {
      %mul3A_80 = arith.constant 4 : i32
      %mul3A_81 = arith.muli %scan3A_78, %mul3A_80 : i32
      %add3A_82 = vector.broadcast %mul3A_81 : i32 to vector<16xi32>
      %add3A_83 = arith.addi %add3A_82, %shift_right_arithmetic3A_2 : vector<16xi32>
      %gather3A = tpu.vector_load_idx %arg7[%add3A_83] : memref<128xi32, #tpu.memory_space<vmem>>[vector<16xi32>], vector<16xi32>,
      %mul3A_84 = arith.constant 4 : i32
      %mul3A_85 = arith.muli %scan3A_78, %mul3A_84 : i32
      %add3A_86 = vector.broadcast %mul3A_85 : i32 to vector<16xi32>
      %add3A_87 = arith.addi %add3A_86, %shift_right_arithmetic3A_2 : vector<16xi32>
      %gather3A_88 = tpu.vector_load_idx %arg9[%and3A_4, %add3A_87] : memref<4x128xf32, #tpu.memory_space<vmem>>[vector<16xi32>, vector<16xi32>], vector<16xf32>,
      %mul3A_89 = arith.constant 4 : i32
      %mul3A_90 = vector.broadcast %mul3A_89 : i32 to vector<16xi32>
      %mul3A_91 = arith.muli %gather3A, %mul3A_90 : vector<16xi32>
      %add3A_92 = arith.addi %mul3A_91, %and3A_4 : vector<16xi32>
      %shift_right_arithmetic3A_93 = arith.constant 7 : i32
      %shift_right_arithmetic3A_94 = vector.broadcast %shift_right_arithmetic3A_93 : i32 to vector<16xi32>
      %shift_right_arithmetic3A_95 = arith.shrsi %add3A_92, %shift_right_arithmetic3A_94 : vector<16xi32>
      %and3A_96 = arith.constant 127 : i32
      %and3A_97 = vector.broadcast %and3A_96 : i32 to vector<16xi32>
      %and3A_98 = arith.andi %add3A_92, %and3A_97 : vector<16xi32>
      %eq3A = arith.constant 0 : i32
      %eq3A_99 = vector.broadcast %eq3A : i32 to vector<16xi32>
      %eq3A_100 = arith.cmpi eq, %shift_right_arithmetic3A_2, %eq3A_99 : vector<16xi32>
      %and3A_101 = vector.broadcast %lt3A_58 : i1 to vector<16xi1>
      %and3A_102 = arith.andi %eq3A_100, %and3A_101 : vector<16xi1>
      tpu.vector_store_idx %arg14[%shift_right_arithmetic3A_95, %and3A_98], %gather3A_88 masked %and3A_102 {add = true} : memref<512x128xf32, #tpu.memory_space<vmem>>[vector<16xi32>, vector<16xi32>], vector<16xf32>, vector<16xi1>
      %eq3A_103 = arith.constant 1 : i32
      %eq3A_104 = vector.broadcast %eq3A_103 : i32 to vector<16xi32>
      %eq3A_105 = arith.cmpi eq, %shift_right_arithmetic3A_2, %eq3A_104 : vector<16xi32>
      %and3A_106 = vector.broadcast %lt3A_58 : i1 to vector<16xi1>
      %and3A_107 = arith.andi %eq3A_105, %and3A_106 : vector<16xi1>
      tpu.vector_store_idx %arg14[%shift_right_arithmetic3A_95, %and3A_98], %gather3A_88 masked %and3A_107 {add = true} : memref<512x128xf32, #tpu.memory_space<vmem>>[vector<16xi32>, vector<16xi32>], vector<16xf32>, vector<16xi1>
      %eq3A_108 = arith.constant 2 : i32
      %eq3A_109 = vector.broadcast %eq3A_108 : i32 to vector<16xi32>
      %eq3A_110 = arith.cmpi eq, %shift_right_arithmetic3A_2, %eq3A_109 : vector<16xi32>
      %and3A_111 = vector.broadcast %lt3A_58 : i1 to vector<16xi1>
      %and3A_112 = arith.andi %eq3A_110, %and3A_111 : vector<16xi1>
      tpu.vector_store_idx %arg14[%shift_right_arithmetic3A_95, %and3A_98], %gather3A_88 masked %and3A_112 {add = true} : memref<512x128xf32, #tpu.memory_space<vmem>>[vector<16xi32>, vector<16xi32>], vector<16xf32>, vector<16xi1>
      %eq3A_113 = arith.constant 3 : i32
      %eq3A_114 = vector.broadcast %eq3A_113 : i32 to vector<16xi32>
      %eq3A_115 = arith.cmpi eq, %shift_right_arithmetic3A_2, %eq3A_114 : vector<16xi32>
      %and3A_116 = vector.broadcast %lt3A_58 : i1 to vector<16xi1>
      %and3A_117 = arith.andi %eq3A_115, %and3A_116 : vector<16xi1>
      tpu.vector_store_idx %arg14[%shift_right_arithmetic3A_95, %and3A_98], %gather3A_88 masked %and3A_117 {add = true} : memref<512x128xf32, #tpu.memory_space<vmem>>[vector<16xi32>, vector<16xi32>], vector<16xf32>, vector<16xi1>
      %scan3A_118 = arith.constant 0 : i32
      scf.yield %scan3A_118 : i32
    }
    %scan3A_75 = arith.constant 32 : i32
    %mul3A_76 = arith.constant 512 : i32
    %mul3A_77 = arith.muli %add3A, %mul3A_76 : i32
    "tpu.region"() ({
      %run_scoped3A = tpu.sem_alloc : memref<!tpu.dma_semaphore, #tpu.memory_space<semaphore_mem>>
      %dma_start3A_78 = arith.constant 0 : i32
      %dma_start3A_79 = tpu.memref_slice %arg5[%mul3A_77, %dma_start3A_78] : memref<16384x128xf32, #tpu.memory_space<hbm>> -> memref<512x128xf32, #tpu.memory_space<hbm>>
      %dma_start3A_80 = arith.constant 0 : i32
      %dma_start3A_81 = tpu.memref_slice %arg5[%mul3A_77, %dma_start3A_80] : memref<16384x128xf32, #tpu.memory_space<hbm>> -> memref<512x128xf32, #tpu.memory_space<hbm>>
      tpu.enqueue_dma source(%arg14 : memref<512x128xf32, #tpu.memory_space<vmem>>) target(%dma_start3A_81 : memref<512x128xf32, #tpu.memory_space<hbm>>) target_semaphore(%run_scoped3A : memref<!tpu.dma_semaphore, #tpu.memory_space<semaphore_mem>>)
      %dma_wait3A_82 = arith.constant 0 : i32
      %dma_wait3A_83 = tpu.memref_slice %arg5[%mul3A_77, %dma_wait3A_82] : memref<16384x128xf32, #tpu.memory_space<hbm>> -> memref<512x128xf32, #tpu.memory_space<hbm>>
      %dma_wait3A_84 = arith.constant 0 : i32
      %dma_wait3A_85 = tpu.memref_slice %arg5[%mul3A_77, %dma_wait3A_84] : memref<16384x128xf32, #tpu.memory_space<hbm>> -> memref<512x128xf32, #tpu.memory_space<hbm>>
      tpu.wait_dma2 semaphore(%run_scoped3A : memref<!tpu.dma_semaphore, #tpu.memory_space<semaphore_mem>>) src(%arg14 : memref<512x128xf32, #tpu.memory_space<vmem>>) dst(%dma_wait3A_85 : memref<512x128xf32, #tpu.memory_space<hbm>>)
      tpu.yield
    }) : () -> ()
    return
  }
}

#map = affine_map<(d0, d1) -> (0, 0)>
#map1 = affine_map<(d0, d1) -> (0)>
module attributes {stable_mosaic.version = 14 : i64} {
  func.func @body(%arg0: i32, %arg1: i32, %arg2: memref<10000x128xi32, #tpu.memory_space<hbm>>, %arg3: memref<128000xi32, #tpu.memory_space<hbm>>, %arg4: memref<128000x128xi32, #tpu.memory_space<hbm>>, %arg5: memref<4000xi32, #tpu.memory_space<vmem>>, %arg6: memref<80x128xi32, #tpu.memory_space<vmem>>, %arg7: memref<80x128xi32, #tpu.memory_space<vmem>>, %arg8: memref<!tpu.dma_semaphore, #tpu.memory_space<semaphore_mem>>, %arg9: memref<!tpu.dma_semaphore, #tpu.memory_space<semaphore_mem>>, %arg10: memref<10000x128xi32, #tpu.memory_space<vmem_shared>>) attributes {dimension_semantics = [#tpu.dimension_semantics<core_parallel>, #tpu.dimension_semantics<subcore_parallel>], iteration_bounds = array<i64: 2, 16>, scalar_prefetch = 0 : i64, scratch_operands = 6 : i64, tpu.core_type = #tpu.core_type<sc_vector_subcore>, window_params = [{transform_indices = #map}, {transform_indices = #map1}, {transform_indices = #map}]} {
    %mul3A = arith.constant 16 : i32
    %mul3A_0 = arith.muli %arg0, %mul3A : i32
    %add3A = arith.addi %mul3A_0, %arg1 : i32
    %mul3A_1 = arith.constant 4000 : i32
    %mul3A_2 = arith.muli %add3A, %mul3A_1 : i32
    %mul3A_3 = arith.constant 640 : i32
    %mul3A_4 = arith.muli %arg1, %mul3A_3 : i32
    %min3A = arith.constant 9360 : i32
    %min3A_5 = arith.minsi %mul3A_4, %min3A : i32
    "tpu.region"() ({
      %run_scoped3A = tpu.sem_alloc : memref<!tpu.dma_semaphore, #tpu.memory_space<semaphore_mem>>
      %dma_start3A_34 = arith.constant 0 : i32
      %dma_start3A_35 = tpu.memref_slice %arg10[%min3A_5, %dma_start3A_34] : memref<10000x128xi32, #tpu.memory_space<vmem_shared>> -> memref<640x128xi32, #tpu.memory_space<vmem_shared>>
      %dma_start3A_36 = arith.constant 0 : i32
      %dma_start3A_37 = tpu.memref_slice %arg2[%min3A_5, %dma_start3A_36] : memref<10000x128xi32, #tpu.memory_space<hbm>> -> memref<640x128xi32, #tpu.memory_space<hbm>>
      tpu.enqueue_dma source(%dma_start3A_37 : memref<640x128xi32, #tpu.memory_space<hbm>>) target(%dma_start3A_35 : memref<640x128xi32, #tpu.memory_space<vmem_shared>>) target_semaphore(%run_scoped3A : memref<!tpu.dma_semaphore, #tpu.memory_space<semaphore_mem>>)
      %dma_wait3A_38 = arith.constant 0 : i32
      %dma_wait3A_39 = tpu.memref_slice %arg10[%min3A_5, %dma_wait3A_38] : memref<10000x128xi32, #tpu.memory_space<vmem_shared>> -> memref<640x128xi32, #tpu.memory_space<vmem_shared>>
      %dma_wait3A_40 = arith.constant 0 : i32
      %dma_wait3A_41 = tpu.memref_slice %arg2[%min3A_5, %dma_wait3A_40] : memref<10000x128xi32, #tpu.memory_space<hbm>> -> memref<640x128xi32, #tpu.memory_space<hbm>>
      tpu.wait_dma2 semaphore(%run_scoped3A : memref<!tpu.dma_semaphore, #tpu.memory_space<semaphore_mem>>) src(%dma_wait3A_41 : memref<640x128xi32, #tpu.memory_space<hbm>>) dst(%dma_wait3A_39 : memref<640x128xi32, #tpu.memory_space<vmem_shared>>)
      tpu.yield
    }) : () -> ()
    "tpu.region"() ({
      %run_scoped3A = tpu.sem_alloc : memref<!tpu.dma_semaphore, #tpu.memory_space<semaphore_mem>>
      %dma_start3A_34 = tpu.memref_slice %arg3[%mul3A_2] : memref<128000xi32, #tpu.memory_space<hbm>> -> memref<4000xi32, #tpu.memory_space<hbm>>
      %dma_start3A_35 = tpu.memref_slice %arg3[%mul3A_2] : memref<128000xi32, #tpu.memory_space<hbm>> -> memref<4000xi32, #tpu.memory_space<hbm>>
      tpu.enqueue_dma source(%dma_start3A_35 : memref<4000xi32, #tpu.memory_space<hbm>>) target(%arg5 : memref<4000xi32, #tpu.memory_space<vmem>>) target_semaphore(%run_scoped3A : memref<!tpu.dma_semaphore, #tpu.memory_space<semaphore_mem>>)
      %dma_wait3A_36 = tpu.memref_slice %arg3[%mul3A_2] : memref<128000xi32, #tpu.memory_space<hbm>> -> memref<4000xi32, #tpu.memory_space<hbm>>
      %dma_wait3A_37 = tpu.memref_slice %arg3[%mul3A_2] : memref<128000xi32, #tpu.memory_space<hbm>> -> memref<4000xi32, #tpu.memory_space<hbm>>
      tpu.wait_dma2 semaphore(%run_scoped3A : memref<!tpu.dma_semaphore, #tpu.memory_space<semaphore_mem>>) src(%dma_wait3A_37 : memref<4000xi32, #tpu.memory_space<hbm>>) dst(%arg5 : memref<4000xi32, #tpu.memory_space<vmem>>)
      tpu.yield
    }) : () -> ()
    %barrier3A = arith.constant 0 : index
    tpu.barrier barrier_id(%barrier3A)
    %dma_start3A = arith.constant 0 : i32
    %dma_start3A_6 = tpu.memref_slice %arg5[%dma_start3A] : memref<4000xi32, #tpu.memory_space<vmem>> -> memref<80xi32, #tpu.memory_space<vmem>>
    %dma_start3A_7 = arith.constant 0 : i32
    %dma_start3A_8 = arith.constant 0 : i32
    %dma_start3A_9 = tpu.memref_slice %arg10[%dma_start3A_7, %dma_start3A_8] : memref<10000x128xi32, #tpu.memory_space<vmem_shared>> -> memref<10000x128xi32, #tpu.memory_space<vmem_shared>>
    tpu.enqueue_indirect_dma source(%dma_start3A_9 : memref<10000x128xi32, #tpu.memory_space<vmem_shared>>) target(%arg6 : memref<80x128xi32, #tpu.memory_space<vmem>>) offsets(%dma_start3A_6 : memref<80xi32, #tpu.memory_space<vmem>>) semaphore(%arg8 : memref<!tpu.dma_semaphore, #tpu.memory_space<semaphore_mem>>)
    %scan3A = arith.constant 0 : i32
    %scan3A_10 = arith.constant 0 : i32
    %scan3A_11 = arith.constant 24 : i32
    %scan3A_12 = arith.addi %scan3A_10, %scan3A_11 : i32
    %scan3A_13 = arith.constant 1 : i32
    %scan3A_14 = scf.for %scan3A_34 = %scan3A_10 to %scan3A_12 step %scan3A_13 iter_args(%scan3A_35 = %scan3A) -> (i32)  : i32 {
      %mul3A_36 = arith.constant 2 : i32
      %mul3A_37 = arith.muli %mul3A_36, %scan3A_34 : i32
      %add3A_38 = arith.constant 1 : i32
      %add3A_39 = arith.addi %mul3A_37, %add3A_38 : i32
      %mul3A_40 = arith.constant 80 : i32
      %mul3A_41 = arith.muli %add3A_39, %mul3A_40 : i32
      %dma_start3A_42 = tpu.memref_slice %arg5[%mul3A_41] : memref<4000xi32, #tpu.memory_space<vmem>> -> memref<80xi32, #tpu.memory_space<vmem>>
      %dma_start3A_43 = arith.constant 0 : i32
      %dma_start3A_44 = arith.constant 0 : i32
      %dma_start3A_45 = tpu.memref_slice %arg10[%dma_start3A_43, %dma_start3A_44] : memref<10000x128xi32, #tpu.memory_space<vmem_shared>> -> memref<10000x128xi32, #tpu.memory_space<vmem_shared>>
      tpu.enqueue_indirect_dma source(%dma_start3A_45 : memref<10000x128xi32, #tpu.memory_space<vmem_shared>>) target(%arg7 : memref<80x128xi32, #tpu.memory_space<vmem>>) offsets(%dma_start3A_42 : memref<80xi32, #tpu.memory_space<vmem>>) semaphore(%arg9 : memref<!tpu.dma_semaphore, #tpu.memory_space<semaphore_mem>>)
      %dma_wait3A_46 = arith.constant 0 : i32
      %dma_wait3A_47 = tpu.memref_slice %arg5[%dma_wait3A_46] : memref<4000xi32, #tpu.memory_space<vmem>> -> memref<80xi32, #tpu.memory_space<vmem>>
      %dma_wait3A_48 = arith.constant 0 : i32
      %dma_wait3A_49 = arith.constant 0 : i32
      %dma_wait3A_50 = tpu.memref_slice %arg10[%dma_wait3A_48, %dma_wait3A_49] : memref<10000x128xi32, #tpu.memory_space<vmem_shared>> -> memref<10000x128xi32, #tpu.memory_space<vmem_shared>>
      tpu.wait_indirect_dma semaphore(%arg8 : memref<!tpu.dma_semaphore, #tpu.memory_space<semaphore_mem>>) src(%dma_wait3A_50 : memref<10000x128xi32, #tpu.memory_space<vmem_shared>>) dst(%arg6 : memref<80x128xi32, #tpu.memory_space<vmem>>)
      %mul3A_51 = arith.constant 80 : i32
      %mul3A_52 = arith.muli %mul3A_37, %mul3A_51 : i32
      %add3A_53 = arith.addi %mul3A_2, %mul3A_52 : i32
      "tpu.region"() ({
        %run_scoped3A = tpu.sem_alloc : memref<!tpu.dma_semaphore, #tpu.memory_space<semaphore_mem>>
        %dma_start3A_73 = arith.constant 0 : i32
        %dma_start3A_74 = tpu.memref_slice %arg4[%add3A_53, %dma_start3A_73] : memref<128000x128xi32, #tpu.memory_space<hbm>> -> memref<80x128xi32, #tpu.memory_space<hbm>>
        %dma_start3A_75 = arith.constant 0 : i32
        %dma_start3A_76 = tpu.memref_slice %arg4[%add3A_53, %dma_start3A_75] : memref<128000x128xi32, #tpu.memory_space<hbm>> -> memref<80x128xi32, #tpu.memory_space<hbm>>
        tpu.enqueue_dma source(%arg6 : memref<80x128xi32, #tpu.memory_space<vmem>>) target(%dma_start3A_76 : memref<80x128xi32, #tpu.memory_space<hbm>>) target_semaphore(%run_scoped3A : memref<!tpu.dma_semaphore, #tpu.memory_space<semaphore_mem>>)
        %dma_wait3A_77 = arith.constant 0 : i32
        %dma_wait3A_78 = tpu.memref_slice %arg4[%add3A_53, %dma_wait3A_77] : memref<128000x128xi32, #tpu.memory_space<hbm>> -> memref<80x128xi32, #tpu.memory_space<hbm>>
        %dma_wait3A_79 = arith.constant 0 : i32
        %dma_wait3A_80 = tpu.memref_slice %arg4[%add3A_53, %dma_wait3A_79] : memref<128000x128xi32, #tpu.memory_space<hbm>> -> memref<80x128xi32, #tpu.memory_space<hbm>>
        tpu.wait_dma2 semaphore(%run_scoped3A : memref<!tpu.dma_semaphore, #tpu.memory_space<semaphore_mem>>) src(%arg6 : memref<80x128xi32, #tpu.memory_space<vmem>>) dst(%dma_wait3A_80 : memref<80x128xi32, #tpu.memory_space<hbm>>)
        tpu.yield
      }) : () -> ()
      %add3A_54 = arith.constant 2 : i32
      %add3A_55 = arith.addi %mul3A_37, %add3A_54 : i32
      %mul3A_56 = arith.constant 80 : i32
      %mul3A_57 = arith.muli %add3A_55, %mul3A_56 : i32
      %dma_start3A_58 = tpu.memref_slice %arg5[%mul3A_57] : memref<4000xi32, #tpu.memory_space<vmem>> -> memref<80xi32, #tpu.memory_space<vmem>>
      %dma_start3A_59 = arith.constant 0 : i32
      %dma_start3A_60 = arith.constant 0 : i32
      %dma_start3A_61 = tpu.memref_slice %arg10[%dma_start3A_59, %dma_start3A_60] : memref<10000x128xi32, #tpu.memory_space<vmem_shared>> -> memref<10000x128xi32, #tpu.memory_space<vmem_shared>>
      tpu.enqueue_indirect_dma source(%dma_start3A_61 : memref<10000x128xi32, #tpu.memory_space<vmem_shared>>) target(%arg6 : memref<80x128xi32, #tpu.memory_space<vmem>>) offsets(%dma_start3A_58 : memref<80xi32, #tpu.memory_space<vmem>>) semaphore(%arg8 : memref<!tpu.dma_semaphore, #tpu.memory_space<semaphore_mem>>)
      %add3A_62 = arith.constant 1 : i32
      %add3A_63 = arith.addi %mul3A_37, %add3A_62 : i32
      %dma_wait3A_64 = arith.constant 0 : i32
      %dma_wait3A_65 = tpu.memref_slice %arg5[%dma_wait3A_64] : memref<4000xi32, #tpu.memory_space<vmem>> -> memref<80xi32, #tpu.memory_space<vmem>>
      %dma_wait3A_66 = arith.constant 0 : i32
      %dma_wait3A_67 = arith.constant 0 : i32
      %dma_wait3A_68 = tpu.memref_slice %arg10[%dma_wait3A_66, %dma_wait3A_67] : memref<10000x128xi32, #tpu.memory_space<vmem_shared>> -> memref<10000x128xi32, #tpu.memory_space<vmem_shared>>
      tpu.wait_indirect_dma semaphore(%arg9 : memref<!tpu.dma_semaphore, #tpu.memory_space<semaphore_mem>>) src(%dma_wait3A_68 : memref<10000x128xi32, #tpu.memory_space<vmem_shared>>) dst(%arg7 : memref<80x128xi32, #tpu.memory_space<vmem>>)
      %mul3A_69 = arith.constant 80 : i32
      %mul3A_70 = arith.muli %add3A_63, %mul3A_69 : i32
      %add3A_71 = arith.addi %mul3A_2, %mul3A_70 : i32
      "tpu.region"() ({
        %run_scoped3A = tpu.sem_alloc : memref<!tpu.dma_semaphore, #tpu.memory_space<semaphore_mem>>
        %dma_start3A_73 = arith.constant 0 : i32
        %dma_start3A_74 = tpu.memref_slice %arg4[%add3A_71, %dma_start3A_73] : memref<128000x128xi32, #tpu.memory_space<hbm>> -> memref<80x128xi32, #tpu.memory_space<hbm>>
        %dma_start3A_75 = arith.constant 0 : i32
        %dma_start3A_76 = tpu.memref_slice %arg4[%add3A_71, %dma_start3A_75] : memref<128000x128xi32, #tpu.memory_space<hbm>> -> memref<80x128xi32, #tpu.memory_space<hbm>>
        tpu.enqueue_dma source(%arg7 : memref<80x128xi32, #tpu.memory_space<vmem>>) target(%dma_start3A_76 : memref<80x128xi32, #tpu.memory_space<hbm>>) target_semaphore(%run_scoped3A : memref<!tpu.dma_semaphore, #tpu.memory_space<semaphore_mem>>)
        %dma_wait3A_77 = arith.constant 0 : i32
        %dma_wait3A_78 = tpu.memref_slice %arg4[%add3A_71, %dma_wait3A_77] : memref<128000x128xi32, #tpu.memory_space<hbm>> -> memref<80x128xi32, #tpu.memory_space<hbm>>
        %dma_wait3A_79 = arith.constant 0 : i32
        %dma_wait3A_80 = tpu.memref_slice %arg4[%add3A_71, %dma_wait3A_79] : memref<128000x128xi32, #tpu.memory_space<hbm>> -> memref<80x128xi32, #tpu.memory_space<hbm>>
        tpu.wait_dma2 semaphore(%run_scoped3A : memref<!tpu.dma_semaphore, #tpu.memory_space<semaphore_mem>>) src(%arg7 : memref<80x128xi32, #tpu.memory_space<vmem>>) dst(%dma_wait3A_80 : memref<80x128xi32, #tpu.memory_space<hbm>>)
        tpu.yield
      }) : () -> ()
      %scan3A_72 = arith.constant 0 : i32
      scf.yield %scan3A_72 : i32
    }
    %scan3A_15 = arith.constant 24 : i32
    %dma_start3A_16 = arith.constant 3920 : i32
    %dma_start3A_17 = tpu.memref_slice %arg5[%dma_start3A_16] : memref<4000xi32, #tpu.memory_space<vmem>> -> memref<80xi32, #tpu.memory_space<vmem>>
    %dma_start3A_18 = arith.constant 0 : i32
    %dma_start3A_19 = arith.constant 0 : i32
    %dma_start3A_20 = tpu.memref_slice %arg10[%dma_start3A_18, %dma_start3A_19] : memref<10000x128xi32, #tpu.memory_space<vmem_shared>> -> memref<10000x128xi32, #tpu.memory_space<vmem_shared>>
    tpu.enqueue_indirect_dma source(%dma_start3A_20 : memref<10000x128xi32, #tpu.memory_space<vmem_shared>>) target(%arg7 : memref<80x128xi32, #tpu.memory_space<vmem>>) offsets(%dma_start3A_17 : memref<80xi32, #tpu.memory_space<vmem>>) semaphore(%arg9 : memref<!tpu.dma_semaphore, #tpu.memory_space<semaphore_mem>>)
    %dma_wait3A = arith.constant 0 : i32
    %dma_wait3A_21 = tpu.memref_slice %arg5[%dma_wait3A] : memref<4000xi32, #tpu.memory_space<vmem>> -> memref<80xi32, #tpu.memory_space<vmem>>
    %dma_wait3A_22 = arith.constant 0 : i32
    %dma_wait3A_23 = arith.constant 0 : i32
    %dma_wait3A_24 = tpu.memref_slice %arg10[%dma_wait3A_22, %dma_wait3A_23] : memref<10000x128xi32, #tpu.memory_space<vmem_shared>> -> memref<10000x128xi32, #tpu.memory_space<vmem_shared>>
    tpu.wait_indirect_dma semaphore(%arg8 : memref<!tpu.dma_semaphore, #tpu.memory_space<semaphore_mem>>) src(%dma_wait3A_24 : memref<10000x128xi32, #tpu.memory_space<vmem_shared>>) dst(%arg6 : memref<80x128xi32, #tpu.memory_space<vmem>>)
    %add3A_25 = arith.constant 3840 : i32
    %add3A_26 = arith.addi %mul3A_2, %add3A_25 : i32
    "tpu.region"() ({
      %run_scoped3A = tpu.sem_alloc : memref<!tpu.dma_semaphore, #tpu.memory_space<semaphore_mem>>
      %dma_start3A_34 = arith.constant 0 : i32
      %dma_start3A_35 = tpu.memref_slice %arg4[%add3A_26, %dma_start3A_34] : memref<128000x128xi32, #tpu.memory_space<hbm>> -> memref<80x128xi32, #tpu.memory_space<hbm>>
      %dma_start3A_36 = arith.constant 0 : i32
      %dma_start3A_37 = tpu.memref_slice %arg4[%add3A_26, %dma_start3A_36] : memref<128000x128xi32, #tpu.memory_space<hbm>> -> memref<80x128xi32, #tpu.memory_space<hbm>>
      tpu.enqueue_dma source(%arg6 : memref<80x128xi32, #tpu.memory_space<vmem>>) target(%dma_start3A_37 : memref<80x128xi32, #tpu.memory_space<hbm>>) target_semaphore(%run_scoped3A : memref<!tpu.dma_semaphore, #tpu.memory_space<semaphore_mem>>)
      %dma_wait3A_38 = arith.constant 0 : i32
      %dma_wait3A_39 = tpu.memref_slice %arg4[%add3A_26, %dma_wait3A_38] : memref<128000x128xi32, #tpu.memory_space<hbm>> -> memref<80x128xi32, #tpu.memory_space<hbm>>
      %dma_wait3A_40 = arith.constant 0 : i32
      %dma_wait3A_41 = tpu.memref_slice %arg4[%add3A_26, %dma_wait3A_40] : memref<128000x128xi32, #tpu.memory_space<hbm>> -> memref<80x128xi32, #tpu.memory_space<hbm>>
      tpu.wait_dma2 semaphore(%run_scoped3A : memref<!tpu.dma_semaphore, #tpu.memory_space<semaphore_mem>>) src(%arg6 : memref<80x128xi32, #tpu.memory_space<vmem>>) dst(%dma_wait3A_41 : memref<80x128xi32, #tpu.memory_space<hbm>>)
      tpu.yield
    }) : () -> ()
    %dma_wait3A_27 = arith.constant 0 : i32
    %dma_wait3A_28 = tpu.memref_slice %arg5[%dma_wait3A_27] : memref<4000xi32, #tpu.memory_space<vmem>> -> memref<80xi32, #tpu.memory_space<vmem>>
    %dma_wait3A_29 = arith.constant 0 : i32
    %dma_wait3A_30 = arith.constant 0 : i32
    %dma_wait3A_31 = tpu.memref_slice %arg10[%dma_wait3A_29, %dma_wait3A_30] : memref<10000x128xi32, #tpu.memory_space<vmem_shared>> -> memref<10000x128xi32, #tpu.memory_space<vmem_shared>>
    tpu.wait_indirect_dma semaphore(%arg9 : memref<!tpu.dma_semaphore, #tpu.memory_space<semaphore_mem>>) src(%dma_wait3A_31 : memref<10000x128xi32, #tpu.memory_space<vmem_shared>>) dst(%arg7 : memref<80x128xi32, #tpu.memory_space<vmem>>)
    %add3A_32 = arith.constant 3920 : i32
    %add3A_33 = arith.addi %mul3A_2, %add3A_32 : i32
    "tpu.region"() ({
      %run_scoped3A = tpu.sem_alloc : memref<!tpu.dma_semaphore, #tpu.memory_space<semaphore_mem>>
      %dma_start3A_34 = arith.constant 0 : i32
      %dma_start3A_35 = tpu.memref_slice %arg4[%add3A_33, %dma_start3A_34] : memref<128000x128xi32, #tpu.memory_space<hbm>> -> memref<80x128xi32, #tpu.memory_space<hbm>>
      %dma_start3A_36 = arith.constant 0 : i32
      %dma_start3A_37 = tpu.memref_slice %arg4[%add3A_33, %dma_start3A_36] : memref<128000x128xi32, #tpu.memory_space<hbm>> -> memref<80x128xi32, #tpu.memory_space<hbm>>
      tpu.enqueue_dma source(%arg7 : memref<80x128xi32, #tpu.memory_space<vmem>>) target(%dma_start3A_37 : memref<80x128xi32, #tpu.memory_space<hbm>>) target_semaphore(%run_scoped3A : memref<!tpu.dma_semaphore, #tpu.memory_space<semaphore_mem>>)
      %dma_wait3A_38 = arith.constant 0 : i32
      %dma_wait3A_39 = tpu.memref_slice %arg4[%add3A_33, %dma_wait3A_38] : memref<128000x128xi32, #tpu.memory_space<hbm>> -> memref<80x128xi32, #tpu.memory_space<hbm>>
      %dma_wait3A_40 = arith.constant 0 : i32
      %dma_wait3A_41 = tpu.memref_slice %arg4[%add3A_33, %dma_wait3A_40] : memref<128000x128xi32, #tpu.memory_space<hbm>> -> memref<80x128xi32, #tpu.memory_space<hbm>>
      tpu.wait_dma2 semaphore(%run_scoped3A : memref<!tpu.dma_semaphore, #tpu.memory_space<semaphore_mem>>) src(%arg7 : memref<80x128xi32, #tpu.memory_space<vmem>>) dst(%dma_wait3A_41 : memref<80x128xi32, #tpu.memory_space<hbm>>)
      tpu.yield
    }) : () -> ()
    return
  }
}

#map = affine_map<(d0, d1) -> (0, 0)>
#map1 = affine_map<(d0, d1) -> (0)>
module attributes {stable_mosaic.version = 14 : i64} {
  func.func @body(%arg0: i32, %arg1: i32, %arg2: memref<10000x128xi32, #tpu.memory_space<hbm>>, %arg3: memref<192000xi32, #tpu.memory_space<hbm>>, %arg4: memref<192000x128xi32, #tpu.memory_space<hbm>>, %arg5: memref<6000xi32, #tpu.memory_space<vmem>>, %arg6: memref<80x128xi32, #tpu.memory_space<vmem>>, %arg7: memref<80x128xi32, #tpu.memory_space<vmem>>, %arg8: memref<!tpu.dma_semaphore, #tpu.memory_space<semaphore_mem>>, %arg9: memref<!tpu.dma_semaphore, #tpu.memory_space<semaphore_mem>>, %arg10: memref<10000x128xi32, #tpu.memory_space<vmem_shared>>) attributes {dimension_semantics = [#tpu.dimension_semantics<core_parallel>, #tpu.dimension_semantics<subcore_parallel>], iteration_bounds = array<i64: 2, 16>, scalar_prefetch = 0 : i64, scratch_operands = 6 : i64, tpu.core_type = #tpu.core_type<sc_vector_subcore>, window_params = [{transform_indices = #map}, {transform_indices = #map1}, {transform_indices = #map}]} {
    %mul3A = arith.constant 16 : i32
    %mul3A_0 = arith.muli %arg0, %mul3A : i32
    %add3A = arith.addi %mul3A_0, %arg1 : i32
    %mul3A_1 = arith.constant 6000 : i32
    %mul3A_2 = arith.muli %add3A, %mul3A_1 : i32
    %mul3A_3 = arith.constant 640 : i32
    %mul3A_4 = arith.muli %arg1, %mul3A_3 : i32
    %min3A = arith.constant 9360 : i32
    %min3A_5 = arith.minsi %mul3A_4, %min3A : i32
    "tpu.region"() ({
      %run_scoped3A = tpu.sem_alloc : memref<!tpu.dma_semaphore, #tpu.memory_space<semaphore_mem>>
      %dma_start3A_22 = arith.constant 0 : i32
      %dma_start3A_23 = tpu.memref_slice %arg10[%min3A_5, %dma_start3A_22] : memref<10000x128xi32, #tpu.memory_space<vmem_shared>> -> memref<640x128xi32, #tpu.memory_space<vmem_shared>>
      %dma_start3A_24 = arith.constant 0 : i32
      %dma_start3A_25 = tpu.memref_slice %arg2[%min3A_5, %dma_start3A_24] : memref<10000x128xi32, #tpu.memory_space<hbm>> -> memref<640x128xi32, #tpu.memory_space<hbm>>
      tpu.enqueue_dma source(%dma_start3A_25 : memref<640x128xi32, #tpu.memory_space<hbm>>) target(%dma_start3A_23 : memref<640x128xi32, #tpu.memory_space<vmem_shared>>) target_semaphore(%run_scoped3A : memref<!tpu.dma_semaphore, #tpu.memory_space<semaphore_mem>>)
      %dma_wait3A_26 = arith.constant 0 : i32
      %dma_wait3A_27 = tpu.memref_slice %arg10[%min3A_5, %dma_wait3A_26] : memref<10000x128xi32, #tpu.memory_space<vmem_shared>> -> memref<640x128xi32, #tpu.memory_space<vmem_shared>>
      %dma_wait3A_28 = arith.constant 0 : i32
      %dma_wait3A_29 = tpu.memref_slice %arg2[%min3A_5, %dma_wait3A_28] : memref<10000x128xi32, #tpu.memory_space<hbm>> -> memref<640x128xi32, #tpu.memory_space<hbm>>
      tpu.wait_dma2 semaphore(%run_scoped3A : memref<!tpu.dma_semaphore, #tpu.memory_space<semaphore_mem>>) src(%dma_wait3A_29 : memref<640x128xi32, #tpu.memory_space<hbm>>) dst(%dma_wait3A_27 : memref<640x128xi32, #tpu.memory_space<vmem_shared>>)
      tpu.yield
    }) : () -> ()
    "tpu.region"() ({
      %run_scoped3A = tpu.sem_alloc : memref<!tpu.dma_semaphore, #tpu.memory_space<semaphore_mem>>
      %dma_start3A_22 = tpu.memref_slice %arg3[%mul3A_2] : memref<192000xi32, #tpu.memory_space<hbm>> -> memref<6000xi32, #tpu.memory_space<hbm>>
      %dma_start3A_23 = tpu.memref_slice %arg3[%mul3A_2] : memref<192000xi32, #tpu.memory_space<hbm>> -> memref<6000xi32, #tpu.memory_space<hbm>>
      tpu.enqueue_dma source(%dma_start3A_23 : memref<6000xi32, #tpu.memory_space<hbm>>) target(%arg5 : memref<6000xi32, #tpu.memory_space<vmem>>) target_semaphore(%run_scoped3A : memref<!tpu.dma_semaphore, #tpu.memory_space<semaphore_mem>>)
      %dma_wait3A_24 = tpu.memref_slice %arg3[%mul3A_2] : memref<192000xi32, #tpu.memory_space<hbm>> -> memref<6000xi32, #tpu.memory_space<hbm>>
      %dma_wait3A_25 = tpu.memref_slice %arg3[%mul3A_2] : memref<192000xi32, #tpu.memory_space<hbm>> -> memref<6000xi32, #tpu.memory_space<hbm>>
      tpu.wait_dma2 semaphore(%run_scoped3A : memref<!tpu.dma_semaphore, #tpu.memory_space<semaphore_mem>>) src(%dma_wait3A_25 : memref<6000xi32, #tpu.memory_space<hbm>>) dst(%arg5 : memref<6000xi32, #tpu.memory_space<vmem>>)
      tpu.yield
    }) : () -> ()
    %barrier3A = arith.constant 0 : index
    tpu.barrier barrier_id(%barrier3A)
    %dma_start3A = arith.constant 0 : i32
    %dma_start3A_6 = tpu.memref_slice %arg5[%dma_start3A] : memref<6000xi32, #tpu.memory_space<vmem>> -> memref<80xi32, #tpu.memory_space<vmem>>
    %dma_start3A_7 = arith.constant 0 : i32
    %dma_start3A_8 = arith.constant 0 : i32
    %dma_start3A_9 = tpu.memref_slice %arg10[%dma_start3A_7, %dma_start3A_8] : memref<10000x128xi32, #tpu.memory_space<vmem_shared>> -> memref<10000x128xi32, #tpu.memory_space<vmem_shared>>
    tpu.enqueue_indirect_dma source(%dma_start3A_9 : memref<10000x128xi32, #tpu.memory_space<vmem_shared>>) target(%arg6 : memref<80x128xi32, #tpu.memory_space<vmem>>) offsets(%dma_start3A_6 : memref<80xi32, #tpu.memory_space<vmem>>) semaphore(%arg8 : memref<!tpu.dma_semaphore, #tpu.memory_space<semaphore_mem>>)
    %scan3A = arith.constant 0 : i32
    %scan3A_10 = arith.constant 0 : i32
    %scan3A_11 = arith.constant 37 : i32
    %scan3A_12 = arith.addi %scan3A_10, %scan3A_11 : i32
    %scan3A_13 = arith.constant 1 : i32
    %scan3A_14 = scf.for %scan3A_22 = %scan3A_10 to %scan3A_12 step %scan3A_13 iter_args(%scan3A_23 = %scan3A) -> (i32)  : i32 {
      %mul3A_24 = arith.constant 2 : i32
      %mul3A_25 = arith.muli %mul3A_24, %scan3A_22 : i32
      %add3A_26 = arith.constant 1 : i32
      %add3A_27 = arith.addi %mul3A_25, %add3A_26 : i32
      %mul3A_28 = arith.constant 80 : i32
      %mul3A_29 = arith.muli %add3A_27, %mul3A_28 : i32
      %dma_start3A_30 = tpu.memref_slice %arg5[%mul3A_29] : memref<6000xi32, #tpu.memory_space<vmem>> -> memref<80xi32, #tpu.memory_space<vmem>>
      %dma_start3A_31 = arith.constant 0 : i32
      %dma_start3A_32 = arith.constant 0 : i32
      %dma_start3A_33 = tpu.memref_slice %arg10[%dma_start3A_31, %dma_start3A_32] : memref<10000x128xi32, #tpu.memory_space<vmem_shared>> -> memref<10000x128xi32, #tpu.memory_space<vmem_shared>>
      tpu.enqueue_indirect_dma source(%dma_start3A_33 : memref<10000x128xi32, #tpu.memory_space<vmem_shared>>) target(%arg7 : memref<80x128xi32, #tpu.memory_space<vmem>>) offsets(%dma_start3A_30 : memref<80xi32, #tpu.memory_space<vmem>>) semaphore(%arg9 : memref<!tpu.dma_semaphore, #tpu.memory_space<semaphore_mem>>)
      %dma_wait3A_34 = arith.constant 0 : i32
      %dma_wait3A_35 = tpu.memref_slice %arg5[%dma_wait3A_34] : memref<6000xi32, #tpu.memory_space<vmem>> -> memref<80xi32, #tpu.memory_space<vmem>>
      %dma_wait3A_36 = arith.constant 0 : i32
      %dma_wait3A_37 = arith.constant 0 : i32
      %dma_wait3A_38 = tpu.memref_slice %arg10[%dma_wait3A_36, %dma_wait3A_37] : memref<10000x128xi32, #tpu.memory_space<vmem_shared>> -> memref<10000x128xi32, #tpu.memory_space<vmem_shared>>
      tpu.wait_indirect_dma semaphore(%arg8 : memref<!tpu.dma_semaphore, #tpu.memory_space<semaphore_mem>>) src(%dma_wait3A_38 : memref<10000x128xi32, #tpu.memory_space<vmem_shared>>) dst(%arg6 : memref<80x128xi32, #tpu.memory_space<vmem>>)
      %mul3A_39 = arith.constant 80 : i32
      %mul3A_40 = arith.muli %mul3A_25, %mul3A_39 : i32
      %add3A_41 = arith.addi %mul3A_2, %mul3A_40 : i32
      "tpu.region"() ({
        %run_scoped3A = tpu.sem_alloc : memref<!tpu.dma_semaphore, #tpu.memory_space<semaphore_mem>>
        %dma_start3A_61 = arith.constant 0 : i32
        %dma_start3A_62 = tpu.memref_slice %arg4[%add3A_41, %dma_start3A_61] : memref<192000x128xi32, #tpu.memory_space<hbm>> -> memref<80x128xi32, #tpu.memory_space<hbm>>
        %dma_start3A_63 = arith.constant 0 : i32
        %dma_start3A_64 = tpu.memref_slice %arg4[%add3A_41, %dma_start3A_63] : memref<192000x128xi32, #tpu.memory_space<hbm>> -> memref<80x128xi32, #tpu.memory_space<hbm>>
        tpu.enqueue_dma source(%arg6 : memref<80x128xi32, #tpu.memory_space<vmem>>) target(%dma_start3A_64 : memref<80x128xi32, #tpu.memory_space<hbm>>) target_semaphore(%run_scoped3A : memref<!tpu.dma_semaphore, #tpu.memory_space<semaphore_mem>>)
        %dma_wait3A_65 = arith.constant 0 : i32
        %dma_wait3A_66 = tpu.memref_slice %arg4[%add3A_41, %dma_wait3A_65] : memref<192000x128xi32, #tpu.memory_space<hbm>> -> memref<80x128xi32, #tpu.memory_space<hbm>>
        %dma_wait3A_67 = arith.constant 0 : i32
        %dma_wait3A_68 = tpu.memref_slice %arg4[%add3A_41, %dma_wait3A_67] : memref<192000x128xi32, #tpu.memory_space<hbm>> -> memref<80x128xi32, #tpu.memory_space<hbm>>
        tpu.wait_dma2 semaphore(%run_scoped3A : memref<!tpu.dma_semaphore, #tpu.memory_space<semaphore_mem>>) src(%arg6 : memref<80x128xi32, #tpu.memory_space<vmem>>) dst(%dma_wait3A_68 : memref<80x128xi32, #tpu.memory_space<hbm>>)
        tpu.yield
      }) : () -> ()
      %add3A_42 = arith.constant 2 : i32
      %add3A_43 = arith.addi %mul3A_25, %add3A_42 : i32
      %mul3A_44 = arith.constant 80 : i32
      %mul3A_45 = arith.muli %add3A_43, %mul3A_44 : i32
      %dma_start3A_46 = tpu.memref_slice %arg5[%mul3A_45] : memref<6000xi32, #tpu.memory_space<vmem>> -> memref<80xi32, #tpu.memory_space<vmem>>
      %dma_start3A_47 = arith.constant 0 : i32
      %dma_start3A_48 = arith.constant 0 : i32
      %dma_start3A_49 = tpu.memref_slice %arg10[%dma_start3A_47, %dma_start3A_48] : memref<10000x128xi32, #tpu.memory_space<vmem_shared>> -> memref<10000x128xi32, #tpu.memory_space<vmem_shared>>
      tpu.enqueue_indirect_dma source(%dma_start3A_49 : memref<10000x128xi32, #tpu.memory_space<vmem_shared>>) target(%arg6 : memref<80x128xi32, #tpu.memory_space<vmem>>) offsets(%dma_start3A_46 : memref<80xi32, #tpu.memory_space<vmem>>) semaphore(%arg8 : memref<!tpu.dma_semaphore, #tpu.memory_space<semaphore_mem>>)
      %add3A_50 = arith.constant 1 : i32
      %add3A_51 = arith.addi %mul3A_25, %add3A_50 : i32
      %dma_wait3A_52 = arith.constant 0 : i32
      %dma_wait3A_53 = tpu.memref_slice %arg5[%dma_wait3A_52] : memref<6000xi32, #tpu.memory_space<vmem>> -> memref<80xi32, #tpu.memory_space<vmem>>
      %dma_wait3A_54 = arith.constant 0 : i32
      %dma_wait3A_55 = arith.constant 0 : i32
      %dma_wait3A_56 = tpu.memref_slice %arg10[%dma_wait3A_54, %dma_wait3A_55] : memref<10000x128xi32, #tpu.memory_space<vmem_shared>> -> memref<10000x128xi32, #tpu.memory_space<vmem_shared>>
      tpu.wait_indirect_dma semaphore(%arg9 : memref<!tpu.dma_semaphore, #tpu.memory_space<semaphore_mem>>) src(%dma_wait3A_56 : memref<10000x128xi32, #tpu.memory_space<vmem_shared>>) dst(%arg7 : memref<80x128xi32, #tpu.memory_space<vmem>>)
      %mul3A_57 = arith.constant 80 : i32
      %mul3A_58 = arith.muli %add3A_51, %mul3A_57 : i32
      %add3A_59 = arith.addi %mul3A_2, %mul3A_58 : i32
      "tpu.region"() ({
        %run_scoped3A = tpu.sem_alloc : memref<!tpu.dma_semaphore, #tpu.memory_space<semaphore_mem>>
        %dma_start3A_61 = arith.constant 0 : i32
        %dma_start3A_62 = tpu.memref_slice %arg4[%add3A_59, %dma_start3A_61] : memref<192000x128xi32, #tpu.memory_space<hbm>> -> memref<80x128xi32, #tpu.memory_space<hbm>>
        %dma_start3A_63 = arith.constant 0 : i32
        %dma_start3A_64 = tpu.memref_slice %arg4[%add3A_59, %dma_start3A_63] : memref<192000x128xi32, #tpu.memory_space<hbm>> -> memref<80x128xi32, #tpu.memory_space<hbm>>
        tpu.enqueue_dma source(%arg7 : memref<80x128xi32, #tpu.memory_space<vmem>>) target(%dma_start3A_64 : memref<80x128xi32, #tpu.memory_space<hbm>>) target_semaphore(%run_scoped3A : memref<!tpu.dma_semaphore, #tpu.memory_space<semaphore_mem>>)
        %dma_wait3A_65 = arith.constant 0 : i32
        %dma_wait3A_66 = tpu.memref_slice %arg4[%add3A_59, %dma_wait3A_65] : memref<192000x128xi32, #tpu.memory_space<hbm>> -> memref<80x128xi32, #tpu.memory_space<hbm>>
        %dma_wait3A_67 = arith.constant 0 : i32
        %dma_wait3A_68 = tpu.memref_slice %arg4[%add3A_59, %dma_wait3A_67] : memref<192000x128xi32, #tpu.memory_space<hbm>> -> memref<80x128xi32, #tpu.memory_space<hbm>>
        tpu.wait_dma2 semaphore(%run_scoped3A : memref<!tpu.dma_semaphore, #tpu.memory_space<semaphore_mem>>) src(%arg7 : memref<80x128xi32, #tpu.memory_space<vmem>>) dst(%dma_wait3A_68 : memref<80x128xi32, #tpu.memory_space<hbm>>)
        tpu.yield
      }) : () -> ()
      %scan3A_60 = arith.constant 0 : i32
      scf.yield %scan3A_60 : i32
    }
    %scan3A_15 = arith.constant 37 : i32
    %dma_wait3A = arith.constant 0 : i32
    %dma_wait3A_16 = tpu.memref_slice %arg5[%dma_wait3A] : memref<6000xi32, #tpu.memory_space<vmem>> -> memref<80xi32, #tpu.memory_space<vmem>>
    %dma_wait3A_17 = arith.constant 0 : i32
    %dma_wait3A_18 = arith.constant 0 : i32
    %dma_wait3A_19 = tpu.memref_slice %arg10[%dma_wait3A_17, %dma_wait3A_18] : memref<10000x128xi32, #tpu.memory_space<vmem_shared>> -> memref<10000x128xi32, #tpu.memory_space<vmem_shared>>
    tpu.wait_indirect_dma semaphore(%arg8 : memref<!tpu.dma_semaphore, #tpu.memory_space<semaphore_mem>>) src(%dma_wait3A_19 : memref<10000x128xi32, #tpu.memory_space<vmem_shared>>) dst(%arg6 : memref<80x128xi32, #tpu.memory_space<vmem>>)
    %add3A_20 = arith.constant 5920 : i32
    %add3A_21 = arith.addi %mul3A_2, %add3A_20 : i32
    "tpu.region"() ({
      %run_scoped3A = tpu.sem_alloc : memref<!tpu.dma_semaphore, #tpu.memory_space<semaphore_mem>>
      %dma_start3A_22 = arith.constant 0 : i32
      %dma_start3A_23 = tpu.memref_slice %arg4[%add3A_21, %dma_start3A_22] : memref<192000x128xi32, #tpu.memory_space<hbm>> -> memref<80x128xi32, #tpu.memory_space<hbm>>
      %dma_start3A_24 = arith.constant 0 : i32
      %dma_start3A_25 = tpu.memref_slice %arg4[%add3A_21, %dma_start3A_24] : memref<192000x128xi32, #tpu.memory_space<hbm>> -> memref<80x128xi32, #tpu.memory_space<hbm>>
      tpu.enqueue_dma source(%arg6 : memref<80x128xi32, #tpu.memory_space<vmem>>) target(%dma_start3A_25 : memref<80x128xi32, #tpu.memory_space<hbm>>) target_semaphore(%run_scoped3A : memref<!tpu.dma_semaphore, #tpu.memory_space<semaphore_mem>>)
      %dma_wait3A_26 = arith.constant 0 : i32
      %dma_wait3A_27 = tpu.memref_slice %arg4[%add3A_21, %dma_wait3A_26] : memref<192000x128xi32, #tpu.memory_space<hbm>> -> memref<80x128xi32, #tpu.memory_space<hbm>>
      %dma_wait3A_28 = arith.constant 0 : i32
      %dma_wait3A_29 = tpu.memref_slice %arg4[%add3A_21, %dma_wait3A_28] : memref<192000x128xi32, #tpu.memory_space<hbm>> -> memref<80x128xi32, #tpu.memory_space<hbm>>
      tpu.wait_dma2 semaphore(%run_scoped3A : memref<!tpu.dma_semaphore, #tpu.memory_space<semaphore_mem>>) src(%arg6 : memref<80x128xi32, #tpu.memory_space<vmem>>) dst(%dma_wait3A_29 : memref<80x128xi32, #tpu.memory_space<hbm>>)
      tpu.yield
    }) : () -> ()
    return
  }
}

#map = affine_map<(d0, d1) -> (0, 0)>
#map1 = affine_map<(d0, d1) -> (0)>
module attributes {stable_mosaic.version = 14 : i64} {
  func.func @body(%arg0: i32, %arg1: i32, %arg2: memref<512x128xf32, #tpu.memory_space<hbm>>, %arg3: memref<160000xi32, #tpu.memory_space<hbm>>, %arg4: memref<4x96128xf32, #tpu.memory_space<hbm>>, %arg5: memref<128xi32, #tpu.memory_space<vmem>>, %arg6: memref<128xi32, #tpu.memory_space<vmem>>, %arg7: memref<!tpu.dma_semaphore, #tpu.memory_space<semaphore_mem>>, %arg8: memref<!tpu.dma_semaphore, #tpu.memory_space<semaphore_mem>>, %arg9: memref<512x128xf32, #tpu.memory_space<vmem>>, %arg10: memref<4x128xf32, #tpu.memory_space<vmem>>) attributes {dimension_semantics = [#tpu.dimension_semantics<core_parallel>, #tpu.dimension_semantics<subcore_parallel>], iteration_bounds = array<i64: 2, 16>, scalar_prefetch = 0 : i64, scratch_operands = 6 : i64, tpu.core_type = #tpu.core_type<sc_vector_subcore>, window_params = [{transform_indices = #map}, {transform_indices = #map1}, {transform_indices = #map}]} {
    %mul3A = arith.constant 16 : i32
    %mul3A_0 = arith.muli %arg0, %mul3A : i32
    %add3A = arith.addi %mul3A_0, %arg1 : i32
    "tpu.region"() ({
      %run_scoped3A = tpu.sem_alloc : memref<!tpu.dma_semaphore, #tpu.memory_space<semaphore_mem>>
      tpu.enqueue_dma source(%arg2 : memref<512x128xf32, #tpu.memory_space<hbm>>) target(%arg9 : memref<512x128xf32, #tpu.memory_space<vmem>>) target_semaphore(%run_scoped3A : memref<!tpu.dma_semaphore, #tpu.memory_space<semaphore_mem>>)
      tpu.wait_dma2 semaphore(%run_scoped3A : memref<!tpu.dma_semaphore, #tpu.memory_space<semaphore_mem>>) src(%arg2 : memref<512x128xf32, #tpu.memory_space<hbm>>) dst(%arg9 : memref<512x128xf32, #tpu.memory_space<vmem>>)
      tpu.yield
    }) : () -> ()
    %iota3A = tpu.iota {dimensions = array<i32: 0>} : vector<16xi32>
    %shift_right_arithmetic3A = arith.constant 2 : i32
    %shift_right_arithmetic3A_1 = vector.broadcast %shift_right_arithmetic3A : i32 to vector<16xi32>
    %shift_right_arithmetic3A_2 = arith.shrsi %iota3A, %shift_right_arithmetic3A_1 : vector<16xi32>
    %and3A = arith.constant 3 : i32
    %and3A_3 = vector.broadcast %and3A : i32 to vector<16xi32>
    %and3A_4 = arith.andi %iota3A, %and3A_3 : vector<16xi32>
    %add3A_5 = arith.constant 0 : i32
    %add3A_6 = arith.addi %add3A, %add3A_5 : i32
    %lt3A = arith.constant 750 : i32
    %lt3A_7 = arith.cmpi slt, %add3A_6, %lt3A : i32
    %mul3A_8 = arith.constant 128 : i32
    %mul3A_9 = arith.muli %add3A_6, %mul3A_8 : i32
    %add3A_10 = arith.constant 0 : i32
    %add3A_11 = arith.addi %add3A_10, %mul3A_9 : i32
    %jit3A = arith.constant 0 : i32
    %select_n3A = arith.select %lt3A_7, %add3A_11, %jit3A : i32
    %dma_start3A = tpu.memref_slice %arg3[%select_n3A] : memref<160000xi32, #tpu.memory_space<hbm>> -> memref<128xi32, #tpu.memory_space<hbm>>
    %dma_start3A_12 = tpu.memref_slice %arg3[%select_n3A] : memref<160000xi32, #tpu.memory_space<hbm>> -> memref<128xi32, #tpu.memory_space<hbm>>
    tpu.enqueue_dma source(%dma_start3A_12 : memref<128xi32, #tpu.memory_space<hbm>>) target(%arg5 : memref<128xi32, #tpu.memory_space<vmem>>) target_semaphore(%arg7 : memref<!tpu.dma_semaphore, #tpu.memory_space<semaphore_mem>>)
    %scan3A = arith.constant 0 : i32
    %scan3A_13 = arith.constant 0 : i32
    %scan3A_14 = arith.constant 11 : i32
    %scan3A_15 = arith.addi %scan3A_13, %scan3A_14 : i32
    %scan3A_16 = arith.constant 1 : i32
    %scan3A_17 = scf.for %scan3A_68 = %scan3A_13 to %scan3A_15 step %scan3A_16 iter_args(%scan3A_69 = %scan3A) -> (i32)  : i32 {
      %mul3A_70 = arith.constant 2 : i32
      %mul3A_71 = arith.muli %mul3A_70, %scan3A_68 : i32
      %add3A_72 = arith.constant 1 : i32
      %add3A_73 = arith.addi %mul3A_71, %add3A_72 : i32
      %mul3A_74 = arith.constant 32 : i32
      %mul3A_75 = arith.muli %add3A_73, %mul3A_74 : i32
      %add3A_76 = arith.addi %add3A, %mul3A_75 : i32
      %lt3A_77 = arith.constant 750 : i32
      %lt3A_78 = arith.cmpi slt, %add3A_76, %lt3A_77 : i32
      %mul3A_79 = arith.constant 128 : i32
      %mul3A_80 = arith.muli %add3A_76, %mul3A_79 : i32
      %add3A_81 = arith.constant 0 : i32
      %add3A_82 = arith.addi %add3A_81, %mul3A_80 : i32
      %jit3A_83 = arith.constant 0 : i32
      %select_n3A_84 = arith.select %lt3A_78, %add3A_82, %jit3A_83 : i32
      %dma_start3A_85 = tpu.memref_slice %arg3[%select_n3A_84] : memref<160000xi32, #tpu.memory_space<hbm>> -> memref<128xi32, #tpu.memory_space<hbm>>
      %dma_start3A_86 = tpu.memref_slice %arg3[%select_n3A_84] : memref<160000xi32, #tpu.memory_space<hbm>> -> memref<128xi32, #tpu.memory_space<hbm>>
      tpu.enqueue_dma source(%dma_start3A_86 : memref<128xi32, #tpu.memory_space<hbm>>) target(%arg6 : memref<128xi32, #tpu.memory_space<vmem>>) target_semaphore(%arg8 : memref<!tpu.dma_semaphore, #tpu.memory_space<semaphore_mem>>)
      %mul3A_87 = arith.constant 32 : i32
      %mul3A_88 = arith.muli %mul3A_71, %mul3A_87 : i32
      %add3A_89 = arith.addi %add3A, %mul3A_88 : i32
      %lt3A_90 = arith.constant 750 : i32
      %lt3A_91 = arith.cmpi slt, %add3A_89, %lt3A_90 : i32
      %mul3A_92 = arith.constant 128 : i32
      %mul3A_93 = arith.muli %add3A_89, %mul3A_92 : i32
      %jit3A_94 = arith.constant 96000 : i32
      %select_n3A_95 = arith.select %lt3A_91, %mul3A_93, %jit3A_94 : i32
      %dma_wait3A_96 = arith.constant 0 : i32
      %dma_wait3A_97 = tpu.memref_slice %arg3[%dma_wait3A_96] : memref<160000xi32, #tpu.memory_space<hbm>> -> memref<128xi32, #tpu.memory_space<hbm>>
      %dma_wait3A_98 = arith.constant 0 : i32
      %dma_wait3A_99 = tpu.memref_slice %arg3[%dma_wait3A_98] : memref<160000xi32, #tpu.memory_space<hbm>> -> memref<128xi32, #tpu.memory_space<hbm>>
      tpu.wait_dma2 semaphore(%arg7 : memref<!tpu.dma_semaphore, #tpu.memory_space<semaphore_mem>>) src(%dma_wait3A_99 : memref<128xi32, #tpu.memory_space<hbm>>) dst(%arg5 : memref<128xi32, #tpu.memory_space<vmem>>)
      %scan3A_100 = arith.constant 0 : i32
      %scan3A_101 = arith.constant 0 : i32
      %scan3A_102 = arith.constant 32 : i32
      %scan3A_103 = arith.addi %scan3A_101, %scan3A_102 : i32
      %scan3A_104 = arith.constant 1 : i32
      %scan3A_105 = scf.for %scan3A_145 = %scan3A_101 to %scan3A_103 step %scan3A_104 iter_args(%scan3A_146 = %scan3A_100) -> (i32)  : i32 {
        %mul3A_147 = arith.constant 4 : i32
        %mul3A_148 = arith.muli %scan3A_145, %mul3A_147 : i32
        %add3A_149 = vector.broadcast %mul3A_148 : i32 to vector<16xi32>
        %add3A_150 = arith.addi %add3A_149, %shift_right_arithmetic3A_2 : vector<16xi32>
        %gather3A = tpu.vector_load_idx %arg5[%add3A_150] : memref<128xi32, #tpu.memory_space<vmem>>[vector<16xi32>], vector<16xi32>,
        %mul3A_151 = arith.constant 4 : i32
        %mul3A_152 = vector.broadcast %mul3A_151 : i32 to vector<16xi32>
        %mul3A_153 = arith.muli %gather3A, %mul3A_152 : vector<16xi32>
        %add3A_154 = arith.addi %mul3A_153, %and3A_4 : vector<16xi32>
        %shift_right_arithmetic3A_155 = arith.constant 7 : i32
        %shift_right_arithmetic3A_156 = vector.broadcast %shift_right_arithmetic3A_155 : i32 to vector<16xi32>
        %shift_right_arithmetic3A_157 = arith.shrsi %add3A_154, %shift_right_arithmetic3A_156 : vector<16xi32>
        %and3A_158 = arith.constant 127 : i32
        %and3A_159 = vector.broadcast %and3A_158 : i32 to vector<16xi32>
        %and3A_160 = arith.andi %add3A_154, %and3A_159 : vector<16xi32>
        %gather3A_161 = tpu.vector_load_idx %arg9[%shift_right_arithmetic3A_157, %and3A_160] : memref<512x128xf32, #tpu.memory_space<vmem>>[vector<16xi32>, vector<16xi32>], vector<16xf32>,
        %mul3A_162 = arith.constant 4 : i32
        %mul3A_163 = arith.muli %scan3A_145, %mul3A_162 : i32
        %add3A_164 = vector.broadcast %mul3A_163 : i32 to vector<16xi32>
        %add3A_165 = arith.addi %add3A_164, %shift_right_arithmetic3A_2 : vector<16xi32>
        tpu.vector_store_idx %arg10[%and3A_4, %add3A_165], %gather3A_161 : memref<4x128xf32, #tpu.memory_space<vmem>>[vector<16xi32>, vector<16xi32>], vector<16xf32>,
        %scan3A_166 = arith.constant 0 : i32
        scf.yield %scan3A_166 : i32
      }
      %scan3A_106 = arith.constant 32 : i32
      "tpu.region"() ({
        %run_scoped3A = tpu.sem_alloc : memref<!tpu.dma_semaphore, #tpu.memory_space<semaphore_mem>>
        %dma_start3A_145 = arith.constant 0 : i32
        %dma_start3A_146 = tpu.memref_slice %arg4[%dma_start3A_145, %select_n3A_95] : memref<4x96128xf32, #tpu.memory_space<hbm>> -> memref<4x128xf32, #tpu.memory_space<hbm>>
        %dma_start3A_147 = arith.constant 0 : i32
        %dma_start3A_148 = tpu.memref_slice %arg4[%dma_start3A_147, %select_n3A_95] : memref<4x96128xf32, #tpu.memory_space<hbm>> -> memref<4x128xf32, #tpu.memory_space<hbm>>
        tpu.enqueue_dma source(%arg10 : memref<4x128xf32, #tpu.memory_space<vmem>>) target(%dma_start3A_148 : memref<4x128xf32, #tpu.memory_space<hbm>>) target_semaphore(%run_scoped3A : memref<!tpu.dma_semaphore, #tpu.memory_space<semaphore_mem>>)
        %dma_wait3A_149 = arith.constant 0 : i32
        %dma_wait3A_150 = tpu.memref_slice %arg4[%dma_wait3A_149, %select_n3A_95] : memref<4x96128xf32, #tpu.memory_space<hbm>> -> memref<4x128xf32, #tpu.memory_space<hbm>>
        %dma_wait3A_151 = arith.constant 0 : i32
        %dma_wait3A_152 = tpu.memref_slice %arg4[%dma_wait3A_151, %select_n3A_95] : memref<4x96128xf32, #tpu.memory_space<hbm>> -> memref<4x128xf32, #tpu.memory_space<hbm>>
        tpu.wait_dma2 semaphore(%run_scoped3A : memref<!tpu.dma_semaphore, #tpu.memory_space<semaphore_mem>>) src(%arg10 : memref<4x128xf32, #tpu.memory_space<vmem>>) dst(%dma_wait3A_152 : memref<4x128xf32, #tpu.memory_space<hbm>>)
        tpu.yield
      }) : () -> ()
      %add3A_107 = arith.constant 2 : i32
      %add3A_108 = arith.addi %mul3A_71, %add3A_107 : i32
      %mul3A_109 = arith.constant 32 : i32
      %mul3A_110 = arith.muli %add3A_108, %mul3A_109 : i32
      %add3A_111 = arith.addi %add3A, %mul3A_110 : i32
      %lt3A_112 = arith.constant 750 : i32
      %lt3A_113 = arith.cmpi slt, %add3A_111, %lt3A_112 : i32
      %mul3A_114 = arith.constant 128 : i32
      %mul3A_115 = arith.muli %add3A_111, %mul3A_114 : i32
      %add3A_116 = arith.constant 0 : i32
      %add3A_117 = arith.addi %add3A_116, %mul3A_115 : i32
      %jit3A_118 = arith.constant 0 : i32
      %select_n3A_119 = arith.select %lt3A_113, %add3A_117, %jit3A_118 : i32
      %dma_start3A_120 = tpu.memref_slice %arg3[%select_n3A_119] : memref<160000xi32, #tpu.memory_space<hbm>> -> memref<128xi32, #tpu.memory_space<hbm>>
      %dma_start3A_121 = tpu.memref_slice %arg3[%select_n3A_119] : memref<160000xi32, #tpu.memory_space<hbm>> -> memref<128xi32, #tpu.memory_space<hbm>>
      tpu.enqueue_dma source(%dma_start3A_121 : memref<128xi32, #tpu.memory_space<hbm>>) target(%arg5 : memref<128xi32, #tpu.memory_space<vmem>>) target_semaphore(%arg7 : memref<!tpu.dma_semaphore, #tpu.memory_space<semaphore_mem>>)
      %add3A_122 = arith.constant 1 : i32
      %add3A_123 = arith.addi %mul3A_71, %add3A_122 : i32
      %mul3A_124 = arith.constant 32 : i32
      %mul3A_125 = arith.muli %add3A_123, %mul3A_124 : i32
      %add3A_126 = arith.addi %add3A, %mul3A_125 : i32
      %lt3A_127 = arith.constant 750 : i32
      %lt3A_128 = arith.cmpi slt, %add3A_126, %lt3A_127 : i32
      %mul3A_129 = arith.constant 128 : i32
      %mul3A_130 = arith.muli %add3A_126, %mul3A_129 : i32
      %jit3A_131 = arith.constant 96000 : i32
      %select_n3A_132 = arith.select %lt3A_128, %mul3A_130, %jit3A_131 : i32
      %dma_wait3A_133 = arith.constant 0 : i32
      %dma_wait3A_134 = tpu.memref_slice %arg3[%dma_wait3A_133] : memref<160000xi32, #tpu.memory_space<hbm>> -> memref<128xi32, #tpu.memory_space<hbm>>
      %dma_wait3A_135 = arith.constant 0 : i32
      %dma_wait3A_136 = tpu.memref_slice %arg3[%dma_wait3A_135] : memref<160000xi32, #tpu.memory_space<hbm>> -> memref<128xi32, #tpu.memory_space<hbm>>
      tpu.wait_dma2 semaphore(%arg8 : memref<!tpu.dma_semaphore, #tpu.memory_space<semaphore_mem>>) src(%dma_wait3A_136 : memref<128xi32, #tpu.memory_space<hbm>>) dst(%arg6 : memref<128xi32, #tpu.memory_space<vmem>>)
      %scan3A_137 = arith.constant 0 : i32
      %scan3A_138 = arith.constant 0 : i32
      %scan3A_139 = arith.constant 32 : i32
      %scan3A_140 = arith.addi %scan3A_138, %scan3A_139 : i32
      %scan3A_141 = arith.constant 1 : i32
      %scan3A_142 = scf.for %scan3A_145 = %scan3A_138 to %scan3A_140 step %scan3A_141 iter_args(%scan3A_146 = %scan3A_137) -> (i32)  : i32 {
        %mul3A_147 = arith.constant 4 : i32
        %mul3A_148 = arith.muli %scan3A_145, %mul3A_147 : i32
        %add3A_149 = vector.broadcast %mul3A_148 : i32 to vector<16xi32>
        %add3A_150 = arith.addi %add3A_149, %shift_right_arithmetic3A_2 : vector<16xi32>
        %gather3A = tpu.vector_load_idx %arg6[%add3A_150] : memref<128xi32, #tpu.memory_space<vmem>>[vector<16xi32>], vector<16xi32>,
        %mul3A_151 = arith.constant 4 : i32
        %mul3A_152 = vector.broadcast %mul3A_151 : i32 to vector<16xi32>
        %mul3A_153 = arith.muli %gather3A, %mul3A_152 : vector<16xi32>
        %add3A_154 = arith.addi %mul3A_153, %and3A_4 : vector<16xi32>
        %shift_right_arithmetic3A_155 = arith.constant 7 : i32
        %shift_right_arithmetic3A_156 = vector.broadcast %shift_right_arithmetic3A_155 : i32 to vector<16xi32>
        %shift_right_arithmetic3A_157 = arith.shrsi %add3A_154, %shift_right_arithmetic3A_156 : vector<16xi32>
        %and3A_158 = arith.constant 127 : i32
        %and3A_159 = vector.broadcast %and3A_158 : i32 to vector<16xi32>
        %and3A_160 = arith.andi %add3A_154, %and3A_159 : vector<16xi32>
        %gather3A_161 = tpu.vector_load_idx %arg9[%shift_right_arithmetic3A_157, %and3A_160] : memref<512x128xf32, #tpu.memory_space<vmem>>[vector<16xi32>, vector<16xi32>], vector<16xf32>,
        %mul3A_162 = arith.constant 4 : i32
        %mul3A_163 = arith.muli %scan3A_145, %mul3A_162 : i32
        %add3A_164 = vector.broadcast %mul3A_163 : i32 to vector<16xi32>
        %add3A_165 = arith.addi %add3A_164, %shift_right_arithmetic3A_2 : vector<16xi32>
        tpu.vector_store_idx %arg10[%and3A_4, %add3A_165], %gather3A_161 : memref<4x128xf32, #tpu.memory_space<vmem>>[vector<16xi32>, vector<16xi32>], vector<16xf32>,
        %scan3A_166 = arith.constant 0 : i32
        scf.yield %scan3A_166 : i32
      }
      %scan3A_143 = arith.constant 32 : i32
      "tpu.region"() ({
        %run_scoped3A = tpu.sem_alloc : memref<!tpu.dma_semaphore, #tpu.memory_space<semaphore_mem>>
        %dma_start3A_145 = arith.constant 0 : i32
        %dma_start3A_146 = tpu.memref_slice %arg4[%dma_start3A_145, %select_n3A_132] : memref<4x96128xf32, #tpu.memory_space<hbm>> -> memref<4x128xf32, #tpu.memory_space<hbm>>
        %dma_start3A_147 = arith.constant 0 : i32
        %dma_start3A_148 = tpu.memref_slice %arg4[%dma_start3A_147, %select_n3A_132] : memref<4x96128xf32, #tpu.memory_space<hbm>> -> memref<4x128xf32, #tpu.memory_space<hbm>>
        tpu.enqueue_dma source(%arg10 : memref<4x128xf32, #tpu.memory_space<vmem>>) target(%dma_start3A_148 : memref<4x128xf32, #tpu.memory_space<hbm>>) target_semaphore(%run_scoped3A : memref<!tpu.dma_semaphore, #tpu.memory_space<semaphore_mem>>)
        %dma_wait3A_149 = arith.constant 0 : i32
        %dma_wait3A_150 = tpu.memref_slice %arg4[%dma_wait3A_149, %select_n3A_132] : memref<4x96128xf32, #tpu.memory_space<hbm>> -> memref<4x128xf32, #tpu.memory_space<hbm>>
        %dma_wait3A_151 = arith.constant 0 : i32
        %dma_wait3A_152 = tpu.memref_slice %arg4[%dma_wait3A_151, %select_n3A_132] : memref<4x96128xf32, #tpu.memory_space<hbm>> -> memref<4x128xf32, #tpu.memory_space<hbm>>
        tpu.wait_dma2 semaphore(%run_scoped3A : memref<!tpu.dma_semaphore, #tpu.memory_space<semaphore_mem>>) src(%arg10 : memref<4x128xf32, #tpu.memory_space<vmem>>) dst(%dma_wait3A_152 : memref<4x128xf32, #tpu.memory_space<hbm>>)
        tpu.yield
      }) : () -> ()
      %scan3A_144 = arith.constant 0 : i32
      scf.yield %scan3A_144 : i32
    }
    %scan3A_18 = arith.constant 11 : i32
    %add3A_19 = arith.constant 736 : i32
    %add3A_20 = arith.addi %add3A, %add3A_19 : i32
    %lt3A_21 = arith.constant 750 : i32
    %lt3A_22 = arith.cmpi slt, %add3A_20, %lt3A_21 : i32
    %mul3A_23 = arith.constant 128 : i32
    %mul3A_24 = arith.muli %add3A_20, %mul3A_23 : i32
    %add3A_25 = arith.constant 0 : i32
    %add3A_26 = arith.addi %add3A_25, %mul3A_24 : i32
    %jit3A_27 = arith.constant 0 : i32
    %select_n3A_28 = arith.select %lt3A_22, %add3A_26, %jit3A_27 : i32
    %dma_start3A_29 = tpu.memref_slice %arg3[%select_n3A_28] : memref<160000xi32, #tpu.memory_space<hbm>> -> memref<128xi32, #tpu.memory_space<hbm>>
    %dma_start3A_30 = tpu.memref_slice %arg3[%select_n3A_28] : memref<160000xi32, #tpu.memory_space<hbm>> -> memref<128xi32, #tpu.memory_space<hbm>>
    tpu.enqueue_dma source(%dma_start3A_30 : memref<128xi32, #tpu.memory_space<hbm>>) target(%arg6 : memref<128xi32, #tpu.memory_space<vmem>>) target_semaphore(%arg8 : memref<!tpu.dma_semaphore, #tpu.memory_space<semaphore_mem>>)
    %add3A_31 = arith.constant 704 : i32
    %add3A_32 = arith.addi %add3A, %add3A_31 : i32
    %lt3A_33 = arith.constant 750 : i32
    %lt3A_34 = arith.cmpi slt, %add3A_32, %lt3A_33 : i32
    %mul3A_35 = arith.constant 128 : i32
    %mul3A_36 = arith.muli %add3A_32, %mul3A_35 : i32
    %jit3A_37 = arith.constant 96000 : i32
    %select_n3A_38 = arith.select %lt3A_34, %mul3A_36, %jit3A_37 : i32
    %dma_wait3A = arith.constant 0 : i32
    %dma_wait3A_39 = tpu.memref_slice %arg3[%dma_wait3A] : memref<160000xi32, #tpu.memory_space<hbm>> -> memref<128xi32, #tpu.memory_space<hbm>>
    %dma_wait3A_40 = arith.constant 0 : i32
    %dma_wait3A_41 = tpu.memref_slice %arg3[%dma_wait3A_40] : memref<160000xi32, #tpu.memory_space<hbm>> -> memref<128xi32, #tpu.memory_space<hbm>>
    tpu.wait_dma2 semaphore(%arg7 : memref<!tpu.dma_semaphore, #tpu.memory_space<semaphore_mem>>) src(%dma_wait3A_41 : memref<128xi32, #tpu.memory_space<hbm>>) dst(%arg5 : memref<128xi32, #tpu.memory_space<vmem>>)
    %scan3A_42 = arith.constant 0 : i32
    %scan3A_43 = arith.constant 0 : i32
    %scan3A_44 = arith.constant 32 : i32
    %scan3A_45 = arith.addi %scan3A_43, %scan3A_44 : i32
    %scan3A_46 = arith.constant 1 : i32
    %scan3A_47 = scf.for %scan3A_68 = %scan3A_43 to %scan3A_45 step %scan3A_46 iter_args(%scan3A_69 = %scan3A_42) -> (i32)  : i32 {
      %mul3A_70 = arith.constant 4 : i32
      %mul3A_71 = arith.muli %scan3A_68, %mul3A_70 : i32
      %add3A_72 = vector.broadcast %mul3A_71 : i32 to vector<16xi32>
      %add3A_73 = arith.addi %add3A_72, %shift_right_arithmetic3A_2 : vector<16xi32>
      %gather3A = tpu.vector_load_idx %arg5[%add3A_73] : memref<128xi32, #tpu.memory_space<vmem>>[vector<16xi32>], vector<16xi32>,
      %mul3A_74 = arith.constant 4 : i32
      %mul3A_75 = vector.broadcast %mul3A_74 : i32 to vector<16xi32>
      %mul3A_76 = arith.muli %gather3A, %mul3A_75 : vector<16xi32>
      %add3A_77 = arith.addi %mul3A_76, %and3A_4 : vector<16xi32>
      %shift_right_arithmetic3A_78 = arith.constant 7 : i32
      %shift_right_arithmetic3A_79 = vector.broadcast %shift_right_arithmetic3A_78 : i32 to vector<16xi32>
      %shift_right_arithmetic3A_80 = arith.shrsi %add3A_77, %shift_right_arithmetic3A_79 : vector<16xi32>
      %and3A_81 = arith.constant 127 : i32
      %and3A_82 = vector.broadcast %and3A_81 : i32 to vector<16xi32>
      %and3A_83 = arith.andi %add3A_77, %and3A_82 : vector<16xi32>
      %gather3A_84 = tpu.vector_load_idx %arg9[%shift_right_arithmetic3A_80, %and3A_83] : memref<512x128xf32, #tpu.memory_space<vmem>>[vector<16xi32>, vector<16xi32>], vector<16xf32>,
      %mul3A_85 = arith.constant 4 : i32
      %mul3A_86 = arith.muli %scan3A_68, %mul3A_85 : i32
      %add3A_87 = vector.broadcast %mul3A_86 : i32 to vector<16xi32>
      %add3A_88 = arith.addi %add3A_87, %shift_right_arithmetic3A_2 : vector<16xi32>
      tpu.vector_store_idx %arg10[%and3A_4, %add3A_88], %gather3A_84 : memref<4x128xf32, #tpu.memory_space<vmem>>[vector<16xi32>, vector<16xi32>], vector<16xf32>,
      %scan3A_89 = arith.constant 0 : i32
      scf.yield %scan3A_89 : i32
    }
    %scan3A_48 = arith.constant 32 : i32
    "tpu.region"() ({
      %run_scoped3A = tpu.sem_alloc : memref<!tpu.dma_semaphore, #tpu.memory_space<semaphore_mem>>
      %dma_start3A_68 = arith.constant 0 : i32
      %dma_start3A_69 = tpu.memref_slice %arg4[%dma_start3A_68, %select_n3A_38] : memref<4x96128xf32, #tpu.memory_space<hbm>> -> memref<4x128xf32, #tpu.memory_space<hbm>>
      %dma_start3A_70 = arith.constant 0 : i32
      %dma_start3A_71 = tpu.memref_slice %arg4[%dma_start3A_70, %select_n3A_38] : memref<4x96128xf32, #tpu.memory_space<hbm>> -> memref<4x128xf32, #tpu.memory_space<hbm>>
      tpu.enqueue_dma source(%arg10 : memref<4x128xf32, #tpu.memory_space<vmem>>) target(%dma_start3A_71 : memref<4x128xf32, #tpu.memory_space<hbm>>) target_semaphore(%run_scoped3A : memref<!tpu.dma_semaphore, #tpu.memory_space<semaphore_mem>>)
      %dma_wait3A_72 = arith.constant 0 : i32
      %dma_wait3A_73 = tpu.memref_slice %arg4[%dma_wait3A_72, %select_n3A_38] : memref<4x96128xf32, #tpu.memory_space<hbm>> -> memref<4x128xf32, #tpu.memory_space<hbm>>
      %dma_wait3A_74 = arith.constant 0 : i32
      %dma_wait3A_75 = tpu.memref_slice %arg4[%dma_wait3A_74, %select_n3A_38] : memref<4x96128xf32, #tpu.memory_space<hbm>> -> memref<4x128xf32, #tpu.memory_space<hbm>>
      tpu.wait_dma2 semaphore(%run_scoped3A : memref<!tpu.dma_semaphore, #tpu.memory_space<semaphore_mem>>) src(%arg10 : memref<4x128xf32, #tpu.memory_space<vmem>>) dst(%dma_wait3A_75 : memref<4x128xf32, #tpu.memory_space<hbm>>)
      tpu.yield
    }) : () -> ()
    %add3A_49 = arith.constant 736 : i32
    %add3A_50 = arith.addi %add3A, %add3A_49 : i32
    %lt3A_51 = arith.constant 750 : i32
    %lt3A_52 = arith.cmpi slt, %add3A_50, %lt3A_51 : i32
    %mul3A_53 = arith.constant 128 : i32
    %mul3A_54 = arith.muli %add3A_50, %mul3A_53 : i32
    %jit3A_55 = arith.constant 96000 : i32
    %select_n3A_56 = arith.select %lt3A_52, %mul3A_54, %jit3A_55 : i32
    %dma_wait3A_57 = arith.constant 0 : i32
    %dma_wait3A_58 = tpu.memref_slice %arg3[%dma_wait3A_57] : memref<160000xi32, #tpu.memory_space<hbm>> -> memref<128xi32, #tpu.memory_space<hbm>>
    %dma_wait3A_59 = arith.constant 0 : i32
    %dma_wait3A_60 = tpu.memref_slice %arg3[%dma_wait3A_59] : memref<160000xi32, #tpu.memory_space<hbm>> -> memref<128xi32, #tpu.memory_space<hbm>>
    tpu.wait_dma2 semaphore(%arg8 : memref<!tpu.dma_semaphore, #tpu.memory_space<semaphore_mem>>) src(%dma_wait3A_60 : memref<128xi32, #tpu.memory_space<hbm>>) dst(%arg6 : memref<128xi32, #tpu.memory_space<vmem>>)
    %scan3A_61 = arith.constant 0 : i32
    %scan3A_62 = arith.constant 0 : i32
    %scan3A_63 = arith.constant 32 : i32
    %scan3A_64 = arith.addi %scan3A_62, %scan3A_63 : i32
    %scan3A_65 = arith.constant 1 : i32
    %scan3A_66 = scf.for %scan3A_68 = %scan3A_62 to %scan3A_64 step %scan3A_65 iter_args(%scan3A_69 = %scan3A_61) -> (i32)  : i32 {
      %mul3A_70 = arith.constant 4 : i32
      %mul3A_71 = arith.muli %scan3A_68, %mul3A_70 : i32
      %add3A_72 = vector.broadcast %mul3A_71 : i32 to vector<16xi32>
      %add3A_73 = arith.addi %add3A_72, %shift_right_arithmetic3A_2 : vector<16xi32>
      %gather3A = tpu.vector_load_idx %arg6[%add3A_73] : memref<128xi32, #tpu.memory_space<vmem>>[vector<16xi32>], vector<16xi32>,
      %mul3A_74 = arith.constant 4 : i32
      %mul3A_75 = vector.broadcast %mul3A_74 : i32 to vector<16xi32>
      %mul3A_76 = arith.muli %gather3A, %mul3A_75 : vector<16xi32>
      %add3A_77 = arith.addi %mul3A_76, %and3A_4 : vector<16xi32>
      %shift_right_arithmetic3A_78 = arith.constant 7 : i32
      %shift_right_arithmetic3A_79 = vector.broadcast %shift_right_arithmetic3A_78 : i32 to vector<16xi32>
      %shift_right_arithmetic3A_80 = arith.shrsi %add3A_77, %shift_right_arithmetic3A_79 : vector<16xi32>
      %and3A_81 = arith.constant 127 : i32
      %and3A_82 = vector.broadcast %and3A_81 : i32 to vector<16xi32>
      %and3A_83 = arith.andi %add3A_77, %and3A_82 : vector<16xi32>
      %gather3A_84 = tpu.vector_load_idx %arg9[%shift_right_arithmetic3A_80, %and3A_83] : memref<512x128xf32, #tpu.memory_space<vmem>>[vector<16xi32>, vector<16xi32>], vector<16xf32>,
      %mul3A_85 = arith.constant 4 : i32
      %mul3A_86 = arith.muli %scan3A_68, %mul3A_85 : i32
      %add3A_87 = vector.broadcast %mul3A_86 : i32 to vector<16xi32>
      %add3A_88 = arith.addi %add3A_87, %shift_right_arithmetic3A_2 : vector<16xi32>
      tpu.vector_store_idx %arg10[%and3A_4, %add3A_88], %gather3A_84 : memref<4x128xf32, #tpu.memory_space<vmem>>[vector<16xi32>, vector<16xi32>], vector<16xf32>,
      %scan3A_89 = arith.constant 0 : i32
      scf.yield %scan3A_89 : i32
    }
    %scan3A_67 = arith.constant 32 : i32
    "tpu.region"() ({
      %run_scoped3A = tpu.sem_alloc : memref<!tpu.dma_semaphore, #tpu.memory_space<semaphore_mem>>
      %dma_start3A_68 = arith.constant 0 : i32
      %dma_start3A_69 = tpu.memref_slice %arg4[%dma_start3A_68, %select_n3A_56] : memref<4x96128xf32, #tpu.memory_space<hbm>> -> memref<4x128xf32, #tpu.memory_space<hbm>>
      %dma_start3A_70 = arith.constant 0 : i32
      %dma_start3A_71 = tpu.memref_slice %arg4[%dma_start3A_70, %select_n3A_56] : memref<4x96128xf32, #tpu.memory_space<hbm>> -> memref<4x128xf32, #tpu.memory_space<hbm>>
      tpu.enqueue_dma source(%arg10 : memref<4x128xf32, #tpu.memory_space<vmem>>) target(%dma_start3A_71 : memref<4x128xf32, #tpu.memory_space<hbm>>) target_semaphore(%run_scoped3A : memref<!tpu.dma_semaphore, #tpu.memory_space<semaphore_mem>>)
      %dma_wait3A_72 = arith.constant 0 : i32
      %dma_wait3A_73 = tpu.memref_slice %arg4[%dma_wait3A_72, %select_n3A_56] : memref<4x96128xf32, #tpu.memory_space<hbm>> -> memref<4x128xf32, #tpu.memory_space<hbm>>
      %dma_wait3A_74 = arith.constant 0 : i32
      %dma_wait3A_75 = tpu.memref_slice %arg4[%dma_wait3A_74, %select_n3A_56] : memref<4x96128xf32, #tpu.memory_space<hbm>> -> memref<4x128xf32, #tpu.memory_space<hbm>>
      tpu.wait_dma2 semaphore(%run_scoped3A : memref<!tpu.dma_semaphore, #tpu.memory_space<semaphore_mem>>) src(%arg10 : memref<4x128xf32, #tpu.memory_space<vmem>>) dst(%dma_wait3A_75 : memref<4x128xf32, #tpu.memory_space<hbm>>)
      tpu.yield
    }) : () -> ()
    return
  }
}

#map = affine_map<(d0, d1) -> (0, 0)>
#map1 = affine_map<(d0, d1) -> (0, 0, 0)>
module attributes {stable_mosaic.version = 14 : i64} {
  func.func @body(%arg0: i32, %arg1: i32, %arg2: memref<64000x128xf32, #tpu.memory_space<hbm>>, %arg3: memref<32x50x40xi32, #tpu.memory_space<hbm>>, %arg4: memref<10240x128xf32, #tpu.memory_space<hbm>>, %arg5: memref<20480x128xf32, #tpu.memory_space<hbm>>, %arg6: memref<50x40xi32, #tpu.memory_space<vmem>>, %arg7: memref<40x128xf32, #tpu.memory_space<vmem>>, %arg8: memref<40x128xf32, #tpu.memory_space<vmem>>, %arg9: memref<!tpu.dma_semaphore, #tpu.memory_space<semaphore_mem>>, %arg10: memref<!tpu.dma_semaphore, #tpu.memory_space<semaphore_mem>>, %arg11: memref<10240x128xf32, #tpu.memory_space<vmem_shared>>) attributes {dimension_semantics = [#tpu.dimension_semantics<core_parallel>, #tpu.dimension_semantics<subcore_parallel>], iteration_bounds = array<i64: 2, 16>, scalar_prefetch = 0 : i64, scratch_operands = 6 : i64, tpu.core_type = #tpu.core_type<sc_vector_subcore>, window_params = [{transform_indices = #map}, {transform_indices = #map1}, {transform_indices = #map}, {transform_indices = #map}]} {
    %mul3A = arith.constant 16 : i32
    %mul3A_0 = arith.muli %arg0, %mul3A : i32
    %add3A = arith.addi %mul3A_0, %arg1 : i32
    %mul3A_1 = arith.constant 50 : i32
    %mul3A_2 = arith.muli %add3A, %mul3A_1 : i32
    %mul3A_3 = arith.constant 40 : i32
    %mul3A_4 = arith.muli %mul3A_2, %mul3A_3 : i32
    %mul3A_5 = arith.constant 640 : i32
    %mul3A_6 = arith.muli %arg1, %mul3A_5 : i32
    %mul3A_7 = arith.constant 640 : i32
    %mul3A_8 = arith.muli %arg1, %mul3A_7 : i32
    "tpu.region"() ({
      %run_scoped3A_46 = tpu.sem_alloc : memref<!tpu.dma_semaphore, #tpu.memory_space<semaphore_mem>>
      %dma_start3A_47 = arith.constant 0 : i32
      %dma_start3A_48 = tpu.memref_slice %arg11[%mul3A_8, %dma_start3A_47] : memref<10240x128xf32, #tpu.memory_space<vmem_shared>> -> memref<640x128xf32, #tpu.memory_space<vmem_shared>>
      %dma_start3A_49 = arith.constant 0 : i32
      %dma_start3A_50 = tpu.memref_slice %arg4[%mul3A_6, %dma_start3A_49] : memref<10240x128xf32, #tpu.memory_space<hbm>> -> memref<640x128xf32, #tpu.memory_space<hbm>>
      tpu.enqueue_dma source(%dma_start3A_50 : memref<640x128xf32, #tpu.memory_space<hbm>>) target(%dma_start3A_48 : memref<640x128xf32, #tpu.memory_space<vmem_shared>>) target_semaphore(%run_scoped3A_46 : memref<!tpu.dma_semaphore, #tpu.memory_space<semaphore_mem>>)
      %dma_wait3A_51 = arith.constant 0 : i32
      %dma_wait3A_52 = tpu.memref_slice %arg11[%mul3A_8, %dma_wait3A_51] : memref<10240x128xf32, #tpu.memory_space<vmem_shared>> -> memref<640x128xf32, #tpu.memory_space<vmem_shared>>
      %dma_wait3A_53 = arith.constant 0 : i32
      %dma_wait3A_54 = tpu.memref_slice %arg4[%mul3A_6, %dma_wait3A_53] : memref<10240x128xf32, #tpu.memory_space<hbm>> -> memref<640x128xf32, #tpu.memory_space<hbm>>
      tpu.wait_dma2 semaphore(%run_scoped3A_46 : memref<!tpu.dma_semaphore, #tpu.memory_space<semaphore_mem>>) src(%dma_wait3A_54 : memref<640x128xf32, #tpu.memory_space<hbm>>) dst(%dma_wait3A_52 : memref<640x128xf32, #tpu.memory_space<vmem_shared>>)
      tpu.yield
    }) : () -> ()
    "tpu.region"() ({
      %run_scoped3A_46 = tpu.sem_alloc : memref<!tpu.dma_semaphore, #tpu.memory_space<semaphore_mem>>
      %dma_start3A_47 = arith.constant 0 : i32
      %dma_start3A_48 = arith.constant 0 : i32
      %dma_start3A_49 = tpu.memref_slice %arg3[%add3A, %dma_start3A_47, %dma_start3A_48] : memref<32x50x40xi32, #tpu.memory_space<hbm>> -> memref<1x50x40xi32, #tpu.memory_space<hbm>>
      %dma_start3A_50 = tpu.memref_squeeze %dma_start3A_49 : memref<1x50x40xi32, #tpu.memory_space<hbm>> -> memref<50x40xi32, #tpu.memory_space<hbm>>
      %dma_start3A_51 = arith.constant 0 : i32
      %dma_start3A_52 = arith.constant 0 : i32
      %dma_start3A_53 = tpu.memref_slice %arg3[%add3A, %dma_start3A_51, %dma_start3A_52] : memref<32x50x40xi32, #tpu.memory_space<hbm>> -> memref<1x50x40xi32, #tpu.memory_space<hbm>>
      %dma_start3A_54 = tpu.memref_squeeze %dma_start3A_53 : memref<1x50x40xi32, #tpu.memory_space<hbm>> -> memref<50x40xi32, #tpu.memory_space<hbm>>
      tpu.enqueue_dma source(%dma_start3A_54 : memref<50x40xi32, #tpu.memory_space<hbm>>) target(%arg6 : memref<50x40xi32, #tpu.memory_space<vmem>>) target_semaphore(%run_scoped3A_46 : memref<!tpu.dma_semaphore, #tpu.memory_space<semaphore_mem>>)
      %dma_wait3A_55 = arith.constant 0 : i32
      %dma_wait3A_56 = arith.constant 0 : i32
      %dma_wait3A_57 = tpu.memref_slice %arg3[%add3A, %dma_wait3A_55, %dma_wait3A_56] : memref<32x50x40xi32, #tpu.memory_space<hbm>> -> memref<1x50x40xi32, #tpu.memory_space<hbm>>
      %dma_wait3A_58 = tpu.memref_squeeze %dma_wait3A_57 : memref<1x50x40xi32, #tpu.memory_space<hbm>> -> memref<50x40xi32, #tpu.memory_space<hbm>>
      %dma_wait3A_59 = arith.constant 0 : i32
      %dma_wait3A_60 = arith.constant 0 : i32
      %dma_wait3A_61 = tpu.memref_slice %arg3[%add3A, %dma_wait3A_59, %dma_wait3A_60] : memref<32x50x40xi32, #tpu.memory_space<hbm>> -> memref<1x50x40xi32, #tpu.memory_space<hbm>>
      %dma_wait3A_62 = tpu.memref_squeeze %dma_wait3A_61 : memref<1x50x40xi32, #tpu.memory_space<hbm>> -> memref<50x40xi32, #tpu.memory_space<hbm>>
      tpu.wait_dma2 semaphore(%run_scoped3A_46 : memref<!tpu.dma_semaphore, #tpu.memory_space<semaphore_mem>>) src(%dma_wait3A_62 : memref<50x40xi32, #tpu.memory_space<hbm>>) dst(%arg6 : memref<50x40xi32, #tpu.memory_space<vmem>>)
      tpu.yield
    }) : () -> ()
    %barrier3A = arith.constant 0 : index
    tpu.barrier barrier_id(%barrier3A)
    %add3A_9 = arith.constant 0 : i32
    %add3A_10 = arith.addi %mul3A_4, %add3A_9 : i32
    %dma_start3A = arith.constant 0 : i32
    %dma_start3A_11 = tpu.memref_slice %arg2[%add3A_10, %dma_start3A] : memref<64000x128xf32, #tpu.memory_space<hbm>> -> memref<40x128xf32, #tpu.memory_space<hbm>>
    %dma_start3A_12 = arith.constant 0 : i32
    %dma_start3A_13 = tpu.memref_slice %arg2[%add3A_10, %dma_start3A_12] : memref<64000x128xf32, #tpu.memory_space<hbm>> -> memref<40x128xf32, #tpu.memory_space<hbm>>
    tpu.enqueue_dma source(%dma_start3A_13 : memref<40x128xf32, #tpu.memory_space<hbm>>) target(%arg7 : memref<40x128xf32, #tpu.memory_space<vmem>>) target_semaphore(%arg9 : memref<!tpu.dma_semaphore, #tpu.memory_space<semaphore_mem>>)
    %scan3A = arith.constant 0 : i32
    %scan3A_14 = arith.constant 0 : i32
    %scan3A_15 = arith.constant 24 : i32
    %scan3A_16 = arith.addi %scan3A_14, %scan3A_15 : i32
    %scan3A_17 = arith.constant 1 : i32
    %scan3A_18 = scf.for %scan3A_46 = %scan3A_14 to %scan3A_16 step %scan3A_17 iter_args(%scan3A_47 = %scan3A) -> (i32)  : i32 {
      %mul3A_48 = arith.constant 2 : i32
      %mul3A_49 = arith.muli %mul3A_48, %scan3A_46 : i32
      %add3A_50 = arith.constant 1 : i32
      %add3A_51 = arith.addi %mul3A_49, %add3A_50 : i32
      %mul3A_52 = arith.constant 40 : i32
      %mul3A_53 = arith.muli %add3A_51, %mul3A_52 : i32
      %add3A_54 = arith.addi %mul3A_4, %mul3A_53 : i32
      %dma_start3A_55 = arith.constant 0 : i32
      %dma_start3A_56 = tpu.memref_slice %arg2[%add3A_54, %dma_start3A_55] : memref<64000x128xf32, #tpu.memory_space<hbm>> -> memref<40x128xf32, #tpu.memory_space<hbm>>
      %dma_start3A_57 = arith.constant 0 : i32
      %dma_start3A_58 = tpu.memref_slice %arg2[%add3A_54, %dma_start3A_57] : memref<64000x128xf32, #tpu.memory_space<hbm>> -> memref<40x128xf32, #tpu.memory_space<hbm>>
      tpu.enqueue_dma source(%dma_start3A_58 : memref<40x128xf32, #tpu.memory_space<hbm>>) target(%arg8 : memref<40x128xf32, #tpu.memory_space<vmem>>) target_semaphore(%arg10 : memref<!tpu.dma_semaphore, #tpu.memory_space<semaphore_mem>>)
      %dma_wait3A_59 = arith.constant 0 : i32
      %dma_wait3A_60 = arith.constant 0 : i32
      %dma_wait3A_61 = tpu.memref_slice %arg2[%dma_wait3A_59, %dma_wait3A_60] : memref<64000x128xf32, #tpu.memory_space<hbm>> -> memref<40x128xf32, #tpu.memory_space<hbm>>
      %dma_wait3A_62 = arith.constant 0 : i32
      %dma_wait3A_63 = arith.constant 0 : i32
      %dma_wait3A_64 = tpu.memref_slice %arg2[%dma_wait3A_62, %dma_wait3A_63] : memref<64000x128xf32, #tpu.memory_space<hbm>> -> memref<40x128xf32, #tpu.memory_space<hbm>>
      tpu.wait_dma2 semaphore(%arg9 : memref<!tpu.dma_semaphore, #tpu.memory_space<semaphore_mem>>) src(%dma_wait3A_64 : memref<40x128xf32, #tpu.memory_space<hbm>>) dst(%arg7 : memref<40x128xf32, #tpu.memory_space<vmem>>)
      "tpu.region"() ({
        %run_scoped3A_83 = tpu.sem_alloc : memref<!tpu.dma_semaphore, #tpu.memory_space<semaphore_mem>>
        %dma_start3A_84 = arith.constant 0 : i32
        %dma_start3A_85 = tpu.memref_slice %arg6[%mul3A_49, %dma_start3A_84] : memref<50x40xi32, #tpu.memory_space<vmem>> -> memref<1x40xi32, #tpu.memory_space<vmem>>
        %dma_start3A_86 = tpu.memref_squeeze %dma_start3A_85 : memref<1x40xi32, #tpu.memory_space<vmem>> -> memref<40xi32, #tpu.memory_space<vmem>>
        %dma_start3A_87 = arith.constant 0 : i32
        %dma_start3A_88 = arith.constant 0 : i32
        %dma_start3A_89 = tpu.memref_slice %arg11[%dma_start3A_87, %dma_start3A_88] : memref<10240x128xf32, #tpu.memory_space<vmem_shared>> -> memref<10240x128xf32, #tpu.memory_space<vmem_shared>>
        tpu.enqueue_indirect_dma source(%arg7 : memref<40x128xf32, #tpu.memory_space<vmem>>) target(%dma_start3A_89 : memref<10240x128xf32, #tpu.memory_space<vmem_shared>>) offsets(%dma_start3A_86 : memref<40xi32, #tpu.memory_space<vmem>>) semaphore(%run_scoped3A_83 : memref<!tpu.dma_semaphore, #tpu.memory_space<semaphore_mem>>) {add = true}
        %dma_wait3A_90 = arith.constant 0 : i32
        %dma_wait3A_91 = tpu.memref_slice %arg6[%mul3A_49, %dma_wait3A_90] : memref<50x40xi32, #tpu.memory_space<vmem>> -> memref<1x40xi32, #tpu.memory_space<vmem>>
        %dma_wait3A_92 = tpu.memref_squeeze %dma_wait3A_91 : memref<1x40xi32, #tpu.memory_space<vmem>> -> memref<40xi32, #tpu.memory_space<vmem>>
        %dma_wait3A_93 = arith.constant 0 : i32
        %dma_wait3A_94 = arith.constant 0 : i32
        %dma_wait3A_95 = tpu.memref_slice %arg11[%dma_wait3A_93, %dma_wait3A_94] : memref<10240x128xf32, #tpu.memory_space<vmem_shared>> -> memref<10240x128xf32, #tpu.memory_space<vmem_shared>>
        tpu.wait_indirect_dma semaphore(%run_scoped3A_83 : memref<!tpu.dma_semaphore, #tpu.memory_space<semaphore_mem>>) src(%arg7 : memref<40x128xf32, #tpu.memory_space<vmem>>) dst(%dma_wait3A_95 : memref<10240x128xf32, #tpu.memory_space<vmem_shared>>)
        tpu.yield
      }) : () -> ()
      %add3A_65 = arith.constant 2 : i32
      %add3A_66 = arith.addi %mul3A_49, %add3A_65 : i32
      %mul3A_67 = arith.constant 40 : i32
      %mul3A_68 = arith.muli %add3A_66, %mul3A_67 : i32
      %add3A_69 = arith.addi %mul3A_4, %mul3A_68 : i32
      %dma_start3A_70 = arith.constant 0 : i32
      %dma_start3A_71 = tpu.memref_slice %arg2[%add3A_69, %dma_start3A_70] : memref<64000x128xf32, #tpu.memory_space<hbm>> -> memref<40x128xf32, #tpu.memory_space<hbm>>
      %dma_start3A_72 = arith.constant 0 : i32
      %dma_start3A_73 = tpu.memref_slice %arg2[%add3A_69, %dma_start3A_72] : memref<64000x128xf32, #tpu.memory_space<hbm>> -> memref<40x128xf32, #tpu.memory_space<hbm>>
      tpu.enqueue_dma source(%dma_start3A_73 : memref<40x128xf32, #tpu.memory_space<hbm>>) target(%arg7 : memref<40x128xf32, #tpu.memory_space<vmem>>) target_semaphore(%arg9 : memref<!tpu.dma_semaphore, #tpu.memory_space<semaphore_mem>>)
      %add3A_74 = arith.constant 1 : i32
      %add3A_75 = arith.addi %mul3A_49, %add3A_74 : i32
      %dma_wait3A_76 = arith.constant 0 : i32
      %dma_wait3A_77 = arith.constant 0 : i32
      %dma_wait3A_78 = tpu.memref_slice %arg2[%dma_wait3A_76, %dma_wait3A_77] : memref<64000x128xf32, #tpu.memory_space<hbm>> -> memref<40x128xf32, #tpu.memory_space<hbm>>
      %dma_wait3A_79 = arith.constant 0 : i32
      %dma_wait3A_80 = arith.constant 0 : i32
      %dma_wait3A_81 = tpu.memref_slice %arg2[%dma_wait3A_79, %dma_wait3A_80] : memref<64000x128xf32, #tpu.memory_space<hbm>> -> memref<40x128xf32, #tpu.memory_space<hbm>>
      tpu.wait_dma2 semaphore(%arg10 : memref<!tpu.dma_semaphore, #tpu.memory_space<semaphore_mem>>) src(%dma_wait3A_81 : memref<40x128xf32, #tpu.memory_space<hbm>>) dst(%arg8 : memref<40x128xf32, #tpu.memory_space<vmem>>)
      "tpu.region"() ({
        %run_scoped3A_83 = tpu.sem_alloc : memref<!tpu.dma_semaphore, #tpu.memory_space<semaphore_mem>>
        %dma_start3A_84 = arith.constant 0 : i32
        %dma_start3A_85 = tpu.memref_slice %arg6[%add3A_75, %dma_start3A_84] : memref<50x40xi32, #tpu.memory_space<vmem>> -> memref<1x40xi32, #tpu.memory_space<vmem>>
        %dma_start3A_86 = tpu.memref_squeeze %dma_start3A_85 : memref<1x40xi32, #tpu.memory_space<vmem>> -> memref<40xi32, #tpu.memory_space<vmem>>
        %dma_start3A_87 = arith.constant 0 : i32
        %dma_start3A_88 = arith.constant 0 : i32
        %dma_start3A_89 = tpu.memref_slice %arg11[%dma_start3A_87, %dma_start3A_88] : memref<10240x128xf32, #tpu.memory_space<vmem_shared>> -> memref<10240x128xf32, #tpu.memory_space<vmem_shared>>
        tpu.enqueue_indirect_dma source(%arg8 : memref<40x128xf32, #tpu.memory_space<vmem>>) target(%dma_start3A_89 : memref<10240x128xf32, #tpu.memory_space<vmem_shared>>) offsets(%dma_start3A_86 : memref<40xi32, #tpu.memory_space<vmem>>) semaphore(%run_scoped3A_83 : memref<!tpu.dma_semaphore, #tpu.memory_space<semaphore_mem>>) {add = true}
        %dma_wait3A_90 = arith.constant 0 : i32
        %dma_wait3A_91 = tpu.memref_slice %arg6[%add3A_75, %dma_wait3A_90] : memref<50x40xi32, #tpu.memory_space<vmem>> -> memref<1x40xi32, #tpu.memory_space<vmem>>
        %dma_wait3A_92 = tpu.memref_squeeze %dma_wait3A_91 : memref<1x40xi32, #tpu.memory_space<vmem>> -> memref<40xi32, #tpu.memory_space<vmem>>
        %dma_wait3A_93 = arith.constant 0 : i32
        %dma_wait3A_94 = arith.constant 0 : i32
        %dma_wait3A_95 = tpu.memref_slice %arg11[%dma_wait3A_93, %dma_wait3A_94] : memref<10240x128xf32, #tpu.memory_space<vmem_shared>> -> memref<10240x128xf32, #tpu.memory_space<vmem_shared>>
        tpu.wait_indirect_dma semaphore(%run_scoped3A_83 : memref<!tpu.dma_semaphore, #tpu.memory_space<semaphore_mem>>) src(%arg8 : memref<40x128xf32, #tpu.memory_space<vmem>>) dst(%dma_wait3A_95 : memref<10240x128xf32, #tpu.memory_space<vmem_shared>>)
        tpu.yield
      }) : () -> ()
      %scan3A_82 = arith.constant 0 : i32
      scf.yield %scan3A_82 : i32
    }
    %scan3A_19 = arith.constant 24 : i32
    %add3A_20 = arith.constant 1960 : i32
    %add3A_21 = arith.addi %mul3A_4, %add3A_20 : i32
    %dma_start3A_22 = arith.constant 0 : i32
    %dma_start3A_23 = tpu.memref_slice %arg2[%add3A_21, %dma_start3A_22] : memref<64000x128xf32, #tpu.memory_space<hbm>> -> memref<40x128xf32, #tpu.memory_space<hbm>>
    %dma_start3A_24 = arith.constant 0 : i32
    %dma_start3A_25 = tpu.memref_slice %arg2[%add3A_21, %dma_start3A_24] : memref<64000x128xf32, #tpu.memory_space<hbm>> -> memref<40x128xf32, #tpu.memory_space<hbm>>
    tpu.enqueue_dma source(%dma_start3A_25 : memref<40x128xf32, #tpu.memory_space<hbm>>) target(%arg8 : memref<40x128xf32, #tpu.memory_space<vmem>>) target_semaphore(%arg10 : memref<!tpu.dma_semaphore, #tpu.memory_space<semaphore_mem>>)
    %dma_wait3A = arith.constant 0 : i32
    %dma_wait3A_26 = arith.constant 0 : i32
    %dma_wait3A_27 = tpu.memref_slice %arg2[%dma_wait3A, %dma_wait3A_26] : memref<64000x128xf32, #tpu.memory_space<hbm>> -> memref<40x128xf32, #tpu.memory_space<hbm>>
    %dma_wait3A_28 = arith.constant 0 : i32
    %dma_wait3A_29 = arith.constant 0 : i32
    %dma_wait3A_30 = tpu.memref_slice %arg2[%dma_wait3A_28, %dma_wait3A_29] : memref<64000x128xf32, #tpu.memory_space<hbm>> -> memref<40x128xf32, #tpu.memory_space<hbm>>
    tpu.wait_dma2 semaphore(%arg9 : memref<!tpu.dma_semaphore, #tpu.memory_space<semaphore_mem>>) src(%dma_wait3A_30 : memref<40x128xf32, #tpu.memory_space<hbm>>) dst(%arg7 : memref<40x128xf32, #tpu.memory_space<vmem>>)
    %run_scoped3A = arith.constant 48 : i32
    "tpu.region"() ({
      %run_scoped3A_46 = tpu.sem_alloc : memref<!tpu.dma_semaphore, #tpu.memory_space<semaphore_mem>>
      %dma_start3A_47 = arith.constant 0 : i32
      %dma_start3A_48 = tpu.memref_slice %arg6[%run_scoped3A, %dma_start3A_47] : memref<50x40xi32, #tpu.memory_space<vmem>> -> memref<1x40xi32, #tpu.memory_space<vmem>>
      %dma_start3A_49 = tpu.memref_squeeze %dma_start3A_48 : memref<1x40xi32, #tpu.memory_space<vmem>> -> memref<40xi32, #tpu.memory_space<vmem>>
      %dma_start3A_50 = arith.constant 0 : i32
      %dma_start3A_51 = arith.constant 0 : i32
      %dma_start3A_52 = tpu.memref_slice %arg11[%dma_start3A_50, %dma_start3A_51] : memref<10240x128xf32, #tpu.memory_space<vmem_shared>> -> memref<10240x128xf32, #tpu.memory_space<vmem_shared>>
      tpu.enqueue_indirect_dma source(%arg7 : memref<40x128xf32, #tpu.memory_space<vmem>>) target(%dma_start3A_52 : memref<10240x128xf32, #tpu.memory_space<vmem_shared>>) offsets(%dma_start3A_49 : memref<40xi32, #tpu.memory_space<vmem>>) semaphore(%run_scoped3A_46 : memref<!tpu.dma_semaphore, #tpu.memory_space<semaphore_mem>>) {add = true}
      %dma_wait3A_53 = arith.constant 0 : i32
      %dma_wait3A_54 = tpu.memref_slice %arg6[%run_scoped3A, %dma_wait3A_53] : memref<50x40xi32, #tpu.memory_space<vmem>> -> memref<1x40xi32, #tpu.memory_space<vmem>>
      %dma_wait3A_55 = tpu.memref_squeeze %dma_wait3A_54 : memref<1x40xi32, #tpu.memory_space<vmem>> -> memref<40xi32, #tpu.memory_space<vmem>>
      %dma_wait3A_56 = arith.constant 0 : i32
      %dma_wait3A_57 = arith.constant 0 : i32
      %dma_wait3A_58 = tpu.memref_slice %arg11[%dma_wait3A_56, %dma_wait3A_57] : memref<10240x128xf32, #tpu.memory_space<vmem_shared>> -> memref<10240x128xf32, #tpu.memory_space<vmem_shared>>
      tpu.wait_indirect_dma semaphore(%run_scoped3A_46 : memref<!tpu.dma_semaphore, #tpu.memory_space<semaphore_mem>>) src(%arg7 : memref<40x128xf32, #tpu.memory_space<vmem>>) dst(%dma_wait3A_58 : memref<10240x128xf32, #tpu.memory_space<vmem_shared>>)
      tpu.yield
    }) : () -> ()
    %dma_wait3A_31 = arith.constant 0 : i32
    %dma_wait3A_32 = arith.constant 0 : i32
    %dma_wait3A_33 = tpu.memref_slice %arg2[%dma_wait3A_31, %dma_wait3A_32] : memref<64000x128xf32, #tpu.memory_space<hbm>> -> memref<40x128xf32, #tpu.memory_space<hbm>>
    %dma_wait3A_34 = arith.constant 0 : i32
    %dma_wait3A_35 = arith.constant 0 : i32
    %dma_wait3A_36 = tpu.memref_slice %arg2[%dma_wait3A_34, %dma_wait3A_35] : memref<64000x128xf32, #tpu.memory_space<hbm>> -> memref<40x128xf32, #tpu.memory_space<hbm>>
    tpu.wait_dma2 semaphore(%arg10 : memref<!tpu.dma_semaphore, #tpu.memory_space<semaphore_mem>>) src(%dma_wait3A_36 : memref<40x128xf32, #tpu.memory_space<hbm>>) dst(%arg8 : memref<40x128xf32, #tpu.memory_space<vmem>>)
    %run_scoped3A_37 = arith.constant 49 : i32
    "tpu.region"() ({
      %run_scoped3A_46 = tpu.sem_alloc : memref<!tpu.dma_semaphore, #tpu.memory_space<semaphore_mem>>
      %dma_start3A_47 = arith.constant 0 : i32
      %dma_start3A_48 = tpu.memref_slice %arg6[%run_scoped3A_37, %dma_start3A_47] : memref<50x40xi32, #tpu.memory_space<vmem>> -> memref<1x40xi32, #tpu.memory_space<vmem>>
      %dma_start3A_49 = tpu.memref_squeeze %dma_start3A_48 : memref<1x40xi32, #tpu.memory_space<vmem>> -> memref<40xi32, #tpu.memory_space<vmem>>
      %dma_start3A_50 = arith.constant 0 : i32
      %dma_start3A_51 = arith.constant 0 : i32
      %dma_start3A_52 = tpu.memref_slice %arg11[%dma_start3A_50, %dma_start3A_51] : memref<10240x128xf32, #tpu.memory_space<vmem_shared>> -> memref<10240x128xf32, #tpu.memory_space<vmem_shared>>
      tpu.enqueue_indirect_dma source(%arg8 : memref<40x128xf32, #tpu.memory_space<vmem>>) target(%dma_start3A_52 : memref<10240x128xf32, #tpu.memory_space<vmem_shared>>) offsets(%dma_start3A_49 : memref<40xi32, #tpu.memory_space<vmem>>) semaphore(%run_scoped3A_46 : memref<!tpu.dma_semaphore, #tpu.memory_space<semaphore_mem>>) {add = true}
      %dma_wait3A_53 = arith.constant 0 : i32
      %dma_wait3A_54 = tpu.memref_slice %arg6[%run_scoped3A_37, %dma_wait3A_53] : memref<50x40xi32, #tpu.memory_space<vmem>> -> memref<1x40xi32, #tpu.memory_space<vmem>>
      %dma_wait3A_55 = tpu.memref_squeeze %dma_wait3A_54 : memref<1x40xi32, #tpu.memory_space<vmem>> -> memref<40xi32, #tpu.memory_space<vmem>>
      %dma_wait3A_56 = arith.constant 0 : i32
      %dma_wait3A_57 = arith.constant 0 : i32
      %dma_wait3A_58 = tpu.memref_slice %arg11[%dma_wait3A_56, %dma_wait3A_57] : memref<10240x128xf32, #tpu.memory_space<vmem_shared>> -> memref<10240x128xf32, #tpu.memory_space<vmem_shared>>
      tpu.wait_indirect_dma semaphore(%run_scoped3A_46 : memref<!tpu.dma_semaphore, #tpu.memory_space<semaphore_mem>>) src(%arg8 : memref<40x128xf32, #tpu.memory_space<vmem>>) dst(%dma_wait3A_58 : memref<10240x128xf32, #tpu.memory_space<vmem_shared>>)
      tpu.yield
    }) : () -> ()
    %barrier3A_38 = arith.constant 0 : index
    tpu.barrier barrier_id(%barrier3A_38)
    %mul3A_39 = arith.constant 640 : i32
    %mul3A_40 = arith.muli %arg1, %mul3A_39 : i32
    %mul3A_41 = arith.constant 10240 : i32
    %mul3A_42 = arith.muli %arg0, %mul3A_41 : i32
    %mul3A_43 = arith.constant 640 : i32
    %mul3A_44 = arith.muli %arg1, %mul3A_43 : i32
    %add3A_45 = arith.addi %mul3A_42, %mul3A_44 : i32
    "tpu.region"() ({
      %run_scoped3A_46 = tpu.sem_alloc : memref<!tpu.dma_semaphore, #tpu.memory_space<semaphore_mem>>
      %dma_start3A_47 = arith.constant 0 : i32
      %dma_start3A_48 = tpu.memref_slice %arg5[%add3A_45, %dma_start3A_47] : memref<20480x128xf32, #tpu.memory_space<hbm>> -> memref<640x128xf32, #tpu.memory_space<hbm>>
      %dma_start3A_49 = arith.constant 0 : i32
      %dma_start3A_50 = tpu.memref_slice %arg11[%mul3A_40, %dma_start3A_49] : memref<10240x128xf32, #tpu.memory_space<vmem_shared>> -> memref<640x128xf32, #tpu.memory_space<vmem_shared>>
      tpu.enqueue_dma source(%dma_start3A_50 : memref<640x128xf32, #tpu.memory_space<vmem_shared>>) target(%dma_start3A_48 : memref<640x128xf32, #tpu.memory_space<hbm>>) target_semaphore(%run_scoped3A_46 : memref<!tpu.dma_semaphore, #tpu.memory_space<semaphore_mem>>)
      %dma_wait3A_51 = arith.constant 0 : i32
      %dma_wait3A_52 = tpu.memref_slice %arg5[%add3A_45, %dma_wait3A_51] : memref<20480x128xf32, #tpu.memory_space<hbm>> -> memref<640x128xf32, #tpu.memory_space<hbm>>
      %dma_wait3A_53 = arith.constant 0 : i32
      %dma_wait3A_54 = tpu.memref_slice %arg11[%mul3A_40, %dma_wait3A_53] : memref<10240x128xf32, #tpu.memory_space<vmem_shared>> -> memref<640x128xf32, #tpu.memory_space<vmem_shared>>
      tpu.wait_dma2 semaphore(%run_scoped3A_46 : memref<!tpu.dma_semaphore, #tpu.memory_space<semaphore_mem>>) src(%dma_wait3A_54 : memref<640x128xf32, #tpu.memory_space<vmem_shared>>) dst(%dma_wait3A_52 : memref<640x128xf32, #tpu.memory_space<hbm>>)
      tpu.yield
    }) : () -> ()
    return
  }
}

#map = affine_map<(d0, d1) -> (0, 0)>
#map1 = affine_map<(d0, d1) -> (0, 0, 0)>
module attributes {stable_mosaic.version = 14 : i64} {
  func.func @body(%arg0: i32, %arg1: i32, %arg2: memref<96000x128xf32, #tpu.memory_space<hbm>>, %arg3: memref<32x75x40xi32, #tpu.memory_space<hbm>>, %arg4: memref<10240x128xf32, #tpu.memory_space<hbm>>, %arg5: memref<20480x128xf32, #tpu.memory_space<hbm>>, %arg6: memref<75x40xi32, #tpu.memory_space<vmem>>, %arg7: memref<40x128xf32, #tpu.memory_space<vmem>>, %arg8: memref<40x128xf32, #tpu.memory_space<vmem>>, %arg9: memref<!tpu.dma_semaphore, #tpu.memory_space<semaphore_mem>>, %arg10: memref<!tpu.dma_semaphore, #tpu.memory_space<semaphore_mem>>, %arg11: memref<10240x128xf32, #tpu.memory_space<vmem_shared>>) attributes {dimension_semantics = [#tpu.dimension_semantics<core_parallel>, #tpu.dimension_semantics<subcore_parallel>], iteration_bounds = array<i64: 2, 16>, scalar_prefetch = 0 : i64, scratch_operands = 6 : i64, tpu.core_type = #tpu.core_type<sc_vector_subcore>, window_params = [{transform_indices = #map}, {transform_indices = #map1}, {transform_indices = #map}, {transform_indices = #map}]} {
    %mul3A = arith.constant 16 : i32
    %mul3A_0 = arith.muli %arg0, %mul3A : i32
    %add3A = arith.addi %mul3A_0, %arg1 : i32
    %mul3A_1 = arith.constant 75 : i32
    %mul3A_2 = arith.muli %add3A, %mul3A_1 : i32
    %mul3A_3 = arith.constant 40 : i32
    %mul3A_4 = arith.muli %mul3A_2, %mul3A_3 : i32
    %mul3A_5 = arith.constant 640 : i32
    %mul3A_6 = arith.muli %arg1, %mul3A_5 : i32
    %mul3A_7 = arith.constant 640 : i32
    %mul3A_8 = arith.muli %arg1, %mul3A_7 : i32
    "tpu.region"() ({
      %run_scoped3A_33 = tpu.sem_alloc : memref<!tpu.dma_semaphore, #tpu.memory_space<semaphore_mem>>
      %dma_start3A_34 = arith.constant 0 : i32
      %dma_start3A_35 = tpu.memref_slice %arg11[%mul3A_8, %dma_start3A_34] : memref<10240x128xf32, #tpu.memory_space<vmem_shared>> -> memref<640x128xf32, #tpu.memory_space<vmem_shared>>
      %dma_start3A_36 = arith.constant 0 : i32
      %dma_start3A_37 = tpu.memref_slice %arg4[%mul3A_6, %dma_start3A_36] : memref<10240x128xf32, #tpu.memory_space<hbm>> -> memref<640x128xf32, #tpu.memory_space<hbm>>
      tpu.enqueue_dma source(%dma_start3A_37 : memref<640x128xf32, #tpu.memory_space<hbm>>) target(%dma_start3A_35 : memref<640x128xf32, #tpu.memory_space<vmem_shared>>) target_semaphore(%run_scoped3A_33 : memref<!tpu.dma_semaphore, #tpu.memory_space<semaphore_mem>>)
      %dma_wait3A_38 = arith.constant 0 : i32
      %dma_wait3A_39 = tpu.memref_slice %arg11[%mul3A_8, %dma_wait3A_38] : memref<10240x128xf32, #tpu.memory_space<vmem_shared>> -> memref<640x128xf32, #tpu.memory_space<vmem_shared>>
      %dma_wait3A_40 = arith.constant 0 : i32
      %dma_wait3A_41 = tpu.memref_slice %arg4[%mul3A_6, %dma_wait3A_40] : memref<10240x128xf32, #tpu.memory_space<hbm>> -> memref<640x128xf32, #tpu.memory_space<hbm>>
      tpu.wait_dma2 semaphore(%run_scoped3A_33 : memref<!tpu.dma_semaphore, #tpu.memory_space<semaphore_mem>>) src(%dma_wait3A_41 : memref<640x128xf32, #tpu.memory_space<hbm>>) dst(%dma_wait3A_39 : memref<640x128xf32, #tpu.memory_space<vmem_shared>>)
      tpu.yield
    }) : () -> ()
    "tpu.region"() ({
      %run_scoped3A_33 = tpu.sem_alloc : memref<!tpu.dma_semaphore, #tpu.memory_space<semaphore_mem>>
      %dma_start3A_34 = arith.constant 0 : i32
      %dma_start3A_35 = arith.constant 0 : i32
      %dma_start3A_36 = tpu.memref_slice %arg3[%add3A, %dma_start3A_34, %dma_start3A_35] : memref<32x75x40xi32, #tpu.memory_space<hbm>> -> memref<1x75x40xi32, #tpu.memory_space<hbm>>
      %dma_start3A_37 = tpu.memref_squeeze %dma_start3A_36 : memref<1x75x40xi32, #tpu.memory_space<hbm>> -> memref<75x40xi32, #tpu.memory_space<hbm>>
      %dma_start3A_38 = arith.constant 0 : i32
      %dma_start3A_39 = arith.constant 0 : i32
      %dma_start3A_40 = tpu.memref_slice %arg3[%add3A, %dma_start3A_38, %dma_start3A_39] : memref<32x75x40xi32, #tpu.memory_space<hbm>> -> memref<1x75x40xi32, #tpu.memory_space<hbm>>
      %dma_start3A_41 = tpu.memref_squeeze %dma_start3A_40 : memref<1x75x40xi32, #tpu.memory_space<hbm>> -> memref<75x40xi32, #tpu.memory_space<hbm>>
      tpu.enqueue_dma source(%dma_start3A_41 : memref<75x40xi32, #tpu.memory_space<hbm>>) target(%arg6 : memref<75x40xi32, #tpu.memory_space<vmem>>) target_semaphore(%run_scoped3A_33 : memref<!tpu.dma_semaphore, #tpu.memory_space<semaphore_mem>>)
      %dma_wait3A_42 = arith.constant 0 : i32
      %dma_wait3A_43 = arith.constant 0 : i32
      %dma_wait3A_44 = tpu.memref_slice %arg3[%add3A, %dma_wait3A_42, %dma_wait3A_43] : memref<32x75x40xi32, #tpu.memory_space<hbm>> -> memref<1x75x40xi32, #tpu.memory_space<hbm>>
      %dma_wait3A_45 = tpu.memref_squeeze %dma_wait3A_44 : memref<1x75x40xi32, #tpu.memory_space<hbm>> -> memref<75x40xi32, #tpu.memory_space<hbm>>
      %dma_wait3A_46 = arith.constant 0 : i32
      %dma_wait3A_47 = arith.constant 0 : i32
      %dma_wait3A_48 = tpu.memref_slice %arg3[%add3A, %dma_wait3A_46, %dma_wait3A_47] : memref<32x75x40xi32, #tpu.memory_space<hbm>> -> memref<1x75x40xi32, #tpu.memory_space<hbm>>
      %dma_wait3A_49 = tpu.memref_squeeze %dma_wait3A_48 : memref<1x75x40xi32, #tpu.memory_space<hbm>> -> memref<75x40xi32, #tpu.memory_space<hbm>>
      tpu.wait_dma2 semaphore(%run_scoped3A_33 : memref<!tpu.dma_semaphore, #tpu.memory_space<semaphore_mem>>) src(%dma_wait3A_49 : memref<75x40xi32, #tpu.memory_space<hbm>>) dst(%arg6 : memref<75x40xi32, #tpu.memory_space<vmem>>)
      tpu.yield
    }) : () -> ()
    %barrier3A = arith.constant 0 : index
    tpu.barrier barrier_id(%barrier3A)
    %add3A_9 = arith.constant 0 : i32
    %add3A_10 = arith.addi %mul3A_4, %add3A_9 : i32
    %dma_start3A = arith.constant 0 : i32
    %dma_start3A_11 = tpu.memref_slice %arg2[%add3A_10, %dma_start3A] : memref<96000x128xf32, #tpu.memory_space<hbm>> -> memref<40x128xf32, #tpu.memory_space<hbm>>
    %dma_start3A_12 = arith.constant 0 : i32
    %dma_start3A_13 = tpu.memref_slice %arg2[%add3A_10, %dma_start3A_12] : memref<96000x128xf32, #tpu.memory_space<hbm>> -> memref<40x128xf32, #tpu.memory_space<hbm>>
    tpu.enqueue_dma source(%dma_start3A_13 : memref<40x128xf32, #tpu.memory_space<hbm>>) target(%arg7 : memref<40x128xf32, #tpu.memory_space<vmem>>) target_semaphore(%arg9 : memref<!tpu.dma_semaphore, #tpu.memory_space<semaphore_mem>>)
    %scan3A = arith.constant 0 : i32
    %scan3A_14 = arith.constant 0 : i32
    %scan3A_15 = arith.constant 37 : i32
    %scan3A_16 = arith.addi %scan3A_14, %scan3A_15 : i32
    %scan3A_17 = arith.constant 1 : i32
    %scan3A_18 = scf.for %scan3A_33 = %scan3A_14 to %scan3A_16 step %scan3A_17 iter_args(%scan3A_34 = %scan3A) -> (i32)  : i32 {
      %mul3A_35 = arith.constant 2 : i32
      %mul3A_36 = arith.muli %mul3A_35, %scan3A_33 : i32
      %add3A_37 = arith.constant 1 : i32
      %add3A_38 = arith.addi %mul3A_36, %add3A_37 : i32
      %mul3A_39 = arith.constant 40 : i32
      %mul3A_40 = arith.muli %add3A_38, %mul3A_39 : i32
      %add3A_41 = arith.addi %mul3A_4, %mul3A_40 : i32
      %dma_start3A_42 = arith.constant 0 : i32
      %dma_start3A_43 = tpu.memref_slice %arg2[%add3A_41, %dma_start3A_42] : memref<96000x128xf32, #tpu.memory_space<hbm>> -> memref<40x128xf32, #tpu.memory_space<hbm>>
      %dma_start3A_44 = arith.constant 0 : i32
      %dma_start3A_45 = tpu.memref_slice %arg2[%add3A_41, %dma_start3A_44] : memref<96000x128xf32, #tpu.memory_space<hbm>> -> memref<40x128xf32, #tpu.memory_space<hbm>>
      tpu.enqueue_dma source(%dma_start3A_45 : memref<40x128xf32, #tpu.memory_space<hbm>>) target(%arg8 : memref<40x128xf32, #tpu.memory_space<vmem>>) target_semaphore(%arg10 : memref<!tpu.dma_semaphore, #tpu.memory_space<semaphore_mem>>)
      %dma_wait3A_46 = arith.constant 0 : i32
      %dma_wait3A_47 = arith.constant 0 : i32
      %dma_wait3A_48 = tpu.memref_slice %arg2[%dma_wait3A_46, %dma_wait3A_47] : memref<96000x128xf32, #tpu.memory_space<hbm>> -> memref<40x128xf32, #tpu.memory_space<hbm>>
      %dma_wait3A_49 = arith.constant 0 : i32
      %dma_wait3A_50 = arith.constant 0 : i32
      %dma_wait3A_51 = tpu.memref_slice %arg2[%dma_wait3A_49, %dma_wait3A_50] : memref<96000x128xf32, #tpu.memory_space<hbm>> -> memref<40x128xf32, #tpu.memory_space<hbm>>
      tpu.wait_dma2 semaphore(%arg9 : memref<!tpu.dma_semaphore, #tpu.memory_space<semaphore_mem>>) src(%dma_wait3A_51 : memref<40x128xf32, #tpu.memory_space<hbm>>) dst(%arg7 : memref<40x128xf32, #tpu.memory_space<vmem>>)
      "tpu.region"() ({
        %run_scoped3A_70 = tpu.sem_alloc : memref<!tpu.dma_semaphore, #tpu.memory_space<semaphore_mem>>
        %dma_start3A_71 = arith.constant 0 : i32
        %dma_start3A_72 = tpu.memref_slice %arg6[%mul3A_36, %dma_start3A_71] : memref<75x40xi32, #tpu.memory_space<vmem>> -> memref<1x40xi32, #tpu.memory_space<vmem>>
        %dma_start3A_73 = tpu.memref_squeeze %dma_start3A_72 : memref<1x40xi32, #tpu.memory_space<vmem>> -> memref<40xi32, #tpu.memory_space<vmem>>
        %dma_start3A_74 = arith.constant 0 : i32
        %dma_start3A_75 = arith.constant 0 : i32
        %dma_start3A_76 = tpu.memref_slice %arg11[%dma_start3A_74, %dma_start3A_75] : memref<10240x128xf32, #tpu.memory_space<vmem_shared>> -> memref<10240x128xf32, #tpu.memory_space<vmem_shared>>
        tpu.enqueue_indirect_dma source(%arg7 : memref<40x128xf32, #tpu.memory_space<vmem>>) target(%dma_start3A_76 : memref<10240x128xf32, #tpu.memory_space<vmem_shared>>) offsets(%dma_start3A_73 : memref<40xi32, #tpu.memory_space<vmem>>) semaphore(%run_scoped3A_70 : memref<!tpu.dma_semaphore, #tpu.memory_space<semaphore_mem>>) {add = true}
        %dma_wait3A_77 = arith.constant 0 : i32
        %dma_wait3A_78 = tpu.memref_slice %arg6[%mul3A_36, %dma_wait3A_77] : memref<75x40xi32, #tpu.memory_space<vmem>> -> memref<1x40xi32, #tpu.memory_space<vmem>>
        %dma_wait3A_79 = tpu.memref_squeeze %dma_wait3A_78 : memref<1x40xi32, #tpu.memory_space<vmem>> -> memref<40xi32, #tpu.memory_space<vmem>>
        %dma_wait3A_80 = arith.constant 0 : i32
        %dma_wait3A_81 = arith.constant 0 : i32
        %dma_wait3A_82 = tpu.memref_slice %arg11[%dma_wait3A_80, %dma_wait3A_81] : memref<10240x128xf32, #tpu.memory_space<vmem_shared>> -> memref<10240x128xf32, #tpu.memory_space<vmem_shared>>
        tpu.wait_indirect_dma semaphore(%run_scoped3A_70 : memref<!tpu.dma_semaphore, #tpu.memory_space<semaphore_mem>>) src(%arg7 : memref<40x128xf32, #tpu.memory_space<vmem>>) dst(%dma_wait3A_82 : memref<10240x128xf32, #tpu.memory_space<vmem_shared>>)
        tpu.yield
      }) : () -> ()
      %add3A_52 = arith.constant 2 : i32
      %add3A_53 = arith.addi %mul3A_36, %add3A_52 : i32
      %mul3A_54 = arith.constant 40 : i32
      %mul3A_55 = arith.muli %add3A_53, %mul3A_54 : i32
      %add3A_56 = arith.addi %mul3A_4, %mul3A_55 : i32
      %dma_start3A_57 = arith.constant 0 : i32
      %dma_start3A_58 = tpu.memref_slice %arg2[%add3A_56, %dma_start3A_57] : memref<96000x128xf32, #tpu.memory_space<hbm>> -> memref<40x128xf32, #tpu.memory_space<hbm>>
      %dma_start3A_59 = arith.constant 0 : i32
      %dma_start3A_60 = tpu.memref_slice %arg2[%add3A_56, %dma_start3A_59] : memref<96000x128xf32, #tpu.memory_space<hbm>> -> memref<40x128xf32, #tpu.memory_space<hbm>>
      tpu.enqueue_dma source(%dma_start3A_60 : memref<40x128xf32, #tpu.memory_space<hbm>>) target(%arg7 : memref<40x128xf32, #tpu.memory_space<vmem>>) target_semaphore(%arg9 : memref<!tpu.dma_semaphore, #tpu.memory_space<semaphore_mem>>)
      %add3A_61 = arith.constant 1 : i32
      %add3A_62 = arith.addi %mul3A_36, %add3A_61 : i32
      %dma_wait3A_63 = arith.constant 0 : i32
      %dma_wait3A_64 = arith.constant 0 : i32
      %dma_wait3A_65 = tpu.memref_slice %arg2[%dma_wait3A_63, %dma_wait3A_64] : memref<96000x128xf32, #tpu.memory_space<hbm>> -> memref<40x128xf32, #tpu.memory_space<hbm>>
      %dma_wait3A_66 = arith.constant 0 : i32
      %dma_wait3A_67 = arith.constant 0 : i32
      %dma_wait3A_68 = tpu.memref_slice %arg2[%dma_wait3A_66, %dma_wait3A_67] : memref<96000x128xf32, #tpu.memory_space<hbm>> -> memref<40x128xf32, #tpu.memory_space<hbm>>
      tpu.wait_dma2 semaphore(%arg10 : memref<!tpu.dma_semaphore, #tpu.memory_space<semaphore_mem>>) src(%dma_wait3A_68 : memref<40x128xf32, #tpu.memory_space<hbm>>) dst(%arg8 : memref<40x128xf32, #tpu.memory_space<vmem>>)
      "tpu.region"() ({
        %run_scoped3A_70 = tpu.sem_alloc : memref<!tpu.dma_semaphore, #tpu.memory_space<semaphore_mem>>
        %dma_start3A_71 = arith.constant 0 : i32
        %dma_start3A_72 = tpu.memref_slice %arg6[%add3A_62, %dma_start3A_71] : memref<75x40xi32, #tpu.memory_space<vmem>> -> memref<1x40xi32, #tpu.memory_space<vmem>>
        %dma_start3A_73 = tpu.memref_squeeze %dma_start3A_72 : memref<1x40xi32, #tpu.memory_space<vmem>> -> memref<40xi32, #tpu.memory_space<vmem>>
        %dma_start3A_74 = arith.constant 0 : i32
        %dma_start3A_75 = arith.constant 0 : i32
        %dma_start3A_76 = tpu.memref_slice %arg11[%dma_start3A_74, %dma_start3A_75] : memref<10240x128xf32, #tpu.memory_space<vmem_shared>> -> memref<10240x128xf32, #tpu.memory_space<vmem_shared>>
        tpu.enqueue_indirect_dma source(%arg8 : memref<40x128xf32, #tpu.memory_space<vmem>>) target(%dma_start3A_76 : memref<10240x128xf32, #tpu.memory_space<vmem_shared>>) offsets(%dma_start3A_73 : memref<40xi32, #tpu.memory_space<vmem>>) semaphore(%run_scoped3A_70 : memref<!tpu.dma_semaphore, #tpu.memory_space<semaphore_mem>>) {add = true}
        %dma_wait3A_77 = arith.constant 0 : i32
        %dma_wait3A_78 = tpu.memref_slice %arg6[%add3A_62, %dma_wait3A_77] : memref<75x40xi32, #tpu.memory_space<vmem>> -> memref<1x40xi32, #tpu.memory_space<vmem>>
        %dma_wait3A_79 = tpu.memref_squeeze %dma_wait3A_78 : memref<1x40xi32, #tpu.memory_space<vmem>> -> memref<40xi32, #tpu.memory_space<vmem>>
        %dma_wait3A_80 = arith.constant 0 : i32
        %dma_wait3A_81 = arith.constant 0 : i32
        %dma_wait3A_82 = tpu.memref_slice %arg11[%dma_wait3A_80, %dma_wait3A_81] : memref<10240x128xf32, #tpu.memory_space<vmem_shared>> -> memref<10240x128xf32, #tpu.memory_space<vmem_shared>>
        tpu.wait_indirect_dma semaphore(%run_scoped3A_70 : memref<!tpu.dma_semaphore, #tpu.memory_space<semaphore_mem>>) src(%arg8 : memref<40x128xf32, #tpu.memory_space<vmem>>) dst(%dma_wait3A_82 : memref<10240x128xf32, #tpu.memory_space<vmem_shared>>)
        tpu.yield
      }) : () -> ()
      %scan3A_69 = arith.constant 0 : i32
      scf.yield %scan3A_69 : i32
    }
    %scan3A_19 = arith.constant 37 : i32
    %dma_wait3A = arith.constant 0 : i32
    %dma_wait3A_20 = arith.constant 0 : i32
    %dma_wait3A_21 = tpu.memref_slice %arg2[%dma_wait3A, %dma_wait3A_20] : memref<96000x128xf32, #tpu.memory_space<hbm>> -> memref<40x128xf32, #tpu.memory_space<hbm>>
    %dma_wait3A_22 = arith.constant 0 : i32
    %dma_wait3A_23 = arith.constant 0 : i32
    %dma_wait3A_24 = tpu.memref_slice %arg2[%dma_wait3A_22, %dma_wait3A_23] : memref<96000x128xf32, #tpu.memory_space<hbm>> -> memref<40x128xf32, #tpu.memory_space<hbm>>
    tpu.wait_dma2 semaphore(%arg9 : memref<!tpu.dma_semaphore, #tpu.memory_space<semaphore_mem>>) src(%dma_wait3A_24 : memref<40x128xf32, #tpu.memory_space<hbm>>) dst(%arg7 : memref<40x128xf32, #tpu.memory_space<vmem>>)
    %run_scoped3A = arith.constant 74 : i32
    "tpu.region"() ({
      %run_scoped3A_33 = tpu.sem_alloc : memref<!tpu.dma_semaphore, #tpu.memory_space<semaphore_mem>>
      %dma_start3A_34 = arith.constant 0 : i32
      %dma_start3A_35 = tpu.memref_slice %arg6[%run_scoped3A, %dma_start3A_34] : memref<75x40xi32, #tpu.memory_space<vmem>> -> memref<1x40xi32, #tpu.memory_space<vmem>>
      %dma_start3A_36 = tpu.memref_squeeze %dma_start3A_35 : memref<1x40xi32, #tpu.memory_space<vmem>> -> memref<40xi32, #tpu.memory_space<vmem>>
      %dma_start3A_37 = arith.constant 0 : i32
      %dma_start3A_38 = arith.constant 0 : i32
      %dma_start3A_39 = tpu.memref_slice %arg11[%dma_start3A_37, %dma_start3A_38] : memref<10240x128xf32, #tpu.memory_space<vmem_shared>> -> memref<10240x128xf32, #tpu.memory_space<vmem_shared>>
      tpu.enqueue_indirect_dma source(%arg7 : memref<40x128xf32, #tpu.memory_space<vmem>>) target(%dma_start3A_39 : memref<10240x128xf32, #tpu.memory_space<vmem_shared>>) offsets(%dma_start3A_36 : memref<40xi32, #tpu.memory_space<vmem>>) semaphore(%run_scoped3A_33 : memref<!tpu.dma_semaphore, #tpu.memory_space<semaphore_mem>>) {add = true}
      %dma_wait3A_40 = arith.constant 0 : i32
      %dma_wait3A_41 = tpu.memref_slice %arg6[%run_scoped3A, %dma_wait3A_40] : memref<75x40xi32, #tpu.memory_space<vmem>> -> memref<1x40xi32, #tpu.memory_space<vmem>>
      %dma_wait3A_42 = tpu.memref_squeeze %dma_wait3A_41 : memref<1x40xi32, #tpu.memory_space<vmem>> -> memref<40xi32, #tpu.memory_space<vmem>>
      %dma_wait3A_43 = arith.constant 0 : i32
      %dma_wait3A_44 = arith.constant 0 : i32
      %dma_wait3A_45 = tpu.memref_slice %arg11[%dma_wait3A_43, %dma_wait3A_44] : memref<10240x128xf32, #tpu.memory_space<vmem_shared>> -> memref<10240x128xf32, #tpu.memory_space<vmem_shared>>
      tpu.wait_indirect_dma semaphore(%run_scoped3A_33 : memref<!tpu.dma_semaphore, #tpu.memory_space<semaphore_mem>>) src(%arg7 : memref<40x128xf32, #tpu.memory_space<vmem>>) dst(%dma_wait3A_45 : memref<10240x128xf32, #tpu.memory_space<vmem_shared>>)
      tpu.yield
    }) : () -> ()
    %barrier3A_25 = arith.constant 0 : index
    tpu.barrier barrier_id(%barrier3A_25)
    %mul3A_26 = arith.constant 640 : i32
    %mul3A_27 = arith.muli %arg1, %mul3A_26 : i32
    %mul3A_28 = arith.constant 10240 : i32
    %mul3A_29 = arith.muli %arg0, %mul3A_28 : i32
    %mul3A_30 = arith.constant 640 : i32
    %mul3A_31 = arith.muli %arg1, %mul3A_30 : i32
    %add3A_32 = arith.addi %mul3A_29, %mul3A_31 : i32
    "tpu.region"() ({
      %run_scoped3A_33 = tpu.sem_alloc : memref<!tpu.dma_semaphore, #tpu.memory_space<semaphore_mem>>
      %dma_start3A_34 = arith.constant 0 : i32
      %dma_start3A_35 = tpu.memref_slice %arg5[%add3A_32, %dma_start3A_34] : memref<20480x128xf32, #tpu.memory_space<hbm>> -> memref<640x128xf32, #tpu.memory_space<hbm>>
      %dma_start3A_36 = arith.constant 0 : i32
      %dma_start3A_37 = tpu.memref_slice %arg11[%mul3A_27, %dma_start3A_36] : memref<10240x128xf32, #tpu.memory_space<vmem_shared>> -> memref<640x128xf32, #tpu.memory_space<vmem_shared>>
      tpu.enqueue_dma source(%dma_start3A_37 : memref<640x128xf32, #tpu.memory_space<vmem_shared>>) target(%dma_start3A_35 : memref<640x128xf32, #tpu.memory_space<hbm>>) target_semaphore(%run_scoped3A_33 : memref<!tpu.dma_semaphore, #tpu.memory_space<semaphore_mem>>)
      %dma_wait3A_38 = arith.constant 0 : i32
      %dma_wait3A_39 = tpu.memref_slice %arg5[%add3A_32, %dma_wait3A_38] : memref<20480x128xf32, #tpu.memory_space<hbm>> -> memref<640x128xf32, #tpu.memory_space<hbm>>
      %dma_wait3A_40 = arith.constant 0 : i32
      %dma_wait3A_41 = tpu.memref_slice %arg11[%mul3A_27, %dma_wait3A_40] : memref<10240x128xf32, #tpu.memory_space<vmem_shared>> -> memref<640x128xf32, #tpu.memory_space<vmem_shared>>
      tpu.wait_dma2 semaphore(%run_scoped3A_33 : memref<!tpu.dma_semaphore, #tpu.memory_space<semaphore_mem>>) src(%dma_wait3A_41 : memref<640x128xf32, #tpu.memory_space<vmem_shared>>) dst(%dma_wait3A_39 : memref<640x128xf32, #tpu.memory_space<hbm>>)
      tpu.yield
    }) : () -> ()
    return
  }
}

module attributes {stable_mosaic.version = 14 : i64} {
  func.func @_xw_body(%arg0: i32, %arg1: memref<2000x64xf32, #tpu.memory_space<vmem>>, %arg2: memref<64x256xf32, #tpu.memory_space<vmem>>, %arg3: memref<2000x128xi32, #tpu.memory_space<vmem>>) attributes {dimension_semantics = [#tpu.dimension_semantics<arbitrary>], iteration_bounds = array<i64: 5>, scalar_prefetch = 0 : i64, scratch_operands = 0 : i64, tpu.core_type = #tpu.core_type<tc>, window_params = [{transform_indices = @transform_0, window_bounds = array<i64: 2000, 64>}, {pipeline_mode = #tpu.pipeline_mode<synchronous>, transform_indices = @transform_1, window_bounds = array<i64: 64, 256>}, {transform_indices = @transform_2, window_bounds = array<i64: 2000, 128>}]} {
    %get3A = arith.constant 0 : index
    %get3A_0 = arith.constant 0 : index
    %get3A_1 = vector.load %arg1[%get3A, %get3A_0] : memref<2000x64xf32, #tpu.memory_space<vmem>>, vector<2000x64xf32>
    %get3A_2 = arith.constant 0 : index
    %get3A_3 = arith.constant 0 : index
    %get3A_4 = vector.load %arg2[%get3A_2, %get3A_3] : memref<64x256xf32, #tpu.memory_space<vmem>>, vector<64x256xf32>
    %dot_general3A = arith.constant dense<0.000000e+00> : vector<2000x256xf32>
    %dot_general3A_5 = tpu.matmul %get3A_1, %get3A_4, %dot_general3A {dimension_numbers = #tpu.dot_dimension_numbers<[1], [0], [0], [1], [0, 0, 1, 1], [], []>, transpose_lhs_hint = false} : vector<2000x64xf32>, vector<64x256xf32>, vector<2000x256xf32> -> vector<2000x256xf32>
    %slice3A = vector.extract_strided_slice %dot_general3A_5 {offsets = [0, 0], sizes = [2000, 128], strides = [1, 1]} : vector<2000x256xf32> to vector<2000x128xf32>
    %slice3A_6 = vector.extract_strided_slice %dot_general3A_5 {offsets = [0, 128], sizes = [2000, 128], strides = [1, 1]} : vector<2000x256xf32> to vector<2000x128xf32>
    %convert_element_type3A = arith.truncf %slice3A : vector<2000x128xf32> to vector<2000x128xbf16>
    %convert_element_type3A_7 = arith.extf %convert_element_type3A : vector<2000x128xbf16> to vector<2000x128xf32>
    %bitcast_convert_type3A = tpu.bitcast %convert_element_type3A_7 : vector<2000x128xf32> -> vector<2000x128xi32>
    %convert_element_type3A_8 = arith.truncf %slice3A_6 : vector<2000x128xf32> to vector<2000x128xbf16>
    %convert_element_type3A_9 = arith.extf %convert_element_type3A_8 : vector<2000x128xbf16> to vector<2000x128xf32>
    %bitcast_convert_type3A_10 = tpu.bitcast %convert_element_type3A_9 : vector<2000x128xf32> -> vector<2000x128xi32>
    %shift_right_logical3A = arith.constant 16 : i32
    %shift_right_logical3A_11 = vector.broadcast %shift_right_logical3A : i32 to vector<2000x128xi32>
    %shift_right_logical3A_12 = arith.shrui %bitcast_convert_type3A, %shift_right_logical3A_11 : vector<2000x128xi32>
    %or3A = arith.ori %bitcast_convert_type3A_10, %shift_right_logical3A_12 : vector<2000x128xi32>
    %swap3A = arith.constant 0 : index
    %swap3A_13 = arith.constant 0 : index
    %swap3A_14 = vector.load %arg3[%swap3A, %swap3A_13] : memref<2000x128xi32, #tpu.memory_space<vmem>>, vector<2000x128xi32>
    tpu.vector_store %arg3[%swap3A, %swap3A_13], %or3A {strides = array<i32>} : memref<2000x128xi32, #tpu.memory_space<vmem>>, vector<2000x128xi32>,
    return
  }
  func.func @transform_0(%arg0: i32) -> (i32, i32) {
    %c0_i32 = arith.constant 0 : i32
    %c0_i32_0 = arith.constant 0 : i32
    return %arg0, %c0_i32 : i32, i32
  }
  func.func @transform_1(%arg0: i32) -> (i32, i32) {
    %c0_i32 = arith.constant 0 : i32
    %c0_i32_0 = arith.constant 0 : i32
    %c0_i32_1 = arith.constant 0 : i32
    return %c0_i32, %c0_i32_0 : i32, i32
  }
  func.func @transform_2(%arg0: i32) -> (i32, i32) {
    %c0_i32 = arith.constant 0 : i32
    %c0_i32_0 = arith.constant 0 : i32
    return %arg0, %c0_i32 : i32, i32
  }
}

module attributes {stable_mosaic.version = 14 : i64} {
  func.func @_pass_a_body(%arg0: i32, %arg1: memref<3200x128xi32, #tpu.memory_space<vmem>>, %arg2: memref<3200x128xi32, #tpu.memory_space<vmem>>, %arg3: memref<3200x64xf32, #tpu.memory_space<vmem>>, %arg4: memref<64x256xf32, #tpu.memory_space<vmem>>, %arg5: memref<128x4xf32, #tpu.memory_space<vmem>>, %arg6: memref<128x4xf32, #tpu.memory_space<vmem>>, %arg7: memref<128x4xf32, #tpu.memory_space<vmem>>, %arg8: memref<128x4xf32, #tpu.memory_space<vmem>>, %arg9: memref<4x3200xf32, #tpu.memory_space<vmem>>, %arg10: memref<4x8xf32, #tpu.memory_space<vmem>>) attributes {dimension_semantics = [#tpu.dimension_semantics<arbitrary>], iteration_bounds = array<i64: 20>, scalar_prefetch = 0 : i64, scratch_operands = 0 : i64, tpu.core_type = #tpu.core_type<tc>, window_params = [{transform_indices = @transform_0, window_bounds = array<i64: 3200, 128>}, {transform_indices = @transform_1, window_bounds = array<i64: 3200, 128>}, {transform_indices = @transform_2, window_bounds = array<i64: 3200, 64>}, {pipeline_mode = #tpu.pipeline_mode<synchronous>, transform_indices = @transform_3, window_bounds = array<i64: 64, 256>}, {pipeline_mode = #tpu.pipeline_mode<synchronous>, transform_indices = @transform_4, window_bounds = array<i64: 128, 4>}, {pipeline_mode = #tpu.pipeline_mode<synchronous>, transform_indices = @transform_5, window_bounds = array<i64: 128, 4>}, {pipeline_mode = #tpu.pipeline_mode<synchronous>, transform_indices = @transform_6, window_bounds = array<i64: 128, 4>}, {pipeline_mode = #tpu.pipeline_mode<synchronous>, transform_indices = @transform_7, window_bounds = array<i64: 128, 4>}, {transform_indices = @transform_8, window_bounds = array<i64: 4, 3200>}, {pipeline_mode = #tpu.pipeline_mode<synchronous>, transform_indices = @transform_9, window_bounds = array<i64: 4, 8>}]} {
    %get3A = arith.constant 0 : index
    %get3A_0 = arith.constant 0 : index
    %get3A_1 = vector.load %arg3[%get3A, %get3A_0] : memref<3200x64xf32, #tpu.memory_space<vmem>>, vector<3200x64xf32>
    %get3A_2 = arith.constant 0 : index
    %get3A_3 = arith.constant 0 : index
    %get3A_4 = vector.load %arg4[%get3A_2, %get3A_3] : memref<64x256xf32, #tpu.memory_space<vmem>>, vector<64x256xf32>
    %dot_general3A = arith.constant dense<0.000000e+00> : vector<3200x256xf32>
    %dot_general3A_5 = tpu.matmul %get3A_1, %get3A_4, %dot_general3A {dimension_numbers = #tpu.dot_dimension_numbers<[1], [0], [0], [1], [0, 0, 1, 1], [], []>, transpose_lhs_hint = false} : vector<3200x64xf32>, vector<64x256xf32>, vector<3200x256xf32> -> vector<3200x256xf32>
    %get3A_6 = arith.constant 0 : index
    %get3A_7 = arith.constant 0 : index
    %get3A_8 = vector.load %arg1[%get3A_6, %get3A_7] : memref<3200x128xi32, #tpu.memory_space<vmem>>, vector<3200x128xi32>
    %shift_left3A = arith.constant 16 : i32
    %shift_left3A_9 = vector.broadcast %shift_left3A : i32 to vector<3200x128xi32>
    %shift_left3A_10 = arith.shli %get3A_8, %shift_left3A_9 : vector<3200x128xi32>
    %bitcast_convert_type3A = tpu.bitcast %shift_left3A_10 : vector<3200x128xi32> -> vector<3200x128xf32>
    %and3A = arith.constant -65536 : i32
    %and3A_11 = vector.broadcast %and3A : i32 to vector<3200x128xi32>
    %and3A_12 = arith.andi %get3A_8, %and3A_11 : vector<3200x128xi32>
    %bitcast_convert_type3A_13 = tpu.bitcast %and3A_12 : vector<3200x128xi32> -> vector<3200x128xf32>
    %get3A_14 = arith.constant 0 : index
    %get3A_15 = arith.constant 0 : index
    %get3A_16 = vector.load %arg2[%get3A_14, %get3A_15] : memref<3200x128xi32, #tpu.memory_space<vmem>>, vector<3200x128xi32>
    %shift_left3A_17 = arith.constant 16 : i32
    %shift_left3A_18 = vector.broadcast %shift_left3A_17 : i32 to vector<3200x128xi32>
    %shift_left3A_19 = arith.shli %get3A_16, %shift_left3A_18 : vector<3200x128xi32>
    %bitcast_convert_type3A_20 = tpu.bitcast %shift_left3A_19 : vector<3200x128xi32> -> vector<3200x128xf32>
    %and3A_21 = arith.constant -65536 : i32
    %and3A_22 = vector.broadcast %and3A_21 : i32 to vector<3200x128xi32>
    %and3A_23 = arith.andi %get3A_16, %and3A_22 : vector<3200x128xi32>
    %bitcast_convert_type3A_24 = tpu.bitcast %and3A_23 : vector<3200x128xi32> -> vector<3200x128xf32>
    %slice3A = vector.extract_strided_slice %dot_general3A_5 {offsets = [0, 0], sizes = [3200, 128], strides = [1, 1]} : vector<3200x256xf32> to vector<3200x128xf32>
    %add3A = arith.addf %bitcast_convert_type3A, %slice3A : vector<3200x128xf32>
    %max3A = arith.constant 0.000000e+00 : f32
    %max3A_25 = vector.broadcast %max3A : f32 to vector<3200x128xf32>
    %max3A_26 = arith.maximumf %add3A, %max3A_25 : vector<3200x128xf32>
    %abs3A = math.absf %add3A : vector<3200x128xf32>
    %neg3A = arith.constant 0.000000e+00 : f32
    %neg3A_27 = vector.broadcast %neg3A : f32 to vector<3200x128xf32>
    %neg3A_28 = arith.subf %neg3A_27, %abs3A : vector<3200x128xf32>
    %exp3A = math.exp %neg3A_28 : vector<3200x128xf32>
    %add3A_29 = arith.constant 1.000000e+00 : f32
    %add3A_30 = vector.broadcast %add3A_29 : f32 to vector<3200x128xf32>
    %add3A_31 = arith.addf %add3A_30, %exp3A : vector<3200x128xf32>
    %log3A = math.log %add3A_31 : vector<3200x128xf32>
    %add3A_32 = arith.addf %max3A_26, %log3A : vector<3200x128xf32>
    %slice3A_33 = vector.extract_strided_slice %dot_general3A_5 {offsets = [0, 128], sizes = [3200, 128], strides = [1, 1]} : vector<3200x256xf32> to vector<3200x128xf32>
    %add3A_34 = arith.addf %bitcast_convert_type3A_13, %slice3A_33 : vector<3200x128xf32>
    %max3A_35 = arith.constant 0.000000e+00 : f32
    %max3A_36 = vector.broadcast %max3A_35 : f32 to vector<3200x128xf32>
    %max3A_37 = arith.maximumf %add3A_34, %max3A_36 : vector<3200x128xf32>
    %abs3A_38 = math.absf %add3A_34 : vector<3200x128xf32>
    %neg3A_39 = arith.constant 0.000000e+00 : f32
    %neg3A_40 = vector.broadcast %neg3A_39 : f32 to vector<3200x128xf32>
    %neg3A_41 = arith.subf %neg3A_40, %abs3A_38 : vector<3200x128xf32>
    %exp3A_42 = math.exp %neg3A_41 : vector<3200x128xf32>
    %add3A_43 = arith.constant 1.000000e+00 : f32
    %add3A_44 = vector.broadcast %add3A_43 : f32 to vector<3200x128xf32>
    %add3A_45 = arith.addf %add3A_44, %exp3A_42 : vector<3200x128xf32>
    %log3A_46 = math.log %add3A_45 : vector<3200x128xf32>
    %add3A_47 = arith.addf %max3A_37, %log3A_46 : vector<3200x128xf32>
    %slice3A_48 = vector.extract_strided_slice %dot_general3A_5 {offsets = [0, 0], sizes = [3200, 128], strides = [1, 1]} : vector<3200x256xf32> to vector<3200x128xf32>
    %add3A_49 = arith.addf %bitcast_convert_type3A_20, %slice3A_48 : vector<3200x128xf32>
    %max3A_50 = arith.constant 0.000000e+00 : f32
    %max3A_51 = vector.broadcast %max3A_50 : f32 to vector<3200x128xf32>
    %max3A_52 = arith.maximumf %add3A_49, %max3A_51 : vector<3200x128xf32>
    %abs3A_53 = math.absf %add3A_49 : vector<3200x128xf32>
    %neg3A_54 = arith.constant 0.000000e+00 : f32
    %neg3A_55 = vector.broadcast %neg3A_54 : f32 to vector<3200x128xf32>
    %neg3A_56 = arith.subf %neg3A_55, %abs3A_53 : vector<3200x128xf32>
    %exp3A_57 = math.exp %neg3A_56 : vector<3200x128xf32>
    %add3A_58 = arith.constant 1.000000e+00 : f32
    %add3A_59 = vector.broadcast %add3A_58 : f32 to vector<3200x128xf32>
    %add3A_60 = arith.addf %add3A_59, %exp3A_57 : vector<3200x128xf32>
    %log3A_61 = math.log %add3A_60 : vector<3200x128xf32>
    %add3A_62 = arith.addf %max3A_52, %log3A_61 : vector<3200x128xf32>
    %slice3A_63 = vector.extract_strided_slice %dot_general3A_5 {offsets = [0, 128], sizes = [3200, 128], strides = [1, 1]} : vector<3200x256xf32> to vector<3200x128xf32>
    %add3A_64 = arith.addf %bitcast_convert_type3A_24, %slice3A_63 : vector<3200x128xf32>
    %max3A_65 = arith.constant 0.000000e+00 : f32
    %max3A_66 = vector.broadcast %max3A_65 : f32 to vector<3200x128xf32>
    %max3A_67 = arith.maximumf %add3A_64, %max3A_66 : vector<3200x128xf32>
    %abs3A_68 = math.absf %add3A_64 : vector<3200x128xf32>
    %neg3A_69 = arith.constant 0.000000e+00 : f32
    %neg3A_70 = vector.broadcast %neg3A_69 : f32 to vector<3200x128xf32>
    %neg3A_71 = arith.subf %neg3A_70, %abs3A_68 : vector<3200x128xf32>
    %exp3A_72 = math.exp %neg3A_71 : vector<3200x128xf32>
    %add3A_73 = arith.constant 1.000000e+00 : f32
    %add3A_74 = vector.broadcast %add3A_73 : f32 to vector<3200x128xf32>
    %add3A_75 = arith.addf %add3A_74, %exp3A_72 : vector<3200x128xf32>
    %log3A_76 = math.log %add3A_75 : vector<3200x128xf32>
    %add3A_77 = arith.addf %max3A_67, %log3A_76 : vector<3200x128xf32>
    %get3A_78 = arith.constant 0 : index
    %get3A_79 = arith.constant 0 : index
    %get3A_80 = vector.load %arg5[%get3A_78, %get3A_79] : memref<128x4xf32, #tpu.memory_space<vmem>>, vector<128x4xf32>
    %dot_general3A_81 = arith.constant dense<0.000000e+00> : vector<4x3200xf32>
    %dot_general3A_82 = tpu.matmul %get3A_80, %add3A_32, %dot_general3A_81 {dimension_numbers = #tpu.dot_dimension_numbers<[0], [1], [1], [0], [0, 1, 1, 0], [], []>, transpose_lhs_hint = false} : vector<128x4xf32>, vector<3200x128xf32>, vector<4x3200xf32> -> vector<4x3200xf32>
    %get3A_83 = arith.constant 0 : index
    %get3A_84 = arith.constant 0 : index
    %get3A_85 = vector.load %arg6[%get3A_83, %get3A_84] : memref<128x4xf32, #tpu.memory_space<vmem>>, vector<128x4xf32>
    %dot_general3A_86 = arith.constant dense<0.000000e+00> : vector<4x3200xf32>
    %dot_general3A_87 = tpu.matmul %get3A_85, %add3A_47, %dot_general3A_86 {dimension_numbers = #tpu.dot_dimension_numbers<[0], [1], [1], [0], [0, 1, 1, 0], [], []>, transpose_lhs_hint = false} : vector<128x4xf32>, vector<3200x128xf32>, vector<4x3200xf32> -> vector<4x3200xf32>
    %add3A_88 = arith.addf %dot_general3A_82, %dot_general3A_87 : vector<4x3200xf32>
    %get3A_89 = arith.constant 0 : index
    %get3A_90 = arith.constant 0 : index
    %get3A_91 = vector.load %arg7[%get3A_89, %get3A_90] : memref<128x4xf32, #tpu.memory_space<vmem>>, vector<128x4xf32>
    %dot_general3A_92 = arith.constant dense<0.000000e+00> : vector<4x3200xf32>
    %dot_general3A_93 = tpu.matmul %get3A_91, %add3A_62, %dot_general3A_92 {dimension_numbers = #tpu.dot_dimension_numbers<[0], [1], [1], [0], [0, 1, 1, 0], [], []>, transpose_lhs_hint = false} : vector<128x4xf32>, vector<3200x128xf32>, vector<4x3200xf32> -> vector<4x3200xf32>
    %add3A_94 = arith.addf %add3A_88, %dot_general3A_93 : vector<4x3200xf32>
    %get3A_95 = arith.constant 0 : index
    %get3A_96 = arith.constant 0 : index
    %get3A_97 = vector.load %arg8[%get3A_95, %get3A_96] : memref<128x4xf32, #tpu.memory_space<vmem>>, vector<128x4xf32>
    %dot_general3A_98 = arith.constant dense<0.000000e+00> : vector<4x3200xf32>
    %dot_general3A_99 = tpu.matmul %get3A_97, %add3A_77, %dot_general3A_98 {dimension_numbers = #tpu.dot_dimension_numbers<[0], [1], [1], [0], [0, 1, 1, 0], [], []>, transpose_lhs_hint = false} : vector<128x4xf32>, vector<3200x128xf32>, vector<4x3200xf32> -> vector<4x3200xf32>
    %add3A_100 = arith.addf %add3A_94, %dot_general3A_99 : vector<4x3200xf32>
    %max3A_101 = arith.constant 0.000000e+00 : f32
    %max3A_102 = vector.broadcast %max3A_101 : f32 to vector<4x3200xf32>
    %max3A_103 = arith.maximumf %add3A_100, %max3A_102 : vector<4x3200xf32>
    %abs3A_104 = math.absf %add3A_100 : vector<4x3200xf32>
    %neg3A_105 = arith.constant 0.000000e+00 : f32
    %neg3A_106 = vector.broadcast %neg3A_105 : f32 to vector<4x3200xf32>
    %neg3A_107 = arith.subf %neg3A_106, %abs3A_104 : vector<4x3200xf32>
    %exp3A_108 = math.exp %neg3A_107 : vector<4x3200xf32>
    %add3A_109 = arith.constant 1.000000e+00 : f32
    %add3A_110 = vector.broadcast %add3A_109 : f32 to vector<4x3200xf32>
    %add3A_111 = arith.addf %add3A_110, %exp3A_108 : vector<4x3200xf32>
    %log3A_112 = math.log %add3A_111 : vector<4x3200xf32>
    %add3A_113 = arith.addf %max3A_103, %log3A_112 : vector<4x3200xf32>
    %swap3A = arith.constant 0 : index
    %swap3A_114 = arith.constant 0 : index
    %swap3A_115 = vector.load %arg9[%swap3A, %swap3A_114] : memref<4x3200xf32, #tpu.memory_space<vmem>>, vector<4x3200xf32>
    tpu.vector_store %arg9[%swap3A, %swap3A_114], %add3A_113 {strides = array<i32>} : memref<4x3200xf32, #tpu.memory_space<vmem>>, vector<4x3200xf32>,
    %reduce_sum3A = arith.constant dense<0.000000e+00> : vector<4xf32>
    %reduce_sum3A_116 = vector.multi_reduction <add>, %add3A_113, %reduce_sum3A [1] : vector<4x3200xf32> to vector<4xf32>
    %mul3A = arith.mulf %add3A_113, %add3A_113 : vector<4x3200xf32>
    %reduce_sum3A_117 = arith.constant dense<0.000000e+00> : vector<4xf32>
    %reduce_sum3A_118 = vector.multi_reduction <add>, %mul3A, %reduce_sum3A_117 [1] : vector<4x3200xf32> to vector<4xf32>
    %reduce_max3A = arith.constant dense<0xFF800000> : vector<4xf32>
    %reduce_max3A_119 = vector.multi_reduction <maximumf>, %add3A_113, %reduce_max3A [1] : vector<4x3200xf32> to vector<4xf32>
    %reduce_min3A = arith.constant dense<0x7F800000> : vector<4xf32>
    %reduce_min3A_120 = vector.multi_reduction <minimumf>, %add3A_113, %reduce_min3A [1] : vector<4x3200xf32> to vector<4xf32>
    %broadcast_in_dim3A = vector.shape_cast %reduce_sum3A_116 : vector<4xf32> to vector<4x1xf32>
    %broadcast_in_dim3A_121 = vector.shape_cast %reduce_sum3A_118 : vector<4xf32> to vector<4x1xf32>
    %broadcast_in_dim3A_122 = vector.shape_cast %reduce_max3A_119 : vector<4xf32> to vector<4x1xf32>
    %broadcast_in_dim3A_123 = vector.shape_cast %reduce_min3A_120 : vector<4xf32> to vector<4x1xf32>
    %broadcast_in_dim3A_124 = arith.constant 0.000000e+00 : f32
    %broadcast_in_dim3A_125 = vector.broadcast %broadcast_in_dim3A_124 : f32 to vector<4x4xf32>
    %concatenate3A = tpu.concatenate %broadcast_in_dim3A, %broadcast_in_dim3A_121, %broadcast_in_dim3A_122, %broadcast_in_dim3A_123, %broadcast_in_dim3A_125 in 1 : vector<4x1xf32>, vector<4x1xf32>, vector<4x1xf32>, vector<4x1xf32>, vector<4x4xf32> -> vector<4x8xf32>
    %eq3A = arith.constant 0 : i32
    %eq3A_126 = arith.cmpi eq, %arg0, %eq3A : i32
    %convert_element_type3A = arith.extui %eq3A_126 : i1 to i32
    %cond3A = arith.constant 0 : i32
    %cond3A_127 = arith.cmpi ne, %convert_element_type3A, %cond3A : i32
    scf.if %cond3A_127 {
      %swap3A_132 = arith.constant 0 : index
      %swap3A_133 = arith.constant 0 : index
      %swap3A_134 = vector.load %arg10[%swap3A_132, %swap3A_133] : memref<4x8xf32, #tpu.memory_space<vmem>>, vector<4x8xf32>
      tpu.vector_store %arg10[%swap3A_132, %swap3A_133], %concatenate3A {strides = array<i32>} : memref<4x8xf32, #tpu.memory_space<vmem>>, vector<4x8xf32>,
    } else {
    }
    %gt3A = arith.constant 0 : i32
    %gt3A_128 = arith.cmpi sgt, %arg0, %gt3A : i32
    %convert_element_type3A_129 = arith.extui %gt3A_128 : i1 to i32
    %cond3A_130 = arith.constant 0 : i32
    %cond3A_131 = arith.cmpi ne, %convert_element_type3A_129, %cond3A_130 : i32
    scf.if %cond3A_131 {
      %get3A_132 = arith.constant 0 : index
      %get3A_133 = arith.constant 0 : index
      %get3A_134 = vector.load %arg10[%get3A_132, %get3A_133] : memref<4x8xf32, #tpu.memory_space<vmem>>, vector<4x8xf32>
      %iota3A = tpu.iota {dimensions = array<i32: 1>} : vector<4x8xi32>
      %lt3A = arith.constant 2 : i32
      %lt3A_135 = vector.broadcast %lt3A : i32 to vector<4x8xi32>
      %lt3A_136 = arith.cmpi slt, %iota3A, %lt3A_135 : vector<4x8xi32>
      %add3A_137 = arith.addf %get3A_134, %concatenate3A : vector<4x8xf32>
      %eq3A_138 = arith.constant 2 : i32
      %eq3A_139 = vector.broadcast %eq3A_138 : i32 to vector<4x8xi32>
      %eq3A_140 = arith.cmpi eq, %iota3A, %eq3A_139 : vector<4x8xi32>
      %max3A_141 = arith.maximumf %get3A_134, %concatenate3A : vector<4x8xf32>
      %eq3A_142 = arith.constant 3 : i32
      %eq3A_143 = vector.broadcast %eq3A_142 : i32 to vector<4x8xi32>
      %eq3A_144 = arith.cmpi eq, %iota3A, %eq3A_143 : vector<4x8xi32>
      %min3A = arith.minimumf %get3A_134, %concatenate3A : vector<4x8xf32>
      %jit3A = arith.constant 0.000000e+00 : f32
      %broadcast_in_dim3A_145 = vector.broadcast %jit3A : f32 to vector<4x8xf32>
      %select_n3A = arith.select %eq3A_144, %min3A, %broadcast_in_dim3A_145 : vector<4x8xi1>, vector<4x8xf32>
      %select_n3A_146 = arith.select %eq3A_140, %max3A_141, %select_n3A : vector<4x8xi1>, vector<4x8xf32>
      %select_n3A_147 = arith.select %lt3A_136, %add3A_137, %select_n3A_146 : vector<4x8xi1>, vector<4x8xf32>
      %swap3A_148 = arith.constant 0 : index
      %swap3A_149 = arith.constant 0 : index
      %swap3A_150 = vector.load %arg10[%swap3A_148, %swap3A_149] : memref<4x8xf32, #tpu.memory_space<vmem>>, vector<4x8xf32>
      tpu.vector_store %arg10[%swap3A_148, %swap3A_149], %select_n3A_147 {strides = array<i32>} : memref<4x8xf32, #tpu.memory_space<vmem>>, vector<4x8xf32>,
    } else {
    }
    return
  }
  func.func @transform_0(%arg0: i32) -> (i32, i32) {
    %c0_i32 = arith.constant 0 : i32
    %c0_i32_0 = arith.constant 0 : i32
    return %arg0, %c0_i32 : i32, i32
  }
  func.func @transform_1(%arg0: i32) -> (i32, i32) {
    %add3A = arith.constant 20 : i32
    %add3A_0 = arith.addi %add3A, %arg0 : i32
    %c0_i32 = arith.constant 0 : i32
    %c0_i32_1 = arith.constant 0 : i32
    return %add3A_0, %c0_i32 : i32, i32
  }
  func.func @transform_2(%arg0: i32) -> (i32, i32) {
    %add3A = arith.constant 30 : i32
    %add3A_0 = arith.addi %add3A, %arg0 : i32
    %c0_i32 = arith.constant 0 : i32
    %c0_i32_1 = arith.constant 0 : i32
    return %add3A_0, %c0_i32 : i32, i32
  }
  func.func @transform_3(%arg0: i32) -> (i32, i32) {
    %c0_i32 = arith.constant 0 : i32
    %c0_i32_0 = arith.constant 0 : i32
    %c0_i32_1 = arith.constant 0 : i32
    return %c0_i32, %c0_i32_0 : i32, i32
  }
  func.func @transform_4(%arg0: i32) -> (i32, i32) {
    %c0_i32 = arith.constant 0 : i32
    %c0_i32_0 = arith.constant 0 : i32
    %c0_i32_1 = arith.constant 0 : i32
    return %c0_i32, %c0_i32_0 : i32, i32
  }
  func.func @transform_5(%arg0: i32) -> (i32, i32) {
    %c0_i32 = arith.constant 0 : i32
    %c0_i32_0 = arith.constant 0 : i32
    %c0_i32_1 = arith.constant 0 : i32
    return %c0_i32, %c0_i32_0 : i32, i32
  }
  func.func @transform_6(%arg0: i32) -> (i32, i32) {
    %c0_i32 = arith.constant 0 : i32
    %c0_i32_0 = arith.constant 0 : i32
    %c0_i32_1 = arith.constant 0 : i32
    return %c0_i32, %c0_i32_0 : i32, i32
  }
  func.func @transform_7(%arg0: i32) -> (i32, i32) {
    %c0_i32 = arith.constant 0 : i32
    %c0_i32_0 = arith.constant 0 : i32
    %c0_i32_1 = arith.constant 0 : i32
    return %c0_i32, %c0_i32_0 : i32, i32
  }
  func.func @transform_8(%arg0: i32) -> (i32, i32) {
    %c0_i32 = arith.constant 0 : i32
    %c0_i32_0 = arith.constant 0 : i32
    return %c0_i32, %arg0 : i32, i32
  }
  func.func @transform_9(%arg0: i32) -> (i32, i32) {
    %c0_i32 = arith.constant 0 : i32
    %c0_i32_0 = arith.constant 0 : i32
    %c0_i32_1 = arith.constant 0 : i32
    return %c0_i32, %c0_i32_0 : i32, i32
  }
}

module attributes {stable_mosaic.version = 14 : i64} {
  func.func @_pass_a_body(%arg0: i32, %arg1: memref<3200x128xi32, #tpu.memory_space<vmem>>, %arg2: memref<3200x128xi32, #tpu.memory_space<vmem>>, %arg3: memref<3200x64xf32, #tpu.memory_space<vmem>>, %arg4: memref<64x256xf32, #tpu.memory_space<vmem>>, %arg5: memref<128x4xf32, #tpu.memory_space<vmem>>, %arg6: memref<128x4xf32, #tpu.memory_space<vmem>>, %arg7: memref<128x4xf32, #tpu.memory_space<vmem>>, %arg8: memref<128x4xf32, #tpu.memory_space<vmem>>, %arg9: memref<4x3200xf32, #tpu.memory_space<vmem>>, %arg10: memref<4x8xf32, #tpu.memory_space<vmem>>) attributes {dimension_semantics = [#tpu.dimension_semantics<arbitrary>], iteration_bounds = array<i64: 30>, scalar_prefetch = 0 : i64, scratch_operands = 0 : i64, tpu.core_type = #tpu.core_type<tc>, window_params = [{transform_indices = @transform_0, window_bounds = array<i64: 3200, 128>}, {transform_indices = @transform_1, window_bounds = array<i64: 3200, 128>}, {transform_indices = @transform_2, window_bounds = array<i64: 3200, 64>}, {pipeline_mode = #tpu.pipeline_mode<synchronous>, transform_indices = @transform_3, window_bounds = array<i64: 64, 256>}, {pipeline_mode = #tpu.pipeline_mode<synchronous>, transform_indices = @transform_4, window_bounds = array<i64: 128, 4>}, {pipeline_mode = #tpu.pipeline_mode<synchronous>, transform_indices = @transform_5, window_bounds = array<i64: 128, 4>}, {pipeline_mode = #tpu.pipeline_mode<synchronous>, transform_indices = @transform_6, window_bounds = array<i64: 128, 4>}, {pipeline_mode = #tpu.pipeline_mode<synchronous>, transform_indices = @transform_7, window_bounds = array<i64: 128, 4>}, {transform_indices = @transform_8, window_bounds = array<i64: 4, 3200>}, {pipeline_mode = #tpu.pipeline_mode<synchronous>, transform_indices = @transform_9, window_bounds = array<i64: 4, 8>}]} {
    %get3A = arith.constant 0 : index
    %get3A_0 = arith.constant 0 : index
    %get3A_1 = vector.load %arg3[%get3A, %get3A_0] : memref<3200x64xf32, #tpu.memory_space<vmem>>, vector<3200x64xf32>
    %get3A_2 = arith.constant 0 : index
    %get3A_3 = arith.constant 0 : index
    %get3A_4 = vector.load %arg4[%get3A_2, %get3A_3] : memref<64x256xf32, #tpu.memory_space<vmem>>, vector<64x256xf32>
    %dot_general3A = arith.constant dense<0.000000e+00> : vector<3200x256xf32>
    %dot_general3A_5 = tpu.matmul %get3A_1, %get3A_4, %dot_general3A {dimension_numbers = #tpu.dot_dimension_numbers<[1], [0], [0], [1], [0, 0, 1, 1], [], []>, transpose_lhs_hint = false} : vector<3200x64xf32>, vector<64x256xf32>, vector<3200x256xf32> -> vector<3200x256xf32>
    %get3A_6 = arith.constant 0 : index
    %get3A_7 = arith.constant 0 : index
    %get3A_8 = vector.load %arg1[%get3A_6, %get3A_7] : memref<3200x128xi32, #tpu.memory_space<vmem>>, vector<3200x128xi32>
    %shift_left3A = arith.constant 16 : i32
    %shift_left3A_9 = vector.broadcast %shift_left3A : i32 to vector<3200x128xi32>
    %shift_left3A_10 = arith.shli %get3A_8, %shift_left3A_9 : vector<3200x128xi32>
    %bitcast_convert_type3A = tpu.bitcast %shift_left3A_10 : vector<3200x128xi32> -> vector<3200x128xf32>
    %and3A = arith.constant -65536 : i32
    %and3A_11 = vector.broadcast %and3A : i32 to vector<3200x128xi32>
    %and3A_12 = arith.andi %get3A_8, %and3A_11 : vector<3200x128xi32>
    %bitcast_convert_type3A_13 = tpu.bitcast %and3A_12 : vector<3200x128xi32> -> vector<3200x128xf32>
    %get3A_14 = arith.constant 0 : index
    %get3A_15 = arith.constant 0 : index
    %get3A_16 = vector.load %arg2[%get3A_14, %get3A_15] : memref<3200x128xi32, #tpu.memory_space<vmem>>, vector<3200x128xi32>
    %shift_left3A_17 = arith.constant 16 : i32
    %shift_left3A_18 = vector.broadcast %shift_left3A_17 : i32 to vector<3200x128xi32>
    %shift_left3A_19 = arith.shli %get3A_16, %shift_left3A_18 : vector<3200x128xi32>
    %bitcast_convert_type3A_20 = tpu.bitcast %shift_left3A_19 : vector<3200x128xi32> -> vector<3200x128xf32>
    %and3A_21 = arith.constant -65536 : i32
    %and3A_22 = vector.broadcast %and3A_21 : i32 to vector<3200x128xi32>
    %and3A_23 = arith.andi %get3A_16, %and3A_22 : vector<3200x128xi32>
    %bitcast_convert_type3A_24 = tpu.bitcast %and3A_23 : vector<3200x128xi32> -> vector<3200x128xf32>
    %slice3A = vector.extract_strided_slice %dot_general3A_5 {offsets = [0, 0], sizes = [3200, 128], strides = [1, 1]} : vector<3200x256xf32> to vector<3200x128xf32>
    %add3A = arith.addf %bitcast_convert_type3A, %slice3A : vector<3200x128xf32>
    %max3A = arith.constant 0.000000e+00 : f32
    %max3A_25 = vector.broadcast %max3A : f32 to vector<3200x128xf32>
    %max3A_26 = arith.maximumf %add3A, %max3A_25 : vector<3200x128xf32>
    %abs3A = math.absf %add3A : vector<3200x128xf32>
    %neg3A = arith.constant 0.000000e+00 : f32
    %neg3A_27 = vector.broadcast %neg3A : f32 to vector<3200x128xf32>
    %neg3A_28 = arith.subf %neg3A_27, %abs3A : vector<3200x128xf32>
    %exp3A = math.exp %neg3A_28 : vector<3200x128xf32>
    %add3A_29 = arith.constant 1.000000e+00 : f32
    %add3A_30 = vector.broadcast %add3A_29 : f32 to vector<3200x128xf32>
    %add3A_31 = arith.addf %add3A_30, %exp3A : vector<3200x128xf32>
    %log3A = math.log %add3A_31 : vector<3200x128xf32>
    %add3A_32 = arith.addf %max3A_26, %log3A : vector<3200x128xf32>
    %slice3A_33 = vector.extract_strided_slice %dot_general3A_5 {offsets = [0, 128], sizes = [3200, 128], strides = [1, 1]} : vector<3200x256xf32> to vector<3200x128xf32>
    %add3A_34 = arith.addf %bitcast_convert_type3A_13, %slice3A_33 : vector<3200x128xf32>
    %max3A_35 = arith.constant 0.000000e+00 : f32
    %max3A_36 = vector.broadcast %max3A_35 : f32 to vector<3200x128xf32>
    %max3A_37 = arith.maximumf %add3A_34, %max3A_36 : vector<3200x128xf32>
    %abs3A_38 = math.absf %add3A_34 : vector<3200x128xf32>
    %neg3A_39 = arith.constant 0.000000e+00 : f32
    %neg3A_40 = vector.broadcast %neg3A_39 : f32 to vector<3200x128xf32>
    %neg3A_41 = arith.subf %neg3A_40, %abs3A_38 : vector<3200x128xf32>
    %exp3A_42 = math.exp %neg3A_41 : vector<3200x128xf32>
    %add3A_43 = arith.constant 1.000000e+00 : f32
    %add3A_44 = vector.broadcast %add3A_43 : f32 to vector<3200x128xf32>
    %add3A_45 = arith.addf %add3A_44, %exp3A_42 : vector<3200x128xf32>
    %log3A_46 = math.log %add3A_45 : vector<3200x128xf32>
    %add3A_47 = arith.addf %max3A_37, %log3A_46 : vector<3200x128xf32>
    %slice3A_48 = vector.extract_strided_slice %dot_general3A_5 {offsets = [0, 0], sizes = [3200, 128], strides = [1, 1]} : vector<3200x256xf32> to vector<3200x128xf32>
    %add3A_49 = arith.addf %bitcast_convert_type3A_20, %slice3A_48 : vector<3200x128xf32>
    %max3A_50 = arith.constant 0.000000e+00 : f32
    %max3A_51 = vector.broadcast %max3A_50 : f32 to vector<3200x128xf32>
    %max3A_52 = arith.maximumf %add3A_49, %max3A_51 : vector<3200x128xf32>
    %abs3A_53 = math.absf %add3A_49 : vector<3200x128xf32>
    %neg3A_54 = arith.constant 0.000000e+00 : f32
    %neg3A_55 = vector.broadcast %neg3A_54 : f32 to vector<3200x128xf32>
    %neg3A_56 = arith.subf %neg3A_55, %abs3A_53 : vector<3200x128xf32>
    %exp3A_57 = math.exp %neg3A_56 : vector<3200x128xf32>
    %add3A_58 = arith.constant 1.000000e+00 : f32
    %add3A_59 = vector.broadcast %add3A_58 : f32 to vector<3200x128xf32>
    %add3A_60 = arith.addf %add3A_59, %exp3A_57 : vector<3200x128xf32>
    %log3A_61 = math.log %add3A_60 : vector<3200x128xf32>
    %add3A_62 = arith.addf %max3A_52, %log3A_61 : vector<3200x128xf32>
    %slice3A_63 = vector.extract_strided_slice %dot_general3A_5 {offsets = [0, 128], sizes = [3200, 128], strides = [1, 1]} : vector<3200x256xf32> to vector<3200x128xf32>
    %add3A_64 = arith.addf %bitcast_convert_type3A_24, %slice3A_63 : vector<3200x128xf32>
    %max3A_65 = arith.constant 0.000000e+00 : f32
    %max3A_66 = vector.broadcast %max3A_65 : f32 to vector<3200x128xf32>
    %max3A_67 = arith.maximumf %add3A_64, %max3A_66 : vector<3200x128xf32>
    %abs3A_68 = math.absf %add3A_64 : vector<3200x128xf32>
    %neg3A_69 = arith.constant 0.000000e+00 : f32
    %neg3A_70 = vector.broadcast %neg3A_69 : f32 to vector<3200x128xf32>
    %neg3A_71 = arith.subf %neg3A_70, %abs3A_68 : vector<3200x128xf32>
    %exp3A_72 = math.exp %neg3A_71 : vector<3200x128xf32>
    %add3A_73 = arith.constant 1.000000e+00 : f32
    %add3A_74 = vector.broadcast %add3A_73 : f32 to vector<3200x128xf32>
    %add3A_75 = arith.addf %add3A_74, %exp3A_72 : vector<3200x128xf32>
    %log3A_76 = math.log %add3A_75 : vector<3200x128xf32>
    %add3A_77 = arith.addf %max3A_67, %log3A_76 : vector<3200x128xf32>
    %get3A_78 = arith.constant 0 : index
    %get3A_79 = arith.constant 0 : index
    %get3A_80 = vector.load %arg5[%get3A_78, %get3A_79] : memref<128x4xf32, #tpu.memory_space<vmem>>, vector<128x4xf32>
    %dot_general3A_81 = arith.constant dense<0.000000e+00> : vector<4x3200xf32>
    %dot_general3A_82 = tpu.matmul %get3A_80, %add3A_32, %dot_general3A_81 {dimension_numbers = #tpu.dot_dimension_numbers<[0], [1], [1], [0], [0, 1, 1, 0], [], []>, transpose_lhs_hint = false} : vector<128x4xf32>, vector<3200x128xf32>, vector<4x3200xf32> -> vector<4x3200xf32>
    %get3A_83 = arith.constant 0 : index
    %get3A_84 = arith.constant 0 : index
    %get3A_85 = vector.load %arg6[%get3A_83, %get3A_84] : memref<128x4xf32, #tpu.memory_space<vmem>>, vector<128x4xf32>
    %dot_general3A_86 = arith.constant dense<0.000000e+00> : vector<4x3200xf32>
    %dot_general3A_87 = tpu.matmul %get3A_85, %add3A_47, %dot_general3A_86 {dimension_numbers = #tpu.dot_dimension_numbers<[0], [1], [1], [0], [0, 1, 1, 0], [], []>, transpose_lhs_hint = false} : vector<128x4xf32>, vector<3200x128xf32>, vector<4x3200xf32> -> vector<4x3200xf32>
    %add3A_88 = arith.addf %dot_general3A_82, %dot_general3A_87 : vector<4x3200xf32>
    %get3A_89 = arith.constant 0 : index
    %get3A_90 = arith.constant 0 : index
    %get3A_91 = vector.load %arg7[%get3A_89, %get3A_90] : memref<128x4xf32, #tpu.memory_space<vmem>>, vector<128x4xf32>
    %dot_general3A_92 = arith.constant dense<0.000000e+00> : vector<4x3200xf32>
    %dot_general3A_93 = tpu.matmul %get3A_91, %add3A_62, %dot_general3A_92 {dimension_numbers = #tpu.dot_dimension_numbers<[0], [1], [1], [0], [0, 1, 1, 0], [], []>, transpose_lhs_hint = false} : vector<128x4xf32>, vector<3200x128xf32>, vector<4x3200xf32> -> vector<4x3200xf32>
    %add3A_94 = arith.addf %add3A_88, %dot_general3A_93 : vector<4x3200xf32>
    %get3A_95 = arith.constant 0 : index
    %get3A_96 = arith.constant 0 : index
    %get3A_97 = vector.load %arg8[%get3A_95, %get3A_96] : memref<128x4xf32, #tpu.memory_space<vmem>>, vector<128x4xf32>
    %dot_general3A_98 = arith.constant dense<0.000000e+00> : vector<4x3200xf32>
    %dot_general3A_99 = tpu.matmul %get3A_97, %add3A_77, %dot_general3A_98 {dimension_numbers = #tpu.dot_dimension_numbers<[0], [1], [1], [0], [0, 1, 1, 0], [], []>, transpose_lhs_hint = false} : vector<128x4xf32>, vector<3200x128xf32>, vector<4x3200xf32> -> vector<4x3200xf32>
    %add3A_100 = arith.addf %add3A_94, %dot_general3A_99 : vector<4x3200xf32>
    %max3A_101 = arith.constant 0.000000e+00 : f32
    %max3A_102 = vector.broadcast %max3A_101 : f32 to vector<4x3200xf32>
    %max3A_103 = arith.maximumf %add3A_100, %max3A_102 : vector<4x3200xf32>
    %abs3A_104 = math.absf %add3A_100 : vector<4x3200xf32>
    %neg3A_105 = arith.constant 0.000000e+00 : f32
    %neg3A_106 = vector.broadcast %neg3A_105 : f32 to vector<4x3200xf32>
    %neg3A_107 = arith.subf %neg3A_106, %abs3A_104 : vector<4x3200xf32>
    %exp3A_108 = math.exp %neg3A_107 : vector<4x3200xf32>
    %add3A_109 = arith.constant 1.000000e+00 : f32
    %add3A_110 = vector.broadcast %add3A_109 : f32 to vector<4x3200xf32>
    %add3A_111 = arith.addf %add3A_110, %exp3A_108 : vector<4x3200xf32>
    %log3A_112 = math.log %add3A_111 : vector<4x3200xf32>
    %add3A_113 = arith.addf %max3A_103, %log3A_112 : vector<4x3200xf32>
    %swap3A = arith.constant 0 : index
    %swap3A_114 = arith.constant 0 : index
    %swap3A_115 = vector.load %arg9[%swap3A, %swap3A_114] : memref<4x3200xf32, #tpu.memory_space<vmem>>, vector<4x3200xf32>
    tpu.vector_store %arg9[%swap3A, %swap3A_114], %add3A_113 {strides = array<i32>} : memref<4x3200xf32, #tpu.memory_space<vmem>>, vector<4x3200xf32>,
    %reduce_sum3A = arith.constant dense<0.000000e+00> : vector<4xf32>
    %reduce_sum3A_116 = vector.multi_reduction <add>, %add3A_113, %reduce_sum3A [1] : vector<4x3200xf32> to vector<4xf32>
    %mul3A = arith.mulf %add3A_113, %add3A_113 : vector<4x3200xf32>
    %reduce_sum3A_117 = arith.constant dense<0.000000e+00> : vector<4xf32>
    %reduce_sum3A_118 = vector.multi_reduction <add>, %mul3A, %reduce_sum3A_117 [1] : vector<4x3200xf32> to vector<4xf32>
    %reduce_max3A = arith.constant dense<0xFF800000> : vector<4xf32>
    %reduce_max3A_119 = vector.multi_reduction <maximumf>, %add3A_113, %reduce_max3A [1] : vector<4x3200xf32> to vector<4xf32>
    %reduce_min3A = arith.constant dense<0x7F800000> : vector<4xf32>
    %reduce_min3A_120 = vector.multi_reduction <minimumf>, %add3A_113, %reduce_min3A [1] : vector<4x3200xf32> to vector<4xf32>
    %broadcast_in_dim3A = vector.shape_cast %reduce_sum3A_116 : vector<4xf32> to vector<4x1xf32>
    %broadcast_in_dim3A_121 = vector.shape_cast %reduce_sum3A_118 : vector<4xf32> to vector<4x1xf32>
    %broadcast_in_dim3A_122 = vector.shape_cast %reduce_max3A_119 : vector<4xf32> to vector<4x1xf32>
    %broadcast_in_dim3A_123 = vector.shape_cast %reduce_min3A_120 : vector<4xf32> to vector<4x1xf32>
    %broadcast_in_dim3A_124 = arith.constant 0.000000e+00 : f32
    %broadcast_in_dim3A_125 = vector.broadcast %broadcast_in_dim3A_124 : f32 to vector<4x4xf32>
    %concatenate3A = tpu.concatenate %broadcast_in_dim3A, %broadcast_in_dim3A_121, %broadcast_in_dim3A_122, %broadcast_in_dim3A_123, %broadcast_in_dim3A_125 in 1 : vector<4x1xf32>, vector<4x1xf32>, vector<4x1xf32>, vector<4x1xf32>, vector<4x4xf32> -> vector<4x8xf32>
    %eq3A = arith.constant 0 : i32
    %eq3A_126 = arith.cmpi eq, %arg0, %eq3A : i32
    %convert_element_type3A = arith.extui %eq3A_126 : i1 to i32
    %cond3A = arith.constant 0 : i32
    %cond3A_127 = arith.cmpi ne, %convert_element_type3A, %cond3A : i32
    scf.if %cond3A_127 {
      %swap3A_132 = arith.constant 0 : index
      %swap3A_133 = arith.constant 0 : index
      %swap3A_134 = vector.load %arg10[%swap3A_132, %swap3A_133] : memref<4x8xf32, #tpu.memory_space<vmem>>, vector<4x8xf32>
      tpu.vector_store %arg10[%swap3A_132, %swap3A_133], %concatenate3A {strides = array<i32>} : memref<4x8xf32, #tpu.memory_space<vmem>>, vector<4x8xf32>,
    } else {
    }
    %gt3A = arith.constant 0 : i32
    %gt3A_128 = arith.cmpi sgt, %arg0, %gt3A : i32
    %convert_element_type3A_129 = arith.extui %gt3A_128 : i1 to i32
    %cond3A_130 = arith.constant 0 : i32
    %cond3A_131 = arith.cmpi ne, %convert_element_type3A_129, %cond3A_130 : i32
    scf.if %cond3A_131 {
      %get3A_132 = arith.constant 0 : index
      %get3A_133 = arith.constant 0 : index
      %get3A_134 = vector.load %arg10[%get3A_132, %get3A_133] : memref<4x8xf32, #tpu.memory_space<vmem>>, vector<4x8xf32>
      %iota3A = tpu.iota {dimensions = array<i32: 1>} : vector<4x8xi32>
      %lt3A = arith.constant 2 : i32
      %lt3A_135 = vector.broadcast %lt3A : i32 to vector<4x8xi32>
      %lt3A_136 = arith.cmpi slt, %iota3A, %lt3A_135 : vector<4x8xi32>
      %add3A_137 = arith.addf %get3A_134, %concatenate3A : vector<4x8xf32>
      %eq3A_138 = arith.constant 2 : i32
      %eq3A_139 = vector.broadcast %eq3A_138 : i32 to vector<4x8xi32>
      %eq3A_140 = arith.cmpi eq, %iota3A, %eq3A_139 : vector<4x8xi32>
      %max3A_141 = arith.maximumf %get3A_134, %concatenate3A : vector<4x8xf32>
      %eq3A_142 = arith.constant 3 : i32
      %eq3A_143 = vector.broadcast %eq3A_142 : i32 to vector<4x8xi32>
      %eq3A_144 = arith.cmpi eq, %iota3A, %eq3A_143 : vector<4x8xi32>
      %min3A = arith.minimumf %get3A_134, %concatenate3A : vector<4x8xf32>
      %jit3A = arith.constant 0.000000e+00 : f32
      %broadcast_in_dim3A_145 = vector.broadcast %jit3A : f32 to vector<4x8xf32>
      %select_n3A = arith.select %eq3A_144, %min3A, %broadcast_in_dim3A_145 : vector<4x8xi1>, vector<4x8xf32>
      %select_n3A_146 = arith.select %eq3A_140, %max3A_141, %select_n3A : vector<4x8xi1>, vector<4x8xf32>
      %select_n3A_147 = arith.select %lt3A_136, %add3A_137, %select_n3A_146 : vector<4x8xi1>, vector<4x8xf32>
      %swap3A_148 = arith.constant 0 : index
      %swap3A_149 = arith.constant 0 : index
      %swap3A_150 = vector.load %arg10[%swap3A_148, %swap3A_149] : memref<4x8xf32, #tpu.memory_space<vmem>>, vector<4x8xf32>
      tpu.vector_store %arg10[%swap3A_148, %swap3A_149], %select_n3A_147 {strides = array<i32>} : memref<4x8xf32, #tpu.memory_space<vmem>>, vector<4x8xf32>,
    } else {
    }
    return
  }
  func.func @transform_0(%arg0: i32) -> (i32, i32) {
    %c0_i32 = arith.constant 0 : i32
    %c0_i32_0 = arith.constant 0 : i32
    return %arg0, %c0_i32 : i32, i32
  }
  func.func @transform_1(%arg0: i32) -> (i32, i32) {
    %add3A = arith.constant 30 : i32
    %add3A_0 = arith.addi %add3A, %arg0 : i32
    %c0_i32 = arith.constant 0 : i32
    %c0_i32_1 = arith.constant 0 : i32
    return %add3A_0, %c0_i32 : i32, i32
  }
  func.func @transform_2(%arg0: i32) -> (i32, i32) {
    %add3A = arith.constant 0 : i32
    %add3A_0 = arith.addi %add3A, %arg0 : i32
    %c0_i32 = arith.constant 0 : i32
    %c0_i32_1 = arith.constant 0 : i32
    return %add3A_0, %c0_i32 : i32, i32
  }
  func.func @transform_3(%arg0: i32) -> (i32, i32) {
    %c0_i32 = arith.constant 0 : i32
    %c0_i32_0 = arith.constant 0 : i32
    %c0_i32_1 = arith.constant 0 : i32
    return %c0_i32, %c0_i32_0 : i32, i32
  }
  func.func @transform_4(%arg0: i32) -> (i32, i32) {
    %c0_i32 = arith.constant 0 : i32
    %c0_i32_0 = arith.constant 0 : i32
    %c0_i32_1 = arith.constant 0 : i32
    return %c0_i32, %c0_i32_0 : i32, i32
  }
  func.func @transform_5(%arg0: i32) -> (i32, i32) {
    %c0_i32 = arith.constant 0 : i32
    %c0_i32_0 = arith.constant 0 : i32
    %c0_i32_1 = arith.constant 0 : i32
    return %c0_i32, %c0_i32_0 : i32, i32
  }
  func.func @transform_6(%arg0: i32) -> (i32, i32) {
    %c0_i32 = arith.constant 0 : i32
    %c0_i32_0 = arith.constant 0 : i32
    %c0_i32_1 = arith.constant 0 : i32
    return %c0_i32, %c0_i32_0 : i32, i32
  }
  func.func @transform_7(%arg0: i32) -> (i32, i32) {
    %c0_i32 = arith.constant 0 : i32
    %c0_i32_0 = arith.constant 0 : i32
    %c0_i32_1 = arith.constant 0 : i32
    return %c0_i32, %c0_i32_0 : i32, i32
  }
  func.func @transform_8(%arg0: i32) -> (i32, i32) {
    %c0_i32 = arith.constant 0 : i32
    %c0_i32_0 = arith.constant 0 : i32
    return %c0_i32, %arg0 : i32, i32
  }
  func.func @transform_9(%arg0: i32) -> (i32, i32) {
    %c0_i32 = arith.constant 0 : i32
    %c0_i32_0 = arith.constant 0 : i32
    %c0_i32_1 = arith.constant 0 : i32
    return %c0_i32, %c0_i32_0 : i32, i32
  }
}

module attributes {stable_mosaic.version = 14 : i64} {
  func.func @_ex_body(%arg0: i32, %arg1: memref<4x16000xf32, #tpu.memory_space<vmem>>, %arg2: memref<4x8xf32, #tpu.memory_space<vmem>>, %arg3: memref<4x16000xf32, #tpu.memory_space<vmem>>) attributes {dimension_semantics = [#tpu.dimension_semantics<arbitrary>], iteration_bounds = array<i64: 10>, scalar_prefetch = 0 : i64, scratch_operands = 0 : i64, tpu.core_type = #tpu.core_type<tc>, window_params = [{transform_indices = @transform_0, window_bounds = array<i64: 4, 16000>}, {pipeline_mode = #tpu.pipeline_mode<synchronous>, transform_indices = @transform_1, window_bounds = array<i64: 4, 8>}, {transform_indices = @transform_2, window_bounds = array<i64: 4, 16000>}]} {
    %get3A = arith.constant 0 : index
    %get3A_0 = arith.constant 0 : index
    %get3A_1 = vector.load %arg2[%get3A, %get3A_0] : memref<4x8xf32, #tpu.memory_space<vmem>>, vector<4x8xf32>
    %slice3A = vector.extract_strided_slice %get3A_1 {offsets = [0, 0], sizes = [4, 1], strides = [1, 1]} : vector<4x8xf32> to vector<4x1xf32>
    %slice3A_2 = vector.extract_strided_slice %get3A_1 {offsets = [0, 1], sizes = [4, 1], strides = [1, 1]} : vector<4x8xf32> to vector<4x1xf32>
    %slice3A_3 = vector.extract_strided_slice %get3A_1 {offsets = [0, 2], sizes = [4, 1], strides = [1, 1]} : vector<4x8xf32> to vector<4x1xf32>
    %slice3A_4 = vector.extract_strided_slice %get3A_1 {offsets = [0, 3], sizes = [4, 1], strides = [1, 1]} : vector<4x8xf32> to vector<4x1xf32>
    %slice3A_5 = vector.extract_strided_slice %get3A_1 {offsets = [0, 4], sizes = [4, 1], strides = [1, 1]} : vector<4x8xf32> to vector<4x1xf32>
    %get3A_6 = arith.constant 0 : index
    %get3A_7 = arith.constant 0 : index
    %get3A_8 = vector.load %arg1[%get3A_6, %get3A_7] : memref<4x16000xf32, #tpu.memory_space<vmem>>, vector<4x16000xf32>
    %sub3A = vector.broadcast %slice3A : vector<4x1xf32> to vector<4x16000xf32>
    %sub3A_9 = arith.subf %get3A_8, %sub3A : vector<4x16000xf32>
    %mul3A = vector.broadcast %slice3A_3 : vector<4x1xf32> to vector<4x16000xf32>
    %mul3A_10 = arith.mulf %mul3A, %sub3A_9 : vector<4x16000xf32>
    %mul3A_11 = vector.broadcast %slice3A_2 : vector<4x1xf32> to vector<4x16000xf32>
    %mul3A_12 = arith.mulf %mul3A_10, %mul3A_11 : vector<4x16000xf32>
    %add3A = vector.broadcast %slice3A_4 : vector<4x1xf32> to vector<4x16000xf32>
    %add3A_13 = arith.addf %mul3A_12, %add3A : vector<4x16000xf32>
    %max3A = arith.constant 0.000000e+00 : f32
    %max3A_14 = vector.broadcast %max3A : f32 to vector<4x16000xf32>
    %max3A_15 = arith.maximumf %add3A_13, %max3A_14 : vector<4x16000xf32>
    %abs3A = math.absf %add3A_13 : vector<4x16000xf32>
    %neg3A = arith.constant 0.000000e+00 : f32
    %neg3A_16 = vector.broadcast %neg3A : f32 to vector<4x16000xf32>
    %neg3A_17 = arith.subf %neg3A_16, %abs3A : vector<4x16000xf32>
    %exp3A = math.exp %neg3A_17 : vector<4x16000xf32>
    %add3A_18 = arith.constant 1.000000e+00 : f32
    %add3A_19 = vector.broadcast %add3A_18 : f32 to vector<4x16000xf32>
    %add3A_20 = arith.addf %add3A_19, %exp3A : vector<4x16000xf32>
    %log3A = math.log %add3A_20 : vector<4x16000xf32>
    %add3A_21 = arith.addf %max3A_15, %log3A : vector<4x16000xf32>
    %sub3A_22 = vector.broadcast %slice3A_5 : vector<4x1xf32> to vector<4x16000xf32>
    %sub3A_23 = arith.subf %add3A_21, %sub3A_22 : vector<4x16000xf32>
    %exp3A_24 = math.exp %sub3A_23 : vector<4x16000xf32>
    %swap3A = arith.constant 0 : index
    %swap3A_25 = arith.constant 0 : index
    %swap3A_26 = vector.load %arg3[%swap3A, %swap3A_25] : memref<4x16000xf32, #tpu.memory_space<vmem>>, vector<4x16000xf32>
    tpu.vector_store %arg3[%swap3A, %swap3A_25], %exp3A_24 {strides = array<i32>} : memref<4x16000xf32, #tpu.memory_space<vmem>>, vector<4x16000xf32>,
    return
  }
  func.func @transform_0(%arg0: i32) -> (i32, i32) {
    %c0_i32 = arith.constant 0 : i32
    %c0_i32_0 = arith.constant 0 : i32
    return %c0_i32, %arg0 : i32, i32
  }
  func.func @transform_1(%arg0: i32) -> (i32, i32) {
    %c0_i32 = arith.constant 0 : i32
    %c0_i32_0 = arith.constant 0 : i32
    %c0_i32_1 = arith.constant 0 : i32
    return %c0_i32, %c0_i32_0 : i32, i32
  }
  func.func @transform_2(%arg0: i32) -> (i32, i32) {
    %c0_i32 = arith.constant 0 : i32
    %c0_i32_0 = arith.constant 0 : i32
    return %c0_i32, %arg0 : i32, i32
  }
}

module attributes {stable_mosaic.version = 14 : i64} {
  func.func @_pass_b_body(%arg0: i32, %arg1: memref<3200x128xi32, #tpu.memory_space<vmem>>, %arg2: memref<3200x64xf32, #tpu.memory_space<vmem>>, %arg3: memref<64x256xf32, #tpu.memory_space<vmem>>, %arg4: memref<4x3200xf32, #tpu.memory_space<vmem>>, %arg5: memref<4x3200xf32, #tpu.memory_space<vmem>>, %arg6: memref<4x1xf32, #tpu.memory_space<vmem>>, %arg7: memref<4x256xf32, #tpu.memory_space<vmem>>, %arg8: memref<128x128xf32, #tpu.memory_space<vmem>>, %arg9: memref<128x128xf32, #tpu.memory_space<vmem>>, %arg10: memref<3200x128xf32, #tpu.memory_space<vmem>>) attributes {dimension_semantics = [#tpu.dimension_semantics<arbitrary>], iteration_bounds = array<i64: 20>, scalar_prefetch = 0 : i64, scratch_operands = 0 : i64, tpu.core_type = #tpu.core_type<tc>, window_params = [{transform_indices = @transform_0, window_bounds = array<i64: 3200, 128>}, {transform_indices = @transform_1, window_bounds = array<i64: 3200, 64>}, {pipeline_mode = #tpu.pipeline_mode<synchronous>, transform_indices = @transform_2, window_bounds = array<i64: 64, 256>}, {transform_indices = @transform_3, window_bounds = array<i64: 4, 3200>}, {transform_indices = @transform_4, window_bounds = array<i64: 4, 3200>}, {pipeline_mode = #tpu.pipeline_mode<synchronous>, transform_indices = @transform_5, window_bounds = array<i64: 4, 1>}, {pipeline_mode = #tpu.pipeline_mode<synchronous>, transform_indices = @transform_6, window_bounds = array<i64: 4, 256>}, {pipeline_mode = #tpu.pipeline_mode<synchronous>, transform_indices = @transform_7, window_bounds = array<i64: 128, 128>}, {pipeline_mode = #tpu.pipeline_mode<synchronous>, transform_indices = @transform_8, window_bounds = array<i64: 128, 128>}, {transform_indices = @transform_9, window_bounds = array<i64: 3200, 128>}]} {
    %get3A = arith.constant 0 : index
    %get3A_0 = arith.constant 0 : index
    %get3A_1 = vector.load %arg2[%get3A, %get3A_0] : memref<3200x64xf32, #tpu.memory_space<vmem>>, vector<3200x64xf32>
    %get3A_2 = arith.constant 0 : index
    %get3A_3 = arith.constant 0 : index
    %get3A_4 = vector.load %arg3[%get3A_2, %get3A_3] : memref<64x256xf32, #tpu.memory_space<vmem>>, vector<64x256xf32>
    %dot_general3A = arith.constant dense<0.000000e+00> : vector<3200x256xf32>
    %dot_general3A_5 = tpu.matmul %get3A_1, %get3A_4, %dot_general3A {dimension_numbers = #tpu.dot_dimension_numbers<[1], [0], [0], [1], [0, 0, 1, 1], [], []>, transpose_lhs_hint = false} : vector<3200x64xf32>, vector<64x256xf32>, vector<3200x256xf32> -> vector<3200x256xf32>
    %get3A_6 = arith.constant 0 : index
    %get3A_7 = arith.constant 0 : index
    %get3A_8 = vector.load %arg1[%get3A_6, %get3A_7] : memref<3200x128xi32, #tpu.memory_space<vmem>>, vector<3200x128xi32>
    %shift_left3A = arith.constant 16 : i32
    %shift_left3A_9 = vector.broadcast %shift_left3A : i32 to vector<3200x128xi32>
    %shift_left3A_10 = arith.shli %get3A_8, %shift_left3A_9 : vector<3200x128xi32>
    %bitcast_convert_type3A = tpu.bitcast %shift_left3A_10 : vector<3200x128xi32> -> vector<3200x128xf32>
    %and3A = arith.constant -65536 : i32
    %and3A_11 = vector.broadcast %and3A : i32 to vector<3200x128xi32>
    %and3A_12 = arith.andi %get3A_8, %and3A_11 : vector<3200x128xi32>
    %bitcast_convert_type3A_13 = tpu.bitcast %and3A_12 : vector<3200x128xi32> -> vector<3200x128xf32>
    %slice3A = vector.extract_strided_slice %dot_general3A_5 {offsets = [0, 0], sizes = [3200, 128], strides = [1, 1]} : vector<3200x256xf32> to vector<3200x128xf32>
    %add3A = arith.addf %bitcast_convert_type3A, %slice3A : vector<3200x128xf32>
    %max3A = arith.constant 0.000000e+00 : f32
    %max3A_14 = vector.broadcast %max3A : f32 to vector<3200x128xf32>
    %max3A_15 = arith.maximumf %add3A, %max3A_14 : vector<3200x128xf32>
    %abs3A = math.absf %add3A : vector<3200x128xf32>
    %neg3A = arith.constant 0.000000e+00 : f32
    %neg3A_16 = vector.broadcast %neg3A : f32 to vector<3200x128xf32>
    %neg3A_17 = arith.subf %neg3A_16, %abs3A : vector<3200x128xf32>
    %exp3A = math.exp %neg3A_17 : vector<3200x128xf32>
    %add3A_18 = arith.constant 1.000000e+00 : f32
    %add3A_19 = vector.broadcast %add3A_18 : f32 to vector<3200x128xf32>
    %add3A_20 = arith.addf %add3A_19, %exp3A : vector<3200x128xf32>
    %log3A = math.log %add3A_20 : vector<3200x128xf32>
    %add3A_21 = arith.addf %max3A_15, %log3A : vector<3200x128xf32>
    %slice3A_22 = vector.extract_strided_slice %dot_general3A_5 {offsets = [0, 128], sizes = [3200, 128], strides = [1, 1]} : vector<3200x256xf32> to vector<3200x128xf32>
    %add3A_23 = arith.addf %bitcast_convert_type3A_13, %slice3A_22 : vector<3200x128xf32>
    %max3A_24 = arith.constant 0.000000e+00 : f32
    %max3A_25 = vector.broadcast %max3A_24 : f32 to vector<3200x128xf32>
    %max3A_26 = arith.maximumf %add3A_23, %max3A_25 : vector<3200x128xf32>
    %abs3A_27 = math.absf %add3A_23 : vector<3200x128xf32>
    %neg3A_28 = arith.constant 0.000000e+00 : f32
    %neg3A_29 = vector.broadcast %neg3A_28 : f32 to vector<3200x128xf32>
    %neg3A_30 = arith.subf %neg3A_29, %abs3A_27 : vector<3200x128xf32>
    %exp3A_31 = math.exp %neg3A_30 : vector<3200x128xf32>
    %add3A_32 = arith.constant 1.000000e+00 : f32
    %add3A_33 = vector.broadcast %add3A_32 : f32 to vector<3200x128xf32>
    %add3A_34 = arith.addf %add3A_33, %exp3A_31 : vector<3200x128xf32>
    %log3A_35 = math.log %add3A_34 : vector<3200x128xf32>
    %add3A_36 = arith.addf %max3A_26, %log3A_35 : vector<3200x128xf32>
    %get3A_37 = arith.constant 0 : index
    %get3A_38 = arith.constant 0 : index
    %get3A_39 = vector.load %arg4[%get3A_37, %get3A_38] : memref<4x3200xf32, #tpu.memory_space<vmem>>, vector<4x3200xf32>
    %get3A_40 = arith.constant 0 : index
    %get3A_41 = arith.constant 0 : index
    %get3A_42 = vector.load %arg5[%get3A_40, %get3A_41] : memref<4x3200xf32, #tpu.memory_space<vmem>>, vector<4x3200xf32>
    %get3A_43 = arith.constant 0 : index
    %get3A_44 = arith.constant 0 : index
    %get3A_45 = vector.load %arg6[%get3A_43, %get3A_44] : memref<4x1xf32, #tpu.memory_space<vmem>>, vector<4x1xf32>
    %add3A_46 = vector.broadcast %get3A_45 : vector<4x1xf32> to vector<4x3200xf32>
    %add3A_47 = arith.addf %get3A_42, %add3A_46 : vector<4x3200xf32>
    %div3A = arith.divf %get3A_39, %add3A_47 : vector<4x3200xf32>
    %get3A_48 = arith.constant 0 : index
    %get3A_49 = arith.constant 0 : index
    %get3A_50 = vector.load %arg7[%get3A_48, %get3A_49] : memref<4x256xf32, #tpu.memory_space<vmem>>, vector<4x256xf32>
    %dot_general3A_51 = arith.constant dense<0.000000e+00> : vector<3200x256xf32>
    %dot_general3A_52 = tpu.matmul %div3A, %get3A_50, %dot_general3A_51 {dimension_numbers = #tpu.dot_dimension_numbers<[0], [0], [1], [1], [0, 1, 1, 1], [], []>, transpose_lhs_hint = false} : vector<4x3200xf32>, vector<4x256xf32>, vector<3200x256xf32> -> vector<3200x256xf32>
    %slice3A_53 = vector.extract_strided_slice %dot_general3A_52 {offsets = [0, 0], sizes = [3200, 128], strides = [1, 1]} : vector<3200x256xf32> to vector<3200x128xf32>
    %mul3A = arith.mulf %add3A_21, %slice3A_53 : vector<3200x128xf32>
    %get3A_54 = arith.constant 0 : index
    %get3A_55 = arith.constant 0 : index
    %get3A_56 = vector.load %arg8[%get3A_54, %get3A_55] : memref<128x128xf32, #tpu.memory_space<vmem>>, vector<128x128xf32>
    %dot_general3A_57 = arith.constant dense<0.000000e+00> : vector<3200x128xf32>
    %dot_general3A_58 = tpu.matmul %mul3A, %get3A_56, %dot_general3A_57 {dimension_numbers = #tpu.dot_dimension_numbers<[1], [0], [0], [1], [0, 0, 1, 1], [], []>, transpose_lhs_hint = false} : vector<3200x128xf32>, vector<128x128xf32>, vector<3200x128xf32> -> vector<3200x128xf32>
    %slice3A_59 = vector.extract_strided_slice %dot_general3A_52 {offsets = [0, 128], sizes = [3200, 128], strides = [1, 1]} : vector<3200x256xf32> to vector<3200x128xf32>
    %mul3A_60 = arith.mulf %add3A_36, %slice3A_59 : vector<3200x128xf32>
    %get3A_61 = arith.constant 0 : index
    %get3A_62 = arith.constant 0 : index
    %get3A_63 = vector.load %arg9[%get3A_61, %get3A_62] : memref<128x128xf32, #tpu.memory_space<vmem>>, vector<128x128xf32>
    %dot_general3A_64 = arith.constant dense<0.000000e+00> : vector<3200x128xf32>
    %dot_general3A_65 = tpu.matmul %mul3A_60, %get3A_63, %dot_general3A_64 {dimension_numbers = #tpu.dot_dimension_numbers<[1], [0], [0], [1], [0, 0, 1, 1], [], []>, transpose_lhs_hint = false} : vector<3200x128xf32>, vector<128x128xf32>, vector<3200x128xf32> -> vector<3200x128xf32>
    %add3A_66 = arith.addf %dot_general3A_58, %dot_general3A_65 : vector<3200x128xf32>
    %swap3A = arith.constant 0 : index
    %swap3A_67 = arith.constant 0 : index
    %swap3A_68 = vector.load %arg10[%swap3A, %swap3A_67] : memref<3200x128xf32, #tpu.memory_space<vmem>>, vector<3200x128xf32>
    tpu.vector_store %arg10[%swap3A, %swap3A_67], %add3A_66 {strides = array<i32>} : memref<3200x128xf32, #tpu.memory_space<vmem>>, vector<3200x128xf32>,
    return
  }
  func.func @transform_0(%arg0: i32) -> (i32, i32) {
    %add3A = arith.constant 20 : i32
    %add3A_0 = arith.addi %add3A, %arg0 : i32
    %c0_i32 = arith.constant 0 : i32
    %c0_i32_1 = arith.constant 0 : i32
    return %add3A_0, %c0_i32 : i32, i32
  }
  func.func @transform_1(%arg0: i32) -> (i32, i32) {
    %add3A = arith.constant 30 : i32
    %add3A_0 = arith.addi %add3A, %arg0 : i32
    %c0_i32 = arith.constant 0 : i32
    %c0_i32_1 = arith.constant 0 : i32
    return %add3A_0, %c0_i32 : i32, i32
  }
  func.func @transform_2(%arg0: i32) -> (i32, i32) {
    %c0_i32 = arith.constant 0 : i32
    %c0_i32_0 = arith.constant 0 : i32
    %c0_i32_1 = arith.constant 0 : i32
    return %c0_i32, %c0_i32_0 : i32, i32
  }
  func.func @transform_3(%arg0: i32) -> (i32, i32) {
    %add3A = arith.constant 30 : i32
    %add3A_0 = arith.addi %add3A, %arg0 : i32
    %c0_i32 = arith.constant 0 : i32
    %c0_i32_1 = arith.constant 0 : i32
    return %c0_i32, %add3A_0 : i32, i32
  }
  func.func @transform_4(%arg0: i32) -> (i32, i32) {
    %c0_i32 = arith.constant 0 : i32
    %c0_i32_0 = arith.constant 0 : i32
    return %c0_i32, %arg0 : i32, i32
  }
  func.func @transform_5(%arg0: i32) -> (i32, i32) {
    %c0_i32 = arith.constant 0 : i32
    %c0_i32_0 = arith.constant 0 : i32
    %c0_i32_1 = arith.constant 0 : i32
    return %c0_i32, %c0_i32_0 : i32, i32
  }
  func.func @transform_6(%arg0: i32) -> (i32, i32) {
    %c0_i32 = arith.constant 0 : i32
    %c0_i32_0 = arith.constant 0 : i32
    %c0_i32_1 = arith.constant 0 : i32
    return %c0_i32, %c0_i32_0 : i32, i32
  }
  func.func @transform_7(%arg0: i32) -> (i32, i32) {
    %c0_i32 = arith.constant 0 : i32
    %c0_i32_0 = arith.constant 0 : i32
    %c0_i32_1 = arith.constant 0 : i32
    return %c0_i32, %c0_i32_0 : i32, i32
  }
  func.func @transform_8(%arg0: i32) -> (i32, i32) {
    %c0_i32 = arith.constant 0 : i32
    %c0_i32_0 = arith.constant 0 : i32
    %c0_i32_1 = arith.constant 0 : i32
    return %c0_i32, %c0_i32_0 : i32, i32
  }
  func.func @transform_9(%arg0: i32) -> (i32, i32) {
    %c0_i32 = arith.constant 0 : i32
    %c0_i32_0 = arith.constant 0 : i32
    return %arg0, %c0_i32 : i32, i32
  }
}

module attributes {stable_mosaic.version = 14 : i64} {
  func.func @_pass_b_body(%arg0: i32, %arg1: memref<3200x128xi32, #tpu.memory_space<vmem>>, %arg2: memref<3200x64xf32, #tpu.memory_space<vmem>>, %arg3: memref<64x256xf32, #tpu.memory_space<vmem>>, %arg4: memref<4x3200xf32, #tpu.memory_space<vmem>>, %arg5: memref<4x3200xf32, #tpu.memory_space<vmem>>, %arg6: memref<4x1xf32, #tpu.memory_space<vmem>>, %arg7: memref<4x256xf32, #tpu.memory_space<vmem>>, %arg8: memref<128x128xf32, #tpu.memory_space<vmem>>, %arg9: memref<128x128xf32, #tpu.memory_space<vmem>>, %arg10: memref<3200x128xf32, #tpu.memory_space<vmem>>) attributes {dimension_semantics = [#tpu.dimension_semantics<arbitrary>], iteration_bounds = array<i64: 30>, scalar_prefetch = 0 : i64, scratch_operands = 0 : i64, tpu.core_type = #tpu.core_type<tc>, window_params = [{transform_indices = @transform_0, window_bounds = array<i64: 3200, 128>}, {transform_indices = @transform_1, window_bounds = array<i64: 3200, 64>}, {pipeline_mode = #tpu.pipeline_mode<synchronous>, transform_indices = @transform_2, window_bounds = array<i64: 64, 256>}, {transform_indices = @transform_3, window_bounds = array<i64: 4, 3200>}, {transform_indices = @transform_4, window_bounds = array<i64: 4, 3200>}, {pipeline_mode = #tpu.pipeline_mode<synchronous>, transform_indices = @transform_5, window_bounds = array<i64: 4, 1>}, {pipeline_mode = #tpu.pipeline_mode<synchronous>, transform_indices = @transform_6, window_bounds = array<i64: 4, 256>}, {pipeline_mode = #tpu.pipeline_mode<synchronous>, transform_indices = @transform_7, window_bounds = array<i64: 128, 128>}, {pipeline_mode = #tpu.pipeline_mode<synchronous>, transform_indices = @transform_8, window_bounds = array<i64: 128, 128>}, {transform_indices = @transform_9, window_bounds = array<i64: 3200, 128>}]} {
    %get3A = arith.constant 0 : index
    %get3A_0 = arith.constant 0 : index
    %get3A_1 = vector.load %arg2[%get3A, %get3A_0] : memref<3200x64xf32, #tpu.memory_space<vmem>>, vector<3200x64xf32>
    %get3A_2 = arith.constant 0 : index
    %get3A_3 = arith.constant 0 : index
    %get3A_4 = vector.load %arg3[%get3A_2, %get3A_3] : memref<64x256xf32, #tpu.memory_space<vmem>>, vector<64x256xf32>
    %dot_general3A = arith.constant dense<0.000000e+00> : vector<3200x256xf32>
    %dot_general3A_5 = tpu.matmul %get3A_1, %get3A_4, %dot_general3A {dimension_numbers = #tpu.dot_dimension_numbers<[1], [0], [0], [1], [0, 0, 1, 1], [], []>, transpose_lhs_hint = false} : vector<3200x64xf32>, vector<64x256xf32>, vector<3200x256xf32> -> vector<3200x256xf32>
    %get3A_6 = arith.constant 0 : index
    %get3A_7 = arith.constant 0 : index
    %get3A_8 = vector.load %arg1[%get3A_6, %get3A_7] : memref<3200x128xi32, #tpu.memory_space<vmem>>, vector<3200x128xi32>
    %shift_left3A = arith.constant 16 : i32
    %shift_left3A_9 = vector.broadcast %shift_left3A : i32 to vector<3200x128xi32>
    %shift_left3A_10 = arith.shli %get3A_8, %shift_left3A_9 : vector<3200x128xi32>
    %bitcast_convert_type3A = tpu.bitcast %shift_left3A_10 : vector<3200x128xi32> -> vector<3200x128xf32>
    %and3A = arith.constant -65536 : i32
    %and3A_11 = vector.broadcast %and3A : i32 to vector<3200x128xi32>
    %and3A_12 = arith.andi %get3A_8, %and3A_11 : vector<3200x128xi32>
    %bitcast_convert_type3A_13 = tpu.bitcast %and3A_12 : vector<3200x128xi32> -> vector<3200x128xf32>
    %slice3A = vector.extract_strided_slice %dot_general3A_5 {offsets = [0, 0], sizes = [3200, 128], strides = [1, 1]} : vector<3200x256xf32> to vector<3200x128xf32>
    %add3A = arith.addf %bitcast_convert_type3A, %slice3A : vector<3200x128xf32>
    %max3A = arith.constant 0.000000e+00 : f32
    %max3A_14 = vector.broadcast %max3A : f32 to vector<3200x128xf32>
    %max3A_15 = arith.maximumf %add3A, %max3A_14 : vector<3200x128xf32>
    %abs3A = math.absf %add3A : vector<3200x128xf32>
    %neg3A = arith.constant 0.000000e+00 : f32
    %neg3A_16 = vector.broadcast %neg3A : f32 to vector<3200x128xf32>
    %neg3A_17 = arith.subf %neg3A_16, %abs3A : vector<3200x128xf32>
    %exp3A = math.exp %neg3A_17 : vector<3200x128xf32>
    %add3A_18 = arith.constant 1.000000e+00 : f32
    %add3A_19 = vector.broadcast %add3A_18 : f32 to vector<3200x128xf32>
    %add3A_20 = arith.addf %add3A_19, %exp3A : vector<3200x128xf32>
    %log3A = math.log %add3A_20 : vector<3200x128xf32>
    %add3A_21 = arith.addf %max3A_15, %log3A : vector<3200x128xf32>
    %slice3A_22 = vector.extract_strided_slice %dot_general3A_5 {offsets = [0, 128], sizes = [3200, 128], strides = [1, 1]} : vector<3200x256xf32> to vector<3200x128xf32>
    %add3A_23 = arith.addf %bitcast_convert_type3A_13, %slice3A_22 : vector<3200x128xf32>
    %max3A_24 = arith.constant 0.000000e+00 : f32
    %max3A_25 = vector.broadcast %max3A_24 : f32 to vector<3200x128xf32>
    %max3A_26 = arith.maximumf %add3A_23, %max3A_25 : vector<3200x128xf32>
    %abs3A_27 = math.absf %add3A_23 : vector<3200x128xf32>
    %neg3A_28 = arith.constant 0.000000e+00 : f32
    %neg3A_29 = vector.broadcast %neg3A_28 : f32 to vector<3200x128xf32>
    %neg3A_30 = arith.subf %neg3A_29, %abs3A_27 : vector<3200x128xf32>
    %exp3A_31 = math.exp %neg3A_30 : vector<3200x128xf32>
    %add3A_32 = arith.constant 1.000000e+00 : f32
    %add3A_33 = vector.broadcast %add3A_32 : f32 to vector<3200x128xf32>
    %add3A_34 = arith.addf %add3A_33, %exp3A_31 : vector<3200x128xf32>
    %log3A_35 = math.log %add3A_34 : vector<3200x128xf32>
    %add3A_36 = arith.addf %max3A_26, %log3A_35 : vector<3200x128xf32>
    %get3A_37 = arith.constant 0 : index
    %get3A_38 = arith.constant 0 : index
    %get3A_39 = vector.load %arg4[%get3A_37, %get3A_38] : memref<4x3200xf32, #tpu.memory_space<vmem>>, vector<4x3200xf32>
    %get3A_40 = arith.constant 0 : index
    %get3A_41 = arith.constant 0 : index
    %get3A_42 = vector.load %arg5[%get3A_40, %get3A_41] : memref<4x3200xf32, #tpu.memory_space<vmem>>, vector<4x3200xf32>
    %get3A_43 = arith.constant 0 : index
    %get3A_44 = arith.constant 0 : index
    %get3A_45 = vector.load %arg6[%get3A_43, %get3A_44] : memref<4x1xf32, #tpu.memory_space<vmem>>, vector<4x1xf32>
    %add3A_46 = vector.broadcast %get3A_45 : vector<4x1xf32> to vector<4x3200xf32>
    %add3A_47 = arith.addf %get3A_42, %add3A_46 : vector<4x3200xf32>
    %div3A = arith.divf %get3A_39, %add3A_47 : vector<4x3200xf32>
    %get3A_48 = arith.constant 0 : index
    %get3A_49 = arith.constant 0 : index
    %get3A_50 = vector.load %arg7[%get3A_48, %get3A_49] : memref<4x256xf32, #tpu.memory_space<vmem>>, vector<4x256xf32>
    %dot_general3A_51 = arith.constant dense<0.000000e+00> : vector<3200x256xf32>
    %dot_general3A_52 = tpu.matmul %div3A, %get3A_50, %dot_general3A_51 {dimension_numbers = #tpu.dot_dimension_numbers<[0], [0], [1], [1], [0, 1, 1, 1], [], []>, transpose_lhs_hint = false} : vector<4x3200xf32>, vector<4x256xf32>, vector<3200x256xf32> -> vector<3200x256xf32>
    %slice3A_53 = vector.extract_strided_slice %dot_general3A_52 {offsets = [0, 0], sizes = [3200, 128], strides = [1, 1]} : vector<3200x256xf32> to vector<3200x128xf32>
    %mul3A = arith.mulf %add3A_21, %slice3A_53 : vector<3200x128xf32>
    %get3A_54 = arith.constant 0 : index
    %get3A_55 = arith.constant 0 : index
    %get3A_56 = vector.load %arg8[%get3A_54, %get3A_55] : memref<128x128xf32, #tpu.memory_space<vmem>>, vector<128x128xf32>
    %dot_general3A_57 = arith.constant dense<0.000000e+00> : vector<3200x128xf32>
    %dot_general3A_58 = tpu.matmul %mul3A, %get3A_56, %dot_general3A_57 {dimension_numbers = #tpu.dot_dimension_numbers<[1], [0], [0], [1], [0, 0, 1, 1], [], []>, transpose_lhs_hint = false} : vector<3200x128xf32>, vector<128x128xf32>, vector<3200x128xf32> -> vector<3200x128xf32>
    %slice3A_59 = vector.extract_strided_slice %dot_general3A_52 {offsets = [0, 128], sizes = [3200, 128], strides = [1, 1]} : vector<3200x256xf32> to vector<3200x128xf32>
    %mul3A_60 = arith.mulf %add3A_36, %slice3A_59 : vector<3200x128xf32>
    %get3A_61 = arith.constant 0 : index
    %get3A_62 = arith.constant 0 : index
    %get3A_63 = vector.load %arg9[%get3A_61, %get3A_62] : memref<128x128xf32, #tpu.memory_space<vmem>>, vector<128x128xf32>
    %dot_general3A_64 = arith.constant dense<0.000000e+00> : vector<3200x128xf32>
    %dot_general3A_65 = tpu.matmul %mul3A_60, %get3A_63, %dot_general3A_64 {dimension_numbers = #tpu.dot_dimension_numbers<[1], [0], [0], [1], [0, 0, 1, 1], [], []>, transpose_lhs_hint = false} : vector<3200x128xf32>, vector<128x128xf32>, vector<3200x128xf32> -> vector<3200x128xf32>
    %add3A_66 = arith.addf %dot_general3A_58, %dot_general3A_65 : vector<3200x128xf32>
    %swap3A = arith.constant 0 : index
    %swap3A_67 = arith.constant 0 : index
    %swap3A_68 = vector.load %arg10[%swap3A, %swap3A_67] : memref<3200x128xf32, #tpu.memory_space<vmem>>, vector<3200x128xf32>
    tpu.vector_store %arg10[%swap3A, %swap3A_67], %add3A_66 {strides = array<i32>} : memref<3200x128xf32, #tpu.memory_space<vmem>>, vector<3200x128xf32>,
    return
  }
  func.func @transform_0(%arg0: i32) -> (i32, i32) {
    %add3A = arith.constant 30 : i32
    %add3A_0 = arith.addi %add3A, %arg0 : i32
    %c0_i32 = arith.constant 0 : i32
    %c0_i32_1 = arith.constant 0 : i32
    return %add3A_0, %c0_i32 : i32, i32
  }
  func.func @transform_1(%arg0: i32) -> (i32, i32) {
    %add3A = arith.constant 0 : i32
    %add3A_0 = arith.addi %add3A, %arg0 : i32
    %c0_i32 = arith.constant 0 : i32
    %c0_i32_1 = arith.constant 0 : i32
    return %add3A_0, %c0_i32 : i32, i32
  }
  func.func @transform_2(%arg0: i32) -> (i32, i32) {
    %c0_i32 = arith.constant 0 : i32
    %c0_i32_0 = arith.constant 0 : i32
    %c0_i32_1 = arith.constant 0 : i32
    return %c0_i32, %c0_i32_0 : i32, i32
  }
  func.func @transform_3(%arg0: i32) -> (i32, i32) {
    %add3A = arith.constant 0 : i32
    %add3A_0 = arith.addi %add3A, %arg0 : i32
    %c0_i32 = arith.constant 0 : i32
    %c0_i32_1 = arith.constant 0 : i32
    return %c0_i32, %add3A_0 : i32, i32
  }
  func.func @transform_4(%arg0: i32) -> (i32, i32) {
    %c0_i32 = arith.constant 0 : i32
    %c0_i32_0 = arith.constant 0 : i32
    return %c0_i32, %arg0 : i32, i32
  }
  func.func @transform_5(%arg0: i32) -> (i32, i32) {
    %c0_i32 = arith.constant 0 : i32
    %c0_i32_0 = arith.constant 0 : i32
    %c0_i32_1 = arith.constant 0 : i32
    return %c0_i32, %c0_i32_0 : i32, i32
  }
  func.func @transform_6(%arg0: i32) -> (i32, i32) {
    %c0_i32 = arith.constant 0 : i32
    %c0_i32_0 = arith.constant 0 : i32
    %c0_i32_1 = arith.constant 0 : i32
    return %c0_i32, %c0_i32_0 : i32, i32
  }
  func.func @transform_7(%arg0: i32) -> (i32, i32) {
    %c0_i32 = arith.constant 0 : i32
    %c0_i32_0 = arith.constant 0 : i32
    %c0_i32_1 = arith.constant 0 : i32
    return %c0_i32, %c0_i32_0 : i32, i32
  }
  func.func @transform_8(%arg0: i32) -> (i32, i32) {
    %c0_i32 = arith.constant 0 : i32
    %c0_i32_0 = arith.constant 0 : i32
    %c0_i32_1 = arith.constant 0 : i32
    return %c0_i32, %c0_i32_0 : i32, i32
  }
  func.func @transform_9(%arg0: i32) -> (i32, i32) {
    %c0_i32 = arith.constant 0 : i32
    %c0_i32_0 = arith.constant 0 : i32
    return %arg0, %c0_i32 : i32, i32
  }
}

</mosaic_0001>

<sc_bundles>
// kernel: kernel.15.cloned.1.call-start
scs
__scs_entry_jumppad:
0x0: {  	(pc) =	sbr.rel $0x88, $3  }
0x1: {  	(tag) =	ssettag $0x0;
	lr =	simm.s32 $0x1  }
0x2: {  	[smem:$0x3F99] =	sst lr;
	_ =	strace $0xD0000000  }
0x3: {  	_ = 	snop  }
0x4: {  	_ = 	snop  }
0x5: {  	_ = 	snop  }
0x6: {  	_ = 	snop  }
0x7: {  	_ = 	snop  }
__scs_overlays_trampoline_lowered:
0x8: {  	[smem:$0x3FA8] =	sst s0  }
0x9: {  	[smem:$0x3FA9] =	sst s1  }
0xa: {  	[smem:$0x3FAA] =	sst s2  }
0xb: {  	[smem:$0x3FAB] =	sst s3  }
0xc: {  	[smem:$0x3FAC] =	sst s4  }
0xd: {  	[smem:$0x3FAD] =	sst s5  }
0xe: {  	[smem:$0x3FAE] =	sst s6  }
0xf: {  	[smem:$0x3FAF] =	sst s7  }
0x10: {  	[smem:$0x3FB0] =	sst s8  }
0x11: {  	[smem:$0x3FB1] =	sst s9;
	s0 =	simm.s32 @!p0 $0x0  }
0x12: {  	s1 =	sld [smem:$0x3F97];
	s0 =	simm.s32 @p0 $0x1  }
0x13: {  	[smem:$0x3FB2] =	sst s0;
	s0 =	simm.s32 @!p1 $0x0  }
0x14: {  	s2 =	sld [smem:$0x3F96];
	s0 =	simm.s32 @p1 $0x1  }
0x15: {  	[smem:$0x3FB3] =	sst s0;
	s0 =	simm.s32 @!p2 $0x0  }
0x16: {  	s3 =	sld [smem:$0x3FDB];
	s0 =	simm.s32 @p2 $0x1  }
0x17: {  	s4 =	simm.s32 $0x1BF5;
	[smem:$0x3FB5] =	sst s0  }
0x18: {  	s0 =	sld [smem:$0x3F98];
	_ =	swait.ge [sflag:s4], $0x0  }
0x19: {  	s7 =	sld [smem:$0x3F99]  }
0x1a: {  	s8 =	sadd.s32 $0xFFFFE003, lr  }
0x1b: {  	s9 =	sadd.s32 $0xFFFFFEF7, lr;
	s5 =	simm.s32 $0xFFFFFFFF;
	p2 =	slt.u32 s8, $0xFFFFF086  }
0x1c: {  	p1 =	slt.u32 s9, $0xF7A;
	s5 =	simm.s32 @!p2 $0x0  }
0x1d: {  	s5 =	simm.s32 @p1 $0x1;
	p0 =	seq.s32 s7, s2  }
0x1e: {  	s7 =	smul.u32 @!p0 $0xF7A, s2;
	p2 =	seq.s32 @!p0 s5, $0x0  }
0x1f: {  	s9 =	smul.u32 $0xF7A, s1;
	s8 =	simm.s32 @!p0 $0x1BF5;
	p2 =	por !p2, p0  }
0x20: {  	[sflag:s8] =	ssyncset.s32 @!p0 $0xFFFFF086;
	s6 =	sadd.s32 @!p0 s3, s7;
	s7 =	simm.s32 @!p0 $0x108  }
0x21: {  	s3 =	sadd.s32 s3, s9;
	s6 =	sadd.s32 @!p0 $0x88, s6;
	s7 =	simm.s32 @p2 $0x1082  }
0x22: {  	[simem:s7], [sflag:s8] =	dma.local @!p0 [hbm:s6], $0xF7A  }
0x23: {  	s9 =	sor.u32 $0xD0000000, s2;
	s6 =	simm.s32 $0x108;
	_ =	swait.ge @!p0 [sflag:s8], $0x0  }
0x24: {  	s3 =	sadd.s32 $0x88, s3;
	s6 =	simm.s32 @!p1 $0x1082;
	[sflag:s4] =	ssyncset.s32 $0xFFFFF086  }
0x25: {  	[simem:s6], [sflag:s4] =	dma.local [hbm:s3], $0xF7A  }
0x26: {  	[smem:$0x3F99] =	sst s1;
	(tag) =	ssettag s2;
	_ =	strace s9  }
0x27: {  	s1 =	sld [smem:$0x3FA9]  }
0x28: {  	s2 =	sld [smem:$0x3FAA]  }
0x29: {  	s4 =	sld [smem:$0x3FAC]  }
0x2a: {  	p0 =	seq.s32 s5, $0x0;
	s5 =	sld [smem:$0x3FAD]  }
0x2b: {  	s6 =	sld [smem:$0x3FAE]  }
0x2c: {  	s7 =	sld [smem:$0x3FAF]  }
0x2d: {  	s3 =	simm.s32 $0x108;
	s8 =	sld [smem:$0x3FB0]  }
0x2e: {  	s3 =	simm.s32 @!p0 $0x1082;
	s9 =	sld [smem:$0x3FB1]  }
0x2f: {  	lr =	sadd.s32 s0, s3;
	s0 =	sld [smem:$0x3FA8]  }
0x30: {  	s3 =	sld [smem:$0x3FAB]  }
0x31: {  	[smem:$0x3FB4] =	sst s10  }
0x32: {  	s10 =	sld [smem:$0x3FB2];
	_ =	sdelay $0x3  }
0x33: {  	p0 =	seq.s32 s10, $0x1;
	s10 =	sld [smem:$0x3FB4];
	_ =	sdelay $0x3  }
0x34: {  	[smem:$0x3FB4] =	sst s10  }
0x35: {  	s10 =	sld [smem:$0x3FB3];
	_ =	sdelay $0x3  }
0x36: {  	p1 =	seq.s32 s10, $0x1;
	s10 =	sld [smem:$0x3FB4];
	_ =	sdelay $0x3  }
0x37: {  	[smem:$0x3FB4] =	sst s10  }
0x38: {  	s10 =	sld [smem:$0x3FB5]  }
0x39: {  	_ = 	snop;
	(pc) =	sbr.ind lr, $3  }
0x3a: {  	_ = 	snop  }
0x3b: {  	_ = 	snop  }
0x3c: {  	p2 =	seq.s32 s10, $0x1;
	s10 =	sld [smem:$0x3FB4]  }
0x3d: {  	_ =	shalt  }
0x3e: {  	_ =	shalt  }
0x3f: {  	_ =	shalt  }
0x40: {  	_ =	shalt  }
0x41: {  	_ =	shalt  }
0x42: {  	_ =	shalt  }
0x43: {  	_ =	shalt  }
0x44: {  	_ =	shalt  }
0x45: {  	_ =	shalt  }
0x46: {  	_ =	shalt  }
0x47: {  	_ =	shalt  }
0x48: {  	_ =	shalt  }
0x49: {  	_ =	shalt  }
0x4a: {  	_ =	shalt  }
0x4b: {  	_ =	shalt  }
0x4c: {  	_ =	shalt  }
0x4d: {  	_ =	shalt  }
0x4e: {  	_ =	shalt  }
0x4f: {  	_ =	shalt  }
0x50: {  	_ =	shalt  }
0x51: {  	_ =	shalt  }
0x52: {  	_ =	shalt  }
0x53: {  	_ =	shalt  }
0x54: {  	_ =	shalt  }
0x55: {  	_ =	shalt  }
0x56: {  	_ =	shalt  }
0x57: {  	_ =	shalt  }
0x58: {  	_ =	shalt  }
0x59: {  	_ =	shalt  }
0x5a: {  	_ =	shalt  }
0x5b: {  	_ =	shalt  }
0x5c: {  	_ =	shalt  }
0x5d: {  	_ =	shalt  }
0x5e: {  	_ =	shalt  }
0x5f: {  	_ =	shalt  }
0x60: {  	_ =	shalt  }
0x61: {  	_ =	shalt  }
0x62: {  	_ =	shalt  }
0x63: {  	_ =	shalt  }
0x64: {  	_ =	shalt  }
0x65: {  	_ =	shalt  }
0x66: {  	_ =	shalt  }
0x67: {  	_ =	shalt  }
0x68: {  	_ =	shalt  }
0x69: {  	_ =	shalt  }
0x6a: {  	_ =	shalt  }
0x6b: {  	_ =	shalt  }
0x6c: {  	_ =	shalt  }
0x6d: {  	_ =	shalt  }
0x6e: {  	_ =	shalt  }
0x6f: {  	_ =	shalt  }
0x70: {  	_ =	shalt  }
0x71: {  	_ =	shalt  }
0x72: {  	_ =	shalt  }
0x73: {  	_ =	shalt  }
0x74: {  	_ =	shalt  }
0x75: {  	_ =	shalt  }
0x76: {  	_ =	shalt  }
0x77: {  	_ =	shalt  }
0x78: {  	_ =	shalt  }
0x79: {  	_ =	shalt  }
0x7a: {  	_ =	shalt  }
0x7b: {  	_ =	shalt  }
0x7c: {  	_ =	shalt  }
0x7d: {  	_ =	shalt  }
0x7e: {  	_ =	shalt  }
0x7f: {  	_ =	shalt  }
0x80: {  	_ =	shalt  }
0x81: {  	_ =	shalt  }
0x82: {  	_ =	shalt  }
0x83: {  	_ =	shalt  }
0x84: {  	_ =	shalt  }
0x85: {  	_ =	shalt  }
0x86: {  	_ =	shalt  }
0x87: {  	_ =	shalt  }
.Lfunc_end0:
.L_simem_size_0:
called_computation_lowered:
.L_overlay_start_0:
0x88: {  	s2 =	sld [smem:$0x3FD9]  }
0x89: {  	s3 =	sld [smem:$0x3FFE];
	_ =	sdelay $0x1  }
0x8a: {  	s1 =	srdreg.scid  }
0x8b: {  	s0 =	sand.u32 $0x1, s1  }
0x8c: {  	s16 =	sshll.u32 s0, $0xA;
	s2 =	sadd.s32 s3, s2  }
0x8d: {  	s2 =	sadd.s32 s2, s16  }
0x8e: {  	[smem:$0x3FC0] =	sst s2  }
0x8f: {  	_ = 	snop  }
0x90: {  	(tm) =	ssettm $0x1  }
0x91: {  	s17 =	sld [smem:$0x3FFB];
	_ =	sdelay $0x3  }
0x92: {  	_ =	strace s17  }
0x93: {  	s2 =	sld [smem:$0x3FFC];
	_ =	sdelay $0x3  }
0x94: {  	_ =	strace s2  }
0x95: {  	s2 =	sld [smem:$0x3FFD];
	_ =	sdelay $0x3  }
0x96: {  	_ =	strace s2  }
0x97: {  	_ =	strace $0x8FFFFFFF  }
0x98: {  	s18 =	sld [smem:$0x3FDB];
	_ =	sdelay $0x1  }
0x99: {  	s19 =	simm.s32 $_scs_section_size  }
0x9a: {  	s4 =	simm.s32 $_size__tile_overlayer_lowered;
	s5 =	simm.s32 $_tile_overlayer_lowered  }
0x9b: {  	s22 =	simm.s32 $0x1BFF;
	s21 =	sshll.u32 s5, $0x1;
	s2 =	sadd.s32 s19, s18  }
0x9c: {  	s6 =	simm.s32 $0x0;
	s20 =	sshll.u32 s4, $0x1;
	s4 =	sadd.s32 s21, s2  }
0x9d: {  	[timem:s6], [sflag:s22] =	dma.local [hbm:s4], s20  }
0x9e: {  	_ =	swait.ge [sflag:s22], s20  }
0x9f: {  	s3 =	ssub.s32 $0x0, s20;
	[sflag:s22] =	ssyncset.done $0x0  }
0xa0: {  	[sflag:s22] =	ssyncadd.s32 s3;
	_ =	sdelay $0x1  }
0xa1: {  	s23 =	simm.s32 $0x1B8B  }
0xa2: {  	_ =	swait.ge [sflag:s23], $0x1  }
0xa3: {  	[sflag:s23] =	ssyncset.done $0x0  }
0xa4: {  	s25 =	simm.s32 $0x1B8E;
	s24 =	sld [smem:$0x3FFE];
	[sflag:s23] =	ssyncadd.s32 $0xFFFFFFFF  }
0xa5: {  	s26 =	simm.s32 $execute0_lowered;
	[smem:$0x3FD2] =	sst s25  }
0xa6: {  	s4 =	sshll.u32 s26, $0x1;
	_ =	strace $0x80000046;
	[dreg:$0x1] =	wrdreg $0xFFFFFFFF  }
0xa7: {  	s28 =	simm.s32 $_size_execute0_lowered;
	s2 =	sadd.s32 s2, s4;
	[dreg:$0x0] =	wrdreg $0x0  }
0xa8: {  	s4 =	sshll.u32 s28, $0x1;
	[dreg:$0x2] =	wrdreg s2  }
0xa9: {  	[dreg:$0x3] =	wrdreg s4  }
0xaa: {  	[dreg:$0x4] =	wrdreg $0xC0  }
0xab: {  	_ =	task [dreg:s6], $0x5FFFF  }
0xac: {  	[dreg:$0x1] =	wrdreg $0xFFFFFFFF  }
0xad: {  	[dreg:$0x0] =	wrdreg $0x60  }
0xae: {  	[dreg:$0x2] =	wrdreg s24  }
0xaf: {  	[dreg:$0x3] =	wrdreg $0x60000  }
0xb0: {  	[dreg:$0x4] =	wrdreg $0x9  }
0xb1: {  	_ =	task.clear_ibuf [dreg:s6], $0x5FFFF;
	_ =	strace $0x90000046  }
0xb2: {  	s29 =	simm.s32 $0x9;
	_ =	strace $0x80000048  }
0xb3: {  	_ =	swait.ge [sflag:s29], $0x1  }
0xb4: {  	[sflag:s29] =	ssyncadd.s32 $0xFFFFFFFF  }
0xb5: {  	_ =	strace $0x90000048  }
0xb6: {  	_ =	sfence  }
0xb7: {  	s30 =	sld [smem:$0x0];
	_ =	sdelay $0x2  }
0xb8: {  	s31 =	sshll.u32 s1, $0xD;
	s1 =	sshrl.u32 s1, $0x2  }
0xb9: {  	s3 =	sand.u32 $0x4000, s31;
	s1 =	sadd.s32 s1, s30  }
0xba: {  	s0 =	sor.u32 s3, s0;
	s1 =	sshll.u32 s1, $0x11  }
0xbb: {  	s0 =	sor.u32 s1, s0  }
0xbc: {  	s0 =	sadd.s32 $0x8F2B, s0  }
0xbd: {  	[sflag:s0] =	ssyncadd.remote.s32 $0x1  }
0xbe: {  	_ =	sfence.sel $0xFFFF  }
0xbf: {  	[dreg:$0x0] =	wrdreg $0xFFFFFFFF;
	(pc) =	sbr.abs _section_cstart, $3  }
0xc0: {  	[dreg:$0x1] =	wrdreg $0xFFFFFFFF  }
0xc1: {  	_ =	task.clear_ibuf [dreg:s6], $0x2FFFF;
	_ =	strace $0x9FFFFFFF  }
0xc2: {  	(tm) =	ssettm $0x7FFFFFFF  }
0xc3: {  	_ =	shalt  }
tec
execute0_lowered:
.L_overlay_start_1:
0x0: {  	(tag) =	ssettag $0x1  }
0x1: {  	s1 =	srdreg.scid;
	s4 =	rddreg [dreg:$0x0]  }
0x2: {  	s0 =	stileid.u32;
	s2 =	rddreg [dreg:$0x1];
	s15 =	simm.s32 $0x3800  }
0x3: {  	s16 =	simm.s32 $0x1;
	s17 =	simm.s32 $0x2;
	s18 =	simm.s32 $0xF50  }
0x4: {  	s19 =	simm.s32 $0x0;
	s5 =	sand.u32 $0x1, s1;
	s6 =	smul.u32 $0x280, s0  }
0x5: {  	s1 =	rddreg [dreg:$0x2];
	s10 =	sadd.s32 $0x2F000, s4;
	s30 =	sshll.u32 s0, $0x6  }
0x6: {  	s14 =	smul.u32 $0xFA00, s0;
	s3 =	sshll.u32 s5, $0x4;
	s29 =	ssub.s32 $0x2, s5  }
0x7: {  	s31 =	smul.u32 $0xFA000, s5;
	s5 =	sor.u32 $0x1C03, s30;
	s7 =	sor.u32 s0, s3  }
0x8: {  	s3 =	simm.s32 $0x0;
	s6 =	smin.u32 s6, $0x2490;
	s11 =	sshrl.u32 s29, $0x1  }
0x9: {  	s8 =	smul.u32 $0xFA0, s7;
	[smem:$0x7FF] =	sst s3;
	s9 =	sshll.u32 s6, $0x4  }
0xa: {  	s6 =	sshll.u32 s6, $0x7;
	s7 =	smul.u32 $0x7D000, s7;
	s11 =	ssub.s32 s29, s11  }
0xb: {  	_ =	strace $0x80000047;
	s9 =	sadd.s32 s9, s4;
	s8 =	sshrl.u32 s8, $0x3  }
0xc: {  	s12 =	sadd.s32 s6, s2;
	s7 =	sshrl.u32 s7, $0x3;
	s8 =	sadd.s32 s8, s4  }
0xd: {  	s4 =	sadd.s32 $0x7E00, s9;
	s13 =	sadd.s32 s10, s7;
	s10 =	sadd.s32 s31, s10  }
0xe: {  	s9 =	smax.u32 s11, $0x1;
	s11 =	sshrl.u32 s12, $0x3;
	s12 =	simm.s32 $0x3  }
0xf: {  	s6 =	sadd.s32 $0x3E00, s8;
	s7 =	sadd.s32 $0xF000, s13;
	s8 =	sadd.s32 $0xF500, s13  }
0x10: {  	s10 =	sadd.s32 s14, s10;
	s13 =	simm.s32 $0x50;
	s14 =	simm.s32 $0x1000  }
.LBB2_1:
0x11: {  	[spmem:s11], [sflag:s5] =	dma.local [hbm:s4], $0x2800  }
0x12: {  	_ =	swait.ge [sflag:s12], $0x2800  }
0x13: {  	[sflag:s12] =	ssyncset.done $0x0  }
0x14: {  	[sflag:s12] =	ssyncadd.s32 $0xFFFFD800  }
0x15: {  	[tilespmem:s3], [sflag:$0x3] =	stream.linear.gather [hbm4b:s6+s3], $0xFA0, $0x38;
	[tilespmem:$0x19880] =	vst v63  }
0x16: {  	_ =	swait.ge [sflag:s12], $0xFA0  }
0x17: {  	[sflag:s12] =	ssyncset.done $0x0  }
0x18: {  	[sflag:s12] =	ssyncadd.s32 $0xFFFFF060  }
0x19: {  	[bflag:$0x0] =	sbarrier.arrive $0xFFFF  }
0x1a: {  	[tilespmem:s14], [sflag:$0x1] =	stream.indirect.gather [spmem:s2], $0x80, s3, s13, $0xb8;
	[tilespmem:$0x19880] =	vst v63  }
0x1b: {  	s20 =	simm.s32 $0x50  }
0x1c: {  	[tilespmem:s15], [sflag:$0x2] =	stream.indirect.gather [spmem:s2], $0x80, s20, s13, $0xb8;
	[tilespmem:$0x19880] =	vst v63  }
0x1d: {  	_ =	swait.ge [sflag:s16], $0x2800  }
0x1e: {  	[sflag:s16] =	ssyncset.done $0x0  }
0x1f: {  	s31 =	sadd.s32 $0x0, s10;
	[sflag:s16] =	ssyncadd.s32 $0xFFFFD800  }
0x20: {  	[hbm4b:s31+s3] =	stream.linear.scatter [tilespmem:s14], [sflag:$0x3], $0x2800, $0x38;
	[tilespmem:$0x19880] =	vst v63  }
0x21: {  	_ =	swait.ge [sflag:s12], $0x2800  }
0x22: {  	[sflag:s12] =	ssyncset.done $0x0  }
0x23: {  	s21 =	simm.s32 $0xA0;
	[sflag:s12] =	ssyncadd.s32 $0xFFFFD800  }
0x24: {  	[tilespmem:s14], [sflag:$0x1] =	stream.indirect.gather [spmem:s2], $0x80, s21, s13, $0xb8;
	[tilespmem:$0x19880] =	vst v63  }
0x25: {  	_ =	swait.ge [sflag:s17], $0x2800  }
0x26: {  	[sflag:s17] =	ssyncset.done $0x0  }
0x27: {  	s20 =	sadd.s32 $0x500, s31;
	[sflag:s17] =	ssyncadd.s32 $0xFFFFD800  }
0x28: {  	[hbm4b:s20+s3] =	stream.linear.scatter [tilespmem:s15], [sflag:$0x3], $0x2800, $0x38;
	[tilespmem:$0x19880] =	vst v63  }
0x29: {  	s22 =	simm.s32 $0x1400;
	_ =	swait.ge [sflag:s12], $0x2800  }
0x2a: {  	s21 =	simm.s32 $0xA00;
	s20 =	simm.s32 $0x140;
	[sflag:s12] =	ssyncset.done $0x0  }
.LBB2_2:
0x2b: {  	p0 =	sne.s32 s22, $0xE600;
	s23 =	sadd.s32 $0xFFFFFFB0, s20;
	[sflag:s12] =	ssyncadd.s32 $0xFFFFD800  }
0x2c: {  	[tilespmem:s15], [sflag:$0x2] =	stream.indirect.gather [spmem:s2], $0x80, s23, s13, $0xb8;
	[tilespmem:$0x19880] =	vst v63  }
0x2d: {  	s23 =	smov.u32 s22;
	s22 =	sadd.s32 $0xA00, s22;
	_ =	swait.ge [sflag:s16], $0x2800  }
0x2e: {  	[sflag:s16] =	ssyncset.done $0x0  }
0x2f: {  	s24 =	sadd.s32 s21, s10;
	s21 =	smov.u32 s23;
	[sflag:s16] =	ssyncadd.s32 $0xFFFFD800  }
0x30: {  	[hbm4b:s24+s3] =	stream.linear.scatter [tilespmem:s14], [sflag:$0x3], $0x2800, $0x38;
	[tilespmem:$0x19880] =	vst v63  }
0x31: {  	_ =	swait.ge [sflag:s12], $0x2800  }
0x32: {  	[sflag:s12] =	ssyncset.done $0x0  }
0x33: {  	[sflag:s12] =	ssyncadd.s32 $0xFFFFD800  }
0x34: {  	[tilespmem:s14], [sflag:$0x1] =	stream.indirect.gather [spmem:s2], $0x80, s20, s13, $0xb8;
	[tilespmem:$0x19880] =	vst v63  }
0x35: {  	_ =	swait.ge [sflag:s17], $0x2800  }
.Ltmp0:
0x36: {  	[sflag:s17] =	ssyncset.done $0x0;
	(pc) =	sbr.rel @p0 .LBB2_2-.Ltmp0, $4  }
0x37: {  	s23 =	sadd.s32 $0x500, s24;
	[sflag:s17] =	ssyncadd.s32 $0xFFFFD800  }
0x38: {  	[hbm4b:s23+s3] =	stream.linear.scatter [tilespmem:s15], [sflag:$0x3], $0x2800, $0x38;
	[tilespmem:$0x19880] =	vst v63  }
0x39: {  	_ =	swait.ge [sflag:s12], $0x2800  }
0x3a: {  	s20 =	sadd.s32 $0xA0, s20;
	[sflag:s12] =	ssyncset.done $0x0  }
0x3b: {  	s22 =	sadd.s32 $0xFFFFFFB0, s20;
	[sflag:s12] =	ssyncadd.s32 $0xFFFFD800  }
0x3c: {  	[tilespmem:s15], [sflag:$0x2] =	stream.indirect.gather [spmem:s2], $0x80, s22, s13, $0xb8;
	[tilespmem:$0x19880] =	vst v63  }
0x3d: {  	_ =	swait.ge [sflag:s16], $0x2800  }
0x3e: {  	[sflag:s16] =	ssyncset.done $0x0  }
0x3f: {  	s21 =	sadd.s32 s21, s10;
	[sflag:s16] =	ssyncadd.s32 $0xFFFFD800  }
0x40: {  	[hbm4b:s21+s3] =	stream.linear.scatter [tilespmem:s14], [sflag:$0x3], $0x2800, $0x38;
	[tilespmem:$0x19880] =	vst v63  }
0x41: {  	_ =	swait.ge [sflag:s12], $0x2800  }
0x42: {  	[sflag:s12] =	ssyncset.done $0x0  }
0x43: {  	[sflag:s12] =	ssyncadd.s32 $0xFFFFD800  }
0x44: {  	[tilespmem:s14], [sflag:$0x1] =	stream.indirect.gather [spmem:s2], $0x80, s20, s13, $0xb8;
	[tilespmem:$0x19880] =	vst v63  }
0x45: {  	_ =	swait.ge [sflag:s17], $0x2800  }
0x46: {  	[sflag:s17] =	ssyncset.done $0x0  }
0x47: {  	s31 =	sadd.s32 $0x500, s21;
	[sflag:s17] =	ssyncadd.s32 $0xFFFFD800  }
0x48: {  	[hbm4b:s31+s3] =	stream.linear.scatter [tilespmem:s15], [sflag:$0x3], $0x2800, $0x38;
	[tilespmem:$0x19880] =	vst v63  }
0x49: {  	_ =	swait.ge [sflag:s12], $0x2800  }
0x4a: {  	[sflag:s12] =	ssyncset.done $0x0  }
0x4b: {  	[sflag:s12] =	ssyncadd.s32 $0xFFFFD800  }
0x4c: {  	[tilespmem:s15], [sflag:$0x2] =	stream.indirect.gather [spmem:s2], $0x80, s18, s13, $0xb8;
	[tilespmem:$0x19880] =	vst v63  }
0x4d: {  	_ =	swait.ge [sflag:s16], $0x2800  }
0x4e: {  	[sflag:s16] =	ssyncset.done $0x0  }
0x4f: {  	[sflag:s16] =	ssyncadd.s32 $0xFFFFD800  }
0x50: {  	[hbm4b:s7+s3] =	stream.linear.scatter [tilespmem:s14], [sflag:$0x3], $0x2800, $0x38;
	[tilespmem:$0x19880] =	vst v63  }
0x51: {  	_ =	swait.ge [sflag:s12], $0x2800  }
0x52: {  	[sflag:s12] =	ssyncset.done $0x0  }
0x53: {  	[sflag:s12] =	ssyncadd.s32 $0xFFFFD800  }
0x54: {  	s19 =	sadd.s32 $0x1, s19;
	_ =	swait.ge [sflag:s17], $0x2800  }
0x55: {  	p0 =	sne.s32 s19, s9;
	[sflag:s17] =	ssyncset.done $0x0  }
.Ltmp1:
0x56: {  	[sflag:s17] =	ssyncadd.s32 $0xFFFFD800;
	(pc) =	sbr.rel @p0 .LBB2_1-.Ltmp1, $4  }
0x57: {  	[hbm4b:s8+s3] =	stream.linear.scatter [tilespmem:s15], [sflag:$0x3], $0x2800, $0x38;
	[tilespmem:$0x19880] =	vst v63  }
0x58: {  	_ =	swait.ge [sflag:s12], $0x2800  }
0x59: {  	[sflag:s12] =	ssyncset.done $0x0  }
0x5a: {  	[sflag:s12] =	ssyncadd.s32 $0xFFFFD800  }
0x5b: {  	_ =	sfence.sel $0x180000  }
0x5c: {  	[bflag:$0x0] =	sbarrier.arrive $0xFFFF  }
0x5d: {  	p0 =	sne.s32 s0, $0x0;
	_ =	strace $0x90000047  }
0x5e: {  	s0 =	sadd.s32 @!p0 $0x100000, s1;
	[bflag:$0x2] =	sbarrier.arrive $0xFFFF  }
0x5f: {  	[sflag:s0] =	ssyncadd.tile.s32 @!p0 $0x1;
	_ =	shalt  }
.Lfunc_end2:
_tile_overlayer_lowered:
.L_overlay_start_2:
0x60: {  	(tag) =	ssettag $0x2  }
0x61: {  	s0 =	rddreg [dreg:$0x0];
	s2 =	stileid.u32  }
0x62: {  	s1 =	rddreg [dreg:$0x1];
	p0 =	sne.s32 s2, $0x0  }
0x63: {  	s3 =	rddreg [dreg:$0x2];
	[bflag:$0x3] =	sbarrier.arrive $0xFFFF;
	s2 =	simm.s32 @!p0 $0x1C03  }
0x64: {  	[timem:s3], [sflag:s2] =	dma.local @!p0 [hbm:s0], s1  }
0x65: {  	s0 =	simm.s32 @!p0 $0x3  }
0x66: {  	_ =	swait.ge @!p0 [sflag:s0], s1  }
0x67: {  	s1 =	ssub.s32 @!p0 $0x0, s1;
	[sflag:s0] =	ssyncset.done @!p0 $0x0  }
0x68: {  	[sflag:s0] =	ssyncadd.s32 @!p0 s1  }
0x69: {  	[bflag:$0x3] =	sbarrier.arrive $0xFFFF  }
0x6a: {  	_ =	shalt  }

// kernel: kernel.18.cloned.1.call-start
scs
__scs_entry_jumppad:
0x0: {  	(pc) =	sbr.rel $0x88, $3  }
0x1: {  	(tag) =	ssettag $0x0;
	lr =	simm.s32 $0x1  }
0x2: {  	[smem:$0x3F99] =	sst lr;
	_ =	strace $0xD0000000  }
0x3: {  	_ = 	snop  }
0x4: {  	_ = 	snop  }
0x5: {  	_ = 	snop  }
0x6: {  	_ = 	snop  }
0x7: {  	_ = 	snop  }
__scs_overlays_trampoline_lowered:
0x8: {  	[smem:$0x3FA8] =	sst s0  }
0x9: {  	[smem:$0x3FA9] =	sst s1  }
0xa: {  	[smem:$0x3FAA] =	sst s2  }
0xb: {  	[smem:$0x3FAB] =	sst s3  }
0xc: {  	[smem:$0x3FAC] =	sst s4  }
0xd: {  	[smem:$0x3FAD] =	sst s5  }
0xe: {  	[smem:$0x3FAE] =	sst s6  }
0xf: {  	[smem:$0x3FAF] =	sst s7  }
0x10: {  	[smem:$0x3FB0] =	sst s8  }
0x11: {  	[smem:$0x3FB1] =	sst s9;
	s0 =	simm.s32 @!p0 $0x0  }
0x12: {  	s1 =	sld [smem:$0x3F97];
	s0 =	simm.s32 @p0 $0x1  }
0x13: {  	[smem:$0x3FB2] =	sst s0;
	s0 =	simm.s32 @!p1 $0x0  }
0x14: {  	s2 =	sld [smem:$0x3F96];
	s0 =	simm.s32 @p1 $0x1  }
0x15: {  	[smem:$0x3FB3] =	sst s0;
	s0 =	simm.s32 @!p2 $0x0  }
0x16: {  	s3 =	sld [smem:$0x3FDB];
	s0 =	simm.s32 @p2 $0x1  }
0x17: {  	s4 =	simm.s32 $0x1BF5;
	[smem:$0x3FB5] =	sst s0  }
0x18: {  	s0 =	sld [smem:$0x3F98];
	_ =	swait.ge [sflag:s4], $0x0  }
0x19: {  	s7 =	sld [smem:$0x3F99]  }
0x1a: {  	s8 =	sadd.s32 $0xFFFFE003, lr  }
0x1b: {  	s9 =	sadd.s32 $0xFFFFFEF7, lr;
	s5 =	simm.s32 $0xFFFFFFFF;
	p2 =	slt.u32 s8, $0xFFFFF086  }
0x1c: {  	p1 =	slt.u32 s9, $0xF7A;
	s5 =	simm.s32 @!p2 $0x0  }
0x1d: {  	s5 =	simm.s32 @p1 $0x1;
	p0 =	seq.s32 s7, s2  }
0x1e: {  	s7 =	smul.u32 @!p0 $0xF7A, s2;
	p2 =	seq.s32 @!p0 s5, $0x0  }
0x1f: {  	s9 =	smul.u32 $0xF7A, s1;
	s8 =	simm.s32 @!p0 $0x1BF5;
	p2 =	por !p2, p0  }
0x20: {  	[sflag:s8] =	ssyncset.s32 @!p0 $0xFFFFF086;
	s6 =	sadd.s32 @!p0 s3, s7;
	s7 =	simm.s32 @!p0 $0x108  }
0x21: {  	s3 =	sadd.s32 s3, s9;
	s6 =	sadd.s32 @!p0 $0x88, s6;
	s7 =	simm.s32 @p2 $0x1082  }
0x22: {  	[simem:s7], [sflag:s8] =	dma.local @!p0 [hbm:s6], $0xF7A  }
0x23: {  	s9 =	sor.u32 $0xD0000000, s2;
	s6 =	simm.s32 $0x108;
	_ =	swait.ge @!p0 [sflag:s8], $0x0  }
0x24: {  	s3 =	sadd.s32 $0x88, s3;
	s6 =	simm.s32 @!p1 $0x1082;
	[sflag:s4] =	ssyncset.s32 $0xFFFFF086  }
0x25: {  	[simem:s6], [sflag:s4] =	dma.local [hbm:s3], $0xF7A  }
0x26: {  	[smem:$0x3F99] =	sst s1;
	(tag) =	ssettag s2;
	_ =	strace s9  }
0x27: {  	s1 =	sld [smem:$0x3FA9]  }
0x28: {  	s2 =	sld [smem:$0x3FAA]  }
0x29: {  	s4 =	sld [smem:$0x3FAC]  }
0x2a: {  	p0 =	seq.s32 s5, $0x0;
	s5 =	sld [smem:$0x3FAD]  }
0x2b: {  	s6 =	sld [smem:$0x3FAE]  }
0x2c: {  	s7 =	sld [smem:$0x3FAF]  }
0x2d: {  	s3 =	simm.s32 $0x108;
	s8 =	sld [smem:$0x3FB0]  }
0x2e: {  	s3 =	simm.s32 @!p0 $0x1082;
	s9 =	sld [smem:$0x3FB1]  }
0x2f: {  	lr =	sadd.s32 s0, s3;
	s0 =	sld [smem:$0x3FA8]  }
0x30: {  	s3 =	sld [smem:$0x3FAB]  }
0x31: {  	[smem:$0x3FB4] =	sst s10  }
0x32: {  	s10 =	sld [smem:$0x3FB2];
	_ =	sdelay $0x3  }
0x33: {  	p0 =	seq.s32 s10, $0x1;
	s10 =	sld [smem:$0x3FB4];
	_ =	sdelay $0x3  }
0x34: {  	[smem:$0x3FB4] =	sst s10  }
0x35: {  	s10 =	sld [smem:$0x3FB3];
	_ =	sdelay $0x3  }
0x36: {  	p1 =	seq.s32 s10, $0x1;
	s10 =	sld [smem:$0x3FB4];
	_ =	sdelay $0x3  }
0x37: {  	[smem:$0x3FB4] =	sst s10  }
0x38: {  	s10 =	sld [smem:$0x3FB5]  }
0x39: {  	_ = 	snop;
	(pc) =	sbr.ind lr, $3  }
0x3a: {  	_ = 	snop  }
0x3b: {  	_ = 	snop  }
0x3c: {  	p2 =	seq.s32 s10, $0x1;
	s10 =	sld [smem:$0x3FB4]  }
0x3d: {  	_ =	shalt  }
0x3e: {  	_ =	shalt  }
0x3f: {  	_ =	shalt  }
0x40: {  	_ =	shalt  }
0x41: {  	_ =	shalt  }
0x42: {  	_ =	shalt  }
0x43: {  	_ =	shalt  }
0x44: {  	_ =	shalt  }
0x45: {  	_ =	shalt  }
0x46: {  	_ =	shalt  }
0x47: {  	_ =	shalt  }
0x48: {  	_ =	shalt  }
0x49: {  	_ =	shalt  }
0x4a: {  	_ =	shalt  }
0x4b: {  	_ =	shalt  }
0x4c: {  	_ =	shalt  }
0x4d: {  	_ =	shalt  }
0x4e: {  	_ =	shalt  }
0x4f: {  	_ =	shalt  }
0x50: {  	_ =	shalt  }
0x51: {  	_ =	shalt  }
0x52: {  	_ =	shalt  }
0x53: {  	_ =	shalt  }
0x54: {  	_ =	shalt  }
0x55: {  	_ =	shalt  }
0x56: {  	_ =	shalt  }
0x57: {  	_ =	shalt  }
0x58: {  	_ =	shalt  }
0x59: {  	_ =	shalt  }
0x5a: {  	_ =	shalt  }
0x5b: {  	_ =	shalt  }
0x5c: {  	_ =	shalt  }
0x5d: {  	_ =	shalt  }
0x5e: {  	_ =	shalt  }
0x5f: {  	_ =	shalt  }
0x60: {  	_ =	shalt  }
0x61: {  	_ =	shalt  }
0x62: {  	_ =	shalt  }
0x63: {  	_ =	shalt  }
0x64: {  	_ =	shalt  }
0x65: {  	_ =	shalt  }
0x66: {  	_ =	shalt  }
0x67: {  	_ =	shalt  }
0x68: {  	_ =	shalt  }
0x69: {  	_ =	shalt  }
0x6a: {  	_ =	shalt  }
0x6b: {  	_ =	shalt  }
0x6c: {  	_ =	shalt  }
0x6d: {  	_ =	shalt  }
0x6e: {  	_ =	shalt  }
0x6f: {  	_ =	shalt  }
0x70: {  	_ =	shalt  }
0x71: {  	_ =	shalt  }
0x72: {  	_ =	shalt  }
0x73: {  	_ =	shalt  }
0x74: {  	_ =	shalt  }
0x75: {  	_ =	shalt  }
0x76: {  	_ =	shalt  }
0x77: {  	_ =	shalt  }
0x78: {  	_ =	shalt  }
0x79: {  	_ =	shalt  }
0x7a: {  	_ =	shalt  }
0x7b: {  	_ =	shalt  }
0x7c: {  	_ =	shalt  }
0x7d: {  	_ =	shalt  }
0x7e: {  	_ =	shalt  }
0x7f: {  	_ =	shalt  }
0x80: {  	_ =	shalt  }
0x81: {  	_ =	shalt  }
0x82: {  	_ =	shalt  }
0x83: {  	_ =	shalt  }
0x84: {  	_ =	shalt  }
0x85: {  	_ =	shalt  }
0x86: {  	_ =	shalt  }
0x87: {  	_ =	shalt  }
.Lfunc_end0:
.L_simem_size_0:
called_computation.1_lowered:
.L_overlay_start_0:
0x88: {  	s2 =	sld [smem:$0x3FD9]  }
0x89: {  	s3 =	sld [smem:$0x3FFE];
	_ =	sdelay $0x1  }
0x8a: {  	s1 =	srdreg.scid  }
0x8b: {  	s0 =	sand.u32 $0x1, s1  }
0x8c: {  	s17 =	sshll.u32 s0, $0xA;
	s2 =	sadd.s32 s3, s2  }
0x8d: {  	s2 =	sadd.s32 s2, s17  }
0x8e: {  	[smem:$0x3FC0] =	sst s2  }
0x8f: {  	_ = 	snop  }
0x90: {  	s18 =	sld [smem:$0x3FD0];
	(tm) =	ssettm $0x1  }
0x91: {  	s19 =	sld [smem:$0x3FFB];
	_ =	sdelay $0x3  }
0x92: {  	_ =	strace s19  }
0x93: {  	s2 =	sld [smem:$0x3FFC];
	_ =	sdelay $0x3  }
0x94: {  	_ =	strace s2  }
0x95: {  	s2 =	sld [smem:$0x3FFD];
	_ =	sdelay $0x3  }
0x96: {  	_ =	strace s2  }
0x97: {  	_ =	strace $0x8FFFFFFF  }
0x98: {  	s20 =	sld [smem:$0x3FDB];
	_ =	sdelay $0x1  }
0x99: {  	s4 =	simm.s32 $_scs_section_size  }
0x9a: {  	s5 =	simm.s32 $_size__tile_overlayer_lowered;
	s6 =	simm.s32 $_tile_overlayer_lowered  }
0x9b: {  	s7 =	simm.s32 $0x1BFF;
	s21 =	sshll.u32 s6, $0x1;
	s4 =	sadd.s32 s4, s20  }
0x9c: {  	s22 =	simm.s32 $0x0;
	s5 =	sshll.u32 s5, $0x1;
	s6 =	sadd.s32 s21, s4  }
0x9d: {  	[timem:s22], [sflag:s7] =	dma.local [hbm:s6], s5  }
0x9e: {  	_ =	swait.ge [sflag:s7], s5  }
0x9f: {  	s5 =	ssub.s32 $0x0, s5;
	[sflag:s7] =	ssyncset.done $0x0  }
0xa0: {  	[sflag:s7] =	ssyncadd.s32 s5;
	_ =	sdelay $0x1  }
0xa1: {  	s23 =	simm.s32 $0x1B8B  }
0xa2: {  	_ =	swait.ge [sflag:s23], $0x1  }
0xa3: {  	[sflag:s23] =	ssyncset.done $0x0  }
0xa4: {  	[sflag:s23] =	ssyncadd.s32 $0xFFFFFFFF  }
0xa5: {  	s5 =	sld [smem:$0x0]  }
0xa6: {  	s6 =	sand.u32 $0xFFFFFFFE, s1  }
0xa7: {  	p0 =	sne.s32 s1, s6  }
0xa8: {  	s6 =	sshll.u32 @p0 s6, $0xE  }
0xa9: {  	s6 =	sadd.s32 @p0 $0x11B8D, s6;
	s7 =	sshll.u32 @p0 s5, $0x11  }
0xaa: {  	s6 =	sor.u32 @p0 s7, s6  }
0xab: {  	[sflag:s6] =	ssyncadd.remote.s32 @p0 $0x1;
	_ =	sdelay $0x1  }
0xac: {  	s6 =	simm.s32 @p0 $0x1B8D  }
0xad: {  	_ =	swait.eq @p0 [sflag:s6], $0x1  }
0xae: {  	[sflag:s6] =	ssyncadd.s32 @p0 $0xFFFFFFFF  }
0xaf: {  	s7 =	sshll.u32 @!p0 s1, $0xE  }
0xb0: {  	s7 =	sor.u32 @!p0 $0x4000, s7;
	s6 =	simm.s32 @!p0 $0x1B8D  }
0xb1: {  	s5 =	sshll.u32 @!p0 s5, $0x11;
	s7 =	sadd.s32 @!p0 $0x11B8D, s7;
	_ =	swait.eq @!p0 [sflag:s6], $0x1  }
0xb2: {  	s5 =	sor.u32 @!p0 s5, s7;
	[sflag:s6] =	ssyncadd.s32 @!p0 $0xFFFFFFFF  }
0xb3: {  	s25 =	simm.s32 $0x1B8E;
	s24 =	sld [smem:$0x3FFE];
	[sflag:s5] =	ssyncadd.remote.s32 @!p0 $0x1  }
0xb4: {  	s26 =	simm.s32 $execute0_lowered;
	[smem:$0x3FD2] =	sst s25  }
0xb5: {  	s6 =	sshll.u32 s26, $0x1;
	_ =	strace $0x80000049;
	[dreg:$0x1] =	wrdreg $0xFFFFFFFF  }
0xb6: {  	s28 =	simm.s32 $_size_execute0_lowered;
	s4 =	sadd.s32 s4, s6;
	[dreg:$0x0] =	wrdreg $0x0  }
0xb7: {  	s6 =	sshll.u32 s28, $0x1;
	[dreg:$0x2] =	wrdreg s4  }
0xb8: {  	[dreg:$0x3] =	wrdreg s6  }
0xb9: {  	[dreg:$0x4] =	wrdreg $0xC0  }
0xba: {  	_ =	task [dreg:s22], $0x5FFFF  }
0xbb: {  	[dreg:$0x1] =	wrdreg $0xFFFFFFFF  }
0xbc: {  	[dreg:$0x0] =	wrdreg $0x60  }
0xbd: {  	[dreg:$0x2] =	wrdreg s24  }
0xbe: {  	[dreg:$0x3] =	wrdreg s18  }
0xbf: {  	[dreg:$0x4] =	wrdreg $0x67800  }
0xc0: {  	[dreg:$0x5] =	wrdreg $0xA  }
0xc1: {  	_ =	task.clear_ibuf [dreg:s22], $0x6FFFF;
	_ =	strace $0x90000049  }
0xc2: {  	s29 =	simm.s32 $0xA;
	_ =	strace $0x8000004B  }
0xc3: {  	_ =	swait.ge [sflag:s29], $0x1  }
0xc4: {  	[sflag:s29] =	ssyncadd.s32 $0xFFFFFFFF  }
0xc5: {  	_ =	strace $0x9000004B  }
0xc6: {  	_ =	sfence  }
0xc7: {  	s30 =	sld [smem:$0x0];
	_ =	sdelay $0x2  }
0xc8: {  	s31 =	sshll.u32 s1, $0xD;
	s1 =	sshrl.u32 s1, $0x2  }
0xc9: {  	s4 =	sand.u32 $0x4000, s31;
	s1 =	sadd.s32 s1, s30  }
0xca: {  	s0 =	sor.u32 s4, s0;
	s1 =	sshll.u32 s1, $0x11  }
0xcb: {  	s0 =	sor.u32 s1, s0  }
0xcc: {  	s0 =	sadd.s32 $0x8F2B, s0  }
0xcd: {  	[sflag:s0] =	ssyncadd.remote.s32 $0x1  }
0xce: {  	_ =	sfence.sel $0xFFFF  }
0xcf: {  	[dreg:$0x0] =	wrdreg $0xFFFFFFFF;
	(pc) =	sbr.abs _section_cstart, $3  }
0xd0: {  	[dreg:$0x1] =	wrdreg $0xFFFFFFFF  }
0xd1: {  	_ =	task.clear_ibuf [dreg:s22], $0x2FFFF;
	_ =	strace $0x9FFFFFFF  }
0xd2: {  	(tm) =	ssettm $0x7FFFFFFF  }
0xd3: {  	_ =	shalt  }
tec
execute0_lowered:
.L_overlay_start_1:
0x0: {  	(tag) =	ssettag $0x1  }
0x1: {  	s4 =	rddreg [dreg:$0x0]  }
0x2: {  	s6 =	rddreg [dreg:$0x1]  }
0x3: {  	s2 =	rddreg [dreg:$0x2]  }
0x4: {  	s1 =	stileid.u32;
	s0 =	rddreg [dreg:$0x3];
	s3 =	simm.s32 $0x0  }
0x5: {  	s7 =	srdreg.scid;
	s14 =	simm.s32 $0x3F80;
	s15 =	simm.s32 $0x1  }
0x6: {  	s16 =	simm.s32 $0x2;
	s17 =	simm.s32 $0x0;
	s5 =	smul.u32 $0x280, s1  }
0x7: {  	[smem:$0x7FF] =	sst s3;
	s7 =	sand.u32 $0x1, s7;
	s12 =	sadd.s32 $0x223000, s4  }
0x8: {  	s25 =	sshll.u32 s1, $0x6;
	s30 =	smul.u32 $0x17700, s1;
	_ =	strace $0x8000004A  }
0x9: {  	s9 =	ssub.s32 $0x2, s7;
	s10 =	sshll.u32 s7, $0x4;
	s28 =	smul.u32 $0x177000, s7  }
0xa: {  	s5 =	smin.u32 s5, $0x2490;
	s11 =	sshrl.u32 s9, $0x1;
	s10 =	sor.u32 s1, s10  }
0xb: {  	s8 =	sshll.u32 s5, $0x4;
	s9 =	ssub.s32 s9, s11;
	s23 =	smul.u32 $0x1770, s10  }
0xc: {  	s24 =	sshll.u32 s5, $0x7;
	s10 =	smul.u32 $0xBB800, s10;
	s5 =	sor.u32 $0x1C03, s25  }
0xd: {  	s31 =	sadd.s32 s28, s12;
	s11 =	simm.s32 $0x3;
	s8 =	sadd.s32 s8, s4  }
0xe: {  	s13 =	sadd.s32 s24, s2;
	s4 =	sadd.s32 $0x7E00, s8;
	s26 =	sshrl.u32 s23, $0x3  }
0xf: {  	s10 =	sshrl.u32 s10, $0x3;
	s8 =	smax.u32 s9, $0x1;
	s9 =	sadd.s32 s30, s31  }
0x10: {  	s6 =	sadd.s32 s6, s26;
	s29 =	sadd.s32 s12, s10;
	s10 =	sshrl.u32 s13, $0x3  }
0x11: {  	s12 =	simm.s32 $0x50;
	s13 =	simm.s32 $0x1780;
	s7 =	sadd.s32 $0x17200, s29  }
.LBB2_1:
0x12: {  	[spmem:s10], [sflag:s5] =	dma.local [hbm:s4], $0x2800  }
0x13: {  	_ =	swait.ge [sflag:s11], $0x2800  }
0x14: {  	[sflag:s11] =	ssyncset.done $0x0  }
0x15: {  	[sflag:s11] =	ssyncadd.s32 $0xFFFFD800  }
0x16: {  	[tilespmem:s3], [sflag:$0x3] =	stream.linear.gather [hbm4b:s6+s3], $0x1770, $0x38;
	[tilespmem:$0x1A000] =	vst v63  }
0x17: {  	_ =	swait.ge [sflag:s11], $0x1770  }
0x18: {  	[sflag:s11] =	ssyncset.done $0x0  }
0x19: {  	[sflag:s11] =	ssyncadd.s32 $0xFFFFE890  }
0x1a: {  	[bflag:$0x0] =	sbarrier.arrive $0xFFFF  }
0x1b: {  	[tilespmem:s13], [sflag:$0x1] =	stream.indirect.gather [spmem:s2], $0x80, s3, s12, $0xb8;
	[tilespmem:$0x1A000] =	vst v63  }
0x1c: {  	s18 =	simm.s32 $0x50  }
0x1d: {  	[tilespmem:s14], [sflag:$0x2] =	stream.indirect.gather [spmem:s2], $0x80, s18, s12, $0xb8;
	[tilespmem:$0x1A000] =	vst v63  }
0x1e: {  	_ =	swait.ge [sflag:s15], $0x2800  }
0x1f: {  	[sflag:s15] =	ssyncset.done $0x0  }
0x20: {  	s31 =	sadd.s32 $0x0, s9;
	[sflag:s15] =	ssyncadd.s32 $0xFFFFD800  }
0x21: {  	[hbm4b:s31+s3] =	stream.linear.scatter [tilespmem:s13], [sflag:$0x3], $0x2800, $0x38;
	[tilespmem:$0x1A000] =	vst v63  }
0x22: {  	_ =	swait.ge [sflag:s11], $0x2800  }
0x23: {  	[sflag:s11] =	ssyncset.done $0x0  }
0x24: {  	s19 =	simm.s32 $0xA0;
	[sflag:s11] =	ssyncadd.s32 $0xFFFFD800  }
0x25: {  	[tilespmem:s13], [sflag:$0x1] =	stream.indirect.gather [spmem:s2], $0x80, s19, s12, $0xb8;
	[tilespmem:$0x1A000] =	vst v63  }
0x26: {  	_ =	swait.ge [sflag:s16], $0x2800  }
0x27: {  	[sflag:s16] =	ssyncset.done $0x0  }
0x28: {  	s18 =	sadd.s32 $0x500, s31;
	[sflag:s16] =	ssyncadd.s32 $0xFFFFD800  }
0x29: {  	[hbm4b:s18+s3] =	stream.linear.scatter [tilespmem:s14], [sflag:$0x3], $0x2800, $0x38;
	[tilespmem:$0x1A000] =	vst v63  }
0x2a: {  	s20 =	simm.s32 $0x1400;
	_ =	swait.ge [sflag:s11], $0x2800  }
0x2b: {  	s19 =	simm.s32 $0xA00;
	s18 =	simm.s32 $0x140;
	[sflag:s11] =	ssyncset.done $0x0  }
.LBB2_2:
0x2c: {  	p0 =	sne.s32 s20, $0x16800;
	s21 =	sadd.s32 $0xFFFFFFB0, s18;
	[sflag:s11] =	ssyncadd.s32 $0xFFFFD800  }
0x2d: {  	[tilespmem:s14], [sflag:$0x2] =	stream.indirect.gather [spmem:s2], $0x80, s21, s12, $0xb8;
	[tilespmem:$0x1A000] =	vst v63  }
0x2e: {  	s21 =	smov.u32 s20;
	s20 =	sadd.s32 $0xA00, s20;
	_ =	swait.ge [sflag:s15], $0x2800  }
0x2f: {  	[sflag:s15] =	ssyncset.done $0x0  }
0x30: {  	s22 =	sadd.s32 s19, s9;
	s19 =	smov.u32 s21;
	[sflag:s15] =	ssyncadd.s32 $0xFFFFD800  }
0x31: {  	[hbm4b:s22+s3] =	stream.linear.scatter [tilespmem:s13], [sflag:$0x3], $0x2800, $0x38;
	[tilespmem:$0x1A000] =	vst v63  }
0x32: {  	_ =	swait.ge [sflag:s11], $0x2800  }
0x33: {  	[sflag:s11] =	ssyncset.done $0x0  }
0x34: {  	[sflag:s11] =	ssyncadd.s32 $0xFFFFD800  }
0x35: {  	[tilespmem:s13], [sflag:$0x1] =	stream.indirect.gather [spmem:s2], $0x80, s18, s12, $0xb8;
	[tilespmem:$0x1A000] =	vst v63  }
0x36: {  	_ =	swait.ge [sflag:s16], $0x2800  }
.Ltmp0:
0x37: {  	[sflag:s16] =	ssyncset.done $0x0;
	(pc) =	sbr.rel @p0 .LBB2_2-.Ltmp0, $4  }
0x38: {  	s21 =	sadd.s32 $0x500, s22;
	[sflag:s16] =	ssyncadd.s32 $0xFFFFD800  }
0x39: {  	[hbm4b:s21+s3] =	stream.linear.scatter [tilespmem:s14], [sflag:$0x3], $0x2800, $0x38;
	[tilespmem:$0x1A000] =	vst v63  }
0x3a: {  	_ =	swait.ge [sflag:s11], $0x2800  }
0x3b: {  	s18 =	sadd.s32 $0xA0, s18;
	[sflag:s11] =	ssyncset.done $0x0  }
0x3c: {  	s20 =	sadd.s32 $0xFFFFFFB0, s18;
	[sflag:s11] =	ssyncadd.s32 $0xFFFFD800  }
0x3d: {  	[tilespmem:s14], [sflag:$0x2] =	stream.indirect.gather [spmem:s2], $0x80, s20, s12, $0xb8;
	[tilespmem:$0x1A000] =	vst v63  }
0x3e: {  	_ =	swait.ge [sflag:s15], $0x2800  }
0x3f: {  	[sflag:s15] =	ssyncset.done $0x0  }
0x40: {  	s19 =	sadd.s32 s19, s9;
	[sflag:s15] =	ssyncadd.s32 $0xFFFFD800  }
0x41: {  	[hbm4b:s19+s3] =	stream.linear.scatter [tilespmem:s13], [sflag:$0x3], $0x2800, $0x38;
	[tilespmem:$0x1A000] =	vst v63  }
0x42: {  	_ =	swait.ge [sflag:s11], $0x2800  }
0x43: {  	[sflag:s11] =	ssyncset.done $0x0  }
0x44: {  	[sflag:s11] =	ssyncadd.s32 $0xFFFFD800  }
0x45: {  	[tilespmem:s13], [sflag:$0x1] =	stream.indirect.gather [spmem:s2], $0x80, s18, s12, $0xb8;
	[tilespmem:$0x1A000] =	vst v63  }
0x46: {  	_ =	swait.ge [sflag:s16], $0x2800  }
0x47: {  	[sflag:s16] =	ssyncset.done $0x0  }
0x48: {  	s31 =	sadd.s32 $0x500, s19;
	[sflag:s16] =	ssyncadd.s32 $0xFFFFD800  }
0x49: {  	[hbm4b:s31+s3] =	stream.linear.scatter [tilespmem:s14], [sflag:$0x3], $0x2800, $0x38;
	[tilespmem:$0x1A000] =	vst v63  }
0x4a: {  	_ =	swait.ge [sflag:s11], $0x2800  }
0x4b: {  	[sflag:s11] =	ssyncset.done $0x0  }
0x4c: {  	[sflag:s11] =	ssyncadd.s32 $0xFFFFD800  }
0x4d: {  	s17 =	sadd.s32 $0x1, s17;
	_ =	swait.ge [sflag:s15], $0x2800  }
0x4e: {  	p0 =	sne.s32 s17, s8;
	[sflag:s15] =	ssyncset.done $0x0  }
.Ltmp1:
0x4f: {  	[sflag:s15] =	ssyncadd.s32 $0xFFFFD800;
	(pc) =	sbr.rel @p0 .LBB2_1-.Ltmp1, $4  }
0x50: {  	[hbm4b:s7+s3] =	stream.linear.scatter [tilespmem:s13], [sflag:$0x3], $0x2800, $0x38;
	[tilespmem:$0x1A000] =	vst v63  }
0x51: {  	_ =	swait.ge [sflag:s11], $0x2800  }
0x52: {  	[sflag:s11] =	ssyncset.done $0x0  }
0x53: {  	[sflag:s11] =	ssyncadd.s32 $0xFFFFD800  }
0x54: {  	_ =	sfence.sel $0x180000  }
0x55: {  	[bflag:$0x0] =	sbarrier.arrive $0xFFFF  }
0x56: {  	p0 =	sne.s32 s1, $0x0;
	_ =	strace $0x9000004A  }
0x57: {  	s0 =	sadd.s32 @!p0 $0x100000, s0;
	[bflag:$0x2] =	sbarrier.arrive $0xFFFF  }
0x58: {  	[sflag:s0] =	ssyncadd.tile.s32 @!p0 $0x1;
	_ =	shalt  }
.Lfunc_end2:
_tile_overlayer_lowered:
.L_overlay_start_2:
0x59: {  	(tag) =	ssettag $0x2  }
0x5a: {  	s0 =	rddreg [dreg:$0x0];
	s2 =	stileid.u32  }
0x5b: {  	s1 =	rddreg [dreg:$0x1];
	p0 =	sne.s32 s2, $0x0  }
0x5c: {  	s3 =	rddreg [dreg:$0x2];
	[bflag:$0x3] =	sbarrier.arrive $0xFFFF;
	s2 =	simm.s32 @!p0 $0x1C03  }
0x5d: {  	[timem:s3], [sflag:s2] =	dma.local @!p0 [hbm:s0], s1  }
0x5e: {  	s0 =	simm.s32 @!p0 $0x3  }
0x5f: {  	_ =	swait.ge @!p0 [sflag:s0], s1  }
0x60: {  	s1 =	ssub.s32 @!p0 $0x0, s1;
	[sflag:s0] =	ssyncset.done @!p0 $0x0  }
0x61: {  	[sflag:s0] =	ssyncadd.s32 @!p0 s1  }
0x62: {  	[bflag:$0x3] =	sbarrier.arrive $0xFFFF  }
0x63: {  	_ =	shalt  }

// kernel: kernel.21.cloned.1.call-start
scs
__scs_entry_jumppad:
0x0: {  	(pc) =	sbr.rel $0x88, $3  }
0x1: {  	(tag) =	ssettag $0x0;
	lr =	simm.s32 $0x1  }
0x2: {  	[smem:$0x3F99] =	sst lr;
	_ =	strace $0xD0000000  }
0x3: {  	_ = 	snop  }
0x4: {  	_ = 	snop  }
0x5: {  	_ = 	snop  }
0x6: {  	_ = 	snop  }
0x7: {  	_ = 	snop  }
__scs_overlays_trampoline_lowered:
0x8: {  	[smem:$0x3FA8] =	sst s0  }
0x9: {  	[smem:$0x3FA9] =	sst s1  }
0xa: {  	[smem:$0x3FAA] =	sst s2  }
0xb: {  	[smem:$0x3FAB] =	sst s3  }
0xc: {  	[smem:$0x3FAC] =	sst s4  }
0xd: {  	[smem:$0x3FAD] =	sst s5  }
0xe: {  	[smem:$0x3FAE] =	sst s6  }
0xf: {  	[smem:$0x3FAF] =	sst s7  }
0x10: {  	[smem:$0x3FB0] =	sst s8  }
0x11: {  	[smem:$0x3FB1] =	sst s9;
	s0 =	simm.s32 @!p0 $0x0  }
0x12: {  	s1 =	sld [smem:$0x3F97];
	s0 =	simm.s32 @p0 $0x1  }
0x13: {  	[smem:$0x3FB2] =	sst s0;
	s0 =	simm.s32 @!p1 $0x0  }
0x14: {  	s2 =	sld [smem:$0x3F96];
	s0 =	simm.s32 @p1 $0x1  }
0x15: {  	[smem:$0x3FB3] =	sst s0;
	s0 =	simm.s32 @!p2 $0x0  }
0x16: {  	s3 =	sld [smem:$0x3FDB];
	s0 =	simm.s32 @p2 $0x1  }
0x17: {  	s4 =	simm.s32 $0x1BF5;
	[smem:$0x3FB5] =	sst s0  }
0x18: {  	s0 =	sld [smem:$0x3F98];
	_ =	swait.ge [sflag:s4], $0x0  }
0x19: {  	s7 =	sld [smem:$0x3F99]  }
0x1a: {  	s8 =	sadd.s32 $0xFFFFE003, lr  }
0x1b: {  	s9 =	sadd.s32 $0xFFFFFEF7, lr;
	s5 =	simm.s32 $0xFFFFFFFF;
	p2 =	slt.u32 s8, $0xFFFFF086  }
0x1c: {  	p1 =	slt.u32 s9, $0xF7A;
	s5 =	simm.s32 @!p2 $0x0  }
0x1d: {  	s5 =	simm.s32 @p1 $0x1;
	p0 =	seq.s32 s7, s2  }
0x1e: {  	s7 =	smul.u32 @!p0 $0xF7A, s2;
	p2 =	seq.s32 @!p0 s5, $0x0  }
0x1f: {  	s9 =	smul.u32 $0xF7A, s1;
	s8 =	simm.s32 @!p0 $0x1BF5;
	p2 =	por !p2, p0  }
0x20: {  	[sflag:s8] =	ssyncset.s32 @!p0 $0xFFFFF086;
	s6 =	sadd.s32 @!p0 s3, s7;
	s7 =	simm.s32 @!p0 $0x108  }
0x21: {  	s3 =	sadd.s32 s3, s9;
	s6 =	sadd.s32 @!p0 $0x88, s6;
	s7 =	simm.s32 @p2 $0x1082  }
0x22: {  	[simem:s7], [sflag:s8] =	dma.local @!p0 [hbm:s6], $0xF7A  }
0x23: {  	s9 =	sor.u32 $0xD0000000, s2;
	s6 =	simm.s32 $0x108;
	_ =	swait.ge @!p0 [sflag:s8], $0x0  }
0x24: {  	s3 =	sadd.s32 $0x88, s3;
	s6 =	simm.s32 @!p1 $0x1082;
	[sflag:s4] =	ssyncset.s32 $0xFFFFF086  }
0x25: {  	[simem:s6], [sflag:s4] =	dma.local [hbm:s3], $0xF7A  }
0x26: {  	[smem:$0x3F99] =	sst s1;
	(tag) =	ssettag s2;
	_ =	strace s9  }
0x27: {  	s1 =	sld [smem:$0x3FA9]  }
0x28: {  	s2 =	sld [smem:$0x3FAA]  }
0x29: {  	s4 =	sld [smem:$0x3FAC]  }
0x2a: {  	p0 =	seq.s32 s5, $0x0;
	s5 =	sld [smem:$0x3FAD]  }
0x2b: {  	s6 =	sld [smem:$0x3FAE]  }
0x2c: {  	s7 =	sld [smem:$0x3FAF]  }
0x2d: {  	s3 =	simm.s32 $0x108;
	s8 =	sld [smem:$0x3FB0]  }
0x2e: {  	s3 =	simm.s32 @!p0 $0x1082;
	s9 =	sld [smem:$0x3FB1]  }
0x2f: {  	lr =	sadd.s32 s0, s3;
	s0 =	sld [smem:$0x3FA8]  }
0x30: {  	s3 =	sld [smem:$0x3FAB]  }
0x31: {  	[smem:$0x3FB4] =	sst s10  }
0x32: {  	s10 =	sld [smem:$0x3FB2];
	_ =	sdelay $0x3  }
0x33: {  	p0 =	seq.s32 s10, $0x1;
	s10 =	sld [smem:$0x3FB4];
	_ =	sdelay $0x3  }
0x34: {  	[smem:$0x3FB4] =	sst s10  }
0x35: {  	s10 =	sld [smem:$0x3FB3];
	_ =	sdelay $0x3  }
0x36: {  	p1 =	seq.s32 s10, $0x1;
	s10 =	sld [smem:$0x3FB4];
	_ =	sdelay $0x3  }
0x37: {  	[smem:$0x3FB4] =	sst s10  }
0x38: {  	s10 =	sld [smem:$0x3FB5]  }
0x39: {  	_ = 	snop;
	(pc) =	sbr.ind lr, $3  }
0x3a: {  	_ = 	snop  }
0x3b: {  	_ = 	snop  }
0x3c: {  	p2 =	seq.s32 s10, $0x1;
	s10 =	sld [smem:$0x3FB4]  }
0x3d: {  	_ =	shalt  }
0x3e: {  	_ =	shalt  }
0x3f: {  	_ =	shalt  }
0x40: {  	_ =	shalt  }
0x41: {  	_ =	shalt  }
0x42: {  	_ =	shalt  }
0x43: {  	_ =	shalt  }
0x44: {  	_ =	shalt  }
0x45: {  	_ =	shalt  }
0x46: {  	_ =	shalt  }
0x47: {  	_ =	shalt  }
0x48: {  	_ =	shalt  }
0x49: {  	_ =	shalt  }
0x4a: {  	_ =	shalt  }
0x4b: {  	_ =	shalt  }
0x4c: {  	_ =	shalt  }
0x4d: {  	_ =	shalt  }
0x4e: {  	_ =	shalt  }
0x4f: {  	_ =	shalt  }
0x50: {  	_ =	shalt  }
0x51: {  	_ =	shalt  }
0x52: {  	_ =	shalt  }
0x53: {  	_ =	shalt  }
0x54: {  	_ =	shalt  }
0x55: {  	_ =	shalt  }
0x56: {  	_ =	shalt  }
0x57: {  	_ =	shalt  }
0x58: {  	_ =	shalt  }
0x59: {  	_ =	shalt  }
0x5a: {  	_ =	shalt  }
0x5b: {  	_ =	shalt  }
0x5c: {  	_ =	shalt  }
0x5d: {  	_ =	shalt  }
0x5e: {  	_ =	shalt  }
0x5f: {  	_ =	shalt  }
0x60: {  	_ =	shalt  }
0x61: {  	_ =	shalt  }
0x62: {  	_ =	shalt  }
0x63: {  	_ =	shalt  }
0x64: {  	_ =	shalt  }
0x65: {  	_ =	shalt  }
0x66: {  	_ =	shalt  }
0x67: {  	_ =	shalt  }
0x68: {  	_ =	shalt  }
0x69: {  	_ =	shalt  }
0x6a: {  	_ =	shalt  }
0x6b: {  	_ =	shalt  }
0x6c: {  	_ =	shalt  }
0x6d: {  	_ =	shalt  }
0x6e: {  	_ =	shalt  }
0x6f: {  	_ =	shalt  }
0x70: {  	_ =	shalt  }
0x71: {  	_ =	shalt  }
0x72: {  	_ =	shalt  }
0x73: {  	_ =	shalt  }
0x74: {  	_ =	shalt  }
0x75: {  	_ =	shalt  }
0x76: {  	_ =	shalt  }
0x77: {  	_ =	shalt  }
0x78: {  	_ =	shalt  }
0x79: {  	_ =	shalt  }
0x7a: {  	_ =	shalt  }
0x7b: {  	_ =	shalt  }
0x7c: {  	_ =	shalt  }
0x7d: {  	_ =	shalt  }
0x7e: {  	_ =	shalt  }
0x7f: {  	_ =	shalt  }
0x80: {  	_ =	shalt  }
0x81: {  	_ =	shalt  }
0x82: {  	_ =	shalt  }
0x83: {  	_ =	shalt  }
0x84: {  	_ =	shalt  }
0x85: {  	_ =	shalt  }
0x86: {  	_ =	shalt  }
0x87: {  	_ =	shalt  }
.Lfunc_end0:
.L_simem_size_0:
called_computation.2_lowered:
.L_overlay_start_0:
0x88: {  	s2 =	sld [smem:$0x3FD9]  }
0x89: {  	s3 =	sld [smem:$0x3FFE];
	_ =	sdelay $0x1  }
0x8a: {  	s1 =	srdreg.scid  }
0x8b: {  	s0 =	sand.u32 $0x1, s1  }
0x8c: {  	s17 =	sshll.u32 s0, $0xA;
	s2 =	sadd.s32 s3, s2  }
0x8d: {  	s2 =	sadd.s32 s2, s17  }
0x8e: {  	[smem:$0x3FC0] =	sst s2  }
0x8f: {  	_ = 	snop  }
0x90: {  	s2 =	sld [smem:$0x3FD0];
	(tm) =	ssettm $0x1  }
0x91: {  	s18 =	sld [smem:$0x3FFB];
	_ =	sdelay $0x3  }
0x92: {  	_ =	strace s18  }
0x93: {  	s3 =	sld [smem:$0x3FFC];
	_ =	sdelay $0x3  }
0x94: {  	_ =	strace s3  }
0x95: {  	s3 =	sld [smem:$0x3FFD];
	_ =	sdelay $0x3  }
0x96: {  	_ =	strace s3  }
0x97: {  	_ =	strace $0x8FFFFFFF  }
0x98: {  	s19 =	sld [smem:$0x3FDB];
	_ =	sdelay $0x1  }
0x99: {  	s4 =	simm.s32 $_scs_section_size  }
0x9a: {  	s5 =	simm.s32 $_size__tile_overlayer_lowered;
	s6 =	simm.s32 $_tile_overlayer_lowered  }
0x9b: {  	s22 =	simm.s32 $0x1BFF;
	s21 =	sshll.u32 s6, $0x1;
	s3 =	sadd.s32 s4, s19  }
0x9c: {  	s7 =	simm.s32 $0x0;
	s20 =	sshll.u32 s5, $0x1;
	s5 =	sadd.s32 s21, s3  }
0x9d: {  	[timem:s7], [sflag:s22] =	dma.local [hbm:s5], s20  }
0x9e: {  	_ =	swait.ge [sflag:s22], s20  }
0x9f: {  	s4 =	ssub.s32 $0x0, s20;
	[sflag:s22] =	ssyncset.done $0x0  }
0xa0: {  	[sflag:s22] =	ssyncadd.s32 s4;
	_ =	sdelay $0x1  }
0xa1: {  	s23 =	simm.s32 $0x1B8B  }
0xa2: {  	_ =	swait.ge [sflag:s23], $0x1  }
0xa3: {  	[sflag:s23] =	ssyncset.done $0x0  }
0xa4: {  	s25 =	simm.s32 $0x1B8E;
	s24 =	sld [smem:$0x3FFE];
	[sflag:s23] =	ssyncadd.s32 $0xFFFFFFFF  }
0xa5: {  	s26 =	simm.s32 $execute0_lowered;
	[smem:$0x3FD2] =	sst s25  }
0xa6: {  	s5 =	sshll.u32 s26, $0x1;
	_ =	strace $0x8000004C;
	[dreg:$0x1] =	wrdreg $0xFFFFFFFF  }
0xa7: {  	s28 =	simm.s32 $_size_execute0_lowered;
	s3 =	sadd.s32 s3, s5;
	[dreg:$0x0] =	wrdreg $0x0  }
0xa8: {  	s5 =	sshll.u32 s28, $0x1;
	[dreg:$0x2] =	wrdreg s3  }
0xa9: {  	[dreg:$0x3] =	wrdreg s5  }
0xaa: {  	[dreg:$0x4] =	wrdreg $0xC0  }
0xab: {  	_ =	task [dreg:s7], $0x5FFFF  }
0xac: {  	[dreg:$0x1] =	wrdreg $0xFFFFFFFF  }
0xad: {  	[dreg:$0x0] =	wrdreg $0x60  }
0xae: {  	[dreg:$0x2] =	wrdreg s2  }
0xaf: {  	[dreg:$0x3] =	wrdreg s24  }
0xb0: {  	[dreg:$0x4] =	wrdreg $0x9  }
0xb1: {  	_ =	task.clear_ibuf [dreg:s7], $0x5FFFF;
	_ =	strace $0x9000004C  }
0xb2: {  	s29 =	simm.s32 $0x9;
	_ =	strace $0x8000004E  }
0xb3: {  	_ =	swait.ge [sflag:s29], $0x1  }
0xb4: {  	[sflag:s29] =	ssyncadd.s32 $0xFFFFFFFF  }
0xb5: {  	_ =	strace $0x9000004E  }
0xb6: {  	_ =	sfence  }
0xb7: {  	s30 =	sld [smem:$0x0];
	_ =	sdelay $0x2  }
0xb8: {  	s31 =	sshll.u32 s1, $0xD;
	s1 =	sshrl.u32 s1, $0x2  }
0xb9: {  	s3 =	sand.u32 $0x4000, s31;
	s1 =	sadd.s32 s1, s30  }
0xba: {  	s0 =	sor.u32 s3, s0;
	s1 =	sshll.u32 s1, $0x11  }
0xbb: {  	s0 =	sor.u32 s1, s0  }
0xbc: {  	s0 =	sadd.s32 $0x8F2B, s0  }
0xbd: {  	[sflag:s0] =	ssyncadd.remote.s32 $0x1  }
0xbe: {  	_ =	sfence.sel $0xFFFF  }
0xbf: {  	[dreg:$0x0] =	wrdreg $0xFFFFFFFF;
	(pc) =	sbr.abs _section_cstart, $3  }
0xc0: {  	[dreg:$0x1] =	wrdreg $0xFFFFFFFF  }
0xc1: {  	_ =	task.clear_ibuf [dreg:s7], $0x2FFFF;
	_ =	strace $0x9FFFFFFF  }
0xc2: {  	(tm) =	ssettm $0x7FFFFFFF  }
0xc3: {  	_ =	shalt  }
tec
execute0_lowered:
.L_overlay_start_1:
0x0: {  	(tag) =	ssettag $0x1  }
0x1: {  	v0 =	vimm.s32 $0x183;
	vm0 =	vcmask $0x300  }
0x2: {  	v0 =	vsel vm0, $0x0, v0;
	vm0 =	vcmask $0x704  }
0x3: {  	s0 =	rddreg [dreg:$0x0];
	v0 =	vsel vm0, $0x80, v0;
	vm0 =	vcmask $0xB08  }
0x4: {  	s6 =	rddreg [dreg:$0x1];
	v0 =	vsel vm0, $0x100, v0;
	vm0 =	vcmask $0xF0C  }
0x5: {  	s1 =	srdreg.scid;
	s2 =	rddreg [dreg:$0x2];
	s3 =	simm.s32 $0x0;
	v0 =	vsel vm0, $0x180, v0;
	vm0 =	vcmask $0x1310  }
0x6: {  	s15 =	simm.s32 $0x5;
	s16 =	simm.s32 $0x100;
	s4 =	sand.u32 $0x1, s1;
	v0 =	vsel vm0, $0x1, v0;
	vm0 =	vcmask $0x1714  }
0x7: {  	vm6 =	vmxor vm6, vm6;
	vm2 =	vcmask $0x1B18;
	s17 =	simm.s32 $0x80;
	s1 =	stileid.u32;
	s5 =	sshll.u32 s4, $0x4;
	v0 =	vsel vm0, $0x81, v0  }
0x8: {  	vm1 =	vmmov $0xf;
	s18 =	simm.s32 $0x300;
	s19 =	simm.s32 $0x1;
	s13 =	sor.u32 s1, s5;
	v0 =	vsel vm2, $0x101, v0;
	vm2 =	vcmask $0x1F1C  }
0x9: {  	vm3 =	vcmask $0x2320;
	vm4 =	vcmask $0x2724;
	s20 =	simm.s32 $0x3;
	s21 =	simm.s32 $0x2;
	p0 =	slt.u32 s13, $0x2;
	v0 =	vsel vm2, $0x181, v0  }
0xa: {  	vm5 =	vcmask $0x2B28;
	s22 =	simm.s32 $0x4;
	s23 =	simm.s32 $0x0;
	[smem:$0x7FF] =	sst s3;
	vm6 =	vmneg @p0 vm6;
	v0 =	vsel vm3, $0x2, v0  }
0xb: {  	s29 =	simm.s32 $0x0;
	_ =	strace $0x8000004D;
	s7 =	ssub.s32 $0x2, s4;
	vm0 =	vmand vm6, vm1;
	vm1 =	vcmask $0x1F10;
	v0 =	vsel vm4, $0x82, v0  }
0xc: {  	s4 =	sadd.s32 $0x782200, s6;
	s9 =	sshrl.u32 s7, $0x1;
	s5 =	sadd.s32 $0x3600, s6;
	vm3 =	vcmask $0x2F20;
	v0 =	vsel vm5, $0x102, v0;
	vm5 =	vcmask $0x3F30  }
0xd: {  	s8 =	sshll.u32 s13, $0xD;
	s12 =	ssub.s32 s7, s9;
	s30 =	sshll.u32 s13, $0x4;
	vm2 =	vmand vm6, vm1;
	vm4 =	vmand vm6, vm3;
	vm6 =	vmand vm6, vm5  }
0xe: {  	vm7 =	vcmask $0x2F2C;
	s31 =	sshll.u32 s13, $0x6;
	s9 =	sor.u32 $0x4E0, s13;
	s11 =	sadd.s32 s8, s6  }
0xf: {  	s6 =	sadd.s32 s4, s30;
	s7 =	sadd.s32 s0, s31;
	s9 =	simm.s32 @!p0 $0x0;
	v0 =	vsel vm7, $0x182, v0;
	vm7 =	vcmask $0x3330  }
0x10: {  	s8 =	sor.u32 $0x40, s13;
	s12 =	smax.u32 s12, $0x1;
	s13 =	sor.u32 $0x20, s13;
	v0 =	vsel vm7, $0x3, v0;
	vm7 =	vcmask $0x3734  }
0x11: {  	v2 =	vlaneseq.u32;
	s10 =	sshll.u32 s9, $0x4;
	s14 =	sshll.u32 s9, $0x6;
	s11 =	sadd.s32 $0x787200, s11;
	v1 =	vsel vm7, $0x83, v0;
	vm7 =	vcmask $0x3B38  }
0x12: {  	s9 =	sadd.s32 s4, s10;
	s10 =	sadd.s32 s0, s14;
	s14 =	simm.s32 $0x500;
	v0 =	vshrl.u32 v2, $0x2;
	v2 =	vand.u32 $0x3, v2;
	v1 =	vsel vm7, $0x103, v1  }
.LBB2_1:
0x13: {  	[tilespmem:s14], [sflag:$0x5] =	stream.linear.gather [hbm4b:s5+s3], $0x10000, $0x38;
	[tilespmem:$0x10500] =	vst v63  }
0x14: {  	_ =	swait.ge [sflag:s15], $0x10000  }
0x15: {  	[sflag:s15] =	ssyncset.done $0x0  }
0x16: {  	[sflag:s15] =	ssyncadd.s32 $0xFFFF0000  }
0x17: {  	[tilespmem:s3], [sflag:$0x1] =	stream.linear.gather [hbm4b:s6+s3], $0x80, $0x38;
	[tilespmem:$0x10500] =	vst v63  }
0x18: {  	s24 =	simm.s32 $0x0  }
0x19: {  	[tilespmem:s16], [sflag:$0x3] =	stream.linear.gather [hbm4b:s7+s3], $0x200, $0x38;
	[tilespmem:$0x10500] =	vst v63  }
.LBB2_2:
0x1a: {  	s25 =	sshll.u32 s24, $0x6  }
0x1b: {  	s26 =	sor.u32 s13, s25  }
0x1c: {  	s28 =	sshll.u32 s26, $0x4;
	s26 =	sshll.u32 s26, $0x6  }
0x1d: {  	s28 =	sadd.s32 s4, s28;
	s26 =	sand.u32 $0x1FFFFFC0, s26  }
0x1e: {  	[tilespmem:s17], [sflag:$0x2] =	stream.linear.gather [hbm4b:s28+s29], $0x80, $0x38;
	[tilespmem:$0x10500] =	vst v63  }
0x1f: {  	s26 =	sadd.s32 s0, s26  }
0x20: {  	[tilespmem:s18], [sflag:$0x4] =	stream.linear.gather [hbm4b:s26+s29], $0x200, $0x38;
	[tilespmem:$0x10500] =	vst v63  }
0x21: {  	_ =	swait.ge [sflag:s19], $0x80  }
0x22: {  	v3 =	vor.u32 s29, v0;
	[sflag:s19] =	ssyncset.done $0x0  }
0x23: {  	[sflag:s19] =	ssyncadd.s32 $0xFFFFFF80  }
0x24: {  	_ =	swait.ge [sflag:s20], $0x200  }
0x25: {  	[sflag:s20] =	ssyncset.done $0x0  }
0x26: {  	[sflag:s20] =	ssyncadd.s32 $0xFFFFFE00  }
0x27: {  	v3 =	vld.idx.msk [tilespmem:v3+s3+$0x0], $0xffff  }
0x28: {  	v4 =	vor.u32 s29, v1;
	_ =	sdelay $0x3  }
0x29: {  	v5 =	vshll.u32 v3, $0x2  }
0x2a: {  	v3 =	vld.idx.msk [tilespmem:v4+s16+$0x0], $0xffff;
	v4 =	vor.u32 v2, v5;
	_ =	sdelay $0x2  }
0x2b: {  	s31 =	simm.s32 $0x4  }
0x2c: {  	v6 =	vor.u32 s31, v0  }
0x2d: {  	v5 =	vor.u32 s31, v1;
	[tilespmem:v4+s14+$0x0] =	vst.idx.add.f32.msk $0xf, v3  }
0x2e: {  	[tilespmem:v4+s14+$0x0] =	vst.idx.add.f32.msk vm1, v3  }
0x2f: {  	s26 =	simm.s32 $0x8;
	[tilespmem:v4+s14+$0x0] =	vst.idx.add.f32.msk vm3, v3  }
.LBB2_3:
0x30: {  	p0 =	sne.s32 s26, $0x7C;
	[tilespmem:v4+s14+$0x0] =	vst.idx.add.f32.msk vm5, v3  }
0x31: {  	v4 =	vld.idx.msk [tilespmem:v6+s3+$0x0], $0xffff  }
0x32: {  	v3 =	vld.idx.msk [tilespmem:v5+s16+$0x0], $0xffff;
	_ =	sdelay $0x4  }
0x33: {  	v4 =	vshll.u32 v4, $0x2  }
0x34: {  	v4 =	vor.u32 v2, v4;
	_ =	sdelay $0x2  }
.Ltmp0:
0x35: {  	(pc) =	sbr.rel @p0 .LBB2_3-.Ltmp0, $4  }
0x36: {  	v6 =	vor.u32 s26, v0  }
0x37: {  	v5 =	vor.u32 s26, v1;
	[tilespmem:v4+s14+$0x0] =	vst.idx.add.f32.msk $0xf, v3  }
0x38: {  	[tilespmem:v4+s14+$0x0] =	vst.idx.add.f32.msk vm1, v3  }
0x39: {  	s26 =	sadd.s32 $0x4, s26;
	[tilespmem:v4+s14+$0x0] =	vst.idx.add.f32.msk vm3, v3  }
0x3a: {  	_ =	sdelay $0x4  }
0x3b: {  	[tilespmem:v4+s14+$0x0] =	vst.idx.add.f32.msk vm5, v3  }
0x3c: {  	v3 =	vld.idx.msk [tilespmem:v6+s3+$0x0], $0xffff;
	_ =	sdelay $0x4  }
0x3d: {  	v3 =	vshll.u32 v3, $0x2  }
0x3e: {  	v4 =	vld.idx.msk [tilespmem:v5+s16+$0x0], $0xffff;
	v3 =	vor.u32 v2, v3;
	_ =	sdelay $0x4  }
0x3f: {  	[tilespmem:v3+s14+$0x0] =	vst.idx.add.f32.msk $0xf, v4  }
0x40: {  	s25 =	sadd.s32 s8, s25;
	[tilespmem:v3+s14+$0x0] =	vst.idx.add.f32.msk vm1, v4  }
0x41: {  	s26 =	sshll.u32 s25, $0x4;
	s25 =	sshll.u32 s25, $0x6;
	[tilespmem:v3+s14+$0x0] =	vst.idx.add.f32.msk vm3, v4  }
0x42: {  	s28 =	simm.s32 $0x0;
	s26 =	sadd.s32 s4, s26;
	s25 =	sand.u32 $0x1FFFFFC0, s25;
	[tilespmem:v3+s14+$0x0] =	vst.idx.add.f32.msk vm5, v4  }
0x43: {  	[tilespmem:s28], [sflag:$0x1] =	stream.linear.gather [hbm4b:s26+s28], $0x80, $0x38;
	[tilespmem:$0x10500] =	vst v63  }
0x44: {  	s25 =	sadd.s32 s0, s25  }
0x45: {  	[tilespmem:s16], [sflag:$0x3] =	stream.linear.gather [hbm4b:s25+s28], $0x200, $0x38;
	[tilespmem:$0x10500] =	vst v63  }
0x46: {  	_ =	swait.ge [sflag:s21], $0x80  }
0x47: {  	v3 =	vor.u32 s28, v0;
	[sflag:s21] =	ssyncset.done $0x0  }
0x48: {  	[sflag:s21] =	ssyncadd.s32 $0xFFFFFF80  }
0x49: {  	_ =	swait.ge [sflag:s22], $0x200  }
0x4a: {  	[sflag:s22] =	ssyncset.done $0x0  }
0x4b: {  	[sflag:s22] =	ssyncadd.s32 $0xFFFFFE00  }
0x4c: {  	v3 =	vld.idx.msk [tilespmem:v3+s17+$0x0], $0xffff  }
0x4d: {  	v4 =	vor.u32 s28, v1;
	_ =	sdelay $0x3  }
0x4e: {  	v5 =	vshll.u32 v3, $0x2  }
0x4f: {  	v3 =	vld.idx.msk [tilespmem:v4+s18+$0x0], $0xffff;
	v4 =	vor.u32 v2, v5;
	_ =	sdelay $0x2  }
0x50: {  	s31 =	simm.s32 $0x4  }
0x51: {  	v6 =	vor.u32 s31, v0  }
0x52: {  	v5 =	vor.u32 s31, v1;
	[tilespmem:v4+s14+$0x0] =	vst.idx.add.f32.msk $0xf, v3  }
0x53: {  	[tilespmem:v4+s14+$0x0] =	vst.idx.add.f32.msk vm1, v3  }
0x54: {  	s25 =	simm.s32 $0x8;
	[tilespmem:v4+s14+$0x0] =	vst.idx.add.f32.msk vm3, v3  }
.LBB2_5:
0x55: {  	p0 =	sne.s32 s25, $0x7C;
	[tilespmem:v4+s14+$0x0] =	vst.idx.add.f32.msk vm5, v3  }
0x56: {  	v4 =	vld.idx.msk [tilespmem:v6+s17+$0x0], $0xffff  }
0x57: {  	v3 =	vld.idx.msk [tilespmem:v5+s18+$0x0], $0xffff;
	_ =	sdelay $0x4  }
0x58: {  	v4 =	vshll.u32 v4, $0x2  }
0x59: {  	v4 =	vor.u32 v2, v4;
	_ =	sdelay $0x2  }
.Ltmp1:
0x5a: {  	(pc) =	sbr.rel @p0 .LBB2_5-.Ltmp1, $4  }
0x5b: {  	v6 =	vor.u32 s25, v0  }
0x5c: {  	v5 =	vor.u32 s25, v1;
	[tilespmem:v4+s14+$0x0] =	vst.idx.add.f32.msk $0xf, v3  }
0x5d: {  	[tilespmem:v4+s14+$0x0] =	vst.idx.add.f32.msk vm1, v3  }
0x5e: {  	s25 =	sadd.s32 $0x4, s25;
	[tilespmem:v4+s14+$0x0] =	vst.idx.add.f32.msk vm3, v3  }
0x5f: {  	_ =	sdelay $0x4  }
0x60: {  	[tilespmem:v4+s14+$0x0] =	vst.idx.add.f32.msk vm5, v3  }
0x61: {  	v3 =	vld.idx.msk [tilespmem:v6+s17+$0x0], $0xffff;
	_ =	sdelay $0x4  }
0x62: {  	v3 =	vshll.u32 v3, $0x2  }
0x63: {  	v4 =	vld.idx.msk [tilespmem:v5+s18+$0x0], $0xffff;
	v3 =	vor.u32 v2, v3;
	_ =	sdelay $0x1  }
0x64: {  	s24 =	sadd.s32 $0x1, s24  }
0x65: {  	p0 =	sne.s32 s24, $0x13  }
.Ltmp2:
0x66: {  	_ = 	snop;
	(pc) =	sbr.rel @p0 .LBB2_2-.Ltmp2, $4  }
0x67: {  	[tilespmem:v3+s14+$0x0] =	vst.idx.add.f32.msk $0xf, v4  }
0x68: {  	[tilespmem:v3+s14+$0x0] =	vst.idx.add.f32.msk vm1, v4  }
0x69: {  	[tilespmem:v3+s14+$0x0] =	vst.idx.add.f32.msk vm3, v4  }
0x6a: {  	[tilespmem:v3+s14+$0x0] =	vst.idx.add.f32.msk vm5, v4  }
0x6b: {  	s24 =	simm.s32 $0x0  }
0x6c: {  	[tilespmem:s17], [sflag:$0x2] =	stream.linear.gather [hbm4b:s9+s24], $0x80, $0x38;
	[tilespmem:$0x10500] =	vst v63  }
0x6d: {  	_ = 	snop  }
0x6e: {  	[tilespmem:s18], [sflag:$0x4] =	stream.linear.gather [hbm4b:s10+s24], $0x200, $0x38;
	[tilespmem:$0x10500] =	vst v63  }
0x6f: {  	_ =	swait.ge [sflag:s19], $0x80  }
0x70: {  	v3 =	vor.u32 s24, v0;
	[sflag:s19] =	ssyncset.done $0x0  }
0x71: {  	[sflag:s19] =	ssyncadd.s32 $0xFFFFFF80  }
0x72: {  	_ =	swait.ge [sflag:s20], $0x200  }
0x73: {  	[sflag:s20] =	ssyncset.done $0x0  }
0x74: {  	[sflag:s20] =	ssyncadd.s32 $0xFFFFFE00  }
0x75: {  	v3 =	vld.idx.msk [tilespmem:v3+s3+$0x0], $0xffff  }
0x76: {  	v4 =	vor.u32 s24, v1;
	_ =	sdelay $0x3  }
0x77: {  	v5 =	vshll.u32 v3, $0x2  }
0x78: {  	v3 =	vld.idx.msk [tilespmem:v4+s16+$0x0], $0xffff;
	v4 =	vor.u32 v2, v5;
	_ =	sdelay $0x2  }
0x79: {  	s31 =	simm.s32 $0x4  }
0x7a: {  	v6 =	vor.u32 s31, v0  }
0x7b: {  	v5 =	vor.u32 s31, v1;
	[tilespmem:v4+s14+$0x0] =	vst.idx.add.f32.msk $0xf, v3  }
0x7c: {  	[tilespmem:v4+s14+$0x0] =	vst.idx.add.f32.msk vm1, v3  }
0x7d: {  	s24 =	simm.s32 $0x8;
	[tilespmem:v4+s14+$0x0] =	vst.idx.add.f32.msk vm3, v3  }
.LBB2_8:
0x7e: {  	p0 =	sne.s32 s24, $0x7C;
	[tilespmem:v4+s14+$0x0] =	vst.idx.add.f32.msk vm5, v3  }
0x7f: {  	v4 =	vld.idx.msk [tilespmem:v6+s3+$0x0], $0xffff  }
0x80: {  	v3 =	vld.idx.msk [tilespmem:v5+s16+$0x0], $0xffff;
	_ =	sdelay $0x4  }
0x81: {  	v4 =	vshll.u32 v4, $0x2  }
0x82: {  	v4 =	vor.u32 v2, v4;
	_ =	sdelay $0x2  }
.Ltmp3:
0x83: {  	(pc) =	sbr.rel @p0 .LBB2_8-.Ltmp3, $4  }
0x84: {  	v6 =	vor.u32 s24, v0  }
0x85: {  	v5 =	vor.u32 s24, v1;
	[tilespmem:v4+s14+$0x0] =	vst.idx.add.f32.msk $0xf, v3  }
0x86: {  	[tilespmem:v4+s14+$0x0] =	vst.idx.add.f32.msk vm1, v3  }
0x87: {  	s24 =	sadd.s32 $0x4, s24;
	[tilespmem:v4+s14+$0x0] =	vst.idx.add.f32.msk vm3, v3  }
0x88: {  	_ =	sdelay $0x4  }
0x89: {  	[tilespmem:v4+s14+$0x0] =	vst.idx.add.f32.msk vm5, v3  }
0x8a: {  	v3 =	vld.idx.msk [tilespmem:v6+s3+$0x0], $0xffff;
	_ =	sdelay $0x4  }
0x8b: {  	v3 =	vshll.u32 v3, $0x2  }
0x8c: {  	v4 =	vld.idx.msk [tilespmem:v5+s16+$0x0], $0xffff;
	v3 =	vor.u32 v2, v3;
	_ =	sdelay $0x4  }
0x8d: {  	[tilespmem:v3+s14+$0x0] =	vst.idx.add.f32.msk $0xf, v4  }
0x8e: {  	[tilespmem:v3+s14+$0x0] =	vst.idx.add.f32.msk vm1, v4  }
0x8f: {  	[tilespmem:v3+s14+$0x0] =	vst.idx.add.f32.msk vm3, v4  }
0x90: {  	[tilespmem:v3+s14+$0x0] =	vst.idx.add.f32.msk vm5, v4  }
0x91: {  	s24 =	simm.s32 $0x0;
	_ =	swait.ge [sflag:s21], $0x80  }
0x92: {  	v3 =	vor.u32 s24, v0;
	[sflag:s21] =	ssyncset.done $0x0  }
0x93: {  	[sflag:s21] =	ssyncadd.s32 $0xFFFFFF80  }
0x94: {  	_ =	swait.ge [sflag:s22], $0x200  }
0x95: {  	[sflag:s22] =	ssyncset.done $0x0  }
0x96: {  	[sflag:s22] =	ssyncadd.s32 $0xFFFFFE00  }
0x97: {  	v3 =	vld.idx.msk [tilespmem:v3+s17+$0x0], $0xffff  }
0x98: {  	v4 =	vor.u32 s24, v1;
	_ =	sdelay $0x3  }
0x99: {  	v5 =	vshll.u32 v3, $0x2  }
0x9a: {  	v3 =	vld.idx.msk [tilespmem:v4+s18+$0x0], $0xffff;
	v4 =	vor.u32 v2, v5;
	_ =	sdelay $0x2  }
0x9b: {  	s31 =	simm.s32 $0x4  }
0x9c: {  	v6 =	vor.u32 s31, v0  }
0x9d: {  	v5 =	vor.u32 s31, v1;
	[tilespmem:v4+s14+$0x0] =	vst.idx.add.f32.msk vm0, v3  }
0x9e: {  	[tilespmem:v4+s14+$0x0] =	vst.idx.add.f32.msk vm2, v3  }
0x9f: {  	s24 =	simm.s32 $0x8;
	[tilespmem:v4+s14+$0x0] =	vst.idx.add.f32.msk vm4, v3  }
.LBB2_10:
0xa0: {  	p0 =	sne.s32 s24, $0x7C;
	[tilespmem:v4+s14+$0x0] =	vst.idx.add.f32.msk vm6, v3  }
0xa1: {  	v4 =	vld.idx.msk [tilespmem:v6+s17+$0x0], $0xffff  }
0xa2: {  	v3 =	vld.idx.msk [tilespmem:v5+s18+$0x0], $0xffff;
	_ =	sdelay $0x4  }
0xa3: {  	v4 =	vshll.u32 v4, $0x2  }
0xa4: {  	v4 =	vor.u32 v2, v4;
	_ =	sdelay $0x2  }
.Ltmp4:
0xa5: {  	(pc) =	sbr.rel @p0 .LBB2_10-.Ltmp4, $4  }
0xa6: {  	v6 =	vor.u32 s24, v0  }
0xa7: {  	v5 =	vor.u32 s24, v1;
	[tilespmem:v4+s14+$0x0] =	vst.idx.add.f32.msk vm0, v3  }
0xa8: {  	[tilespmem:v4+s14+$0x0] =	vst.idx.add.f32.msk vm2, v3  }
0xa9: {  	s24 =	sadd.s32 $0x4, s24;
	[tilespmem:v4+s14+$0x0] =	vst.idx.add.f32.msk vm4, v3  }
0xaa: {  	_ =	sdelay $0x4  }
0xab: {  	[tilespmem:v4+s14+$0x0] =	vst.idx.add.f32.msk vm6, v3  }
0xac: {  	v3 =	vld.idx.msk [tilespmem:v6+s17+$0x0], $0xffff;
	_ =	sdelay $0x4  }
0xad: {  	v3 =	vshll.u32 v3, $0x2  }
0xae: {  	v4 =	vld.idx.msk [tilespmem:v5+s18+$0x0], $0xffff;
	v3 =	vor.u32 v2, v3;
	_ =	sdelay $0x4  }
0xaf: {  	[tilespmem:v3+s14+$0x0] =	vst.idx.add.f32.msk vm0, v4  }
0xb0: {  	s23 =	sadd.s32 $0x1, s23;
	[tilespmem:v3+s14+$0x0] =	vst.idx.add.f32.msk vm2, v4  }
0xb1: {  	p0 =	sne.s32 s23, s12;
	[tilespmem:v3+s14+$0x0] =	vst.idx.add.f32.msk vm4, v4  }
.Ltmp5:
0xb2: {  	[tilespmem:v3+s14+$0x0] =	vst.idx.add.f32.msk vm6, v4;
	(pc) =	sbr.rel @p0 .LBB2_1-.Ltmp5, $4  }
0xb3: {  	[hbm4b:s11+s3] =	stream.linear.scatter [tilespmem:s14], [sflag:$0x5], $0x10000, $0x38;
	[tilespmem:$0x10500] =	vst v63  }
0xb4: {  	_ =	swait.ge [sflag:s15], $0x10000  }
0xb5: {  	[sflag:s15] =	ssyncset.done $0x0  }
0xb6: {  	[sflag:s15] =	ssyncadd.s32 $0xFFFF0000  }
0xb7: {  	_ =	sfence.sel $0x180000  }
0xb8: {  	[bflag:$0x0] =	sbarrier.arrive $0xFFFF  }
0xb9: {  	p0 =	sne.s32 s1, $0x0;
	_ =	strace $0x9000004D  }
0xba: {  	s0 =	sadd.s32 @!p0 $0x100000, s2;
	[bflag:$0x2] =	sbarrier.arrive $0xFFFF  }
0xbb: {  	[sflag:s0] =	ssyncadd.tile.s32 @!p0 $0x1;
	_ =	shalt  }
.Lfunc_end2:
_tile_overlayer_lowered:
.L_overlay_start_2:
0xbc: {  	(tag) =	ssettag $0x2  }
0xbd: {  	s0 =	rddreg [dreg:$0x0];
	s2 =	stileid.u32  }
0xbe: {  	s1 =	rddreg [dreg:$0x1];
	p0 =	sne.s32 s2, $0x0  }
0xbf: {  	s3 =	rddreg [dreg:$0x2];
	[bflag:$0x3] =	sbarrier.arrive $0xFFFF;
	s2 =	simm.s32 @!p0 $0x1C05  }
0xc0: {  	[timem:s3], [sflag:s2] =	dma.local @!p0 [hbm:s0], s1  }
0xc1: {  	s0 =	simm.s32 @!p0 $0x5  }
0xc2: {  	_ =	swait.ge @!p0 [sflag:s0], s1  }
0xc3: {  	s1 =	ssub.s32 @!p0 $0x0, s1;
	[sflag:s0] =	ssyncset.done @!p0 $0x0  }
0xc4: {  	[sflag:s0] =	ssyncadd.s32 @!p0 s1  }
0xc5: {  	[bflag:$0x3] =	sbarrier.arrive $0xFFFF  }
0xc6: {  	_ =	shalt  }

// kernel: kernel.24.cloned.1.call-start
scs
__scs_entry_jumppad:
0x0: {  	(pc) =	sbr.rel $0x88, $3  }
0x1: {  	(tag) =	ssettag $0x0;
	lr =	simm.s32 $0x1  }
0x2: {  	[smem:$0x3F99] =	sst lr;
	_ =	strace $0xD0000000  }
0x3: {  	_ = 	snop  }
0x4: {  	_ = 	snop  }
0x5: {  	_ = 	snop  }
0x6: {  	_ = 	snop  }
0x7: {  	_ = 	snop  }
__scs_overlays_trampoline_lowered:
0x8: {  	[smem:$0x3FA8] =	sst s0  }
0x9: {  	[smem:$0x3FA9] =	sst s1  }
0xa: {  	[smem:$0x3FAA] =	sst s2  }
0xb: {  	[smem:$0x3FAB] =	sst s3  }
0xc: {  	[smem:$0x3FAC] =	sst s4  }
0xd: {  	[smem:$0x3FAD] =	sst s5  }
0xe: {  	[smem:$0x3FAE] =	sst s6  }
0xf: {  	[smem:$0x3FAF] =	sst s7  }
0x10: {  	[smem:$0x3FB0] =	sst s8  }
0x11: {  	[smem:$0x3FB1] =	sst s9;
	s0 =	simm.s32 @!p0 $0x0  }
0x12: {  	s1 =	sld [smem:$0x3F97];
	s0 =	simm.s32 @p0 $0x1  }
0x13: {  	[smem:$0x3FB2] =	sst s0;
	s0 =	simm.s32 @!p1 $0x0  }
0x14: {  	s2 =	sld [smem:$0x3F96];
	s0 =	simm.s32 @p1 $0x1  }
0x15: {  	[smem:$0x3FB3] =	sst s0;
	s0 =	simm.s32 @!p2 $0x0  }
0x16: {  	s3 =	sld [smem:$0x3FDB];
	s0 =	simm.s32 @p2 $0x1  }
0x17: {  	s4 =	simm.s32 $0x1BF5;
	[smem:$0x3FB5] =	sst s0  }
0x18: {  	s0 =	sld [smem:$0x3F98];
	_ =	swait.ge [sflag:s4], $0x0  }
0x19: {  	s7 =	sld [smem:$0x3F99]  }
0x1a: {  	s8 =	sadd.s32 $0xFFFFE003, lr  }
0x1b: {  	s9 =	sadd.s32 $0xFFFFFEF7, lr;
	s5 =	simm.s32 $0xFFFFFFFF;
	p2 =	slt.u32 s8, $0xFFFFF086  }
0x1c: {  	p1 =	slt.u32 s9, $0xF7A;
	s5 =	simm.s32 @!p2 $0x0  }
0x1d: {  	s5 =	simm.s32 @p1 $0x1;
	p0 =	seq.s32 s7, s2  }
0x1e: {  	s7 =	smul.u32 @!p0 $0xF7A, s2;
	p2 =	seq.s32 @!p0 s5, $0x0  }
0x1f: {  	s9 =	smul.u32 $0xF7A, s1;
	s8 =	simm.s32 @!p0 $0x1BF5;
	p2 =	por !p2, p0  }
0x20: {  	[sflag:s8] =	ssyncset.s32 @!p0 $0xFFFFF086;
	s6 =	sadd.s32 @!p0 s3, s7;
	s7 =	simm.s32 @!p0 $0x108  }
0x21: {  	s3 =	sadd.s32 s3, s9;
	s6 =	sadd.s32 @!p0 $0x88, s6;
	s7 =	simm.s32 @p2 $0x1082  }
0x22: {  	[simem:s7], [sflag:s8] =	dma.local @!p0 [hbm:s6], $0xF7A  }
0x23: {  	s9 =	sor.u32 $0xD0000000, s2;
	s6 =	simm.s32 $0x108;
	_ =	swait.ge @!p0 [sflag:s8], $0x0  }
0x24: {  	s3 =	sadd.s32 $0x88, s3;
	s6 =	simm.s32 @!p1 $0x1082;
	[sflag:s4] =	ssyncset.s32 $0xFFFFF086  }
0x25: {  	[simem:s6], [sflag:s4] =	dma.local [hbm:s3], $0xF7A  }
0x26: {  	[smem:$0x3F99] =	sst s1;
	(tag) =	ssettag s2;
	_ =	strace s9  }
0x27: {  	s1 =	sld [smem:$0x3FA9]  }
0x28: {  	s2 =	sld [smem:$0x3FAA]  }
0x29: {  	s4 =	sld [smem:$0x3FAC]  }
0x2a: {  	p0 =	seq.s32 s5, $0x0;
	s5 =	sld [smem:$0x3FAD]  }
0x2b: {  	s6 =	sld [smem:$0x3FAE]  }
0x2c: {  	s7 =	sld [smem:$0x3FAF]  }
0x2d: {  	s3 =	simm.s32 $0x108;
	s8 =	sld [smem:$0x3FB0]  }
0x2e: {  	s3 =	simm.s32 @!p0 $0x1082;
	s9 =	sld [smem:$0x3FB1]  }
0x2f: {  	lr =	sadd.s32 s0, s3;
	s0 =	sld [smem:$0x3FA8]  }
0x30: {  	s3 =	sld [smem:$0x3FAB]  }
0x31: {  	[smem:$0x3FB4] =	sst s10  }
0x32: {  	s10 =	sld [smem:$0x3FB2];
	_ =	sdelay $0x3  }
0x33: {  	p0 =	seq.s32 s10, $0x1;
	s10 =	sld [smem:$0x3FB4];
	_ =	sdelay $0x3  }
0x34: {  	[smem:$0x3FB4] =	sst s10  }
0x35: {  	s10 =	sld [smem:$0x3FB3];
	_ =	sdelay $0x3  }
0x36: {  	p1 =	seq.s32 s10, $0x1;
	s10 =	sld [smem:$0x3FB4];
	_ =	sdelay $0x3  }
0x37: {  	[smem:$0x3FB4] =	sst s10  }
0x38: {  	s10 =	sld [smem:$0x3FB5]  }
0x39: {  	_ = 	snop;
	(pc) =	sbr.ind lr, $3  }
0x3a: {  	_ = 	snop  }
0x3b: {  	_ = 	snop  }
0x3c: {  	p2 =	seq.s32 s10, $0x1;
	s10 =	sld [smem:$0x3FB4]  }
0x3d: {  	_ =	shalt  }
0x3e: {  	_ =	shalt  }
0x3f: {  	_ =	shalt  }
0x40: {  	_ =	shalt  }
0x41: {  	_ =	shalt  }
0x42: {  	_ =	shalt  }
0x43: {  	_ =	shalt  }
0x44: {  	_ =	shalt  }
0x45: {  	_ =	shalt  }
0x46: {  	_ =	shalt  }
0x47: {  	_ =	shalt  }
0x48: {  	_ =	shalt  }
0x49: {  	_ =	shalt  }
0x4a: {  	_ =	shalt  }
0x4b: {  	_ =	shalt  }
0x4c: {  	_ =	shalt  }
0x4d: {  	_ =	shalt  }
0x4e: {  	_ =	shalt  }
0x4f: {  	_ =	shalt  }
0x50: {  	_ =	shalt  }
0x51: {  	_ =	shalt  }
0x52: {  	_ =	shalt  }
0x53: {  	_ =	shalt  }
0x54: {  	_ =	shalt  }
0x55: {  	_ =	shalt  }
0x56: {  	_ =	shalt  }
0x57: {  	_ =	shalt  }
0x58: {  	_ =	shalt  }
0x59: {  	_ =	shalt  }
0x5a: {  	_ =	shalt  }
0x5b: {  	_ =	shalt  }
0x5c: {  	_ =	shalt  }
0x5d: {  	_ =	shalt  }
0x5e: {  	_ =	shalt  }
0x5f: {  	_ =	shalt  }
0x60: {  	_ =	shalt  }
0x61: {  	_ =	shalt  }
0x62: {  	_ =	shalt  }
0x63: {  	_ =	shalt  }
0x64: {  	_ =	shalt  }
0x65: {  	_ =	shalt  }
0x66: {  	_ =	shalt  }
0x67: {  	_ =	shalt  }
0x68: {  	_ =	shalt  }
0x69: {  	_ =	shalt  }
0x6a: {  	_ =	shalt  }
0x6b: {  	_ =	shalt  }
0x6c: {  	_ =	shalt  }
0x6d: {  	_ =	shalt  }
0x6e: {  	_ =	shalt  }
0x6f: {  	_ =	shalt  }
0x70: {  	_ =	shalt  }
0x71: {  	_ =	shalt  }
0x72: {  	_ =	shalt  }
0x73: {  	_ =	shalt  }
0x74: {  	_ =	shalt  }
0x75: {  	_ =	shalt  }
0x76: {  	_ =	shalt  }
0x77: {  	_ =	shalt  }
0x78: {  	_ =	shalt  }
0x79: {  	_ =	shalt  }
0x7a: {  	_ =	shalt  }
0x7b: {  	_ =	shalt  }
0x7c: {  	_ =	shalt  }
0x7d: {  	_ =	shalt  }
0x7e: {  	_ =	shalt  }
0x7f: {  	_ =	shalt  }
0x80: {  	_ =	shalt  }
0x81: {  	_ =	shalt  }
0x82: {  	_ =	shalt  }
0x83: {  	_ =	shalt  }
0x84: {  	_ =	shalt  }
0x85: {  	_ =	shalt  }
0x86: {  	_ =	shalt  }
0x87: {  	_ =	shalt  }
.Lfunc_end0:
.L_simem_size_0:
called_computation.3_lowered:
.L_overlay_start_0:
0x88: {  	s2 =	sld [smem:$0x3FD9]  }
0x89: {  	s3 =	sld [smem:$0x3FFE];
	_ =	sdelay $0x1  }
0x8a: {  	s1 =	srdreg.scid  }
0x8b: {  	s0 =	sand.u32 $0x1, s1  }
0x8c: {  	s17 =	sshll.u32 s0, $0xA;
	s2 =	sadd.s32 s3, s2  }
0x8d: {  	s2 =	sadd.s32 s2, s17  }
0x8e: {  	[smem:$0x3FC0] =	sst s2  }
0x8f: {  	_ = 	snop  }
0x90: {  	(tm) =	ssettm $0x1  }
0x91: {  	s18 =	sld [smem:$0x3FFB];
	_ =	sdelay $0x3  }
0x92: {  	_ =	strace s18  }
0x93: {  	s2 =	sld [smem:$0x3FFC];
	_ =	sdelay $0x3  }
0x94: {  	_ =	strace s2  }
0x95: {  	s2 =	sld [smem:$0x3FFD];
	_ =	sdelay $0x3  }
0x96: {  	_ =	strace s2  }
0x97: {  	_ =	strace $0x8FFFFFFF  }
0x98: {  	s19 =	sld [smem:$0x3FDB];
	_ =	sdelay $0x1  }
0x99: {  	s20 =	simm.s32 $_scs_section_size  }
0x9a: {  	s4 =	simm.s32 $_size__tile_overlayer_lowered;
	s5 =	simm.s32 $_tile_overlayer_lowered  }
0x9b: {  	s6 =	simm.s32 $0x1BFF;
	s21 =	sshll.u32 s5, $0x1;
	s3 =	sadd.s32 s20, s19  }
0x9c: {  	s22 =	simm.s32 $0x0;
	s4 =	sshll.u32 s4, $0x1;
	s5 =	sadd.s32 s21, s3  }
0x9d: {  	[timem:s22], [sflag:s6] =	dma.local [hbm:s5], s4  }
0x9e: {  	_ =	swait.ge [sflag:s6], s4  }
0x9f: {  	s4 =	ssub.s32 $0x0, s4;
	[sflag:s6] =	ssyncset.done $0x0  }
0xa0: {  	[sflag:s6] =	ssyncadd.s32 s4;
	_ =	sdelay $0x1  }
0xa1: {  	s23 =	simm.s32 $0x1B8B  }
0xa2: {  	_ =	swait.ge [sflag:s23], $0x1  }
0xa3: {  	[sflag:s23] =	ssyncset.done $0x0  }
0xa4: {  	[sflag:s23] =	ssyncadd.s32 $0xFFFFFFFF  }
0xa5: {  	s4 =	sld [smem:$0x0]  }
0xa6: {  	s5 =	sand.u32 $0xFFFFFFFE, s1  }
0xa7: {  	p0 =	sne.s32 s1, s5  }
0xa8: {  	s5 =	sshll.u32 @p0 s5, $0xE  }
0xa9: {  	s5 =	sadd.s32 @p0 $0x11B8D, s5;
	s6 =	sshll.u32 @p0 s4, $0x11  }
0xaa: {  	s5 =	sor.u32 @p0 s6, s5  }
0xab: {  	[sflag:s5] =	ssyncadd.remote.s32 @p0 $0x1;
	_ =	sdelay $0x1  }
0xac: {  	s5 =	simm.s32 @p0 $0x1B8D  }
0xad: {  	_ =	swait.eq @p0 [sflag:s5], $0x1  }
0xae: {  	[sflag:s5] =	ssyncadd.s32 @p0 $0xFFFFFFFF  }
0xaf: {  	s6 =	sshll.u32 @!p0 s1, $0xE  }
0xb0: {  	s6 =	sor.u32 @!p0 $0x4000, s6;
	s5 =	simm.s32 @!p0 $0x1B8D  }
0xb1: {  	s4 =	sshll.u32 @!p0 s4, $0x11;
	s6 =	sadd.s32 @!p0 $0x11B8D, s6;
	_ =	swait.eq @!p0 [sflag:s5], $0x1  }
0xb2: {  	s4 =	sor.u32 @!p0 s4, s6;
	[sflag:s5] =	ssyncadd.s32 @!p0 $0xFFFFFFFF  }
0xb3: {  	s25 =	simm.s32 $0x1B8E;
	s24 =	sld [smem:$0x3FFE];
	[sflag:s4] =	ssyncadd.remote.s32 @!p0 $0x1  }
0xb4: {  	s26 =	simm.s32 $execute0_lowered;
	[smem:$0x3FD2] =	sst s25  }
0xb5: {  	s5 =	sshll.u32 s26, $0x1;
	_ =	strace $0x80000052;
	[dreg:$0x1] =	wrdreg $0xFFFFFFFF  }
0xb6: {  	s28 =	simm.s32 $_size_execute0_lowered;
	s3 =	sadd.s32 s3, s5;
	[dreg:$0x0] =	wrdreg $0x0  }
0xb7: {  	s5 =	sshll.u32 s28, $0x1;
	[dreg:$0x2] =	wrdreg s3  }
0xb8: {  	[dreg:$0x3] =	wrdreg s5  }
0xb9: {  	[dreg:$0x4] =	wrdreg $0xC0  }
0xba: {  	_ =	task [dreg:s22], $0x5FFFF  }
0xbb: {  	[dreg:$0x1] =	wrdreg $0xFFFFFFFF  }
0xbc: {  	[dreg:$0x0] =	wrdreg $0x60  }
0xbd: {  	[dreg:$0x2] =	wrdreg s24  }
0xbe: {  	[dreg:$0x3] =	wrdreg $0x9  }
0xbf: {  	_ =	task.clear_ibuf [dreg:s22], $0x4FFFF;
	_ =	strace $0x90000052  }
0xc0: {  	s29 =	simm.s32 $0x9;
	_ =	strace $0x80000054  }
0xc1: {  	_ =	swait.ge [sflag:s29], $0x1  }
0xc2: {  	[sflag:s29] =	ssyncadd.s32 $0xFFFFFFFF  }
0xc3: {  	_ =	strace $0x90000054  }
0xc4: {  	_ =	sfence  }
0xc5: {  	s30 =	sld [smem:$0x0];
	_ =	sdelay $0x2  }
0xc6: {  	s31 =	sshll.u32 s1, $0xD;
	s1 =	sshrl.u32 s1, $0x2  }
0xc7: {  	s4 =	sand.u32 $0x4000, s31;
	s1 =	sadd.s32 s1, s30  }
0xc8: {  	s0 =	sor.u32 s4, s0;
	s1 =	sshll.u32 s1, $0x11  }
0xc9: {  	s0 =	sor.u32 s1, s0  }
0xca: {  	s0 =	sadd.s32 $0x8F2B, s0  }
0xcb: {  	[sflag:s0] =	ssyncadd.remote.s32 $0x1  }
0xcc: {  	_ =	sfence.sel $0xFFFF  }
0xcd: {  	[dreg:$0x0] =	wrdreg $0xFFFFFFFF;
	(pc) =	sbr.abs _section_cstart, $3  }
0xce: {  	[dreg:$0x1] =	wrdreg $0xFFFFFFFF  }
0xcf: {  	_ =	task.clear_ibuf [dreg:s22], $0x2FFFF;
	_ =	strace $0x9FFFFFFF  }
0xd0: {  	(tm) =	ssettm $0x7FFFFFFF  }
0xd1: {  	_ =	shalt  }
tec
execute0_lowered:
.L_overlay_start_1:
0x0: {  	(tag) =	ssettag $0x1  }
0x1: {  	v0 =	vimm.s32 $0x183;
	vm0 =	vcmask $0x300  }
0x2: {  	vm14 =	vcmask $0x704;
	v0 =	vsel vm0, $0x0, v0  }
0x3: {  	s6 =	rddreg [dreg:$0x0];
	vm15 =	vcmask $0xB08;
	v0 =	vsel vm14, $0x80, v0  }
0x4: {  	s0 =	rddreg [dreg:$0x1];
	vm4 =	vcmask $0xF0C;
	v0 =	vsel vm15, $0x100, v0  }
0x5: {  	s1 =	simm.s32 $0x0;
	s2 =	srdreg.scid;
	vm5 =	vcmask $0x1310;
	s14 =	simm.s32 $0x3;
	v0 =	vsel vm4, $0x180, v0  }
0x6: {  	vm6 =	vcmask $0x1714;
	s15 =	simm.s32 $0x80;
	s16 =	simm.s32 $0x1;
	s17 =	simm.s32 $0x10100;
	v0 =	vsel vm5, $0x1, v0  }
0x7: {  	vm7 =	vcmask $0x1B18;
	s18 =	simm.s32 $0x2;
	s19 =	simm.s32 $0x0;
	[smem:$0x7FF] =	sst s1;
	v0 =	vsel vm6, $0x81, v0  }
0x8: {  	vm8 =	vcmask $0x1F1C;
	s3 =	sadd.s32 $0x3600, s6;
	s4 =	sand.u32 $0x1, s2;
	s2 =	stileid.u32;
	v0 =	vsel vm7, $0x101, v0  }
0x9: {  	vm9 =	vcmask $0x2320;
	_ =	strace $0x80000053;
	s7 =	ssub.s32 $0x2, s4;
	s5 =	sshll.u32 s4, $0x4;
	v0 =	vsel vm8, $0x181, v0  }
0xa: {  	vm10 =	vcmask $0x2724;
	s4 =	sadd.s32 $0x782200, s6;
	s8 =	sshrl.u32 s7, $0x1;
	s5 =	sor.u32 s2, s5;
	v0 =	vsel vm9, $0x2, v0  }
0xb: {  	vm11 =	vcmask $0x2B28;
	s6 =	sadd.s32 $0xD400, s6;
	s12 =	ssub.s32 s7, s8;
	s30 =	sshll.u32 s5, $0x4;
	v0 =	vsel vm10, $0x82, v0  }
0xc: {  	vm12 =	vcmask $0x2F2C;
	s8 =	sor.u32 $0x40, s5;
	s9 =	sor.u32 $0x2E0, s5;
	p0 =	slt.u32 s5, $0xE;
	v0 =	vsel vm11, $0x102, v0  }
0xd: {  	vm13 =	vcmask $0x3330;
	s11 =	sshll.u32 s5, $0x6;
	s7 =	sadd.s32 s4, s30;
	s10 =	sshll.u32 s9, $0x4;
	v0 =	vsel vm12, $0x182, v0  }
0xe: {  	vm14 =	vcmask $0x3734;
	s11 =	sadd.s32 s11, s6;
	s13 =	smin.u32 s9, $0x2EE;
	s12 =	smax.u32 s12, $0x1;
	v0 =	vsel vm13, $0x3, v0  }
0xf: {  	v1 =	vlaneseq.u32;
	vm15 =	vcmask $0x3B38;
	s10 =	simm.s32 @!p0 $0x0;
	s31 =	sshll.u32 s13, $0x6;
	s13 =	simm.s32 $0x100;
	v2 =	vsel vm14, $0x83, v0  }
0x10: {  	s9 =	sadd.s32 s4, s10;
	s10 =	sadd.s32 $0xB000, s11;
	s11 =	sadd.s32 s6, s31;
	v0 =	vshrl.u32 v1, $0x2;
	v1 =	vand.u32 $0x3, v1;
	v2 =	vsel vm15, $0x103, v2  }
.LBB2_1:
0x11: {  	[tilespmem:s13], [sflag:$0x3] =	stream.linear.gather [hbm4b:s3+s1], $0x10000, $0x38;
	[tilespmem:$0x10300] =	vst v63  }
0x12: {  	_ =	swait.ge [sflag:s14], $0x10000  }
0x13: {  	[sflag:s14] =	ssyncset.done $0x0  }
0x14: {  	s20 =	simm.s32 $0x0;
	[sflag:s14] =	ssyncadd.s32 $0xFFFF0000  }
0x15: {  	[tilespmem:s1], [sflag:$0x1] =	stream.linear.gather [hbm4b:s7+s1], $0x80, $0x38;
	[tilespmem:$0x10300] =	vst v63  }
.LBB2_2:
0x16: {  	s22 =	sshll.u32 s20, $0x6  }
0x17: {  	s23 =	sor.u32 s22, s5  }
0x18: {  	s21 =	sor.u32 $0x20, s23  }
0x19: {  	s25 =	simm.s32 $0x0;
	s24 =	sshll.u32 s21, $0x4  }
0x1a: {  	v3 =	vor.u32 s25, v0;
	s24 =	sadd.s32 s4, s24  }
0x1b: {  	[tilespmem:s15], [sflag:$0x2] =	stream.linear.gather [hbm4b:s24+s25], $0x80, $0x38;
	[tilespmem:$0x10300] =	vst v63  }
0x1c: {  	_ =	swait.ge [sflag:s16], $0x80  }
0x1d: {  	[sflag:s16] =	ssyncset.done $0x0  }
0x1e: {  	[sflag:s16] =	ssyncadd.s32 $0xFFFFFF80  }
0x1f: {  	v3 =	vld.idx.msk [tilespmem:v3+s1+$0x0], $0xffff;
	_ =	sdelay $0x4  }
0x20: {  	v3 =	vshll.u32 v3, $0x2  }
0x21: {  	v3 =	vor.u32 v1, v3;
	_ =	sdelay $0x4  }
0x22: {  	v4 =	vor.u32 s25, v2;
	s24 =	simm.s32 $0x4;
	v3 =	vld.idx.msk [tilespmem:v3+s13+$0x0], $0xffff  }
0x23: {  	s25 =	simm.s32 $0x8;
	v5 =	vor.u32 s24, v0  }
.LBB2_3:
0x24: {  	p0 =	sne.s32 s25, $0x7C;
	_ =	sdelay $0x2  }
0x25: {  	[tilespmem:v4+s17+$0x0] =	vst.idx.msk $0xffff, v3  }
0x26: {  	v3 =	vld.idx.msk [tilespmem:v5+s1+$0x0], $0xffff;
	_ =	sdelay $0x5  }
0x27: {  	v3 =	vshll.u32 v3, $0x2  }
0x28: {  	v3 =	vor.u32 v1, v3;
	_ =	sdelay $0x2  }
.Ltmp0:
0x29: {  	(pc) =	sbr.rel @p0 .LBB2_3-.Ltmp0, $4  }
0x2a: {  	_ = 	snop  }
0x2b: {  	v3 =	vld.idx.msk [tilespmem:v3+s13+$0x0], $0xffff  }
0x2c: {  	v4 =	vor.u32 s24, v2;
	s24 =	smov.u32 s25  }
0x2d: {  	s25 =	sadd.s32 $0x4, s25;
	v5 =	vor.u32 s24, v0  }
0x2e: {  	_ =	sdelay $0x3  }
0x2f: {  	[tilespmem:v4+s17+$0x0] =	vst.idx.msk $0xffff, v3  }
0x30: {  	v3 =	vld.idx.msk [tilespmem:v5+s1+$0x0], $0xffff;
	_ =	sdelay $0x4  }
0x31: {  	v3 =	vshll.u32 v3, $0x2  }
0x32: {  	v3 =	vor.u32 v1, v3;
	_ =	sdelay $0x4  }
0x33: {  	v4 =	vor.u32 s24, v2;
	v3 =	vld.idx.msk [tilespmem:v3+s13+$0x0], $0xffff;
	_ =	sdelay $0x3  }
0x34: {  	s23 =	sshll.u32 s23, $0x6  }
0x35: {  	s31 =	simm.s32 $0x0;
	s23 =	sadd.s32 s6, s23;
	[tilespmem:v4+s17+$0x0] =	vst.idx.msk $0xffff, v3  }
0x36: {  	[hbm4b:s23+s31] =	stream.linear.scatter [tilespmem:s17], [sflag:$0x3], $0x200, $0x38;
	[tilespmem:$0x10300] =	vst v63  }
0x37: {  	s22 =	sadd.s32 s8, s22;
	_ =	swait.ge [sflag:s14], $0x200  }
0x38: {  	s22 =	sshll.u32 s22, $0x4;
	[sflag:s14] =	ssyncset.done $0x0  }
0x39: {  	s22 =	sadd.s32 s4, s22;
	v3 =	vor.u32 s31, v0;
	[sflag:s14] =	ssyncadd.s32 $0xFFFFFE00  }
0x3a: {  	[tilespmem:s31], [sflag:$0x1] =	stream.linear.gather [hbm4b:s22+s31], $0x80, $0x38;
	[tilespmem:$0x10300] =	vst v63  }
0x3b: {  	_ =	swait.ge [sflag:s18], $0x80  }
0x3c: {  	[sflag:s18] =	ssyncset.done $0x0  }
0x3d: {  	[sflag:s18] =	ssyncadd.s32 $0xFFFFFF80  }
0x3e: {  	v3 =	vld.idx.msk [tilespmem:v3+s15+$0x0], $0xffff;
	_ =	sdelay $0x4  }
0x3f: {  	v3 =	vshll.u32 v3, $0x2  }
0x40: {  	v3 =	vor.u32 v1, v3;
	_ =	sdelay $0x4  }
0x41: {  	v4 =	vor.u32 s31, v2;
	s22 =	simm.s32 $0x4;
	v3 =	vld.idx.msk [tilespmem:v3+s13+$0x0], $0xffff  }
0x42: {  	s23 =	simm.s32 $0x8;
	v5 =	vor.u32 s22, v0  }
.LBB2_5:
0x43: {  	p0 =	sne.s32 s23, $0x7C;
	_ =	sdelay $0x2  }
0x44: {  	[tilespmem:v4+s17+$0x0] =	vst.idx.msk $0xffff, v3  }
0x45: {  	v3 =	vld.idx.msk [tilespmem:v5+s15+$0x0], $0xffff;
	_ =	sdelay $0x5  }
0x46: {  	v3 =	vshll.u32 v3, $0x2  }
0x47: {  	v3 =	vor.u32 v1, v3;
	_ =	sdelay $0x2  }
.Ltmp1:
0x48: {  	(pc) =	sbr.rel @p0 .LBB2_5-.Ltmp1, $4  }
0x49: {  	_ = 	snop  }
0x4a: {  	v3 =	vld.idx.msk [tilespmem:v3+s13+$0x0], $0xffff  }
0x4b: {  	v4 =	vor.u32 s22, v2;
	s22 =	smov.u32 s23  }
0x4c: {  	s23 =	sadd.s32 $0x4, s23;
	v5 =	vor.u32 s22, v0  }
0x4d: {  	_ =	sdelay $0x3  }
0x4e: {  	[tilespmem:v4+s17+$0x0] =	vst.idx.msk $0xffff, v3  }
0x4f: {  	v3 =	vld.idx.msk [tilespmem:v5+s15+$0x0], $0xffff;
	_ =	sdelay $0x4  }
0x50: {  	v3 =	vshll.u32 v3, $0x2  }
0x51: {  	v3 =	vor.u32 v1, v3;
	_ =	sdelay $0x4  }
0x52: {  	v63 =	vor.u32 s22, v2;
	v3 =	vld.idx.msk [tilespmem:v3+s13+$0x0], $0xffff;
	_ =	sdelay $0x2  }
0x53: {  	s20 =	sadd.s32 $0x1, s20  }
0x54: {  	s21 =	sshll.u32 s21, $0x6;
	p0 =	sne.s32 s20, $0xB  }
.Ltmp2:
0x55: {  	s21 =	sadd.s32 s6, s21;
	[tilespmem:v63+s17+$0x0] =	vst.idx.msk $0xffff, v3;
	(pc) =	sbr.rel @p0 .LBB2_2-.Ltmp2, $4  }
0x56: {  	[hbm4b:s21+s1] =	stream.linear.scatter [tilespmem:s17], [sflag:$0x3], $0x200, $0x38;
	[tilespmem:$0x10300] =	vst v63  }
0x57: {  	_ =	swait.ge [sflag:s14], $0x200  }
0x58: {  	[sflag:s14] =	ssyncset.done $0x0  }
0x59: {  	[sflag:s14] =	ssyncadd.s32 $0xFFFFFE00  }
0x5a: {  	s21 =	simm.s32 $0x0  }
0x5b: {  	v3 =	vor.u32 s21, v0  }
0x5c: {  	[tilespmem:s15], [sflag:$0x2] =	stream.linear.gather [hbm4b:s9+s21], $0x80, $0x38;
	[tilespmem:$0x10300] =	vst v63  }
0x5d: {  	_ =	swait.ge [sflag:s16], $0x80  }
0x5e: {  	[sflag:s16] =	ssyncset.done $0x0  }
0x5f: {  	[sflag:s16] =	ssyncadd.s32 $0xFFFFFF80  }
0x60: {  	v3 =	vld.idx.msk [tilespmem:v3+s1+$0x0], $0xffff;
	_ =	sdelay $0x4  }
0x61: {  	v3 =	vshll.u32 v3, $0x2  }
0x62: {  	v3 =	vor.u32 v1, v3;
	_ =	sdelay $0x4  }
0x63: {  	s20 =	simm.s32 $0x4;
	v4 =	vor.u32 s21, v2;
	v3 =	vld.idx.msk [tilespmem:v3+s13+$0x0], $0xffff  }
0x64: {  	v5 =	vor.u32 s20, v0;
	s21 =	simm.s32 $0x8  }
.LBB2_8:
0x65: {  	p0 =	sne.s32 s21, $0x7C;
	_ =	sdelay $0x2  }
0x66: {  	[tilespmem:v4+s17+$0x0] =	vst.idx.msk $0xffff, v3  }
0x67: {  	v3 =	vld.idx.msk [tilespmem:v5+s1+$0x0], $0xffff;
	_ =	sdelay $0x5  }
0x68: {  	v3 =	vshll.u32 v3, $0x2  }
0x69: {  	v3 =	vor.u32 v1, v3;
	_ =	sdelay $0x2  }
.Ltmp3:
0x6a: {  	(pc) =	sbr.rel @p0 .LBB2_8-.Ltmp3, $4  }
0x6b: {  	_ = 	snop  }
0x6c: {  	v3 =	vld.idx.msk [tilespmem:v3+s13+$0x0], $0xffff  }
0x6d: {  	v4 =	vor.u32 s20, v2;
	s20 =	smov.u32 s21  }
0x6e: {  	s21 =	sadd.s32 $0x4, s21;
	v5 =	vor.u32 s20, v0  }
0x6f: {  	_ =	sdelay $0x3  }
0x70: {  	[tilespmem:v4+s17+$0x0] =	vst.idx.msk $0xffff, v3  }
0x71: {  	v3 =	vld.idx.msk [tilespmem:v5+s1+$0x0], $0xffff;
	_ =	sdelay $0x4  }
0x72: {  	v3 =	vshll.u32 v3, $0x2  }
0x73: {  	v3 =	vor.u32 v1, v3;
	_ =	sdelay $0x4  }
0x74: {  	v4 =	vor.u32 s20, v2;
	v3 =	vld.idx.msk [tilespmem:v3+s13+$0x0], $0xffff;
	_ =	sdelay $0x4  }
0x75: {  	s21 =	simm.s32 $0x0;
	[tilespmem:v4+s17+$0x0] =	vst.idx.msk $0xffff, v3  }
0x76: {  	[hbm4b:s10+s21] =	stream.linear.scatter [tilespmem:s17], [sflag:$0x3], $0x200, $0x38;
	[tilespmem:$0x10300] =	vst v63  }
0x77: {  	_ =	swait.ge [sflag:s14], $0x200  }
0x78: {  	v3 =	vor.u32 s21, v0;
	[sflag:s14] =	ssyncset.done $0x0  }
0x79: {  	[sflag:s14] =	ssyncadd.s32 $0xFFFFFE00  }
0x7a: {  	_ =	swait.ge [sflag:s18], $0x80  }
0x7b: {  	[sflag:s18] =	ssyncset.done $0x0  }
0x7c: {  	[sflag:s18] =	ssyncadd.s32 $0xFFFFFF80  }
0x7d: {  	v3 =	vld.idx.msk [tilespmem:v3+s15+$0x0], $0xffff;
	_ =	sdelay $0x4  }
0x7e: {  	v3 =	vshll.u32 v3, $0x2  }
0x7f: {  	v3 =	vor.u32 v1, v3;
	_ =	sdelay $0x4  }
0x80: {  	s20 =	simm.s32 $0x4;
	v4 =	vor.u32 s21, v2;
	v3 =	vld.idx.msk [tilespmem:v3+s13+$0x0], $0xffff  }
0x81: {  	v5 =	vor.u32 s20, v0;
	s21 =	simm.s32 $0x8  }
.LBB2_10:
0x82: {  	p0 =	sne.s32 s21, $0x7C;
	_ =	sdelay $0x2  }
0x83: {  	[tilespmem:v4+s17+$0x0] =	vst.idx.msk $0xffff, v3  }
0x84: {  	v3 =	vld.idx.msk [tilespmem:v5+s15+$0x0], $0xffff;
	_ =	sdelay $0x5  }
0x85: {  	v3 =	vshll.u32 v3, $0x2  }
0x86: {  	v3 =	vor.u32 v1, v3;
	_ =	sdelay $0x2  }
.Ltmp4:
0x87: {  	(pc) =	sbr.rel @p0 .LBB2_10-.Ltmp4, $4  }
0x88: {  	_ = 	snop  }
0x89: {  	v3 =	vld.idx.msk [tilespmem:v3+s13+$0x0], $0xffff  }
0x8a: {  	v4 =	vor.u32 s20, v2;
	s20 =	smov.u32 s21  }
0x8b: {  	s21 =	sadd.s32 $0x4, s21;
	v5 =	vor.u32 s20, v0  }
0x8c: {  	_ =	sdelay $0x3  }
0x8d: {  	[tilespmem:v4+s17+$0x0] =	vst.idx.msk $0xffff, v3  }
0x8e: {  	v3 =	vld.idx.msk [tilespmem:v5+s15+$0x0], $0xffff;
	_ =	sdelay $0x4  }
0x8f: {  	v3 =	vshll.u32 v3, $0x2  }
0x90: {  	v3 =	vor.u32 v1, v3;
	_ =	sdelay $0x4  }
0x91: {  	v63 =	vor.u32 s20, v2;
	v3 =	vld.idx.msk [tilespmem:v3+s13+$0x0], $0xffff;
	_ =	sdelay $0x2  }
0x92: {  	s19 =	sadd.s32 $0x1, s19  }
0x93: {  	p0 =	sne.s32 s19, s12  }
.Ltmp5:
0x94: {  	[tilespmem:v63+s17+$0x0] =	vst.idx.msk $0xffff, v3;
	(pc) =	sbr.rel @p0 .LBB2_1-.Ltmp5, $4  }
0x95: {  	[hbm4b:s11+s1] =	stream.linear.scatter [tilespmem:s17], [sflag:$0x3], $0x200, $0x38;
	[tilespmem:$0x10300] =	vst v63  }
0x96: {  	_ =	swait.ge [sflag:s14], $0x200  }
0x97: {  	[sflag:s14] =	ssyncset.done $0x0  }
0x98: {  	[sflag:s14] =	ssyncadd.s32 $0xFFFFFE00  }
0x99: {  	_ =	sfence.sel $0x180000  }
0x9a: {  	[bflag:$0x0] =	sbarrier.arrive $0xFFFF  }
0x9b: {  	p0 =	sne.s32 s2, $0x0;
	_ =	strace $0x90000053  }
0x9c: {  	s0 =	sadd.s32 @!p0 $0x100000, s0;
	[bflag:$0x2] =	sbarrier.arrive $0xFFFF  }
0x9d: {  	[sflag:s0] =	ssyncadd.tile.s32 @!p0 $0x1;
	_ =	shalt  }
.Lfunc_end2:
_tile_overlayer_lowered:
.L_overlay_start_2:
0x9e: {  	(tag) =	ssettag $0x2  }
0x9f: {  	s0 =	rddreg [dreg:$0x0];
	s2 =	stileid.u32  }
0xa0: {  	s1 =	rddreg [dreg:$0x1];
	p0 =	sne.s32 s2, $0x0  }
0xa1: {  	s3 =	rddreg [dreg:$0x2];
	[bflag:$0x3] =	sbarrier.arrive $0xFFFF;
	s2 =	simm.s32 @!p0 $0x1C03  }
0xa2: {  	[timem:s3], [sflag:s2] =	dma.local @!p0 [hbm:s0], s1  }
0xa3: {  	s0 =	simm.s32 @!p0 $0x3  }
0xa4: {  	_ =	swait.ge @!p0 [sflag:s0], s1  }
0xa5: {  	s1 =	ssub.s32 @!p0 $0x0, s1;
	[sflag:s0] =	ssyncset.done @!p0 $0x0  }
0xa6: {  	[sflag:s0] =	ssyncadd.s32 @!p0 s1  }
0xa7: {  	[bflag:$0x3] =	sbarrier.arrive $0xFFFF  }
0xa8: {  	_ =	shalt  }

// kernel: kernel.27.cloned.1.call-start
scs
__scs_entry_jumppad:
0x0: {  	(pc) =	sbr.rel $0x88, $3  }
0x1: {  	(tag) =	ssettag $0x0;
	lr =	simm.s32 $0x1  }
0x2: {  	[smem:$0x3F99] =	sst lr;
	_ =	strace $0xD0000000  }
0x3: {  	_ = 	snop  }
0x4: {  	_ = 	snop  }
0x5: {  	_ = 	snop  }
0x6: {  	_ = 	snop  }
0x7: {  	_ = 	snop  }
__scs_overlays_trampoline_lowered:
0x8: {  	[smem:$0x3FA8] =	sst s0  }
0x9: {  	[smem:$0x3FA9] =	sst s1  }
0xa: {  	[smem:$0x3FAA] =	sst s2  }
0xb: {  	[smem:$0x3FAB] =	sst s3  }
0xc: {  	[smem:$0x3FAC] =	sst s4  }
0xd: {  	[smem:$0x3FAD] =	sst s5  }
0xe: {  	[smem:$0x3FAE] =	sst s6  }
0xf: {  	[smem:$0x3FAF] =	sst s7  }
0x10: {  	[smem:$0x3FB0] =	sst s8  }
0x11: {  	[smem:$0x3FB1] =	sst s9;
	s0 =	simm.s32 @!p0 $0x0  }
0x12: {  	s1 =	sld [smem:$0x3F97];
	s0 =	simm.s32 @p0 $0x1  }
0x13: {  	[smem:$0x3FB2] =	sst s0;
	s0 =	simm.s32 @!p1 $0x0  }
0x14: {  	s2 =	sld [smem:$0x3F96];
	s0 =	simm.s32 @p1 $0x1  }
0x15: {  	[smem:$0x3FB3] =	sst s0;
	s0 =	simm.s32 @!p2 $0x0  }
0x16: {  	s3 =	sld [smem:$0x3FDB];
	s0 =	simm.s32 @p2 $0x1  }
0x17: {  	s4 =	simm.s32 $0x1BF5;
	[smem:$0x3FB5] =	sst s0  }
0x18: {  	s0 =	sld [smem:$0x3F98];
	_ =	swait.ge [sflag:s4], $0x0  }
0x19: {  	s7 =	sld [smem:$0x3F99]  }
0x1a: {  	s8 =	sadd.s32 $0xFFFFE003, lr  }
0x1b: {  	s9 =	sadd.s32 $0xFFFFFEF7, lr;
	s5 =	simm.s32 $0xFFFFFFFF;
	p2 =	slt.u32 s8, $0xFFFFF086  }
0x1c: {  	p1 =	slt.u32 s9, $0xF7A;
	s5 =	simm.s32 @!p2 $0x0  }
0x1d: {  	s5 =	simm.s32 @p1 $0x1;
	p0 =	seq.s32 s7, s2  }
0x1e: {  	s7 =	smul.u32 @!p0 $0xF7A, s2;
	p2 =	seq.s32 @!p0 s5, $0x0  }
0x1f: {  	s9 =	smul.u32 $0xF7A, s1;
	s8 =	simm.s32 @!p0 $0x1BF5;
	p2 =	por !p2, p0  }
0x20: {  	[sflag:s8] =	ssyncset.s32 @!p0 $0xFFFFF086;
	s6 =	sadd.s32 @!p0 s3, s7;
	s7 =	simm.s32 @!p0 $0x108  }
0x21: {  	s3 =	sadd.s32 s3, s9;
	s6 =	sadd.s32 @!p0 $0x88, s6;
	s7 =	simm.s32 @p2 $0x1082  }
0x22: {  	[simem:s7], [sflag:s8] =	dma.local @!p0 [hbm:s6], $0xF7A  }
0x23: {  	s9 =	sor.u32 $0xD0000000, s2;
	s6 =	simm.s32 $0x108;
	_ =	swait.ge @!p0 [sflag:s8], $0x0  }
0x24: {  	s3 =	sadd.s32 $0x88, s3;
	s6 =	simm.s32 @!p1 $0x1082;
	[sflag:s4] =	ssyncset.s32 $0xFFFFF086  }
0x25: {  	[simem:s6], [sflag:s4] =	dma.local [hbm:s3], $0xF7A  }
0x26: {  	[smem:$0x3F99] =	sst s1;
	(tag) =	ssettag s2;
	_ =	strace s9  }
0x27: {  	s1 =	sld [smem:$0x3FA9]  }
0x28: {  	s2 =	sld [smem:$0x3FAA]  }
0x29: {  	s4 =	sld [smem:$0x3FAC]  }
0x2a: {  	p0 =	seq.s32 s5, $0x0;
	s5 =	sld [smem:$0x3FAD]  }
0x2b: {  	s6 =	sld [smem:$0x3FAE]  }
0x2c: {  	s7 =	sld [smem:$0x3FAF]  }
0x2d: {  	s3 =	simm.s32 $0x108;
	s8 =	sld [smem:$0x3FB0]  }
0x2e: {  	s3 =	simm.s32 @!p0 $0x1082;
	s9 =	sld [smem:$0x3FB1]  }
0x2f: {  	lr =	sadd.s32 s0, s3;
	s0 =	sld [smem:$0x3FA8]  }
0x30: {  	s3 =	sld [smem:$0x3FAB]  }
0x31: {  	[smem:$0x3FB4] =	sst s10  }
0x32: {  	s10 =	sld [smem:$0x3FB2];
	_ =	sdelay $0x3  }
0x33: {  	p0 =	seq.s32 s10, $0x1;
	s10 =	sld [smem:$0x3FB4];
	_ =	sdelay $0x3  }
0x34: {  	[smem:$0x3FB4] =	sst s10  }
0x35: {  	s10 =	sld [smem:$0x3FB3];
	_ =	sdelay $0x3  }
0x36: {  	p1 =	seq.s32 s10, $0x1;
	s10 =	sld [smem:$0x3FB4];
	_ =	sdelay $0x3  }
0x37: {  	[smem:$0x3FB4] =	sst s10  }
0x38: {  	s10 =	sld [smem:$0x3FB5]  }
0x39: {  	_ = 	snop;
	(pc) =	sbr.ind lr, $3  }
0x3a: {  	_ = 	snop  }
0x3b: {  	_ = 	snop  }
0x3c: {  	p2 =	seq.s32 s10, $0x1;
	s10 =	sld [smem:$0x3FB4]  }
0x3d: {  	_ =	shalt  }
0x3e: {  	_ =	shalt  }
0x3f: {  	_ =	shalt  }
0x40: {  	_ =	shalt  }
0x41: {  	_ =	shalt  }
0x42: {  	_ =	shalt  }
0x43: {  	_ =	shalt  }
0x44: {  	_ =	shalt  }
0x45: {  	_ =	shalt  }
0x46: {  	_ =	shalt  }
0x47: {  	_ =	shalt  }
0x48: {  	_ =	shalt  }
0x49: {  	_ =	shalt  }
0x4a: {  	_ =	shalt  }
0x4b: {  	_ =	shalt  }
0x4c: {  	_ =	shalt  }
0x4d: {  	_ =	shalt  }
0x4e: {  	_ =	shalt  }
0x4f: {  	_ =	shalt  }
0x50: {  	_ =	shalt  }
0x51: {  	_ =	shalt  }
0x52: {  	_ =	shalt  }
0x53: {  	_ =	shalt  }
0x54: {  	_ =	shalt  }
0x55: {  	_ =	shalt  }
0x56: {  	_ =	shalt  }
0x57: {  	_ =	shalt  }
0x58: {  	_ =	shalt  }
0x59: {  	_ =	shalt  }
0x5a: {  	_ =	shalt  }
0x5b: {  	_ =	shalt  }
0x5c: {  	_ =	shalt  }
0x5d: {  	_ =	shalt  }
0x5e: {  	_ =	shalt  }
0x5f: {  	_ =	shalt  }
0x60: {  	_ =	shalt  }
0x61: {  	_ =	shalt  }
0x62: {  	_ =	shalt  }
0x63: {  	_ =	shalt  }
0x64: {  	_ =	shalt  }
0x65: {  	_ =	shalt  }
0x66: {  	_ =	shalt  }
0x67: {  	_ =	shalt  }
0x68: {  	_ =	shalt  }
0x69: {  	_ =	shalt  }
0x6a: {  	_ =	shalt  }
0x6b: {  	_ =	shalt  }
0x6c: {  	_ =	shalt  }
0x6d: {  	_ =	shalt  }
0x6e: {  	_ =	shalt  }
0x6f: {  	_ =	shalt  }
0x70: {  	_ =	shalt  }
0x71: {  	_ =	shalt  }
0x72: {  	_ =	shalt  }
0x73: {  	_ =	shalt  }
0x74: {  	_ =	shalt  }
0x75: {  	_ =	shalt  }
0x76: {  	_ =	shalt  }
0x77: {  	_ =	shalt  }
0x78: {  	_ =	shalt  }
0x79: {  	_ =	shalt  }
0x7a: {  	_ =	shalt  }
0x7b: {  	_ =	shalt  }
0x7c: {  	_ =	shalt  }
0x7d: {  	_ =	shalt  }
0x7e: {  	_ =	shalt  }
0x7f: {  	_ =	shalt  }
0x80: {  	_ =	shalt  }
0x81: {  	_ =	shalt  }
0x82: {  	_ =	shalt  }
0x83: {  	_ =	shalt  }
0x84: {  	_ =	shalt  }
0x85: {  	_ =	shalt  }
0x86: {  	_ =	shalt  }
0x87: {  	_ =	shalt  }
.Lfunc_end0:
.L_simem_size_0:
called_computation.4_lowered:
.L_overlay_start_0:
0x88: {  	s2 =	sld [smem:$0x3FD9]  }
0x89: {  	s3 =	sld [smem:$0x3FFE];
	_ =	sdelay $0x1  }
0x8a: {  	s1 =	srdreg.scid  }
0x8b: {  	s0 =	sand.u32 $0x1, s1  }
0x8c: {  	s17 =	sshll.u32 s0, $0xA;
	s2 =	sadd.s32 s3, s2  }
0x8d: {  	s2 =	sadd.s32 s2, s17  }
0x8e: {  	[smem:$0x3FC0] =	sst s2  }
0x8f: {  	_ = 	snop  }
0x90: {  	s18 =	sld [smem:$0x3FD0];
	(tm) =	ssettm $0x1  }
0x91: {  	s19 =	sld [smem:$0x3FFB];
	_ =	sdelay $0x3  }
0x92: {  	_ =	strace s19  }
0x93: {  	s2 =	sld [smem:$0x3FFC];
	_ =	sdelay $0x3  }
0x94: {  	_ =	strace s2  }
0x95: {  	s2 =	sld [smem:$0x3FFD];
	_ =	sdelay $0x3  }
0x96: {  	_ =	strace s2  }
0x97: {  	_ =	strace $0x8FFFFFFF  }
0x98: {  	s20 =	sld [smem:$0x3FDB];
	_ =	sdelay $0x1  }
0x99: {  	s4 =	simm.s32 $_scs_section_size  }
0x9a: {  	s5 =	simm.s32 $_size__tile_overlayer_lowered;
	s6 =	simm.s32 $_tile_overlayer_lowered  }
0x9b: {  	s7 =	simm.s32 $0x1BFF;
	s21 =	sshll.u32 s6, $0x1;
	s4 =	sadd.s32 s4, s20  }
0x9c: {  	s22 =	simm.s32 $0x0;
	s5 =	sshll.u32 s5, $0x1;
	s6 =	sadd.s32 s21, s4  }
0x9d: {  	[timem:s22], [sflag:s7] =	dma.local [hbm:s6], s5  }
0x9e: {  	_ =	swait.ge [sflag:s7], s5  }
0x9f: {  	s5 =	ssub.s32 $0x0, s5;
	[sflag:s7] =	ssyncset.done $0x0  }
0xa0: {  	[sflag:s7] =	ssyncadd.s32 s5;
	_ =	sdelay $0x1  }
0xa1: {  	s23 =	simm.s32 $0x1B8B  }
0xa2: {  	_ =	swait.ge [sflag:s23], $0x1  }
0xa3: {  	[sflag:s23] =	ssyncset.done $0x0  }
0xa4: {  	[sflag:s23] =	ssyncadd.s32 $0xFFFFFFFF  }
0xa5: {  	s5 =	sld [smem:$0x0]  }
0xa6: {  	s6 =	sand.u32 $0xFFFFFFFE, s1  }
0xa7: {  	p0 =	sne.s32 s1, s6  }
0xa8: {  	s6 =	sshll.u32 @p0 s6, $0xE  }
0xa9: {  	s6 =	sadd.s32 @p0 $0x11B8D, s6;
	s7 =	sshll.u32 @p0 s5, $0x11  }
0xaa: {  	s6 =	sor.u32 @p0 s7, s6  }
0xab: {  	[sflag:s6] =	ssyncadd.remote.s32 @p0 $0x1;
	_ =	sdelay $0x1  }
0xac: {  	s6 =	simm.s32 @p0 $0x1B8D  }
0xad: {  	_ =	swait.eq @p0 [sflag:s6], $0x1  }
0xae: {  	[sflag:s6] =	ssyncadd.s32 @p0 $0xFFFFFFFF  }
0xaf: {  	s7 =	sshll.u32 @!p0 s1, $0xE  }
0xb0: {  	s7 =	sor.u32 @!p0 $0x4000, s7;
	s6 =	simm.s32 @!p0 $0x1B8D  }
0xb1: {  	s5 =	sshll.u32 @!p0 s5, $0x11;
	s7 =	sadd.s32 @!p0 $0x11B8D, s7;
	_ =	swait.eq @!p0 [sflag:s6], $0x1  }
0xb2: {  	s5 =	sor.u32 @!p0 s5, s7;
	[sflag:s6] =	ssyncadd.s32 @!p0 $0xFFFFFFFF  }
0xb3: {  	s25 =	simm.s32 $0x1B8E;
	s24 =	sld [smem:$0x3FFE];
	[sflag:s5] =	ssyncadd.remote.s32 @!p0 $0x1  }
0xb4: {  	s26 =	simm.s32 $execute0_lowered;
	[smem:$0x3FD2] =	sst s25  }
0xb5: {  	s6 =	sshll.u32 s26, $0x1;
	_ =	strace $0x80000058;
	[dreg:$0x1] =	wrdreg $0xFFFFFFFF  }
0xb6: {  	s28 =	simm.s32 $_size_execute0_lowered;
	s4 =	sadd.s32 s4, s6;
	[dreg:$0x0] =	wrdreg $0x0  }
0xb7: {  	s6 =	sshll.u32 s28, $0x1;
	[dreg:$0x2] =	wrdreg s4  }
0xb8: {  	[dreg:$0x3] =	wrdreg s6  }
0xb9: {  	[dreg:$0x4] =	wrdreg $0xC0  }
0xba: {  	_ =	task [dreg:s22], $0x5FFFF  }
0xbb: {  	[dreg:$0x1] =	wrdreg $0xFFFFFFFF  }
0xbc: {  	[dreg:$0x0] =	wrdreg $0x60  }
0xbd: {  	[dreg:$0x2] =	wrdreg s24  }
0xbe: {  	[dreg:$0x3] =	wrdreg s18  }
0xbf: {  	[dreg:$0x4] =	wrdreg $0x50000  }
0xc0: {  	[dreg:$0x5] =	wrdreg $0x9  }
0xc1: {  	_ =	task.clear_ibuf [dreg:s22], $0x6FFFF;
	_ =	strace $0x90000058  }
0xc2: {  	s29 =	simm.s32 $0x9;
	_ =	strace $0x8000005A  }
0xc3: {  	_ =	swait.ge [sflag:s29], $0x1  }
0xc4: {  	[sflag:s29] =	ssyncadd.s32 $0xFFFFFFFF  }
0xc5: {  	_ =	strace $0x9000005A  }
0xc6: {  	_ =	sfence  }
0xc7: {  	s30 =	sld [smem:$0x0];
	_ =	sdelay $0x2  }
0xc8: {  	s31 =	sshll.u32 s1, $0xD;
	s1 =	sshrl.u32 s1, $0x2  }
0xc9: {  	s4 =	sand.u32 $0x4000, s31;
	s1 =	sadd.s32 s1, s30  }
0xca: {  	s0 =	sor.u32 s4, s0;
	s1 =	sshll.u32 s1, $0x11  }
0xcb: {  	s0 =	sor.u32 s1, s0  }
0xcc: {  	s0 =	sadd.s32 $0x8F2B, s0  }
0xcd: {  	[sflag:s0] =	ssyncadd.remote.s32 $0x1  }
0xce: {  	_ =	sfence.sel $0xFFFF  }
0xcf: {  	[dreg:$0x0] =	wrdreg $0xFFFFFFFF;
	(pc) =	sbr.abs _section_cstart, $3  }
0xd0: {  	[dreg:$0x1] =	wrdreg $0xFFFFFFFF  }
0xd1: {  	_ =	task.clear_ibuf [dreg:s22], $0x2FFFF;
	_ =	strace $0x9FFFFFFF  }
0xd2: {  	(tm) =	ssettm $0x7FFFFFFF  }
0xd3: {  	_ =	shalt  }
tec
execute0_lowered:
.L_overlay_start_1:
0x0: {  	(tag) =	ssettag $0x1  }
0x1: {  	s4 =	rddreg [dreg:$0x0]  }
0x2: {  	s6 =	rddreg [dreg:$0x1]  }
0x3: {  	s2 =	rddreg [dreg:$0x2]  }
0x4: {  	s0 =	rddreg [dreg:$0x3];
	s3 =	simm.s32 $0x0  }
0x5: {  	s1 =	stileid.u32;
	s5 =	srdreg.scid;
	s16 =	simm.s32 $0x28  }
0x6: {  	s17 =	simm.s32 $0x2;
	s18 =	simm.s32 $0x2500;
	s7 =	smul.u32 $0x2800, s1  }
0x7: {  	s19 =	simm.s32 $0x0;
	[smem:$0x7FF] =	sst s3;
	s12 =	smul.u32 $0x50000, s1  }
0x8: {  	s5 =	sand.u32 $0x1, s5;
	s8 =	sadd.s32 $0x98000, s4;
	s15 =	smul.u32 $0xBB80, s1  }
0x9: {  	s31 =	sshll.u32 s1, $0x6;
	_ =	strace $0x80000059;
	s9 =	smul.u32 $0x28000, s5  }
0xa: {  	s10 =	sshll.u32 s5, $0x4;
	s25 =	ssub.s32 $0x2, s5;
	s30 =	smul.u32 $0xBB800, s5  }
0xb: {  	s5 =	sor.u32 $0x1C03, s31;
	s11 =	sadd.s32 s7, s4;
	s10 =	sor.u32 s1, s10  }
0xc: {  	s26 =	sshrl.u32 s25, $0x1;
	s29 =	sshrl.u32 s12, $0x2;
	s13 =	smul.u32 $0x500, s10  }
0xd: {  	s7 =	sadd.s32 s7, s9;
	s28 =	smul.u32 $0xBB80, s10;
	s9 =	ssub.s32 s25, s26  }
0xe: {  	s12 =	sadd.s32 s29, s2;
	s10 =	sadd.s32 s30, s8;
	s14 =	sadd.s32 s7, s4  }
0xf: {  	s4 =	sadd.s32 $0x20000, s11;
	s10 =	sadd.s32 s15, s10;
	s9 =	smax.u32 s9, $0x1  }
0x10: {  	s11 =	sshrl.u32 s12, $0x3;
	s12 =	simm.s32 $0x3;
	s15 =	simm.s32 $0x1  }
0x11: {  	s6 =	sadd.s32 s6, s13;
	s7 =	sadd.s32 s8, s28;
	s8 =	sadd.s32 $0x20F000, s14  }
0x12: {  	s10 =	sadd.s32 $0x500, s10;
	s13 =	simm.s32 $0x2800;
	s14 =	simm.s32 $0x3C00  }
.LBB2_1:
0x13: {  	[spmem:s11], [sflag:s5] =	dma.local [hbm:s4], $0x2800  }
0x14: {  	_ =	swait.ge [sflag:s12], $0x2800  }
0x15: {  	[sflag:s12] =	ssyncset.done $0x0  }
0x16: {  	[sflag:s12] =	ssyncadd.s32 $0xFFFFD800  }
0x17: {  	[tilespmem:s3], [sflag:$0x3] =	stream.linear.gather [hbm4b:s6+s3], $0x2580, $0x38;
	[tilespmem:$0x19000] =	vst v63  }
0x18: {  	_ =	swait.ge [sflag:s12], $0x2580  }
0x19: {  	[sflag:s12] =	ssyncset.done $0x0  }
0x1a: {  	[sflag:s12] =	ssyncadd.s32 $0xFFFFDA80  }
0x1b: {  	[bflag:$0x0] =	sbarrier.arrive $0xFFFF  }
0x1c: {  	[tilespmem:s13], [sflag:$0x1] =	stream.linear.gather [hbm4b:s7+s3], $0x1400, $0x38;
	[tilespmem:$0x19000] =	vst v63  }
0x1d: {  	s20 =	sadd.s32 $0xFFFFFD80, s10  }
0x1e: {  	[tilespmem:s14], [sflag:$0x2] =	stream.linear.gather [hbm4b:s20+s3], $0x1400, $0x38;
	[tilespmem:$0x19000] =	vst v63  }
0x1f: {  	_ =	swait.ge [sflag:s15], $0x1400  }
0x20: {  	[sflag:s15] =	ssyncset.done $0x0  }
0x21: {  	s30 =	simm.s32 $0x0;
	[sflag:s15] =	ssyncadd.s32 $0xFFFFEC00  }
0x22: {  	[spmem:s2] =	stream.indirect.scatter.add.f32 [tilespmem:s13], [sflag:$0x3], $0x80, s30, s16, $0xb8;
	[tilespmem:$0x19000] =	vst v63  }
0x23: {  	_ =	swait.ge [sflag:s12], $0x1400  }
0x24: {  	[sflag:s12] =	ssyncset.done $0x0  }
0x25: {  	[sflag:s12] =	ssyncadd.s32 $0xFFFFEC00  }
0x26: {  	[tilespmem:s13], [sflag:$0x1] =	stream.linear.gather [hbm4b:s10+s3], $0x1400, $0x38;
	[tilespmem:$0x19000] =	vst v63  }
0x27: {  	_ =	swait.ge [sflag:s17], $0x1400  }
0x28: {  	[sflag:s17] =	ssyncset.done $0x0  }
0x29: {  	s31 =	simm.s32 $0x80;
	[sflag:s17] =	ssyncadd.s32 $0xFFFFEC00  }
0x2a: {  	[spmem:s2] =	stream.indirect.scatter.add.f32 [tilespmem:s14], [sflag:$0x3], $0x80, s31, s16, $0xb8;
	[tilespmem:$0x19000] =	vst v63  }
0x2b: {  	s21 =	simm.s32 $0x400;
	_ =	swait.ge [sflag:s12], $0x1400  }
0x2c: {  	s22 =	simm.s32 $0x800;
	s20 =	sadd.s32 $0x500, s10;
	[sflag:s12] =	ssyncset.done $0x0  }
.LBB2_2:
0x2d: {  	p0 =	sne.s32 s22, $0x9000;
	s23 =	sadd.s32 $0xFFFFFD80, s20;
	[sflag:s12] =	ssyncadd.s32 $0xFFFFEC00  }
0x2e: {  	[tilespmem:s14], [sflag:$0x2] =	stream.linear.gather [hbm4b:s23+s3], $0x1400, $0x38;
	[tilespmem:$0x19000] =	vst v63  }
0x2f: {  	s23 =	smov.u32 s22;
	s22 =	sadd.s32 $0x400, s22;
	_ =	swait.ge [sflag:s15], $0x1400  }
0x30: {  	[sflag:s15] =	ssyncset.done $0x0  }
0x31: {  	s24 =	sshra.s32 s21, $0x2;
	s21 =	smov.u32 s23;
	[sflag:s15] =	ssyncadd.s32 $0xFFFFEC00  }
0x32: {  	[spmem:s2] =	stream.indirect.scatter.add.f32 [tilespmem:s13], [sflag:$0x3], $0x80, s24, s16, $0xb8;
	[tilespmem:$0x19000] =	vst v63  }
0x33: {  	_ =	swait.ge [sflag:s12], $0x1400  }
0x34: {  	[sflag:s12] =	ssyncset.done $0x0  }
0x35: {  	[sflag:s12] =	ssyncadd.s32 $0xFFFFEC00  }
0x36: {  	[tilespmem:s13], [sflag:$0x1] =	stream.linear.gather [hbm4b:s20+s3], $0x1400, $0x38;
	[tilespmem:$0x19000] =	vst v63  }
0x37: {  	_ =	swait.ge [sflag:s17], $0x1400  }
.Ltmp0:
0x38: {  	[sflag:s17] =	ssyncset.done $0x0;
	(pc) =	sbr.rel @p0 .LBB2_2-.Ltmp0, $4  }
0x39: {  	s23 =	sadd.s32 $0x80, s24;
	[sflag:s17] =	ssyncadd.s32 $0xFFFFEC00  }
0x3a: {  	[spmem:s2] =	stream.indirect.scatter.add.f32 [tilespmem:s14], [sflag:$0x3], $0x80, s23, s16, $0xb8;
	[tilespmem:$0x19000] =	vst v63  }
0x3b: {  	_ =	swait.ge [sflag:s12], $0x1400  }
0x3c: {  	s20 =	sadd.s32 $0x500, s20;
	[sflag:s12] =	ssyncset.done $0x0  }
0x3d: {  	s22 =	sadd.s32 $0xFFFFFD80, s20;
	[sflag:s12] =	ssyncadd.s32 $0xFFFFEC00  }
0x3e: {  	[tilespmem:s14], [sflag:$0x2] =	stream.linear.gather [hbm4b:s22+s3], $0x1400, $0x38;
	[tilespmem:$0x19000] =	vst v63  }
0x3f: {  	_ =	swait.ge [sflag:s15], $0x1400  }
0x40: {  	[sflag:s15] =	ssyncset.done $0x0  }
0x41: {  	s21 =	sshra.s32 s21, $0x2;
	[sflag:s15] =	ssyncadd.s32 $0xFFFFEC00  }
0x42: {  	[spmem:s2] =	stream.indirect.scatter.add.f32 [tilespmem:s13], [sflag:$0x3], $0x80, s21, s16, $0xb8;
	[tilespmem:$0x19000] =	vst v63  }
0x43: {  	_ =	swait.ge [sflag:s12], $0x1400  }
0x44: {  	[sflag:s12] =	ssyncset.done $0x0  }
0x45: {  	[sflag:s12] =	ssyncadd.s32 $0xFFFFEC00  }
0x46: {  	[tilespmem:s13], [sflag:$0x1] =	stream.linear.gather [hbm4b:s20+s3], $0x1400, $0x38;
	[tilespmem:$0x19000] =	vst v63  }
0x47: {  	_ =	swait.ge [sflag:s17], $0x1400  }
0x48: {  	[sflag:s17] =	ssyncset.done $0x0  }
0x49: {  	s31 =	sadd.s32 $0x80, s21;
	[sflag:s17] =	ssyncadd.s32 $0xFFFFEC00  }
0x4a: {  	[spmem:s2] =	stream.indirect.scatter.add.f32 [tilespmem:s14], [sflag:$0x3], $0x80, s31, s16, $0xb8;
	[tilespmem:$0x19000] =	vst v63  }
0x4b: {  	_ =	swait.ge [sflag:s12], $0x1400  }
0x4c: {  	[sflag:s12] =	ssyncset.done $0x0  }
0x4d: {  	[sflag:s12] =	ssyncadd.s32 $0xFFFFEC00  }
0x4e: {  	_ =	swait.ge [sflag:s15], $0x1400  }
0x4f: {  	[sflag:s15] =	ssyncset.done $0x0  }
0x50: {  	[sflag:s15] =	ssyncadd.s32 $0xFFFFEC00  }
0x51: {  	[spmem:s2] =	stream.indirect.scatter.add.f32 [tilespmem:s13], [sflag:$0x3], $0x80, s18, s16, $0xb8;
	[tilespmem:$0x19000] =	vst v63  }
0x52: {  	_ =	swait.ge [sflag:s12], $0x1400  }
0x53: {  	s19 =	sadd.s32 $0x1, s19;
	[sflag:s12] =	ssyncset.done $0x0  }
0x54: {  	p0 =	sne.s32 s19, s9;
	[sflag:s12] =	ssyncadd.s32 $0xFFFFEC00  }
.Ltmp1:
0x55: {  	[bflag:$0x0] =	sbarrier.arrive $0xFFFF;
	(pc) =	sbr.rel @p0 .LBB2_1-.Ltmp1, $4  }
0x56: {  	[hbm:s8], [sflag:s5] =	dma.local [spmem:s11], $0x2800  }
0x57: {  	_ =	swait.ge [sflag:s12], $0x2800  }
0x58: {  	[sflag:s12] =	ssyncset.done $0x0  }
0x59: {  	[sflag:s12] =	ssyncadd.s32 $0xFFFFD800  }
0x5a: {  	_ =	sfence.sel $0x180000  }
0x5b: {  	[bflag:$0x0] =	sbarrier.arrive $0xFFFF  }
0x5c: {  	p0 =	sne.s32 s1, $0x0;
	_ =	strace $0x90000059  }
0x5d: {  	s0 =	sadd.s32 @!p0 $0x100000, s0;
	[bflag:$0x2] =	sbarrier.arrive $0xFFFF  }
0x5e: {  	[sflag:s0] =	ssyncadd.tile.s32 @!p0 $0x1;
	_ =	shalt  }
.Lfunc_end2:
_tile_overlayer_lowered:
.L_overlay_start_2:
0x5f: {  	(tag) =	ssettag $0x2  }
0x60: {  	s0 =	rddreg [dreg:$0x0];
	s2 =	stileid.u32  }
0x61: {  	s1 =	rddreg [dreg:$0x1];
	p0 =	sne.s32 s2, $0x0  }
0x62: {  	s3 =	rddreg [dreg:$0x2];
	[bflag:$0x3] =	sbarrier.arrive $0xFFFF;
	s2 =	simm.s32 @!p0 $0x1C03  }
0x63: {  	[timem:s3], [sflag:s2] =	dma.local @!p0 [hbm:s0], s1  }
0x64: {  	s0 =	simm.s32 @!p0 $0x3  }
0x65: {  	_ =	swait.ge @!p0 [sflag:s0], s1  }
0x66: {  	s1 =	ssub.s32 @!p0 $0x0, s1;
	[sflag:s0] =	ssyncset.done @!p0 $0x0  }
0x67: {  	[sflag:s0] =	ssyncadd.s32 @!p0 s1  }
0x68: {  	[bflag:$0x3] =	sbarrier.arrive $0xFFFF  }
0x69: {  	_ =	shalt  }

// kernel: kernel.30.cloned.1.call-start
scs
__scs_entry_jumppad:
0x0: {  	(pc) =	sbr.rel $0x88, $3  }
0x1: {  	(tag) =	ssettag $0x0;
	lr =	simm.s32 $0x1  }
0x2: {  	[smem:$0x3F99] =	sst lr;
	_ =	strace $0xD0000000  }
0x3: {  	_ = 	snop  }
0x4: {  	_ = 	snop  }
0x5: {  	_ = 	snop  }
0x6: {  	_ = 	snop  }
0x7: {  	_ = 	snop  }
__scs_overlays_trampoline_lowered:
0x8: {  	[smem:$0x3FA8] =	sst s0  }
0x9: {  	[smem:$0x3FA9] =	sst s1  }
0xa: {  	[smem:$0x3FAA] =	sst s2  }
0xb: {  	[smem:$0x3FAB] =	sst s3  }
0xc: {  	[smem:$0x3FAC] =	sst s4  }
0xd: {  	[smem:$0x3FAD] =	sst s5  }
0xe: {  	[smem:$0x3FAE] =	sst s6  }
0xf: {  	[smem:$0x3FAF] =	sst s7  }
0x10: {  	[smem:$0x3FB0] =	sst s8  }
0x11: {  	[smem:$0x3FB1] =	sst s9;
	s0 =	simm.s32 @!p0 $0x0  }
0x12: {  	s1 =	sld [smem:$0x3F97];
	s0 =	simm.s32 @p0 $0x1  }
0x13: {  	[smem:$0x3FB2] =	sst s0;
	s0 =	simm.s32 @!p1 $0x0  }
0x14: {  	s2 =	sld [smem:$0x3F96];
	s0 =	simm.s32 @p1 $0x1  }
0x15: {  	[smem:$0x3FB3] =	sst s0;
	s0 =	simm.s32 @!p2 $0x0  }
0x16: {  	s3 =	sld [smem:$0x3FDB];
	s0 =	simm.s32 @p2 $0x1  }
0x17: {  	s4 =	simm.s32 $0x1BF5;
	[smem:$0x3FB5] =	sst s0  }
0x18: {  	s0 =	sld [smem:$0x3F98];
	_ =	swait.ge [sflag:s4], $0x0  }
0x19: {  	s7 =	sld [smem:$0x3F99]  }
0x1a: {  	s8 =	sadd.s32 $0xFFFFE003, lr  }
0x1b: {  	s9 =	sadd.s32 $0xFFFFFEF7, lr;
	s5 =	simm.s32 $0xFFFFFFFF;
	p2 =	slt.u32 s8, $0xFFFFF086  }
0x1c: {  	p1 =	slt.u32 s9, $0xF7A;
	s5 =	simm.s32 @!p2 $0x0  }
0x1d: {  	s5 =	simm.s32 @p1 $0x1;
	p0 =	seq.s32 s7, s2  }
0x1e: {  	s7 =	smul.u32 @!p0 $0xF7A, s2;
	p2 =	seq.s32 @!p0 s5, $0x0  }
0x1f: {  	s9 =	smul.u32 $0xF7A, s1;
	s8 =	simm.s32 @!p0 $0x1BF5;
	p2 =	por !p2, p0  }
0x20: {  	[sflag:s8] =	ssyncset.s32 @!p0 $0xFFFFF086;
	s6 =	sadd.s32 @!p0 s3, s7;
	s7 =	simm.s32 @!p0 $0x108  }
0x21: {  	s3 =	sadd.s32 s3, s9;
	s6 =	sadd.s32 @!p0 $0x88, s6;
	s7 =	simm.s32 @p2 $0x1082  }
0x22: {  	[simem:s7], [sflag:s8] =	dma.local @!p0 [hbm:s6], $0xF7A  }
0x23: {  	s9 =	sor.u32 $0xD0000000, s2;
	s6 =	simm.s32 $0x108;
	_ =	swait.ge @!p0 [sflag:s8], $0x0  }
0x24: {  	s3 =	sadd.s32 $0x88, s3;
	s6 =	simm.s32 @!p1 $0x1082;
	[sflag:s4] =	ssyncset.s32 $0xFFFFF086  }
0x25: {  	[simem:s6], [sflag:s4] =	dma.local [hbm:s3], $0xF7A  }
0x26: {  	[smem:$0x3F99] =	sst s1;
	(tag) =	ssettag s2;
	_ =	strace s9  }
0x27: {  	s1 =	sld [smem:$0x3FA9]  }
0x28: {  	s2 =	sld [smem:$0x3FAA]  }
0x29: {  	s4 =	sld [smem:$0x3FAC]  }
0x2a: {  	p0 =	seq.s32 s5, $0x0;
	s5 =	sld [smem:$0x3FAD]  }
0x2b: {  	s6 =	sld [smem:$0x3FAE]  }
0x2c: {  	s7 =	sld [smem:$0x3FAF]  }
0x2d: {  	s3 =	simm.s32 $0x108;
	s8 =	sld [smem:$0x3FB0]  }
0x2e: {  	s3 =	simm.s32 @!p0 $0x1082;
	s9 =	sld [smem:$0x3FB1]  }
0x2f: {  	lr =	sadd.s32 s0, s3;
	s0 =	sld [smem:$0x3FA8]  }
0x30: {  	s3 =	sld [smem:$0x3FAB]  }
0x31: {  	[smem:$0x3FB4] =	sst s10  }
0x32: {  	s10 =	sld [smem:$0x3FB2];
	_ =	sdelay $0x3  }
0x33: {  	p0 =	seq.s32 s10, $0x1;
	s10 =	sld [smem:$0x3FB4];
	_ =	sdelay $0x3  }
0x34: {  	[smem:$0x3FB4] =	sst s10  }
0x35: {  	s10 =	sld [smem:$0x3FB3];
	_ =	sdelay $0x3  }
0x36: {  	p1 =	seq.s32 s10, $0x1;
	s10 =	sld [smem:$0x3FB4];
	_ =	sdelay $0x3  }
0x37: {  	[smem:$0x3FB4] =	sst s10  }
0x38: {  	s10 =	sld [smem:$0x3FB5]  }
0x39: {  	_ = 	snop;
	(pc) =	sbr.ind lr, $3  }
0x3a: {  	_ = 	snop  }
0x3b: {  	_ = 	snop  }
0x3c: {  	p2 =	seq.s32 s10, $0x1;
	s10 =	sld [smem:$0x3FB4]  }
0x3d: {  	_ =	shalt  }
0x3e: {  	_ =	shalt  }
0x3f: {  	_ =	shalt  }
0x40: {  	_ =	shalt  }
0x41: {  	_ =	shalt  }
0x42: {  	_ =	shalt  }
0x43: {  	_ =	shalt  }
0x44: {  	_ =	shalt  }
0x45: {  	_ =	shalt  }
0x46: {  	_ =	shalt  }
0x47: {  	_ =	shalt  }
0x48: {  	_ =	shalt  }
0x49: {  	_ =	shalt  }
0x4a: {  	_ =	shalt  }
0x4b: {  	_ =	shalt  }
0x4c: {  	_ =	shalt  }
0x4d: {  	_ =	shalt  }
0x4e: {  	_ =	shalt  }
0x4f: {  	_ =	shalt  }
0x50: {  	_ =	shalt  }
0x51: {  	_ =	shalt  }
0x52: {  	_ =	shalt  }
0x53: {  	_ =	shalt  }
0x54: {  	_ =	shalt  }
0x55: {  	_ =	shalt  }
0x56: {  	_ =	shalt  }
0x57: {  	_ =	shalt  }
0x58: {  	_ =	shalt  }
0x59: {  	_ =	shalt  }
0x5a: {  	_ =	shalt  }
0x5b: {  	_ =	shalt  }
0x5c: {  	_ =	shalt  }
0x5d: {  	_ =	shalt  }
0x5e: {  	_ =	shalt  }
0x5f: {  	_ =	shalt  }
0x60: {  	_ =	shalt  }
0x61: {  	_ =	shalt  }
0x62: {  	_ =	shalt  }
0x63: {  	_ =	shalt  }
0x64: {  	_ =	shalt  }
0x65: {  	_ =	shalt  }
0x66: {  	_ =	shalt  }
0x67: {  	_ =	shalt  }
0x68: {  	_ =	shalt  }
0x69: {  	_ =	shalt  }
0x6a: {  	_ =	shalt  }
0x6b: {  	_ =	shalt  }
0x6c: {  	_ =	shalt  }
0x6d: {  	_ =	shalt  }
0x6e: {  	_ =	shalt  }
0x6f: {  	_ =	shalt  }
0x70: {  	_ =	shalt  }
0x71: {  	_ =	shalt  }
0x72: {  	_ =	shalt  }
0x73: {  	_ =	shalt  }
0x74: {  	_ =	shalt  }
0x75: {  	_ =	shalt  }
0x76: {  	_ =	shalt  }
0x77: {  	_ =	shalt  }
0x78: {  	_ =	shalt  }
0x79: {  	_ =	shalt  }
0x7a: {  	_ =	shalt  }
0x7b: {  	_ =	shalt  }
0x7c: {  	_ =	shalt  }
0x7d: {  	_ =	shalt  }
0x7e: {  	_ =	shalt  }
0x7f: {  	_ =	shalt  }
0x80: {  	_ =	shalt  }
0x81: {  	_ =	shalt  }
0x82: {  	_ =	shalt  }
0x83: {  	_ =	shalt  }
0x84: {  	_ =	shalt  }
0x85: {  	_ =	shalt  }
0x86: {  	_ =	shalt  }
0x87: {  	_ =	shalt  }
.Lfunc_end0:
.L_simem_size_0:
called_computation.5_lowered:
.L_overlay_start_0:
0x88: {  	s2 =	sld [smem:$0x3FD9]  }
0x89: {  	s3 =	sld [smem:$0x3FFE];
	_ =	sdelay $0x1  }
0x8a: {  	s1 =	srdreg.scid  }
0x8b: {  	s0 =	sand.u32 $0x1, s1  }
0x8c: {  	s16 =	sshll.u32 s0, $0xA;
	s2 =	sadd.s32 s3, s2  }
0x8d: {  	s2 =	sadd.s32 s2, s16  }
0x8e: {  	[smem:$0x3FC0] =	sst s2  }
0x8f: {  	_ = 	snop  }
0x90: {  	(tm) =	ssettm $0x1  }
0x91: {  	s17 =	sld [smem:$0x3FFB];
	_ =	sdelay $0x3  }
0x92: {  	_ =	strace s17  }
0x93: {  	s2 =	sld [smem:$0x3FFC];
	_ =	sdelay $0x3  }
0x94: {  	_ =	strace s2  }
0x95: {  	s2 =	sld [smem:$0x3FFD];
	_ =	sdelay $0x3  }
0x96: {  	_ =	strace s2  }
0x97: {  	_ =	strace $0x8FFFFFFF  }
0x98: {  	s18 =	sld [smem:$0x3FDB];
	_ =	sdelay $0x1  }
0x99: {  	s19 =	simm.s32 $_scs_section_size  }
0x9a: {  	s4 =	simm.s32 $_size__tile_overlayer_lowered;
	s5 =	simm.s32 $_tile_overlayer_lowered  }
0x9b: {  	s22 =	simm.s32 $0x1BFF;
	s21 =	sshll.u32 s5, $0x1;
	s2 =	sadd.s32 s19, s18  }
0x9c: {  	s6 =	simm.s32 $0x0;
	s20 =	sshll.u32 s4, $0x1;
	s4 =	sadd.s32 s21, s2  }
0x9d: {  	[timem:s6], [sflag:s22] =	dma.local [hbm:s4], s20  }
0x9e: {  	_ =	swait.ge [sflag:s22], s20  }
0x9f: {  	s3 =	ssub.s32 $0x0, s20;
	[sflag:s22] =	ssyncset.done $0x0  }
0xa0: {  	[sflag:s22] =	ssyncadd.s32 s3;
	_ =	sdelay $0x1  }
0xa1: {  	s23 =	simm.s32 $0x1B8B  }
0xa2: {  	_ =	swait.ge [sflag:s23], $0x1  }
0xa3: {  	[sflag:s23] =	ssyncset.done $0x0  }
0xa4: {  	s25 =	simm.s32 $0x1B8E;
	s24 =	sld [smem:$0x3FFE];
	[sflag:s23] =	ssyncadd.s32 $0xFFFFFFFF  }
0xa5: {  	s26 =	simm.s32 $execute0_lowered;
	[smem:$0x3FD2] =	sst s25  }
0xa6: {  	s4 =	sshll.u32 s26, $0x1;
	_ =	strace $0x8000004F;
	[dreg:$0x1] =	wrdreg $0xFFFFFFFF  }
0xa7: {  	s28 =	simm.s32 $_size_execute0_lowered;
	s2 =	sadd.s32 s2, s4;
	[dreg:$0x0] =	wrdreg $0x0  }
0xa8: {  	s4 =	sshll.u32 s28, $0x1;
	[dreg:$0x2] =	wrdreg s2  }
0xa9: {  	[dreg:$0x3] =	wrdreg s4  }
0xaa: {  	[dreg:$0x4] =	wrdreg $0xC0  }
0xab: {  	_ =	task [dreg:s6], $0x5FFFF  }
0xac: {  	[dreg:$0x1] =	wrdreg $0xFFFFFFFF  }
0xad: {  	[dreg:$0x0] =	wrdreg $0x60  }
0xae: {  	[dreg:$0x2] =	wrdreg s24  }
0xaf: {  	[dreg:$0x3] =	wrdreg $0xA  }
0xb0: {  	_ =	task.clear_ibuf [dreg:s6], $0x4FFFF;
	_ =	strace $0x9000004F  }
0xb1: {  	s29 =	simm.s32 $0xA;
	_ =	strace $0x80000051  }
0xb2: {  	_ =	swait.ge [sflag:s29], $0x1  }
0xb3: {  	[sflag:s29] =	ssyncadd.s32 $0xFFFFFFFF  }
0xb4: {  	_ =	strace $0x90000051  }
0xb5: {  	_ =	sfence  }
0xb6: {  	s30 =	sld [smem:$0x0];
	_ =	sdelay $0x2  }
0xb7: {  	s31 =	sshll.u32 s1, $0xD;
	s1 =	sshrl.u32 s1, $0x2  }
0xb8: {  	s3 =	sand.u32 $0x4000, s31;
	s1 =	sadd.s32 s1, s30  }
0xb9: {  	s0 =	sor.u32 s3, s0;
	s1 =	sshll.u32 s1, $0x11  }
0xba: {  	s0 =	sor.u32 s1, s0  }
0xbb: {  	s0 =	sadd.s32 $0x8F2B, s0  }
0xbc: {  	[sflag:s0] =	ssyncadd.remote.s32 $0x1  }
0xbd: {  	_ =	sfence.sel $0xFFFF  }
0xbe: {  	[dreg:$0x0] =	wrdreg $0xFFFFFFFF;
	(pc) =	sbr.abs _section_cstart, $3  }
0xbf: {  	[dreg:$0x1] =	wrdreg $0xFFFFFFFF  }
0xc0: {  	_ =	task.clear_ibuf [dreg:s6], $0x2FFFF;
	_ =	strace $0x9FFFFFFF  }
0xc1: {  	(tm) =	ssettm $0x7FFFFFFF  }
tec
execute0_lowered:
.L_overlay_start_1:
0x0: {  	(tag) =	ssettag $0x1  }
0x1: {  	v0 =	vimm.s32 $0x183;
	vm0 =	vcmask $0x300  }
0x2: {  	vm14 =	vcmask $0x704;
	v0 =	vsel vm0, $0x0, v0  }
0x3: {  	s0 =	srdreg.scid;
	vm15 =	vcmask $0xB08;
	s5 =	rddreg [dreg:$0x0];
	v0 =	vsel vm14, $0x80, v0  }
0x4: {  	vm4 =	vcmask $0xF0C;
	s2 =	simm.s32 $0x0;
	s14 =	simm.s32 $0x100;
	s15 =	simm.s32 $0x3;
	v0 =	vsel vm15, $0x100, v0  }
0x5: {  	vm5 =	vcmask $0x1310;
	s16 =	simm.s32 $0x80;
	s17 =	simm.s32 $0x1;
	s18 =	simm.s32 $0x10100;
	v0 =	vsel vm4, $0x180, v0  }
0x6: {  	vm6 =	vcmask $0x1714;
	s19 =	simm.s32 $0x2;
	s20 =	simm.s32 $0x0;
	s4 =	sand.u32 $0x1, s0;
	v0 =	vsel vm5, $0x1, v0  }
0x7: {  	vm7 =	vcmask $0x1B18;
	s0 =	stileid.u32;
	[smem:$0x7FF] =	sst s2;
	s1 =	sshll.u32 s4, $0x4;
	v0 =	vsel vm6, $0x81, v0  }
0x8: {  	vm8 =	vcmask $0x1F1C;
	s8 =	ssub.s32 $0x2, s4;
	s4 =	sadd.s32 $0x5600, s5;
	s13 =	sor.u32 s0, s1;
	v0 =	vsel vm7, $0x101, v0  }
0x9: {  	vm9 =	vcmask $0x2320;
	s1 =	rddreg [dreg:$0x1];
	_ =	strace $0x80000050;
	s29 =	sshrl.u32 s8, $0x1;
	v0 =	vsel vm8, $0x181, v0  }
0xa: {  	vm10 =	vcmask $0x2724;
	s7 =	sor.u32 $0x1E0, s13;
	p0 =	slt.u32 s13, $0x14;
	s12 =	ssub.s32 s8, s29;
	v0 =	vsel vm9, $0x2, v0  }
0xb: {  	vm11 =	vcmask $0x2B28;
	s30 =	sshll.u32 s13, $0x4;
	s31 =	sshll.u32 s13, $0x6;
	s3 =	sshll.u32 s7, $0x4;
	v0 =	vsel vm10, $0x82, v0  }
0xc: {  	vm12 =	vcmask $0x2F2C;
	s10 =	smin.u32 s7, $0x1F4;
	s7 =	sor.u32 $0x40, s13;
	s8 =	sadd.s32 s4, s31;
	v0 =	vsel vm11, $0x102, v0  }
0xd: {  	vm13 =	vcmask $0x3330;
	s12 =	smax.u32 s12, $0x1;
	s13 =	sor.u32 $0x20, s13;
	s6 =	sadd.s32 $0x2EE0, s3;
	v0 =	vsel vm12, $0x182, v0  }
0xe: {  	vm14 =	vcmask $0x3734;
	s3 =	sadd.s32 $0x3600, s5;
	s11 =	sshll.u32 s10, $0x6;
	s6 =	simm.s32 @!p0 $0x2EE0;
	v0 =	vsel vm13, $0x3, v0  }
0xf: {  	v1 =	vlaneseq.u32;
	vm15 =	vcmask $0x3B38;
	s10 =	sadd.s32 $0x7000, s8;
	s9 =	sadd.s32 s6, s5;
	s5 =	sadd.s32 $0x7850E0, s5;
	v2 =	vsel vm14, $0x83, v0  }
0x10: {  	s11 =	sadd.s32 s4, s11;
	s6 =	sadd.s32 s30, s5;
	s9 =	sadd.s32 $0x782200, s9;
	v0 =	vshrl.u32 v1, $0x2;
	v1 =	vand.u32 $0x3, v1;
	v2 =	vsel vm15, $0x103, v2  }
.LBB2_1:
0x11: {  	[tilespmem:s14], [sflag:$0x3] =	stream.linear.gather [hbm4b:s3+s2], $0x10000, $0x38;
	[tilespmem:$0x10300] =	vst v63  }
0x12: {  	_ =	swait.ge [sflag:s15], $0x10000  }
0x13: {  	[sflag:s15] =	ssyncset.done $0x0  }
0x14: {  	s21 =	simm.s32 $0x0;
	[sflag:s15] =	ssyncadd.s32 $0xFFFF0000  }
0x15: {  	[tilespmem:s2], [sflag:$0x1] =	stream.linear.gather [hbm4b:s6+s2], $0x80, $0x38;
	[tilespmem:$0x10300] =	vst v63  }
.LBB2_2:
0x16: {  	s23 =	sshll.u32 s21, $0x6  }
0x17: {  	s22 =	sor.u32 s13, s23  }
0x18: {  	s25 =	simm.s32 $0x0;
	s24 =	sshll.u32 s22, $0x4  }
0x19: {  	v3 =	vor.u32 s25, v0;
	s24 =	sadd.s32 s5, s24  }
0x1a: {  	[tilespmem:s16], [sflag:$0x2] =	stream.linear.gather [hbm4b:s24+s25], $0x80, $0x38;
	[tilespmem:$0x10300] =	vst v63  }
0x1b: {  	_ =	swait.ge [sflag:s17], $0x80  }
0x1c: {  	[sflag:s17] =	ssyncset.done $0x0  }
0x1d: {  	[sflag:s17] =	ssyncadd.s32 $0xFFFFFF80  }
0x1e: {  	v3 =	vld.idx.msk [tilespmem:v3+s2+$0x0], $0xffff;
	_ =	sdelay $0x4  }
0x1f: {  	v3 =	vshll.u32 v3, $0x2  }
0x20: {  	v3 =	vor.u32 v1, v3;
	_ =	sdelay $0x4  }
0x21: {  	v4 =	vor.u32 s25, v2;
	s24 =	simm.s32 $0x4;
	v3 =	vld.idx.msk [tilespmem:v3+s14+$0x0], $0xffff  }
0x22: {  	s25 =	simm.s32 $0x8;
	v5 =	vor.u32 s24, v0  }
.LBB2_3:
0x23: {  	p0 =	sne.s32 s25, $0x7C;
	_ =	sdelay $0x2  }
0x24: {  	[tilespmem:v4+s18+$0x0] =	vst.idx.msk $0xffff, v3  }
0x25: {  	v3 =	vld.idx.msk [tilespmem:v5+s2+$0x0], $0xffff;
	_ =	sdelay $0x5  }
0x26: {  	v3 =	vshll.u32 v3, $0x2  }
0x27: {  	v3 =	vor.u32 v1, v3;
	_ =	sdelay $0x2  }
.Ltmp0:
0x28: {  	(pc) =	sbr.rel @p0 .LBB2_3-.Ltmp0, $4  }
0x29: {  	_ = 	snop  }
0x2a: {  	v3 =	vld.idx.msk [tilespmem:v3+s14+$0x0], $0xffff  }
0x2b: {  	v4 =	vor.u32 s24, v2;
	s24 =	smov.u32 s25  }
0x2c: {  	s25 =	sadd.s32 $0x4, s25;
	v5 =	vor.u32 s24, v0  }
0x2d: {  	_ =	sdelay $0x3  }
0x2e: {  	[tilespmem:v4+s18+$0x0] =	vst.idx.msk $0xffff, v3  }
0x2f: {  	v3 =	vld.idx.msk [tilespmem:v5+s2+$0x0], $0xffff;
	_ =	sdelay $0x4  }
0x30: {  	v3 =	vshll.u32 v3, $0x2  }
0x31: {  	v3 =	vor.u32 v1, v3;
	_ =	sdelay $0x4  }
0x32: {  	v4 =	vor.u32 s24, v2;
	v3 =	vld.idx.msk [tilespmem:v3+s14+$0x0], $0xffff;
	_ =	sdelay $0x3  }
0x33: {  	s31 =	sshll.u32 s21, $0xC  }
0x34: {  	s25 =	simm.s32 $0x0;
	s24 =	sadd.s32 s31, s8;
	[tilespmem:v4+s18+$0x0] =	vst.idx.msk $0xffff, v3  }
0x35: {  	[hbm4b:s24+s25] =	stream.linear.scatter [tilespmem:s18], [sflag:$0x3], $0x200, $0x38;
	[tilespmem:$0x10300] =	vst v63  }
0x36: {  	s23 =	sadd.s32 s7, s23;
	_ =	swait.ge [sflag:s15], $0x200  }
0x37: {  	s23 =	sshll.u32 s23, $0x4;
	[sflag:s15] =	ssyncset.done $0x0  }
0x38: {  	s23 =	sadd.s32 s5, s23;
	v3 =	vor.u32 s25, v0;
	[sflag:s15] =	ssyncadd.s32 $0xFFFFFE00  }
0x39: {  	[tilespmem:s25], [sflag:$0x1] =	stream.linear.gather [hbm4b:s23+s25], $0x80, $0x38;
	[tilespmem:$0x10300] =	vst v63  }
0x3a: {  	_ =	swait.ge [sflag:s19], $0x80  }
0x3b: {  	[sflag:s19] =	ssyncset.done $0x0  }
0x3c: {  	[sflag:s19] =	ssyncadd.s32 $0xFFFFFF80  }
0x3d: {  	v3 =	vld.idx.msk [tilespmem:v3+s16+$0x0], $0xffff;
	_ =	sdelay $0x4  }
0x3e: {  	v3 =	vshll.u32 v3, $0x2  }
0x3f: {  	v3 =	vor.u32 v1, v3;
	_ =	sdelay $0x4  }
0x40: {  	v4 =	vor.u32 s25, v2;
	s23 =	simm.s32 $0x4;
	v3 =	vld.idx.msk [tilespmem:v3+s14+$0x0], $0xffff  }
0x41: {  	s24 =	simm.s32 $0x8;
	v5 =	vor.u32 s23, v0  }
.LBB2_5:
0x42: {  	p0 =	sne.s32 s24, $0x7C;
	_ =	sdelay $0x2  }
0x43: {  	[tilespmem:v4+s18+$0x0] =	vst.idx.msk $0xffff, v3  }
0x44: {  	v3 =	vld.idx.msk [tilespmem:v5+s16+$0x0], $0xffff;
	_ =	sdelay $0x5  }
0x45: {  	v3 =	vshll.u32 v3, $0x2  }
0x46: {  	v3 =	vor.u32 v1, v3;
	_ =	sdelay $0x2  }
.Ltmp1:
0x47: {  	(pc) =	sbr.rel @p0 .LBB2_5-.Ltmp1, $4  }
0x48: {  	_ = 	snop  }
0x49: {  	v3 =	vld.idx.msk [tilespmem:v3+s14+$0x0], $0xffff  }
0x4a: {  	v4 =	vor.u32 s23, v2;
	s23 =	smov.u32 s24  }
0x4b: {  	s24 =	sadd.s32 $0x4, s24;
	v5 =	vor.u32 s23, v0  }
0x4c: {  	_ =	sdelay $0x3  }
0x4d: {  	[tilespmem:v4+s18+$0x0] =	vst.idx.msk $0xffff, v3  }
0x4e: {  	v3 =	vld.idx.msk [tilespmem:v5+s16+$0x0], $0xffff;
	_ =	sdelay $0x4  }
0x4f: {  	v3 =	vshll.u32 v3, $0x2  }
0x50: {  	v3 =	vor.u32 v1, v3;
	_ =	sdelay $0x4  }
0x51: {  	v63 =	vor.u32 s23, v2;
	v3 =	vld.idx.msk [tilespmem:v3+s14+$0x0], $0xffff;
	_ =	sdelay $0x2  }
0x52: {  	s21 =	sadd.s32 $0x1, s21  }
0x53: {  	s22 =	sshll.u32 s22, $0x6;
	p0 =	sne.s32 s21, $0x7  }
.Ltmp2:
0x54: {  	s22 =	sadd.s32 s4, s22;
	[tilespmem:v63+s18+$0x0] =	vst.idx.msk $0xffff, v3;
	(pc) =	sbr.rel @p0 .LBB2_2-.Ltmp2, $4  }
0x55: {  	[hbm4b:s22+s2] =	stream.linear.scatter [tilespmem:s18], [sflag:$0x3], $0x200, $0x38;
	[tilespmem:$0x10300] =	vst v63  }
0x56: {  	_ =	swait.ge [sflag:s15], $0x200  }
0x57: {  	[sflag:s15] =	ssyncset.done $0x0  }
0x58: {  	[sflag:s15] =	ssyncadd.s32 $0xFFFFFE00  }
0x59: {  	s22 =	simm.s32 $0x0  }
0x5a: {  	v3 =	vor.u32 s22, v0  }
0x5b: {  	[tilespmem:s16], [sflag:$0x2] =	stream.linear.gather [hbm4b:s9+s22], $0x80, $0x38;
	[tilespmem:$0x10300] =	vst v63  }
0x5c: {  	_ =	swait.ge [sflag:s17], $0x80  }
0x5d: {  	[sflag:s17] =	ssyncset.done $0x0  }
0x5e: {  	[sflag:s17] =	ssyncadd.s32 $0xFFFFFF80  }
0x5f: {  	v3 =	vld.idx.msk [tilespmem:v3+s2+$0x0], $0xffff;
	_ =	sdelay $0x4  }
0x60: {  	v3 =	vshll.u32 v3, $0x2  }
0x61: {  	v3 =	vor.u32 v1, v3;
	_ =	sdelay $0x4  }
0x62: {  	s21 =	simm.s32 $0x4;
	v4 =	vor.u32 s22, v2;
	v3 =	vld.idx.msk [tilespmem:v3+s14+$0x0], $0xffff  }
0x63: {  	v5 =	vor.u32 s21, v0;
	s22 =	simm.s32 $0x8  }
.LBB2_8:
0x64: {  	p0 =	sne.s32 s22, $0x7C;
	_ =	sdelay $0x2  }
0x65: {  	[tilespmem:v4+s18+$0x0] =	vst.idx.msk $0xffff, v3  }
0x66: {  	v3 =	vld.idx.msk [tilespmem:v5+s2+$0x0], $0xffff;
	_ =	sdelay $0x5  }
0x67: {  	v3 =	vshll.u32 v3, $0x2  }
0x68: {  	v3 =	vor.u32 v1, v3;
	_ =	sdelay $0x2  }
.Ltmp3:
0x69: {  	(pc) =	sbr.rel @p0 .LBB2_8-.Ltmp3, $4  }
0x6a: {  	_ = 	snop  }
0x6b: {  	v3 =	vld.idx.msk [tilespmem:v3+s14+$0x0], $0xffff  }
0x6c: {  	v4 =	vor.u32 s21, v2;
	s21 =	smov.u32 s22  }
0x6d: {  	s22 =	sadd.s32 $0x4, s22;
	v5 =	vor.u32 s21, v0  }
0x6e: {  	_ =	sdelay $0x3  }
0x6f: {  	[tilespmem:v4+s18+$0x0] =	vst.idx.msk $0xffff, v3  }
0x70: {  	v3 =	vld.idx.msk [tilespmem:v5+s2+$0x0], $0xffff;
	_ =	sdelay $0x4  }
0x71: {  	v3 =	vshll.u32 v3, $0x2  }
0x72: {  	v3 =	vor.u32 v1, v3;
	_ =	sdelay $0x4  }
0x73: {  	v4 =	vor.u32 s21, v2;
	v3 =	vld.idx.msk [tilespmem:v3+s14+$0x0], $0xffff;
	_ =	sdelay $0x4  }
0x74: {  	s22 =	simm.s32 $0x0;
	[tilespmem:v4+s18+$0x0] =	vst.idx.msk $0xffff, v3  }
0x75: {  	[hbm4b:s10+s22] =	stream.linear.scatter [tilespmem:s18], [sflag:$0x3], $0x200, $0x38;
	[tilespmem:$0x10300] =	vst v63  }
0x76: {  	_ =	swait.ge [sflag:s15], $0x200  }
0x77: {  	v3 =	vor.u32 s22, v0;
	[sflag:s15] =	ssyncset.done $0x0  }
0x78: {  	[sflag:s15] =	ssyncadd.s32 $0xFFFFFE00  }
0x79: {  	_ =	swait.ge [sflag:s19], $0x80  }
0x7a: {  	[sflag:s19] =	ssyncset.done $0x0  }
0x7b: {  	[sflag:s19] =	ssyncadd.s32 $0xFFFFFF80  }
0x7c: {  	v3 =	vld.idx.msk [tilespmem:v3+s16+$0x0], $0xffff;
	_ =	sdelay $0x4  }
0x7d: {  	v3 =	vshll.u32 v3, $0x2  }
0x7e: {  	v3 =	vor.u32 v1, v3;
	_ =	sdelay $0x4  }
0x7f: {  	s21 =	simm.s32 $0x4;
	v4 =	vor.u32 s22, v2;
	v3 =	vld.idx.msk [tilespmem:v3+s14+$0x0], $0xffff  }
0x80: {  	v5 =	vor.u32 s21, v0;
	s22 =	simm.s32 $0x8  }
.LBB2_10:
0x81: {  	p0 =	sne.s32 s22, $0x7C;
	_ =	sdelay $0x2  }
0x82: {  	[tilespmem:v4+s18+$0x0] =	vst.idx.msk $0xffff, v3  }
0x83: {  	v3 =	vld.idx.msk [tilespmem:v5+s16+$0x0], $0xffff;
	_ =	sdelay $0x5  }
0x84: {  	v3 =	vshll.u32 v3, $0x2  }
0x85: {  	v3 =	vor.u32 v1, v3;
	_ =	sdelay $0x2  }
.Ltmp4:
0x86: {  	(pc) =	sbr.rel @p0 .LBB2_10-.Ltmp4, $4  }
0x87: {  	_ = 	snop  }
0x88: {  	v3 =	vld.idx.msk [tilespmem:v3+s14+$0x0], $0xffff  }
0x89: {  	v4 =	vor.u32 s21, v2;
	s21 =	smov.u32 s22  }
0x8a: {  	s22 =	sadd.s32 $0x4, s22;
	v5 =	vor.u32 s21, v0  }
0x8b: {  	_ =	sdelay $0x3  }
0x8c: {  	[tilespmem:v4+s18+$0x0] =	vst.idx.msk $0xffff, v3  }
0x8d: {  	v3 =	vld.idx.msk [tilespmem:v5+s16+$0x0], $0xffff;
	_ =	sdelay $0x4  }
0x8e: {  	v3 =	vshll.u32 v3, $0x2  }
0x8f: {  	v3 =	vor.u32 v1, v3;
	_ =	sdelay $0x4  }
0x90: {  	v63 =	vor.u32 s21, v2;
	v3 =	vld.idx.msk [tilespmem:v3+s14+$0x0], $0xffff;
	_ =	sdelay $0x2  }
0x91: {  	s20 =	sadd.s32 $0x1, s20  }
0x92: {  	p0 =	sne.s32 s20, s12  }
.Ltmp5:
0x93: {  	[tilespmem:v63+s18+$0x0] =	vst.idx.msk $0xffff, v3;
	(pc) =	sbr.rel @p0 .LBB2_1-.Ltmp5, $4  }
0x94: {  	[hbm4b:s11+s2] =	stream.linear.scatter [tilespmem:s18], [sflag:$0x3], $0x200, $0x38;
	[tilespmem:$0x10300] =	vst v63  }
0x95: {  	_ =	swait.ge [sflag:s15], $0x200  }
0x96: {  	[sflag:s15] =	ssyncset.done $0x0  }
0x97: {  	[sflag:s15] =	ssyncadd.s32 $0xFFFFFE00  }
0x98: {  	_ =	sfence.sel $0x180000  }
0x99: {  	[bflag:$0x0] =	sbarrier.arrive $0xFFFF  }
0x9a: {  	p0 =	sne.s32 s0, $0x0;
	_ =	strace $0x90000050  }
0x9b: {  	s0 =	sadd.s32 @!p0 $0x100000, s1;
	[bflag:$0x2] =	sbarrier.arrive $0xFFFF  }
0x9c: {  	[sflag:s0] =	ssyncadd.tile.s32 @!p0 $0x1;
	_ =	shalt  }
.Lfunc_end2:
_tile_overlayer_lowered:
.L_overlay_start_2:
0x9d: {  	(tag) =	ssettag $0x2  }
0x9e: {  	s0 =	rddreg [dreg:$0x0];
	s2 =	stileid.u32  }
0x9f: {  	s1 =	rddreg [dreg:$0x1];
	p0 =	sne.s32 s2, $0x0  }
0xa0: {  	s3 =	rddreg [dreg:$0x2];
	[bflag:$0x3] =	sbarrier.arrive $0xFFFF;
	s2 =	simm.s32 @!p0 $0x1C03  }
0xa1: {  	[timem:s3], [sflag:s2] =	dma.local @!p0 [hbm:s0], s1  }
0xa2: {  	s0 =	simm.s32 @!p0 $0x3  }
0xa3: {  	_ =	swait.ge @!p0 [sflag:s0], s1  }
0xa4: {  	s1 =	ssub.s32 @!p0 $0x0, s1;
	[sflag:s0] =	ssyncset.done @!p0 $0x0  }
0xa5: {  	[sflag:s0] =	ssyncadd.s32 @!p0 s1  }
0xa6: {  	[bflag:$0x3] =	sbarrier.arrive $0xFFFF  }
0xa7: {  	_ =	shalt  }

// kernel: kernel.33.cloned.1.call-start
scs
__scs_entry_jumppad:
0x0: {  	(pc) =	sbr.rel $0x88, $3  }
0x1: {  	(tag) =	ssettag $0x0;
	lr =	simm.s32 $0x1  }
0x2: {  	[smem:$0x3F99] =	sst lr;
	_ =	strace $0xD0000000  }
0x3: {  	_ = 	snop  }
0x4: {  	_ = 	snop  }
0x5: {  	_ = 	snop  }
0x6: {  	_ = 	snop  }
0x7: {  	_ = 	snop  }
__scs_overlays_trampoline_lowered:
0x8: {  	[smem:$0x3FA8] =	sst s0  }
0x9: {  	[smem:$0x3FA9] =	sst s1  }
0xa: {  	[smem:$0x3FAA] =	sst s2  }
0xb: {  	[smem:$0x3FAB] =	sst s3  }
0xc: {  	[smem:$0x3FAC] =	sst s4  }
0xd: {  	[smem:$0x3FAD] =	sst s5  }
0xe: {  	[smem:$0x3FAE] =	sst s6  }
0xf: {  	[smem:$0x3FAF] =	sst s7  }
0x10: {  	[smem:$0x3FB0] =	sst s8  }
0x11: {  	[smem:$0x3FB1] =	sst s9;
	s0 =	simm.s32 @!p0 $0x0  }
0x12: {  	s1 =	sld [smem:$0x3F97];
	s0 =	simm.s32 @p0 $0x1  }
0x13: {  	[smem:$0x3FB2] =	sst s0;
	s0 =	simm.s32 @!p1 $0x0  }
0x14: {  	s2 =	sld [smem:$0x3F96];
	s0 =	simm.s32 @p1 $0x1  }
0x15: {  	[smem:$0x3FB3] =	sst s0;
	s0 =	simm.s32 @!p2 $0x0  }
0x16: {  	s3 =	sld [smem:$0x3FDB];
	s0 =	simm.s32 @p2 $0x1  }
0x17: {  	s4 =	simm.s32 $0x1BF5;
	[smem:$0x3FB5] =	sst s0  }
0x18: {  	s0 =	sld [smem:$0x3F98];
	_ =	swait.ge [sflag:s4], $0x0  }
0x19: {  	s7 =	sld [smem:$0x3F99]  }
0x1a: {  	s8 =	sadd.s32 $0xFFFFE003, lr  }
0x1b: {  	s9 =	sadd.s32 $0xFFFFFEF7, lr;
	s5 =	simm.s32 $0xFFFFFFFF;
	p2 =	slt.u32 s8, $0xFFFFF086  }
0x1c: {  	p1 =	slt.u32 s9, $0xF7A;
	s5 =	simm.s32 @!p2 $0x0  }
0x1d: {  	s5 =	simm.s32 @p1 $0x1;
	p0 =	seq.s32 s7, s2  }
0x1e: {  	s7 =	smul.u32 @!p0 $0xF7A, s2;
	p2 =	seq.s32 @!p0 s5, $0x0  }
0x1f: {  	s9 =	smul.u32 $0xF7A, s1;
	s8 =	simm.s32 @!p0 $0x1BF5;
	p2 =	por !p2, p0  }
0x20: {  	[sflag:s8] =	ssyncset.s32 @!p0 $0xFFFFF086;
	s6 =	sadd.s32 @!p0 s3, s7;
	s7 =	simm.s32 @!p0 $0x108  }
0x21: {  	s3 =	sadd.s32 s3, s9;
	s6 =	sadd.s32 @!p0 $0x88, s6;
	s7 =	simm.s32 @p2 $0x1082  }
0x22: {  	[simem:s7], [sflag:s8] =	dma.local @!p0 [hbm:s6], $0xF7A  }
0x23: {  	s9 =	sor.u32 $0xD0000000, s2;
	s6 =	simm.s32 $0x108;
	_ =	swait.ge @!p0 [sflag:s8], $0x0  }
0x24: {  	s3 =	sadd.s32 $0x88, s3;
	s6 =	simm.s32 @!p1 $0x1082;
	[sflag:s4] =	ssyncset.s32 $0xFFFFF086  }
0x25: {  	[simem:s6], [sflag:s4] =	dma.local [hbm:s3], $0xF7A  }
0x26: {  	[smem:$0x3F99] =	sst s1;
	(tag) =	ssettag s2;
	_ =	strace s9  }
0x27: {  	s1 =	sld [smem:$0x3FA9]  }
0x28: {  	s2 =	sld [smem:$0x3FAA]  }
0x29: {  	s4 =	sld [smem:$0x3FAC]  }
0x2a: {  	p0 =	seq.s32 s5, $0x0;
	s5 =	sld [smem:$0x3FAD]  }
0x2b: {  	s6 =	sld [smem:$0x3FAE]  }
0x2c: {  	s7 =	sld [smem:$0x3FAF]  }
0x2d: {  	s3 =	simm.s32 $0x108;
	s8 =	sld [smem:$0x3FB0]  }
0x2e: {  	s3 =	simm.s32 @!p0 $0x1082;
	s9 =	sld [smem:$0x3FB1]  }
0x2f: {  	lr =	sadd.s32 s0, s3;
	s0 =	sld [smem:$0x3FA8]  }
0x30: {  	s3 =	sld [smem:$0x3FAB]  }
0x31: {  	[smem:$0x3FB4] =	sst s10  }
0x32: {  	s10 =	sld [smem:$0x3FB2];
	_ =	sdelay $0x3  }
0x33: {  	p0 =	seq.s32 s10, $0x1;
	s10 =	sld [smem:$0x3FB4];
	_ =	sdelay $0x3  }
0x34: {  	[smem:$0x3FB4] =	sst s10  }
0x35: {  	s10 =	sld [smem:$0x3FB3];
	_ =	sdelay $0x3  }
0x36: {  	p1 =	seq.s32 s10, $0x1;
	s10 =	sld [smem:$0x3FB4];
	_ =	sdelay $0x3  }
0x37: {  	[smem:$0x3FB4] =	sst s10  }
0x38: {  	s10 =	sld [smem:$0x3FB5]  }
0x39: {  	_ = 	snop;
	(pc) =	sbr.ind lr, $3  }
0x3a: {  	_ = 	snop  }
0x3b: {  	_ = 	snop  }
0x3c: {  	p2 =	seq.s32 s10, $0x1;
	s10 =	sld [smem:$0x3FB4]  }
0x3d: {  	_ =	shalt  }
0x3e: {  	_ =	shalt  }
0x3f: {  	_ =	shalt  }
0x40: {  	_ =	shalt  }
0x41: {  	_ =	shalt  }
0x42: {  	_ =	shalt  }
0x43: {  	_ =	shalt  }
0x44: {  	_ =	shalt  }
0x45: {  	_ =	shalt  }
0x46: {  	_ =	shalt  }
0x47: {  	_ =	shalt  }
0x48: {  	_ =	shalt  }
0x49: {  	_ =	shalt  }
0x4a: {  	_ =	shalt  }
0x4b: {  	_ =	shalt  }
0x4c: {  	_ =	shalt  }
0x4d: {  	_ =	shalt  }
0x4e: {  	_ =	shalt  }
0x4f: {  	_ =	shalt  }
0x50: {  	_ =	shalt  }
0x51: {  	_ =	shalt  }
0x52: {  	_ =	shalt  }
0x53: {  	_ =	shalt  }
0x54: {  	_ =	shalt  }
0x55: {  	_ =	shalt  }
0x56: {  	_ =	shalt  }
0x57: {  	_ =	shalt  }
0x58: {  	_ =	shalt  }
0x59: {  	_ =	shalt  }
0x5a: {  	_ =	shalt  }
0x5b: {  	_ =	shalt  }
0x5c: {  	_ =	shalt  }
0x5d: {  	_ =	shalt  }
0x5e: {  	_ =	shalt  }
0x5f: {  	_ =	shalt  }
0x60: {  	_ =	shalt  }
0x61: {  	_ =	shalt  }
0x62: {  	_ =	shalt  }
0x63: {  	_ =	shalt  }
0x64: {  	_ =	shalt  }
0x65: {  	_ =	shalt  }
0x66: {  	_ =	shalt  }
0x67: {  	_ =	shalt  }
0x68: {  	_ =	shalt  }
0x69: {  	_ =	shalt  }
0x6a: {  	_ =	shalt  }
0x6b: {  	_ =	shalt  }
0x6c: {  	_ =	shalt  }
0x6d: {  	_ =	shalt  }
0x6e: {  	_ =	shalt  }
0x6f: {  	_ =	shalt  }
0x70: {  	_ =	shalt  }
0x71: {  	_ =	shalt  }
0x72: {  	_ =	shalt  }
0x73: {  	_ =	shalt  }
0x74: {  	_ =	shalt  }
0x75: {  	_ =	shalt  }
0x76: {  	_ =	shalt  }
0x77: {  	_ =	shalt  }
0x78: {  	_ =	shalt  }
0x79: {  	_ =	shalt  }
0x7a: {  	_ =	shalt  }
0x7b: {  	_ =	shalt  }
0x7c: {  	_ =	shalt  }
0x7d: {  	_ =	shalt  }
0x7e: {  	_ =	shalt  }
0x7f: {  	_ =	shalt  }
0x80: {  	_ =	shalt  }
0x81: {  	_ =	shalt  }
0x82: {  	_ =	shalt  }
0x83: {  	_ =	shalt  }
0x84: {  	_ =	shalt  }
0x85: {  	_ =	shalt  }
0x86: {  	_ =	shalt  }
0x87: {  	_ =	shalt  }
.Lfunc_end0:
.L_simem_size_0:
called_computation.6_lowered:
.L_overlay_start_0:
0x88: {  	s2 =	sld [smem:$0x3FD9]  }
0x89: {  	s3 =	sld [smem:$0x3FFE];
	_ =	sdelay $0x1  }
0x8a: {  	s1 =	srdreg.scid  }
0x8b: {  	s0 =	sand.u32 $0x1, s1  }
0x8c: {  	s17 =	sshll.u32 s0, $0xA;
	s2 =	sadd.s32 s3, s2  }
0x8d: {  	s2 =	sadd.s32 s2, s17  }
0x8e: {  	[smem:$0x3FC0] =	sst s2  }
0x8f: {  	_ = 	snop  }
0x90: {  	(tm) =	ssettm $0x1  }
0x91: {  	s18 =	sld [smem:$0x3FFB];
	_ =	sdelay $0x3  }
0x92: {  	_ =	strace s18  }
0x93: {  	s2 =	sld [smem:$0x3FFC];
	_ =	sdelay $0x3  }
0x94: {  	_ =	strace s2  }
0x95: {  	s2 =	sld [smem:$0x3FFD];
	_ =	sdelay $0x3  }
0x96: {  	_ =	strace s2  }
0x97: {  	_ =	strace $0x8FFFFFFF  }
0x98: {  	s19 =	sld [smem:$0x3FDB];
	_ =	sdelay $0x1  }
0x99: {  	s20 =	simm.s32 $_scs_section_size  }
0x9a: {  	s4 =	simm.s32 $_size__tile_overlayer_lowered;
	s5 =	simm.s32 $_tile_overlayer_lowered  }
0x9b: {  	s6 =	simm.s32 $0x1BFF;
	s21 =	sshll.u32 s5, $0x1;
	s3 =	sadd.s32 s20, s19  }
0x9c: {  	s22 =	simm.s32 $0x0;
	s4 =	sshll.u32 s4, $0x1;
	s5 =	sadd.s32 s21, s3  }
0x9d: {  	[timem:s22], [sflag:s6] =	dma.local [hbm:s5], s4  }
0x9e: {  	_ =	swait.ge [sflag:s6], s4  }
0x9f: {  	s4 =	ssub.s32 $0x0, s4;
	[sflag:s6] =	ssyncset.done $0x0  }
0xa0: {  	[sflag:s6] =	ssyncadd.s32 s4;
	_ =	sdelay $0x1  }
0xa1: {  	s23 =	simm.s32 $0x1B8B  }
0xa2: {  	_ =	swait.ge [sflag:s23], $0x1  }
0xa3: {  	[sflag:s23] =	ssyncset.done $0x0  }
0xa4: {  	[sflag:s23] =	ssyncadd.s32 $0xFFFFFFFF  }
0xa5: {  	s4 =	sld [smem:$0x0]  }
0xa6: {  	s5 =	sand.u32 $0xFFFFFFFE, s1  }
0xa7: {  	p0 =	sne.s32 s1, s5  }
0xa8: {  	s5 =	sshll.u32 @p0 s5, $0xE  }
0xa9: {  	s5 =	sadd.s32 @p0 $0x11B8D, s5;
	s6 =	sshll.u32 @p0 s4, $0x11  }
0xaa: {  	s5 =	sor.u32 @p0 s6, s5  }
0xab: {  	[sflag:s5] =	ssyncadd.remote.s32 @p0 $0x1;
	_ =	sdelay $0x1  }
0xac: {  	s5 =	simm.s32 @p0 $0x1B8D  }
0xad: {  	_ =	swait.eq @p0 [sflag:s5], $0x1  }
0xae: {  	[sflag:s5] =	ssyncadd.s32 @p0 $0xFFFFFFFF  }
0xaf: {  	s6 =	sshll.u32 @!p0 s1, $0xE  }
0xb0: {  	s6 =	sor.u32 @!p0 $0x4000, s6;
	s5 =	simm.s32 @!p0 $0x1B8D  }
0xb1: {  	s4 =	sshll.u32 @!p0 s4, $0x11;
	s6 =	sadd.s32 @!p0 $0x11B8D, s6;
	_ =	swait.eq @!p0 [sflag:s5], $0x1  }
0xb2: {  	s4 =	sor.u32 @!p0 s4, s6;
	[sflag:s5] =	ssyncadd.s32 @!p0 $0xFFFFFFFF  }
0xb3: {  	s25 =	simm.s32 $0x1B8E;
	s24 =	sld [smem:$0x3FFE];
	[sflag:s4] =	ssyncadd.remote.s32 @!p0 $0x1  }
0xb4: {  	s26 =	simm.s32 $execute0_lowered;
	[smem:$0x3FD2] =	sst s25  }
0xb5: {  	s5 =	sshll.u32 s26, $0x1;
	_ =	strace $0x80000055;
	[dreg:$0x1] =	wrdreg $0xFFFFFFFF  }
0xb6: {  	s28 =	simm.s32 $_size_execute0_lowered;
	s3 =	sadd.s32 s3, s5;
	[dreg:$0x0] =	wrdreg $0x0  }
0xb7: {  	s5 =	sshll.u32 s28, $0x1;
	[dreg:$0x2] =	wrdreg s3  }
0xb8: {  	[dreg:$0x3] =	wrdreg s5  }
0xb9: {  	[dreg:$0x4] =	wrdreg $0xC0  }
0xba: {  	_ =	task [dreg:s22], $0x5FFFF  }
0xbb: {  	[dreg:$0x1] =	wrdreg $0xFFFFFFFF  }
0xbc: {  	[dreg:$0x0] =	wrdreg $0x60  }
0xbd: {  	[dreg:$0x2] =	wrdreg s24  }
0xbe: {  	[dreg:$0x3] =	wrdreg $0x44000  }
0xbf: {  	[dreg:$0x4] =	wrdreg $0xA  }
0xc0: {  	_ =	task.clear_ibuf [dreg:s22], $0x5FFFF;
	_ =	strace $0x90000055  }
0xc1: {  	s29 =	simm.s32 $0xA;
	_ =	strace $0x80000057  }
0xc2: {  	_ =	swait.ge [sflag:s29], $0x1  }
0xc3: {  	[sflag:s29] =	ssyncadd.s32 $0xFFFFFFFF  }
0xc4: {  	_ =	strace $0x90000057  }
0xc5: {  	_ =	sfence  }
0xc6: {  	s30 =	sld [smem:$0x0];
	_ =	sdelay $0x2  }
0xc7: {  	s31 =	sshll.u32 s1, $0xD;
	s1 =	sshrl.u32 s1, $0x2  }
0xc8: {  	s4 =	sand.u32 $0x4000, s31;
	s1 =	sadd.s32 s1, s30  }
0xc9: {  	s0 =	sor.u32 s4, s0;
	s1 =	sshll.u32 s1, $0x11  }
0xca: {  	s0 =	sor.u32 s1, s0  }
0xcb: {  	s0 =	sadd.s32 $0x8F2B, s0  }
0xcc: {  	[sflag:s0] =	ssyncadd.remote.s32 $0x1  }
0xcd: {  	_ =	sfence.sel $0xFFFF  }
0xce: {  	[dreg:$0x0] =	wrdreg $0xFFFFFFFF;
	(pc) =	sbr.abs _section_cstart, $3  }
0xcf: {  	[dreg:$0x1] =	wrdreg $0xFFFFFFFF  }
0xd0: {  	_ =	task.clear_ibuf [dreg:s22], $0x2FFFF;
	_ =	strace $0x9FFFFFFF  }
0xd1: {  	(tm) =	ssettm $0x7FFFFFFF  }
tec
execute0_lowered:
.L_overlay_start_1:
0x0: {  	(tag) =	ssettag $0x1  }
0x1: {  	s4 =	rddreg [dreg:$0x0]  }
0x2: {  	s0 =	srdreg.scid;
	s2 =	rddreg [dreg:$0x1];
	s3 =	simm.s32 $0x0  }
0x3: {  	s16 =	simm.s32 $0x1;
	s6 =	sand.u32 $0x1, s0;
	s0 =	stileid.u32  }
0x4: {  	s17 =	simm.s32 $0x28;
	s18 =	simm.s32 $0x2;
	s8 =	smul.u32 $0x2800, s0  }
0x5: {  	s19 =	simm.s32 $0x1800;
	s20 =	simm.s32 $0x1880;
	s9 =	smul.u32 $0x28000, s6  }
0x6: {  	s21 =	simm.s32 $0x0;
	[smem:$0x7FF] =	sst s3;
	s12 =	smul.u32 $0x50000, s0  }
0x7: {  	s10 =	sadd.s32 $0x787200, s4;
	s1 =	sshll.u32 s6, $0x4;
	s26 =	smul.u32 $0x7D000, s6  }
0x8: {  	s11 =	ssub.s32 $0x2, s6;
	s14 =	sshll.u32 s0, $0x6;
	s29 =	smul.u32 $0x7D00, s0  }
0x9: {  	s5 =	sor.u32 s0, s1;
	s1 =	rddreg [dreg:$0x2];
	_ =	strace $0x80000056  }
0xa: {  	s23 =	sshrl.u32 s11, $0x1;
	s7 =	smul.u32 $0x380, s5;
	s9 =	sadd.s32 s8, s9  }
0xb: {  	s8 =	sadd.s32 s8, s4;
	s11 =	ssub.s32 s11, s23;
	s25 =	smul.u32 $0x7D00, s5  }
0xc: {  	s24 =	sshrl.u32 s12, $0x2;
	s15 =	smul.u32 $0x3E800, s5;
	s5 =	sor.u32 $0x1C03, s14  }
0xd: {  	s14 =	simm.s32 $0x1C00;
	s9 =	sadd.s32 s9, s4;
	s13 =	sadd.s32 s24, s2  }
0xe: {  	s7 =	sadd.s32 s7, s4;
	s4 =	sadd.s32 $0x20000, s8;
	s28 =	sshrl.u32 s15, $0x3  }
0xf: {  	s9 =	sadd.s32 $0x48000, s9;
	s12 =	sshrl.u32 s13, $0x3;
	s6 =	sadd.s32 $0x19000, s7  }
0x10: {  	s7 =	sadd.s32 s10, s25;
	s30 =	sadd.s32 s10, s28;
	s10 =	sadd.s32 s26, s10  }
0x11: {  	s13 =	simm.s32 $0x3;
	s15 =	simm.s32 $0x3000;
	s31 =	sadd.s32 s29, s10  }
0x12: {  	s8 =	sadd.s32 $0x7A80, s30;
	s10 =	smax.u32 s11, $0x1;
	s11 =	sadd.s32 $0x500, s31  }
.LBB2_1:
0x13: {  	[spmem:s12], [sflag:s5] =	dma.local [hbm:s4], $0x2800  }
0x14: {  	_ =	swait.ge [sflag:s13], $0x2800  }
0x15: {  	[sflag:s13] =	ssyncset.done $0x0  }
0x16: {  	[sflag:s13] =	ssyncadd.s32 $0xFFFFD800  }
0x17: {  	[tilespmem:s3], [sflag:$0x3] =	stream.linear.gather [hbm4b:s6+s3], $0x1900, $0x38;
	[tilespmem:$0x18400] =	vst v63  }
0x18: {  	_ =	swait.ge [sflag:s13], $0x1900  }
0x19: {  	[sflag:s13] =	ssyncset.done $0x0  }
0x1a: {  	[sflag:s13] =	ssyncadd.s32 $0xFFFFE700  }
0x1b: {  	[bflag:$0x0] =	sbarrier.arrive $0xFFFF  }
0x1c: {  	[tilespmem:s14], [sflag:$0x1] =	stream.linear.gather [hbm4b:s7+s3], $0x1400, $0x38;
	[tilespmem:$0x18400] =	vst v63  }
0x1d: {  	s22 =	sadd.s32 $0xFFFFFD80, s11  }
0x1e: {  	[tilespmem:s15], [sflag:$0x2] =	stream.linear.gather [hbm4b:s22+s3], $0x1400, $0x38;
	[tilespmem:$0x18400] =	vst v63  }
0x1f: {  	_ =	swait.ge [sflag:s16], $0x1400  }
0x20: {  	[sflag:s16] =	ssyncset.done $0x0  }
0x21: {  	s30 =	simm.s32 $0x0;
	[sflag:s16] =	ssyncadd.s32 $0xFFFFEC00  }
0x22: {  	[spmem:s2] =	stream.indirect.scatter.add.f32 [tilespmem:s14], [sflag:$0x3], $0x80, s30, s17, $0xb8;
	[tilespmem:$0x18400] =	vst v63  }
0x23: {  	_ =	swait.ge [sflag:s13], $0x1400  }
0x24: {  	[sflag:s13] =	ssyncset.done $0x0  }
0x25: {  	[sflag:s13] =	ssyncadd.s32 $0xFFFFEC00  }
0x26: {  	[tilespmem:s14], [sflag:$0x1] =	stream.linear.gather [hbm4b:s11+s3], $0x1400, $0x38;
	[tilespmem:$0x18400] =	vst v63  }
0x27: {  	_ =	swait.ge [sflag:s18], $0x1400  }
0x28: {  	[sflag:s18] =	ssyncset.done $0x0  }
0x29: {  	s31 =	simm.s32 $0x80;
	[sflag:s18] =	ssyncadd.s32 $0xFFFFEC00  }
0x2a: {  	[spmem:s2] =	stream.indirect.scatter.add.f32 [tilespmem:s15], [sflag:$0x3], $0x80, s31, s17, $0xb8;
	[tilespmem:$0x18400] =	vst v63  }
0x2b: {  	s23 =	simm.s32 $0x400;
	_ =	swait.ge [sflag:s13], $0x1400  }
0x2c: {  	s24 =	simm.s32 $0x800;
	s22 =	sadd.s32 $0x500, s11;
	[sflag:s13] =	ssyncset.done $0x0  }
.LBB2_2:
0x2d: {  	p0 =	sne.s32 s24, $0x5C00;
	s25 =	sadd.s32 $0xFFFFFD80, s22;
	[sflag:s13] =	ssyncadd.s32 $0xFFFFEC00  }
0x2e: {  	[tilespmem:s15], [sflag:$0x2] =	stream.linear.gather [hbm4b:s25+s3], $0x1400, $0x38;
	[tilespmem:$0x18400] =	vst v63  }
0x2f: {  	s25 =	smov.u32 s24;
	s24 =	sadd.s32 $0x400, s24;
	_ =	swait.ge [sflag:s16], $0x1400  }
0x30: {  	[sflag:s16] =	ssyncset.done $0x0  }
0x31: {  	s26 =	sshra.s32 s23, $0x2;
	s23 =	smov.u32 s25;
	[sflag:s16] =	ssyncadd.s32 $0xFFFFEC00  }
0x32: {  	[spmem:s2] =	stream.indirect.scatter.add.f32 [tilespmem:s14], [sflag:$0x3], $0x80, s26, s17, $0xb8;
	[tilespmem:$0x18400] =	vst v63  }
0x33: {  	_ =	swait.ge [sflag:s13], $0x1400  }
0x34: {  	[sflag:s13] =	ssyncset.done $0x0  }
0x35: {  	[sflag:s13] =	ssyncadd.s32 $0xFFFFEC00  }
0x36: {  	[tilespmem:s14], [sflag:$0x1] =	stream.linear.gather [hbm4b:s22+s3], $0x1400, $0x38;
	[tilespmem:$0x18400] =	vst v63  }
0x37: {  	_ =	swait.ge [sflag:s18], $0x1400  }
.Ltmp0:
0x38: {  	[sflag:s18] =	ssyncset.done $0x0;
	(pc) =	sbr.rel @p0 .LBB2_2-.Ltmp0, $4  }
0x39: {  	s25 =	sadd.s32 $0x80, s26;
	[sflag:s18] =	ssyncadd.s32 $0xFFFFEC00  }
0x3a: {  	[spmem:s2] =	stream.indirect.scatter.add.f32 [tilespmem:s15], [sflag:$0x3], $0x80, s25, s17, $0xb8;
	[tilespmem:$0x18400] =	vst v63  }
0x3b: {  	_ =	swait.ge [sflag:s13], $0x1400  }
0x3c: {  	s22 =	sadd.s32 $0x500, s22;
	[sflag:s13] =	ssyncset.done $0x0  }
0x3d: {  	s24 =	sadd.s32 $0xFFFFFD80, s22;
	[sflag:s13] =	ssyncadd.s32 $0xFFFFEC00  }
0x3e: {  	[tilespmem:s15], [sflag:$0x2] =	stream.linear.gather [hbm4b:s24+s3], $0x1400, $0x38;
	[tilespmem:$0x18400] =	vst v63  }
0x3f: {  	_ =	swait.ge [sflag:s16], $0x1400  }
0x40: {  	[sflag:s16] =	ssyncset.done $0x0  }
0x41: {  	s23 =	sshra.s32 s23, $0x2;
	[sflag:s16] =	ssyncadd.s32 $0xFFFFEC00  }
0x42: {  	[spmem:s2] =	stream.indirect.scatter.add.f32 [tilespmem:s14], [sflag:$0x3], $0x80, s23, s17, $0xb8;
	[tilespmem:$0x18400] =	vst v63  }
0x43: {  	_ =	swait.ge [sflag:s13], $0x1400  }
0x44: {  	[sflag:s13] =	ssyncset.done $0x0  }
0x45: {  	[sflag:s13] =	ssyncadd.s32 $0xFFFFEC00  }
0x46: {  	[tilespmem:s14], [sflag:$0x1] =	stream.linear.gather [hbm4b:s22+s3], $0x1400, $0x38;
	[tilespmem:$0x18400] =	vst v63  }
0x47: {  	_ =	swait.ge [sflag:s18], $0x1400  }
0x48: {  	[sflag:s18] =	ssyncset.done $0x0  }
0x49: {  	s31 =	sadd.s32 $0x80, s23;
	[sflag:s18] =	ssyncadd.s32 $0xFFFFEC00  }
0x4a: {  	[spmem:s2] =	stream.indirect.scatter.add.f32 [tilespmem:s15], [sflag:$0x3], $0x80, s31, s17, $0xb8;
	[tilespmem:$0x18400] =	vst v63  }
0x4b: {  	_ =	swait.ge [sflag:s13], $0x1400  }
0x4c: {  	[sflag:s13] =	ssyncset.done $0x0  }
0x4d: {  	[sflag:s13] =	ssyncadd.s32 $0xFFFFEC00  }
0x4e: {  	[tilespmem:s15], [sflag:$0x2] =	stream.linear.gather [hbm4b:s8+s3], $0x1400, $0x38;
	[tilespmem:$0x18400] =	vst v63  }
0x4f: {  	_ =	swait.ge [sflag:s16], $0x1400  }
0x50: {  	[sflag:s16] =	ssyncset.done $0x0  }
0x51: {  	[sflag:s16] =	ssyncadd.s32 $0xFFFFEC00  }
0x52: {  	[spmem:s2] =	stream.indirect.scatter.add.f32 [tilespmem:s14], [sflag:$0x3], $0x80, s19, s17, $0xb8;
	[tilespmem:$0x18400] =	vst v63  }
0x53: {  	_ =	swait.ge [sflag:s13], $0x1400  }
0x54: {  	[sflag:s13] =	ssyncset.done $0x0  }
0x55: {  	[sflag:s13] =	ssyncadd.s32 $0xFFFFEC00  }
0x56: {  	_ =	swait.ge [sflag:s18], $0x1400  }
0x57: {  	[sflag:s18] =	ssyncset.done $0x0  }
0x58: {  	[sflag:s18] =	ssyncadd.s32 $0xFFFFEC00  }
0x59: {  	[spmem:s2] =	stream.indirect.scatter.add.f32 [tilespmem:s15], [sflag:$0x3], $0x80, s20, s17, $0xb8;
	[tilespmem:$0x18400] =	vst v63  }
0x5a: {  	_ =	swait.ge [sflag:s13], $0x1400  }
0x5b: {  	s21 =	sadd.s32 $0x1, s21;
	[sflag:s13] =	ssyncset.done $0x0  }
0x5c: {  	p0 =	sne.s32 s21, s10;
	[sflag:s13] =	ssyncadd.s32 $0xFFFFEC00  }
.Ltmp1:
0x5d: {  	[bflag:$0x0] =	sbarrier.arrive $0xFFFF;
	(pc) =	sbr.rel @p0 .LBB2_1-.Ltmp1, $4  }
0x5e: {  	[hbm:s9], [sflag:s5] =	dma.local [spmem:s12], $0x2800  }
0x5f: {  	_ =	swait.ge [sflag:s13], $0x2800  }
0x60: {  	[sflag:s13] =	ssyncset.done $0x0  }
0x61: {  	[sflag:s13] =	ssyncadd.s32 $0xFFFFD800  }
0x62: {  	_ =	sfence.sel $0x180000  }
0x63: {  	[bflag:$0x0] =	sbarrier.arrive $0xFFFF  }
0x64: {  	p0 =	sne.s32 s0, $0x0;
	_ =	strace $0x90000056  }
0x65: {  	s0 =	sadd.s32 @!p0 $0x100000, s1;
	[bflag:$0x2] =	sbarrier.arrive $0xFFFF  }
0x66: {  	[sflag:s0] =	ssyncadd.tile.s32 @!p0 $0x1;
	_ =	shalt  }
.Lfunc_end2:
_tile_overlayer_lowered:
.L_overlay_start_2:
0x67: {  	(tag) =	ssettag $0x2  }
0x68: {  	s0 =	rddreg [dreg:$0x0];
	s2 =	stileid.u32  }
0x69: {  	s1 =	rddreg [dreg:$0x1];
	p0 =	sne.s32 s2, $0x0  }
0x6a: {  	s3 =	rddreg [dreg:$0x2];
	[bflag:$0x3] =	sbarrier.arrive $0xFFFF;
	s2 =	simm.s32 @!p0 $0x1C03  }
0x6b: {  	[timem:s3], [sflag:s2] =	dma.local @!p0 [hbm:s0], s1  }
0x6c: {  	s0 =	simm.s32 @!p0 $0x3  }
0x6d: {  	_ =	swait.ge @!p0 [sflag:s0], s1  }
0x6e: {  	s1 =	ssub.s32 @!p0 $0x0, s1;
	[sflag:s0] =	ssyncset.done @!p0 $0x0  }
0x6f: {  	[sflag:s0] =	ssyncadd.s32 @!p0 s1  }
0x70: {  	[bflag:$0x3] =	sbarrier.arrive $0xFFFF  }
0x71: {  	_ =	shalt  }

</sc_bundles>
